<compile_context>
chip_gen: v7x
topology: tpu7x:2x2x1
jax: 0.10.2.dev20260603
libtpu: 0.0.44.dev20260713+nightly
codegen_flags: <defaults>
</compile_context>

<pallas_src>
import jax
import jax.numpy as jnp
from jax import lax
from jax.experimental import pallas as pl
from jax.experimental.pallas import tpu as pltpu
from jax.experimental.pallas import tpu_sc as plsc

NR = 4096
NL = 8192
NB = 4
NW = 32
RPW = NR // NW
NCH = NL // 16
RG = 4
SHIFT = 13
BIG = 0x7FFFE000
IMAX = 0x7FFFFFFF
TOPK = 10
NPL = 2

_GDN = lax.GatherDimensionNumbers(
    offset_dims=(), collapsed_slice_dims=(0,), start_index_map=(0,))


def _vgather(x, idxv):
    return lax.gather(x, idxv[:, None], _GDN, (1,),
                      mode=lax.GatherScatterMode.PROMISE_IN_BOUNDS)


def _splat(val, dtype=jnp.int32):
    return jnp.full((16,), val, dtype)


def _align16(x):
    return (x + 15) & ~15


def _sel4(b, vals):
    return jnp.where(b == 0, vals[0],
                     jnp.where(b == 1, vals[1],
                               jnp.where(b == 2, vals[2], vals[3])))


def _sc_body(lt_h, rt_h, p3_h, a_h, lft_h,
             matched_h, part_h,
             lxv, lyv, lzv, lbv, rxv, ryv, rzv, rbv, p3v, av, bestv, nnbuf,
             plva, plvb, accb, mbuf, pbuf, lcol, rlist, sem, sem2):
    cid = lax.axis_index("c")
    sid = lax.axis_index("s")
    wid = sid * 2 + cid
    base = wid * RPW

    plcp = pltpu.async_copy(lft_h.at[pl.ds(0, NPL * NL)], plva, sem2)
    cps = [
        pltpu.async_copy(lt_h.at[pl.ds(0, NL)], lbv, sem),
        pltpu.async_copy(lt_h.at[pl.ds(NL, NL)], lxv, sem),
        pltpu.async_copy(lt_h.at[pl.ds(2 * NL, NL)], lyv, sem),
        pltpu.async_copy(lt_h.at[pl.ds(3 * NL, NL)], lzv, sem),
        pltpu.async_copy(rt_h.at[pl.ds(base, RPW)], rbv, sem),
        pltpu.async_copy(rt_h.at[pl.ds(NR + base, RPW)], rxv, sem),
        pltpu.async_copy(rt_h.at[pl.ds(2 * NR + base, RPW)], ryv, sem),
        pltpu.async_copy(rt_h.at[pl.ds(3 * NR + base, RPW)], rzv, sem),
        pltpu.async_copy(p3_h.at[pl.ds(base, RPW)], p3v, sem),
        pltpu.async_copy(a_h.at[pl.ds(base, RPW)], av, sem),
    ]
    for cp in cps:
        cp.wait()

    iota = lax.iota(jnp.int32, 16)
    imaxv = _splat(IMAX)

    def lcnt_body(c, cnts):
        lbc = lbv[pl.ds(c * 16, 16)]
        return tuple(cnts[b] + jnp.sum((lbc == b).astype(jnp.int32))
                     for b in range(NB))

    lcnt = lax.fori_loop(0, NCH, lcnt_body, (0, 0, 0, 0))
    ls1 = _align16(lcnt[0])
    ls2 = ls1 + _align16(lcnt[1])
    ls3 = ls2 + _align16(lcnt[2])
    lstarts = (0, ls1, ls2, ls3)

    def lwr_body(c, offs):
        lbc = lbv[pl.ds(c * 16, 16)]
        colv = iota + c * 16
        out = []
        for b in range(NB):
            mask = lbc == b
            plsc.store_compressed(lcol.at[pl.ds(offs[b], 16)], colv, mask=mask)
            out.append(offs[b] + jnp.sum(mask.astype(jnp.int32)))
        return tuple(out)

    lax.fori_loop(0, NCH, lwr_body, lstarts)

    def rcnt_body(c, cnts):
        rbc = rbv[pl.ds(c * 16, 16)]
        return tuple(cnts[b] + jnp.sum((rbc == b).astype(jnp.int32))
                     for b in range(NB))

    rcnt = lax.fori_loop(0, RPW // 16, rcnt_body, (0, 0, 0, 0))
    rs1 = _align16(rcnt[0])
    rs2 = rs1 + _align16(rcnt[1])
    rs3 = rs2 + _align16(rcnt[2])
    rstarts = (0, rs1, rs2, rs3)

    def rwr_body(c, offs):
        rbc = rbv[pl.ds(c * 16, 16)]
        colv = iota + c * 16
        out = []
        for b in range(NB):
            mask = rbc == b
            plsc.store_compressed(rlist.at[pl.ds(offs[b], 16)], colv, mask=mask)
            out.append(offs[b] + jnp.sum(mask.astype(jnp.int32)))
        return tuple(out)

    lax.fori_loop(0, RPW // 16, rwr_body, rstarts)

    minlc = jnp.minimum(jnp.minimum(lcnt[0], lcnt[1]),
                        jnp.minimum(lcnt[2], lcnt[3]))

    def _merge(cur, key):
        ks = jnp.sort(key)
        return jnp.sort(jnp.minimum(cur, jnp.flip(ks)))

    def _ph1_part():
        def batch_body(b, carry):
            lstart = _sel4(b, lstarts)
            lcntb = _sel4(b, lcnt)
            rstart = _sel4(b, rstarts)
            rcntb = _sel4(b, rcnt)
            nchunks = (lcntb + 15) // 16
            ngroups = (rcntb + RG - 1) // RG

            def grp_body(g, carry2):
                blk = rlist[pl.ds(rstart + (g // 4) * 16, 16)]
                ois = [_vgather(blk, _splat((g % 4) * RG + r)) & (RPW - 1)
                       for r in range(RG)]
                rxs = [plsc.load_gather(rxv, [ois[r]]) for r in range(RG)]
                rys = [plsc.load_gather(ryv, [ois[r]]) for r in range(RG)]
                rzs = [plsc.load_gather(rzv, [ois[r]]) for r in range(RG)]

                def chunk_body(c, curs):
                    out = list(curs)
                    for u in range(2):
                        o = lstart + (c * 2 + u) * 16
                        cols = lcol[pl.ds(o, 16)] & (NL - 1)
                        lxc = plsc.load_gather(lxv, [cols])
                        lyc = plsc.load_gather(lyv, [cols])
                        lzc = plsc.load_gather(lzv, [cols])
                        bad = ((c * 2 + u) * 16 + iota) >= lcntb
                        for r in range(RG):
                            dx = lxc - rxs[r]
                            dy = lyc - rys[r]
                            dz = lzc - rzs[r]
                            d2 = dx * dx + dy * dy + dz * dz
                            key = jnp.where(bad, IMAX,
                                            jnp.left_shift(d2, SHIFT) | cols)
                            out[r] = _merge(out[r], key)
                    return tuple(out)

                curs = lax.fori_loop(0, (nchunks + 1) // 2, chunk_body,
                                     (imaxv,) * RG)
                for r in range(RG):
                    oi_s = jnp.max(ois[r])

                    @pl.when(g * RG + r < rcntb)
                    def _store(r=r, oi_s=oi_s, curs=curs):
                        bestv[pl.ds(oi_s * 16, 16)] = curs[r]
                return carry2

            lax.fori_loop(0, ngroups, grp_body, 0)
            return carry

        lax.fori_loop(0, NB, batch_body, 0)

    def _ph1_full():
        def group_body(g, carry):
            r0 = g * RG
            rxs = [plsc.load_gather(rxv, [_splat(r0 + r)]) for r in range(RG)]
            rys = [plsc.load_gather(ryv, [_splat(r0 + r)]) for r in range(RG)]
            rzs = [plsc.load_gather(rzv, [_splat(r0 + r)]) for r in range(RG)]
            rbs = [plsc.load_gather(rbv, [_splat(r0 + r)]) for r in range(RG)]

            def chunk_body(c, curs):
                o = c * 16
                lxc = lxv[pl.ds(o, 16)]
                lyc = lyv[pl.ds(o, 16)]
                lzc = lzv[pl.ds(o, 16)]
                lbc = lbv[pl.ds(o, 16)]
                colv = iota + o
                bigk = colv | BIG
                out = []
                for r in range(RG):
                    dx = lxc - rxs[r]
                    dy = lyc - rys[r]
                    dz = lzc - rzs[r]
                    d2 = dx * dx + dy * dy + dz * dz
                    key = jnp.where(lbc == rbs[r],
                                    jnp.left_shift(d2, SHIFT) | colv, bigk)
                    out.append(_merge(curs[r], key))
                return tuple(out)

            curs = lax.fori_loop(0, NCH, chunk_body, (imaxv,) * RG)
            for r in range(RG):
                bestv[pl.ds((r0 + r) * 16, 16)] = curs[r]
            return carry

        lax.fori_loop(0, RPW // RG, group_body, 0)

    lax.cond(minlc >= 16, _ph1_part, _ph1_full)

    def ph2_body(i, acco):
        iv = _splat(i)
        bv = bestv[pl.ds(i * 16, 16)]
        nn = bv & (NL - 1)
        nnbuf[pl.ds(i * 16, 16)] = nn
        bv0 = _vgather(bv, iota & 0)
        m01 = jnp.where(bv0 < BIG, 1.0, 0.0)
        plsc.store_scatter(mbuf, [iv], m01, mask=iota == 0)

        rxs = plsc.load_gather(rxv, [iv])
        rys = plsc.load_gather(ryv, [iv])
        rzs = plsc.load_gather(rzv, [iv])
        fx = plsc.load_gather(lxv, [nn])
        fy = plsc.load_gather(lyv, [nn])
        fz = plsc.load_gather(lzv, [nn])
        d0 = (fz - rzs).astype(jnp.float32)
        d1 = (fy - rys).astype(jnp.float32)
        d2_ = (fx - rxs).astype(jnp.float32)
        dmap = (d0, d1, d2_)
        prow = p3v[i]
        po = jnp.zeros((16,), jnp.float32)
        for j in range(5):
            for c in range(3):
                ps = _vgather(prow, _splat(j * 3 + c))
                df = ps - dmap[c]
                ad = jnp.abs(df)
                po = po + jnp.where(ad < 1.0, 0.5 * df * df, ad - 0.5)
        return acco + jnp.where(iota < TOPK, m01 * po, 0.0)

    acco = lax.fori_loop(0, RPW, ph2_body, jnp.zeros((16,), jnp.float32))

    nstages = 20 // NPL
    bufs = (plva, plvb)
    accf = jnp.zeros((16,), jnp.float32)
    for s in range(nstages):
        plcp.wait()
        if s + 1 < nstages:
            plcp = pltpu.async_copy(
                lft_h.at[pl.ds((s + 1) * NPL * NL, NPL * NL)],
                bufs[(s + 1) % 2], sem2)
        plv = bufs[s % 2]
        first, last = s == 0, s == nstages - 1

        def feat_body(i, accf, s=s, plv=plv, first=first, last=last):
            iv = _splat(i)
            nn = nnbuf[pl.ds(i * 16, 16)]
            if first:
                acc = jnp.zeros((16,), jnp.float32)
            else:
                acc = accb[pl.ds(i * 16, 16)]
            for m in range(NPL):
                asp = plsc.load_gather(av, [iv, _splat(s * NPL + m)])
                lm = plsc.load_gather(plv, [nn + m * NL])
                acc = acc + jnp.abs(asp - lm)
            if last:
                bv = bestv[pl.ds(i * 16, 16)]
                bv0 = _vgather(bv, iota & 0)
                m01 = jnp.where(bv0 < BIG, 1.0, 0.0)
                return accf + jnp.where(iota < TOPK, m01 * acc, 0.0)
            accb[pl.ds(i * 16, 16)] = acc
            return accf

        accf = lax.fori_loop(0, RPW, feat_body, accf)

    pbuf[pl.ds(0, 16)] = acco
    pbuf[pl.ds(16, 16)] = accf
    pltpu.sync_copy(pbuf, part_h.at[pl.ds(wid * 32, 32)])
    pltpu.sync_copy(mbuf, matched_h.at[pl.ds(base, RPW)])


def _make_sc_fn():
    return pl.kernel(
        _sc_body,
        out_type=[jax.ShapeDtypeStruct((NR,), jnp.float32),
                  jax.ShapeDtypeStruct((NW * 32,), jnp.float32)],
        mesh=plsc.VectorSubcoreMesh(core_axis_name="c", subcore_axis_name="s",
                                    num_cores=2, num_subcores=16),
        compiler_params=pltpu.CompilerParams(needs_layout_passes=False),
        scratch_types=[
            pltpu.VMEM((NL,), jnp.int32),
            pltpu.VMEM((NL,), jnp.int32),
            pltpu.VMEM((NL,), jnp.int32),
            pltpu.VMEM((NL,), jnp.int32),
            pltpu.VMEM((RPW,), jnp.int32),
            pltpu.VMEM((RPW,), jnp.int32),
            pltpu.VMEM((RPW,), jnp.int32),
            pltpu.VMEM((RPW,), jnp.int32),
            pltpu.VMEM((RPW, 16), jnp.float32),
            pltpu.VMEM((RPW, 32), jnp.float32),
            pltpu.VMEM((RPW * 16,), jnp.int32),
            pltpu.VMEM((RPW * 16,), jnp.int32),
            pltpu.VMEM((NPL * NL,), jnp.float32),
            pltpu.VMEM((NPL * NL,), jnp.float32),
            pltpu.VMEM((RPW * 16,), jnp.float32),
            pltpu.VMEM((RPW,), jnp.float32),
            pltpu.VMEM((32,), jnp.float32),
            pltpu.VMEM((NL + 64,), jnp.int32),
            pltpu.VMEM((RPW + 64,), jnp.int32),
            pltpu.SemaphoreType.DMA,
            pltpu.SemaphoreType.DMA,
        ],
    )


def _tc_body(x_ref, mb_ref, mt_ref, pp_ref, o_ref):
    x = x_ref[...]
    s1 = jnp.sum(jnp.maximum(x, 0.0) + jnp.log1p(jnp.exp(-jnp.abs(x))))
    sm = jnp.sum(mb_ref[...] * x)
    m_cnt = jnp.sum(mt_ref[...])
    pp = pp_ref[...]
    col = lax.broadcasted_iota(jnp.int32, pp.shape, 1)
    offm = (col & 31) < 16
    so = jnp.sum(jnp.where(offm, pp, 0.0))
    sf = jnp.sum(jnp.where(offm, 0.0, pp))
    occ = (10.0 * s1 - 10.0 * sm) / 204800.0
    off = so / jnp.maximum(150.0 * m_cnt, 1.0)
    fe = sf / jnp.maximum(200.0 * m_cnt, 1.0)
    o_ref[...] = (0.2 * occ + off + fe).reshape(1, 1)


def kernel(logits, attrs, radar_features, lidar_features, origin, vsize_xyz,
           radar_indices, lidar_indices):
    rt = radar_indices.T.reshape(-1)
    lt = lidar_indices.T.reshape(-1)

    p3 = jnp.pad(attrs[:, :, :3].reshape(NR, 15), ((0, 0), (0, 1)))
    vc = origin[None, :] + (jnp.flip(radar_indices[:, 1:4], axis=1)
                            .astype(jnp.float32) + 0.5) * vsize_xyz[None, :]
    an3 = vc[:, None, :] + attrs[:, :, :3] * vsize_xyz[None, None, :]
    a_new = jnp.concatenate([an3, attrs[:, :, 3:4]], axis=-1).reshape(NR, 20)
    a_new = jnp.pad(a_new, ((0, 0), (0, 12)))
    lft = lidar_features.T.reshape(-1)

    matched, parts = _make_sc_fn()(lt, rt, p3, a_new, lft)

    x2 = logits.reshape(160, 128)
    mb = jnp.repeat(matched[:, None], 5, axis=1).reshape(160, 128)
    mt = matched.reshape(32, 128)
    pp = parts.reshape(8, 128)
    out = pl.pallas_call(
        _tc_body,
        out_shape=jax.ShapeDtypeStruct((1, 1), jnp.float32),
    )(x2, mb, mt, pp)
    return out[0, 0]

# --- scband reference (transcript-rebuilt; emitter-appended) ---
"""Pipeline reference for scband-synth-local-loss-4767413698667 (READ-ONLY COPY).

The authoritative reference and input builder live on the scoring server;
editing this copy changes nothing except your own understanding.
"""

import jax, jax.numpy as jnp
import numpy as np


def _local_match(r_idx, l_idx, l_feat, topk=10):
    # cdist in voxel-index space, restricted to same-batch pairs (faithful to per-batch loop)
    r_pos = r_idx[:, 1:].astype(jnp.float32)
    l_pos = l_idx[:, 1:].astype(jnp.float32)
    r2 = jnp.sum(r_pos * r_pos, axis=1)
    l2 = jnp.sum(l_pos * l_pos, axis=1)
    d2 = r2[:, None] + l2[None, :] - 2.0 * (r_pos @ l_pos.T)
    dist = jnp.sqrt(jnp.maximum(d2, 0.0))
    same_b = r_idx[:, 0][:, None] == l_idx[:, 0][None, :]
    dist_m = jnp.where(same_b, dist, 1e10)
    _, nn_idx = jax.lax.top_k(-dist_m, topk)  # k smallest distances
    matched = jnp.any(same_b, axis=1)
    gt_feat = jnp.take(l_feat, nn_idx, axis=0)  # [Nr, topk, 20]
    offs = (jnp.take(l_idx[:, 1:], nn_idx, axis=0) - r_idx[:, None, 1:]).astype(jnp.float32)
    gt_feat = jnp.where(matched[:, None, None], gt_feat, 0.0)
    offs = jnp.where(matched[:, None, None], offs, 0.0)
    matched_rep = jnp.repeat(matched[:, None], topk, axis=1).reshape(-1)
    return matched_rep, offs.reshape(-1, 3), gt_feat.reshape(-1, 20)


def _forward(logits, attrs, radar_features, lidar_features, origin, vsize_xyz, radar_indices, lidar_indices):
    w_occ, w_off, w_feat = 0.2, 1.0, 1.0
    logits_r = jnp.repeat(logits[:, None], 10, axis=1).reshape(-1, logits.shape[-2], logits.shape[-1])
    attrs_r = jnp.repeat(attrs[:, None], 10, axis=1).reshape(-1, attrs.shape[-2], attrs.shape[-1])
    matched, gt_d, gt_f = _local_match(radar_indices, lidar_indices, lidar_features)
    matched2 = jnp.repeat(matched[:, None], 5, axis=1)  # [Nr*10, 5] bool
    gt_d5 = jnp.repeat(jnp.flip(gt_d, axis=1)[:, None, :], 5, axis=1)  # [Nr*10, 5, 3]
    gt_f5 = gt_f.reshape(gt_f.shape[0], -1, 4)  # [Nr*10, 5, 4]
    x = jnp.squeeze(logits_r)  # [Nr*10, 5]
    y = matched2.astype(jnp.float32)
    # BCEWithLogitsLoss (mean, numerically stable)
    occ_loss = jnp.mean(jnp.maximum(x, 0.0) - x * y + jnp.log1p(jnp.exp(-jnp.abs(x))))
    cnt = jnp.sum(matched2.astype(jnp.float32))
    m3 = matched2.astype(jnp.float32)[:, :, None]
    diff = attrs_r[:, :, :3] - gt_d5
    ad = jnp.abs(diff)
    sl1 = jnp.where(ad < 1.0, 0.5 * diff * diff, ad - 0.5)  # smooth_l1, beta=1
    off_loss_m = jnp.sum(sl1 * m3) / jnp.maximum(cnt * 3.0, 1.0)
    offs = attrs_r[:, :, :3]
    vc = origin + (jnp.flip(radar_indices[:, 1:4].astype(jnp.float32), axis=1) + 0.5) * vsize_xyz
    pred_offset_m = offs * vsize_xyz
    vc = jnp.repeat(vc[:, None, :], 5, axis=1)
    vc = jnp.repeat(vc[:, None], 10, axis=1).reshape(-1, 5, 3)
    attrs_new = jnp.concatenate([vc + pred_offset_m, attrs_r[:, :, 3:4]], axis=-1)
    m4 = matched2.astype(jnp.float32)[:, :, None]
    feat_loss_m = jnp.sum(jnp.abs(attrs_new - gt_f5) * m4) / jnp.maximum(cnt * 4.0, 1.0)
    zero = jnp.sum(attrs_r) * 0.0
    has_match = cnt > 0.0
    off_loss = jnp.where(has_match, off_loss_m, zero)
    feat_loss = jnp.where(has_match, feat_loss_m, zero)
    return w_occ * occ_loss + w_off * off_loss + w_feat * feat_loss


def setup_inputs(seed: int = 0):
    key = jax.random.key(seed)
    ks = jax.random.split(key, 10)
    Nr, Nl, B = 4096, 8192, 4
    r_b = jax.random.randint(ks[0], (Nr, 1), 0, B)
    r_c = jax.random.randint(ks[1], (Nr, 3), 0, 256)
    l_b = jax.random.randint(ks[2], (Nl, 1), 0, B)
    l_c = jax.random.randint(ks[3], (Nl, 3), 0, 256)
    radar_indices = jnp.concatenate([r_b, r_c], axis=1).astype(jnp.int32)
    lidar_indices = jnp.concatenate([l_b, l_c], axis=1).astype(jnp.int32)
    logits = jax.random.normal(ks[4], (Nr, 5, 1), jnp.float32)
    attrs = jax.random.normal(ks[5], (Nr, 5, 4), jnp.float32)
    radar_features = jax.random.normal(ks[6], (Nr, 4), jnp.float32)
    lidar_features = jax.random.normal(ks[7], (Nl, 20), jnp.float32)
    origin = jnp.zeros((3,), jnp.float32)
    vsize_xyz = jnp.array([0.05, 0.05, 0.1], jnp.float32)
    return {"logits": logits, "attrs": attrs, "radar_features": radar_features,
            "lidar_features": lidar_features, "origin": origin, "vsize_xyz": vsize_xyz,
            "radar_indices": radar_indices, "lidar_indices": lidar_indices}


def reference(logits, attrs, radar_features, lidar_features, origin, vsize_xyz, radar_indices, lidar_indices):
    return _forward(logits, attrs, radar_features, lidar_features, origin, vsize_xyz, radar_indices, lidar_indices)

if __name__ == "__main__":
    import jax
    _d = setup_inputs()
    print(jax.jit(kernel)(*tuple(_d.values())))

</pallas_src>

<mosaic_0001>
#map = affine_map<(d0, d1) -> (0)>
#map1 = affine_map<(d0, d1) -> (0, 0)>
module attributes {stable_mosaic.version = 14 : i64} {
  func.func @_sc_body(%arg0: i32, %arg1: i32, %arg2: memref<32768xi32, #tpu.memory_space<hbm>>, %arg3: memref<16384xi32, #tpu.memory_space<hbm>>, %arg4: memref<4096x16xf32, #tpu.memory_space<hbm>>, %arg5: memref<4096x32xf32, #tpu.memory_space<hbm>>, %arg6: memref<163840xf32, #tpu.memory_space<hbm>>, %arg7: memref<4096xf32, #tpu.memory_space<hbm>>, %arg8: memref<1024xf32, #tpu.memory_space<hbm>>, %arg9: memref<8192xi32, #tpu.memory_space<vmem>>, %arg10: memref<8192xi32, #tpu.memory_space<vmem>>, %arg11: memref<8192xi32, #tpu.memory_space<vmem>>, %arg12: memref<8192xi32, #tpu.memory_space<vmem>>, %arg13: memref<128xi32, #tpu.memory_space<vmem>>, %arg14: memref<128xi32, #tpu.memory_space<vmem>>, %arg15: memref<128xi32, #tpu.memory_space<vmem>>, %arg16: memref<128xi32, #tpu.memory_space<vmem>>, %arg17: memref<128x16xf32, #tpu.memory_space<vmem>>, %arg18: memref<128x32xf32, #tpu.memory_space<vmem>>, %arg19: memref<2048xi32, #tpu.memory_space<vmem>>, %arg20: memref<2048xi32, #tpu.memory_space<vmem>>, %arg21: memref<16384xf32, #tpu.memory_space<vmem>>, %arg22: memref<16384xf32, #tpu.memory_space<vmem>>, %arg23: memref<2048xf32, #tpu.memory_space<vmem>>, %arg24: memref<128xf32, #tpu.memory_space<vmem>>, %arg25: memref<32xf32, #tpu.memory_space<vmem>>, %arg26: memref<8256xi32, #tpu.memory_space<vmem>>, %arg27: memref<192xi32, #tpu.memory_space<vmem>>, %arg28: memref<!tpu.dma_semaphore, #tpu.memory_space<semaphore_mem>>, %arg29: memref<!tpu.dma_semaphore, #tpu.memory_space<semaphore_mem>>) attributes {dimension_semantics = [#tpu.dimension_semantics<core_parallel>, #tpu.dimension_semantics<subcore_parallel>], iteration_bounds = array<i64: 2, 16>, scalar_prefetch = 0 : i64, scratch_operands = 21 : i64, tpu.core_type = #tpu.core_type<sc_vector_subcore>, window_params = [{transform_indices = #map}, {transform_indices = #map}, {transform_indices = #map1}, {transform_indices = #map1}, {transform_indices = #map}, {transform_indices = #map}, {transform_indices = #map}]} {
    %mul3A = arith.constant 2 : i32
    %mul3A_0 = arith.muli %arg1, %mul3A : i32
    %add3A = arith.addi %mul3A_0, %arg0 : i32
    %mul3A_1 = arith.constant 128 : i32
    %mul3A_2 = arith.muli %add3A, %mul3A_1 : i32
    %dma_start3A = arith.constant 0 : i32
    %dma_start3A_3 = tpu.memref_slice %arg6[%dma_start3A] : memref<163840xf32, #tpu.memory_space<hbm>> -> memref<16384xf32, #tpu.memory_space<hbm>>
    %dma_start3A_4 = arith.constant 0 : i32
    %dma_start3A_5 = tpu.memref_slice %arg6[%dma_start3A_4] : memref<163840xf32, #tpu.memory_space<hbm>> -> memref<16384xf32, #tpu.memory_space<hbm>>
    tpu.enqueue_dma source(%dma_start3A_5 : memref<16384xf32, #tpu.memory_space<hbm>>) target(%arg21 : memref<16384xf32, #tpu.memory_space<vmem>>) target_semaphore(%arg29 : memref<!tpu.dma_semaphore, #tpu.memory_space<semaphore_mem>>)
    %dma_start3A_6 = arith.constant 0 : i32
    %dma_start3A_7 = tpu.memref_slice %arg2[%dma_start3A_6] : memref<32768xi32, #tpu.memory_space<hbm>> -> memref<8192xi32, #tpu.memory_space<hbm>>
    %dma_start3A_8 = arith.constant 0 : i32
    %dma_start3A_9 = tpu.memref_slice %arg2[%dma_start3A_8] : memref<32768xi32, #tpu.memory_space<hbm>> -> memref<8192xi32, #tpu.memory_space<hbm>>
    tpu.enqueue_dma source(%dma_start3A_9 : memref<8192xi32, #tpu.memory_space<hbm>>) target(%arg12 : memref<8192xi32, #tpu.memory_space<vmem>>) target_semaphore(%arg28 : memref<!tpu.dma_semaphore, #tpu.memory_space<semaphore_mem>>)
    %dma_start3A_10 = arith.constant 8192 : i32
    %dma_start3A_11 = tpu.memref_slice %arg2[%dma_start3A_10] : memref<32768xi32, #tpu.memory_space<hbm>> -> memref<8192xi32, #tpu.memory_space<hbm>>
    %dma_start3A_12 = arith.constant 8192 : i32
    %dma_start3A_13 = tpu.memref_slice %arg2[%dma_start3A_12] : memref<32768xi32, #tpu.memory_space<hbm>> -> memref<8192xi32, #tpu.memory_space<hbm>>
    tpu.enqueue_dma source(%dma_start3A_13 : memref<8192xi32, #tpu.memory_space<hbm>>) target(%arg9 : memref<8192xi32, #tpu.memory_space<vmem>>) target_semaphore(%arg28 : memref<!tpu.dma_semaphore, #tpu.memory_space<semaphore_mem>>)
    %dma_start3A_14 = arith.constant 16384 : i32
    %dma_start3A_15 = tpu.memref_slice %arg2[%dma_start3A_14] : memref<32768xi32, #tpu.memory_space<hbm>> -> memref<8192xi32, #tpu.memory_space<hbm>>
    %dma_start3A_16 = arith.constant 16384 : i32
    %dma_start3A_17 = tpu.memref_slice %arg2[%dma_start3A_16] : memref<32768xi32, #tpu.memory_space<hbm>> -> memref<8192xi32, #tpu.memory_space<hbm>>
    tpu.enqueue_dma source(%dma_start3A_17 : memref<8192xi32, #tpu.memory_space<hbm>>) target(%arg10 : memref<8192xi32, #tpu.memory_space<vmem>>) target_semaphore(%arg28 : memref<!tpu.dma_semaphore, #tpu.memory_space<semaphore_mem>>)
    %dma_start3A_18 = arith.constant 24576 : i32
    %dma_start3A_19 = tpu.memref_slice %arg2[%dma_start3A_18] : memref<32768xi32, #tpu.memory_space<hbm>> -> memref<8192xi32, #tpu.memory_space<hbm>>
    %dma_start3A_20 = arith.constant 24576 : i32
    %dma_start3A_21 = tpu.memref_slice %arg2[%dma_start3A_20] : memref<32768xi32, #tpu.memory_space<hbm>> -> memref<8192xi32, #tpu.memory_space<hbm>>
    tpu.enqueue_dma source(%dma_start3A_21 : memref<8192xi32, #tpu.memory_space<hbm>>) target(%arg11 : memref<8192xi32, #tpu.memory_space<vmem>>) target_semaphore(%arg28 : memref<!tpu.dma_semaphore, #tpu.memory_space<semaphore_mem>>)
    %dma_start3A_22 = tpu.memref_slice %arg3[%mul3A_2] : memref<16384xi32, #tpu.memory_space<hbm>> -> memref<128xi32, #tpu.memory_space<hbm>>
    %dma_start3A_23 = tpu.memref_slice %arg3[%mul3A_2] : memref<16384xi32, #tpu.memory_space<hbm>> -> memref<128xi32, #tpu.memory_space<hbm>>
    tpu.enqueue_dma source(%dma_start3A_23 : memref<128xi32, #tpu.memory_space<hbm>>) target(%arg16 : memref<128xi32, #tpu.memory_space<vmem>>) target_semaphore(%arg28 : memref<!tpu.dma_semaphore, #tpu.memory_space<semaphore_mem>>)
    %add3A_24 = arith.constant 4096 : i32
    %add3A_25 = arith.addi %add3A_24, %mul3A_2 : i32
    %dma_start3A_26 = tpu.memref_slice %arg3[%add3A_25] : memref<16384xi32, #tpu.memory_space<hbm>> -> memref<128xi32, #tpu.memory_space<hbm>>
    %dma_start3A_27 = tpu.memref_slice %arg3[%add3A_25] : memref<16384xi32, #tpu.memory_space<hbm>> -> memref<128xi32, #tpu.memory_space<hbm>>
    tpu.enqueue_dma source(%dma_start3A_27 : memref<128xi32, #tpu.memory_space<hbm>>) target(%arg13 : memref<128xi32, #tpu.memory_space<vmem>>) target_semaphore(%arg28 : memref<!tpu.dma_semaphore, #tpu.memory_space<semaphore_mem>>)
    %add3A_28 = arith.constant 8192 : i32
    %add3A_29 = arith.addi %add3A_28, %mul3A_2 : i32
    %dma_start3A_30 = tpu.memref_slice %arg3[%add3A_29] : memref<16384xi32, #tpu.memory_space<hbm>> -> memref<128xi32, #tpu.memory_space<hbm>>
    %dma_start3A_31 = tpu.memref_slice %arg3[%add3A_29] : memref<16384xi32, #tpu.memory_space<hbm>> -> memref<128xi32, #tpu.memory_space<hbm>>
    tpu.enqueue_dma source(%dma_start3A_31 : memref<128xi32, #tpu.memory_space<hbm>>) target(%arg14 : memref<128xi32, #tpu.memory_space<vmem>>) target_semaphore(%arg28 : memref<!tpu.dma_semaphore, #tpu.memory_space<semaphore_mem>>)
    %add3A_32 = arith.constant 12288 : i32
    %add3A_33 = arith.addi %add3A_32, %mul3A_2 : i32
    %dma_start3A_34 = tpu.memref_slice %arg3[%add3A_33] : memref<16384xi32, #tpu.memory_space<hbm>> -> memref<128xi32, #tpu.memory_space<hbm>>
    %dma_start3A_35 = tpu.memref_slice %arg3[%add3A_33] : memref<16384xi32, #tpu.memory_space<hbm>> -> memref<128xi32, #tpu.memory_space<hbm>>
    tpu.enqueue_dma source(%dma_start3A_35 : memref<128xi32, #tpu.memory_space<hbm>>) target(%arg15 : memref<128xi32, #tpu.memory_space<vmem>>) target_semaphore(%arg28 : memref<!tpu.dma_semaphore, #tpu.memory_space<semaphore_mem>>)
    %dma_start3A_36 = arith.constant 0 : i32
    %dma_start3A_37 = tpu.memref_slice %arg4[%mul3A_2, %dma_start3A_36] : memref<4096x16xf32, #tpu.memory_space<hbm>> -> memref<128x16xf32, #tpu.memory_space<hbm>>
    %dma_start3A_38 = arith.constant 0 : i32
    %dma_start3A_39 = tpu.memref_slice %arg4[%mul3A_2, %dma_start3A_38] : memref<4096x16xf32, #tpu.memory_space<hbm>> -> memref<128x16xf32, #tpu.memory_space<hbm>>
    tpu.enqueue_dma source(%dma_start3A_39 : memref<128x16xf32, #tpu.memory_space<hbm>>) target(%arg17 : memref<128x16xf32, #tpu.memory_space<vmem>>) target_semaphore(%arg28 : memref<!tpu.dma_semaphore, #tpu.memory_space<semaphore_mem>>)
    %dma_start3A_40 = arith.constant 0 : i32
    %dma_start3A_41 = tpu.memref_slice %arg5[%mul3A_2, %dma_start3A_40] : memref<4096x32xf32, #tpu.memory_space<hbm>> -> memref<128x32xf32, #tpu.memory_space<hbm>>
    %dma_start3A_42 = arith.constant 0 : i32
    %dma_start3A_43 = tpu.memref_slice %arg5[%mul3A_2, %dma_start3A_42] : memref<4096x32xf32, #tpu.memory_space<hbm>> -> memref<128x32xf32, #tpu.memory_space<hbm>>
    tpu.enqueue_dma source(%dma_start3A_43 : memref<128x32xf32, #tpu.memory_space<hbm>>) target(%arg18 : memref<128x32xf32, #tpu.memory_space<vmem>>) target_semaphore(%arg28 : memref<!tpu.dma_semaphore, #tpu.memory_space<semaphore_mem>>)
    %dma_wait3A = arith.constant 0 : i32
    %dma_wait3A_44 = tpu.memref_slice %arg2[%dma_wait3A] : memref<32768xi32, #tpu.memory_space<hbm>> -> memref<8192xi32, #tpu.memory_space<hbm>>
    %dma_wait3A_45 = arith.constant 0 : i32
    %dma_wait3A_46 = tpu.memref_slice %arg2[%dma_wait3A_45] : memref<32768xi32, #tpu.memory_space<hbm>> -> memref<8192xi32, #tpu.memory_space<hbm>>
    tpu.wait_dma2 semaphore(%arg28 : memref<!tpu.dma_semaphore, #tpu.memory_space<semaphore_mem>>) src(%dma_wait3A_46 : memref<8192xi32, #tpu.memory_space<hbm>>) dst(%arg12 : memref<8192xi32, #tpu.memory_space<vmem>>)
    %dma_wait3A_47 = arith.constant 8192 : i32
    %dma_wait3A_48 = tpu.memref_slice %arg2[%dma_wait3A_47] : memref<32768xi32, #tpu.memory_space<hbm>> -> memref<8192xi32, #tpu.memory_space<hbm>>
    %dma_wait3A_49 = arith.constant 8192 : i32
    %dma_wait3A_50 = tpu.memref_slice %arg2[%dma_wait3A_49] : memref<32768xi32, #tpu.memory_space<hbm>> -> memref<8192xi32, #tpu.memory_space<hbm>>
    tpu.wait_dma2 semaphore(%arg28 : memref<!tpu.dma_semaphore, #tpu.memory_space<semaphore_mem>>) src(%dma_wait3A_50 : memref<8192xi32, #tpu.memory_space<hbm>>) dst(%arg9 : memref<8192xi32, #tpu.memory_space<vmem>>)
    %dma_wait3A_51 = arith.constant 16384 : i32
    %dma_wait3A_52 = tpu.memref_slice %arg2[%dma_wait3A_51] : memref<32768xi32, #tpu.memory_space<hbm>> -> memref<8192xi32, #tpu.memory_space<hbm>>
    %dma_wait3A_53 = arith.constant 16384 : i32
    %dma_wait3A_54 = tpu.memref_slice %arg2[%dma_wait3A_53] : memref<32768xi32, #tpu.memory_space<hbm>> -> memref<8192xi32, #tpu.memory_space<hbm>>
    tpu.wait_dma2 semaphore(%arg28 : memref<!tpu.dma_semaphore, #tpu.memory_space<semaphore_mem>>) src(%dma_wait3A_54 : memref<8192xi32, #tpu.memory_space<hbm>>) dst(%arg10 : memref<8192xi32, #tpu.memory_space<vmem>>)
    %dma_wait3A_55 = arith.constant 24576 : i32
    %dma_wait3A_56 = tpu.memref_slice %arg2[%dma_wait3A_55] : memref<32768xi32, #tpu.memory_space<hbm>> -> memref<8192xi32, #tpu.memory_space<hbm>>
    %dma_wait3A_57 = arith.constant 24576 : i32
    %dma_wait3A_58 = tpu.memref_slice %arg2[%dma_wait3A_57] : memref<32768xi32, #tpu.memory_space<hbm>> -> memref<8192xi32, #tpu.memory_space<hbm>>
    tpu.wait_dma2 semaphore(%arg28 : memref<!tpu.dma_semaphore, #tpu.memory_space<semaphore_mem>>) src(%dma_wait3A_58 : memref<8192xi32, #tpu.memory_space<hbm>>) dst(%arg11 : memref<8192xi32, #tpu.memory_space<vmem>>)
    %dma_wait3A_59 = tpu.memref_slice %arg3[%mul3A_2] : memref<16384xi32, #tpu.memory_space<hbm>> -> memref<128xi32, #tpu.memory_space<hbm>>
    %dma_wait3A_60 = tpu.memref_slice %arg3[%mul3A_2] : memref<16384xi32, #tpu.memory_space<hbm>> -> memref<128xi32, #tpu.memory_space<hbm>>
    tpu.wait_dma2 semaphore(%arg28 : memref<!tpu.dma_semaphore, #tpu.memory_space<semaphore_mem>>) src(%dma_wait3A_60 : memref<128xi32, #tpu.memory_space<hbm>>) dst(%arg16 : memref<128xi32, #tpu.memory_space<vmem>>)
    %dma_wait3A_61 = tpu.memref_slice %arg3[%add3A_25] : memref<16384xi32, #tpu.memory_space<hbm>> -> memref<128xi32, #tpu.memory_space<hbm>>
    %dma_wait3A_62 = tpu.memref_slice %arg3[%add3A_25] : memref<16384xi32, #tpu.memory_space<hbm>> -> memref<128xi32, #tpu.memory_space<hbm>>
    tpu.wait_dma2 semaphore(%arg28 : memref<!tpu.dma_semaphore, #tpu.memory_space<semaphore_mem>>) src(%dma_wait3A_62 : memref<128xi32, #tpu.memory_space<hbm>>) dst(%arg13 : memref<128xi32, #tpu.memory_space<vmem>>)
    %dma_wait3A_63 = tpu.memref_slice %arg3[%add3A_29] : memref<16384xi32, #tpu.memory_space<hbm>> -> memref<128xi32, #tpu.memory_space<hbm>>
    %dma_wait3A_64 = tpu.memref_slice %arg3[%add3A_29] : memref<16384xi32, #tpu.memory_space<hbm>> -> memref<128xi32, #tpu.memory_space<hbm>>
    tpu.wait_dma2 semaphore(%arg28 : memref<!tpu.dma_semaphore, #tpu.memory_space<semaphore_mem>>) src(%dma_wait3A_64 : memref<128xi32, #tpu.memory_space<hbm>>) dst(%arg14 : memref<128xi32, #tpu.memory_space<vmem>>)
    %dma_wait3A_65 = tpu.memref_slice %arg3[%add3A_33] : memref<16384xi32, #tpu.memory_space<hbm>> -> memref<128xi32, #tpu.memory_space<hbm>>
    %dma_wait3A_66 = tpu.memref_slice %arg3[%add3A_33] : memref<16384xi32, #tpu.memory_space<hbm>> -> memref<128xi32, #tpu.memory_space<hbm>>
    tpu.wait_dma2 semaphore(%arg28 : memref<!tpu.dma_semaphore, #tpu.memory_space<semaphore_mem>>) src(%dma_wait3A_66 : memref<128xi32, #tpu.memory_space<hbm>>) dst(%arg15 : memref<128xi32, #tpu.memory_space<vmem>>)
    %dma_wait3A_67 = arith.constant 0 : i32
    %dma_wait3A_68 = tpu.memref_slice %arg4[%mul3A_2, %dma_wait3A_67] : memref<4096x16xf32, #tpu.memory_space<hbm>> -> memref<128x16xf32, #tpu.memory_space<hbm>>
    %dma_wait3A_69 = arith.constant 0 : i32
    %dma_wait3A_70 = tpu.memref_slice %arg4[%mul3A_2, %dma_wait3A_69] : memref<4096x16xf32, #tpu.memory_space<hbm>> -> memref<128x16xf32, #tpu.memory_space<hbm>>
    tpu.wait_dma2 semaphore(%arg28 : memref<!tpu.dma_semaphore, #tpu.memory_space<semaphore_mem>>) src(%dma_wait3A_70 : memref<128x16xf32, #tpu.memory_space<hbm>>) dst(%arg17 : memref<128x16xf32, #tpu.memory_space<vmem>>)
    %dma_wait3A_71 = arith.constant 0 : i32
    %dma_wait3A_72 = tpu.memref_slice %arg5[%mul3A_2, %dma_wait3A_71] : memref<4096x32xf32, #tpu.memory_space<hbm>> -> memref<128x32xf32, #tpu.memory_space<hbm>>
    %dma_wait3A_73 = arith.constant 0 : i32
    %dma_wait3A_74 = tpu.memref_slice %arg5[%mul3A_2, %dma_wait3A_73] : memref<4096x32xf32, #tpu.memory_space<hbm>> -> memref<128x32xf32, #tpu.memory_space<hbm>>
    tpu.wait_dma2 semaphore(%arg28 : memref<!tpu.dma_semaphore, #tpu.memory_space<semaphore_mem>>) src(%dma_wait3A_74 : memref<128x32xf32, #tpu.memory_space<hbm>>) dst(%arg18 : memref<128x32xf32, #tpu.memory_space<vmem>>)
    %iota3A = tpu.iota {dimensions = array<i32: 0>} : vector<16xi32>
    %broadcast_in_dim3A = arith.constant 2147483647 : i32
    %broadcast_in_dim3A_75 = vector.broadcast %broadcast_in_dim3A : i32 to vector<16xi32>
    %scan3A = arith.constant 0 : i32
    %scan3A_76 = arith.constant 0 : i32
    %scan3A_77 = arith.constant 0 : i32
    %scan3A_78 = arith.constant 0 : i32
    %scan3A_79 = arith.constant 0 : i32
    %scan3A_80 = arith.constant 512 : i32
    %scan3A_81 = arith.addi %scan3A_79, %scan3A_80 : i32
    %scan3A_82 = arith.constant 1 : i32
    %scan3A_83:4 = scf.for %scan3A_282 = %scan3A_79 to %scan3A_81 step %scan3A_82 iter_args(%scan3A_283 = %scan3A, %scan3A_284 = %scan3A_76, %scan3A_285 = %scan3A_77, %scan3A_286 = %scan3A_78) -> (i32, i32, i32, i32)  : i32 {
      %mul3A_287 = arith.constant 16 : i32
      %mul3A_288 = arith.muli %scan3A_282, %mul3A_287 : i32
      %get3A = arith.index_cast %mul3A_288 : i32 to index
      %get3A_289 = tpu.vector_load %arg12[%get3A] {strides = array<i32>} : memref<8192xi32, #tpu.memory_space<vmem>>, vector<16xi32>,
      %eq3A = arith.constant 0 : i32
      %eq3A_290 = vector.broadcast %eq3A : i32 to vector<16xi32>
      %eq3A_291 = arith.cmpi eq, %get3A_289, %eq3A_290 : vector<16xi32>
      %convert_element_type3A_292 = arith.extui %eq3A_291 : vector<16xi1> to vector<16xi32>
      %reduce_sum3A = arith.constant true
      %reduce_sum3A_293 = vector.broadcast %reduce_sum3A : i1 to vector<16xi1>
      %reduce_sum3A_294 = tpu.scan <sum>, %convert_element_type3A_292 masked %reduce_sum3A_293 : vector<16xi32>, vector<16xi1> -> vector<16xi32>
      %reduce_sum3A_295 = vector.extract %reduce_sum3A_294[15] : i32 from vector<16xi32>
      %add3A_296 = arith.addi %scan3A_283, %reduce_sum3A_295 : i32
      %eq3A_297 = arith.constant 1 : i32
      %eq3A_298 = vector.broadcast %eq3A_297 : i32 to vector<16xi32>
      %eq3A_299 = arith.cmpi eq, %get3A_289, %eq3A_298 : vector<16xi32>
      %convert_element_type3A_300 = arith.extui %eq3A_299 : vector<16xi1> to vector<16xi32>
      %reduce_sum3A_301 = arith.constant true
      %reduce_sum3A_302 = vector.broadcast %reduce_sum3A_301 : i1 to vector<16xi1>
      %reduce_sum3A_303 = tpu.scan <sum>, %convert_element_type3A_300 masked %reduce_sum3A_302 : vector<16xi32>, vector<16xi1> -> vector<16xi32>
      %reduce_sum3A_304 = vector.extract %reduce_sum3A_303[15] : i32 from vector<16xi32>
      %add3A_305 = arith.addi %scan3A_284, %reduce_sum3A_304 : i32
      %eq3A_306 = arith.constant 2 : i32
      %eq3A_307 = vector.broadcast %eq3A_306 : i32 to vector<16xi32>
      %eq3A_308 = arith.cmpi eq, %get3A_289, %eq3A_307 : vector<16xi32>
      %convert_element_type3A_309 = arith.extui %eq3A_308 : vector<16xi1> to vector<16xi32>
      %reduce_sum3A_310 = arith.constant true
      %reduce_sum3A_311 = vector.broadcast %reduce_sum3A_310 : i1 to vector<16xi1>
      %reduce_sum3A_312 = tpu.scan <sum>, %convert_element_type3A_309 masked %reduce_sum3A_311 : vector<16xi32>, vector<16xi1> -> vector<16xi32>
      %reduce_sum3A_313 = vector.extract %reduce_sum3A_312[15] : i32 from vector<16xi32>
      %add3A_314 = arith.addi %scan3A_285, %reduce_sum3A_313 : i32
      %eq3A_315 = arith.constant 3 : i32
      %eq3A_316 = vector.broadcast %eq3A_315 : i32 to vector<16xi32>
      %eq3A_317 = arith.cmpi eq, %get3A_289, %eq3A_316 : vector<16xi32>
      %convert_element_type3A_318 = arith.extui %eq3A_317 : vector<16xi1> to vector<16xi32>
      %reduce_sum3A_319 = arith.constant true
      %reduce_sum3A_320 = vector.broadcast %reduce_sum3A_319 : i1 to vector<16xi1>
      %reduce_sum3A_321 = tpu.scan <sum>, %convert_element_type3A_318 masked %reduce_sum3A_320 : vector<16xi32>, vector<16xi1> -> vector<16xi32>
      %reduce_sum3A_322 = vector.extract %reduce_sum3A_321[15] : i32 from vector<16xi32>
      %add3A_323 = arith.addi %scan3A_286, %reduce_sum3A_322 : i32
      scf.yield %add3A_296, %add3A_305, %add3A_314, %add3A_323 : i32, i32, i32, i32
    }
    %scan3A_84 = arith.constant 512 : i32
    %add3A_85 = arith.constant 15 : i32
    %add3A_86 = arith.addi %scan3A_83#0, %add3A_85 : i32
    %and3A = arith.constant -16 : i32
    %and3A_87 = arith.andi %add3A_86, %and3A : i32
    %add3A_88 = arith.constant 15 : i32
    %add3A_89 = arith.addi %scan3A_83#1, %add3A_88 : i32
    %and3A_90 = arith.constant -16 : i32
    %and3A_91 = arith.andi %add3A_89, %and3A_90 : i32
    %add3A_92 = arith.addi %and3A_87, %and3A_91 : i32
    %add3A_93 = arith.constant 15 : i32
    %add3A_94 = arith.addi %scan3A_83#2, %add3A_93 : i32
    %and3A_95 = arith.constant -16 : i32
    %and3A_96 = arith.andi %add3A_94, %and3A_95 : i32
    %add3A_97 = arith.addi %add3A_92, %and3A_96 : i32
    %scan3A_98 = arith.constant 0 : i32
    %scan3A_99 = arith.constant 0 : i32
    %scan3A_100 = arith.constant 512 : i32
    %scan3A_101 = arith.addi %scan3A_99, %scan3A_100 : i32
    %scan3A_102 = arith.constant 1 : i32
    %scan3A_103:4 = scf.for %scan3A_282 = %scan3A_99 to %scan3A_101 step %scan3A_102 iter_args(%scan3A_283 = %scan3A_98, %scan3A_284 = %and3A_87, %scan3A_285 = %add3A_92, %scan3A_286 = %add3A_97) -> (i32, i32, i32, i32)  : i32 {
      %mul3A_287 = arith.constant 16 : i32
      %mul3A_288 = arith.muli %scan3A_282, %mul3A_287 : i32
      %get3A = arith.index_cast %mul3A_288 : i32 to index
      %get3A_289 = tpu.vector_load %arg12[%get3A] {strides = array<i32>} : memref<8192xi32, #tpu.memory_space<vmem>>, vector<16xi32>,
      %mul3A_290 = arith.constant 16 : i32
      %mul3A_291 = arith.muli %scan3A_282, %mul3A_290 : i32
      %add3A_292 = vector.broadcast %mul3A_291 : i32 to vector<16xi32>
      %add3A_293 = arith.addi %iota3A, %add3A_292 : vector<16xi32>
      %eq3A = arith.constant 0 : i32
      %eq3A_294 = vector.broadcast %eq3A : i32 to vector<16xi32>
      %eq3A_295 = arith.cmpi eq, %get3A_289, %eq3A_294 : vector<16xi32>
      %swap3A_296 = arith.index_cast %scan3A_283 : i32 to index
      %swap3A_297 = tpu.vector_load %arg26[%swap3A_296] masked %eq3A_295 {strides = array<i32>} : memref<8256xi32, #tpu.memory_space<vmem>>, vector<16xi32>, vector<16xi1>
      tpu.vector_store %arg26[%swap3A_296], %add3A_293 masked %eq3A_295 {strides = array<i32>} : memref<8256xi32, #tpu.memory_space<vmem>>, vector<16xi32>, vector<16xi1>
      %convert_element_type3A_298 = arith.extui %eq3A_295 : vector<16xi1> to vector<16xi32>
      %reduce_sum3A = arith.constant true
      %reduce_sum3A_299 = vector.broadcast %reduce_sum3A : i1 to vector<16xi1>
      %reduce_sum3A_300 = tpu.scan <sum>, %convert_element_type3A_298 masked %reduce_sum3A_299 : vector<16xi32>, vector<16xi1> -> vector<16xi32>
      %reduce_sum3A_301 = vector.extract %reduce_sum3A_300[15] : i32 from vector<16xi32>
      %add3A_302 = arith.addi %scan3A_283, %reduce_sum3A_301 : i32
      %eq3A_303 = arith.constant 1 : i32
      %eq3A_304 = vector.broadcast %eq3A_303 : i32 to vector<16xi32>
      %eq3A_305 = arith.cmpi eq, %get3A_289, %eq3A_304 : vector<16xi32>
      %swap3A_306 = arith.index_cast %scan3A_284 : i32 to index
      %swap3A_307 = tpu.vector_load %arg26[%swap3A_306] masked %eq3A_305 {strides = array<i32>} : memref<8256xi32, #tpu.memory_space<vmem>>, vector<16xi32>, vector<16xi1>
      tpu.vector_store %arg26[%swap3A_306], %add3A_293 masked %eq3A_305 {strides = array<i32>} : memref<8256xi32, #tpu.memory_space<vmem>>, vector<16xi32>, vector<16xi1>
      %convert_element_type3A_308 = arith.extui %eq3A_305 : vector<16xi1> to vector<16xi32>
      %reduce_sum3A_309 = arith.constant true
      %reduce_sum3A_310 = vector.broadcast %reduce_sum3A_309 : i1 to vector<16xi1>
      %reduce_sum3A_311 = tpu.scan <sum>, %convert_element_type3A_308 masked %reduce_sum3A_310 : vector<16xi32>, vector<16xi1> -> vector<16xi32>
      %reduce_sum3A_312 = vector.extract %reduce_sum3A_311[15] : i32 from vector<16xi32>
      %add3A_313 = arith.addi %scan3A_284, %reduce_sum3A_312 : i32
      %eq3A_314 = arith.constant 2 : i32
      %eq3A_315 = vector.broadcast %eq3A_314 : i32 to vector<16xi32>
      %eq3A_316 = arith.cmpi eq, %get3A_289, %eq3A_315 : vector<16xi32>
      %swap3A_317 = arith.index_cast %scan3A_285 : i32 to index
      %swap3A_318 = tpu.vector_load %arg26[%swap3A_317] masked %eq3A_316 {strides = array<i32>} : memref<8256xi32, #tpu.memory_space<vmem>>, vector<16xi32>, vector<16xi1>
      tpu.vector_store %arg26[%swap3A_317], %add3A_293 masked %eq3A_316 {strides = array<i32>} : memref<8256xi32, #tpu.memory_space<vmem>>, vector<16xi32>, vector<16xi1>
      %convert_element_type3A_319 = arith.extui %eq3A_316 : vector<16xi1> to vector<16xi32>
      %reduce_sum3A_320 = arith.constant true
      %reduce_sum3A_321 = vector.broadcast %reduce_sum3A_320 : i1 to vector<16xi1>
      %reduce_sum3A_322 = tpu.scan <sum>, %convert_element_type3A_319 masked %reduce_sum3A_321 : vector<16xi32>, vector<16xi1> -> vector<16xi32>
      %reduce_sum3A_323 = vector.extract %reduce_sum3A_322[15] : i32 from vector<16xi32>
      %add3A_324 = arith.addi %scan3A_285, %reduce_sum3A_323 : i32
      %eq3A_325 = arith.constant 3 : i32
      %eq3A_326 = vector.broadcast %eq3A_325 : i32 to vector<16xi32>
      %eq3A_327 = arith.cmpi eq, %get3A_289, %eq3A_326 : vector<16xi32>
      %swap3A_328 = arith.index_cast %scan3A_286 : i32 to index
      %swap3A_329 = tpu.vector_load %arg26[%swap3A_328] masked %eq3A_327 {strides = array<i32>} : memref<8256xi32, #tpu.memory_space<vmem>>, vector<16xi32>, vector<16xi1>
      tpu.vector_store %arg26[%swap3A_328], %add3A_293 masked %eq3A_327 {strides = array<i32>} : memref<8256xi32, #tpu.memory_space<vmem>>, vector<16xi32>, vector<16xi1>
      %convert_element_type3A_330 = arith.extui %eq3A_327 : vector<16xi1> to vector<16xi32>
      %reduce_sum3A_331 = arith.constant true
      %reduce_sum3A_332 = vector.broadcast %reduce_sum3A_331 : i1 to vector<16xi1>
      %reduce_sum3A_333 = tpu.scan <sum>, %convert_element_type3A_330 masked %reduce_sum3A_332 : vector<16xi32>, vector<16xi1> -> vector<16xi32>
      %reduce_sum3A_334 = vector.extract %reduce_sum3A_333[15] : i32 from vector<16xi32>
      %add3A_335 = arith.addi %scan3A_286, %reduce_sum3A_334 : i32
      scf.yield %add3A_302, %add3A_313, %add3A_324, %add3A_335 : i32, i32, i32, i32
    }
    %scan3A_104 = arith.constant 512 : i32
    %scan3A_105 = arith.constant 0 : i32
    %scan3A_106 = arith.constant 0 : i32
    %scan3A_107 = arith.constant 0 : i32
    %scan3A_108 = arith.constant 0 : i32
    %scan3A_109 = arith.constant 0 : i32
    %scan3A_110 = arith.constant 8 : i32
    %scan3A_111 = arith.addi %scan3A_109, %scan3A_110 : i32
    %scan3A_112 = arith.constant 1 : i32
    %scan3A_113:4 = scf.for %scan3A_282 = %scan3A_109 to %scan3A_111 step %scan3A_112 iter_args(%scan3A_283 = %scan3A_105, %scan3A_284 = %scan3A_106, %scan3A_285 = %scan3A_107, %scan3A_286 = %scan3A_108) -> (i32, i32, i32, i32)  : i32 {
      %mul3A_287 = arith.constant 16 : i32
      %mul3A_288 = arith.muli %scan3A_282, %mul3A_287 : i32
      %get3A = arith.index_cast %mul3A_288 : i32 to index
      %get3A_289 = tpu.vector_load %arg16[%get3A] {strides = array<i32>} : memref<128xi32, #tpu.memory_space<vmem>>, vector<16xi32>,
      %eq3A = arith.constant 0 : i32
      %eq3A_290 = vector.broadcast %eq3A : i32 to vector<16xi32>
      %eq3A_291 = arith.cmpi eq, %get3A_289, %eq3A_290 : vector<16xi32>
      %convert_element_type3A_292 = arith.extui %eq3A_291 : vector<16xi1> to vector<16xi32>
      %reduce_sum3A = arith.constant true
      %reduce_sum3A_293 = vector.broadcast %reduce_sum3A : i1 to vector<16xi1>
      %reduce_sum3A_294 = tpu.scan <sum>, %convert_element_type3A_292 masked %reduce_sum3A_293 : vector<16xi32>, vector<16xi1> -> vector<16xi32>
      %reduce_sum3A_295 = vector.extract %reduce_sum3A_294[15] : i32 from vector<16xi32>
      %add3A_296 = arith.addi %scan3A_283, %reduce_sum3A_295 : i32
      %eq3A_297 = arith.constant 1 : i32
      %eq3A_298 = vector.broadcast %eq3A_297 : i32 to vector<16xi32>
      %eq3A_299 = arith.cmpi eq, %get3A_289, %eq3A_298 : vector<16xi32>
      %convert_element_type3A_300 = arith.extui %eq3A_299 : vector<16xi1> to vector<16xi32>
      %reduce_sum3A_301 = arith.constant true
      %reduce_sum3A_302 = vector.broadcast %reduce_sum3A_301 : i1 to vector<16xi1>
      %reduce_sum3A_303 = tpu.scan <sum>, %convert_element_type3A_300 masked %reduce_sum3A_302 : vector<16xi32>, vector<16xi1> -> vector<16xi32>
      %reduce_sum3A_304 = vector.extract %reduce_sum3A_303[15] : i32 from vector<16xi32>
      %add3A_305 = arith.addi %scan3A_284, %reduce_sum3A_304 : i32
      %eq3A_306 = arith.constant 2 : i32
      %eq3A_307 = vector.broadcast %eq3A_306 : i32 to vector<16xi32>
      %eq3A_308 = arith.cmpi eq, %get3A_289, %eq3A_307 : vector<16xi32>
      %convert_element_type3A_309 = arith.extui %eq3A_308 : vector<16xi1> to vector<16xi32>
      %reduce_sum3A_310 = arith.constant true
      %reduce_sum3A_311 = vector.broadcast %reduce_sum3A_310 : i1 to vector<16xi1>
      %reduce_sum3A_312 = tpu.scan <sum>, %convert_element_type3A_309 masked %reduce_sum3A_311 : vector<16xi32>, vector<16xi1> -> vector<16xi32>
      %reduce_sum3A_313 = vector.extract %reduce_sum3A_312[15] : i32 from vector<16xi32>
      %add3A_314 = arith.addi %scan3A_285, %reduce_sum3A_313 : i32
      %eq3A_315 = arith.constant 3 : i32
      %eq3A_316 = vector.broadcast %eq3A_315 : i32 to vector<16xi32>
      %eq3A_317 = arith.cmpi eq, %get3A_289, %eq3A_316 : vector<16xi32>
      %convert_element_type3A_318 = arith.extui %eq3A_317 : vector<16xi1> to vector<16xi32>
      %reduce_sum3A_319 = arith.constant true
      %reduce_sum3A_320 = vector.broadcast %reduce_sum3A_319 : i1 to vector<16xi1>
      %reduce_sum3A_321 = tpu.scan <sum>, %convert_element_type3A_318 masked %reduce_sum3A_320 : vector<16xi32>, vector<16xi1> -> vector<16xi32>
      %reduce_sum3A_322 = vector.extract %reduce_sum3A_321[15] : i32 from vector<16xi32>
      %add3A_323 = arith.addi %scan3A_286, %reduce_sum3A_322 : i32
      scf.yield %add3A_296, %add3A_305, %add3A_314, %add3A_323 : i32, i32, i32, i32
    }
    %scan3A_114 = arith.constant 8 : i32
    %add3A_115 = arith.constant 15 : i32
    %add3A_116 = arith.addi %scan3A_113#0, %add3A_115 : i32
    %and3A_117 = arith.constant -16 : i32
    %and3A_118 = arith.andi %add3A_116, %and3A_117 : i32
    %add3A_119 = arith.constant 15 : i32
    %add3A_120 = arith.addi %scan3A_113#1, %add3A_119 : i32
    %and3A_121 = arith.constant -16 : i32
    %and3A_122 = arith.andi %add3A_120, %and3A_121 : i32
    %add3A_123 = arith.addi %and3A_118, %and3A_122 : i32
    %add3A_124 = arith.constant 15 : i32
    %add3A_125 = arith.addi %scan3A_113#2, %add3A_124 : i32
    %and3A_126 = arith.constant -16 : i32
    %and3A_127 = arith.andi %add3A_125, %and3A_126 : i32
    %add3A_128 = arith.addi %add3A_123, %and3A_127 : i32
    %scan3A_129 = arith.constant 0 : i32
    %scan3A_130 = arith.constant 0 : i32
    %scan3A_131 = arith.constant 8 : i32
    %scan3A_132 = arith.addi %scan3A_130, %scan3A_131 : i32
    %scan3A_133 = arith.constant 1 : i32
    %scan3A_134:4 = scf.for %scan3A_282 = %scan3A_130 to %scan3A_132 step %scan3A_133 iter_args(%scan3A_283 = %scan3A_129, %scan3A_284 = %and3A_118, %scan3A_285 = %add3A_123, %scan3A_286 = %add3A_128) -> (i32, i32, i32, i32)  : i32 {
      %mul3A_287 = arith.constant 16 : i32
      %mul3A_288 = arith.muli %scan3A_282, %mul3A_287 : i32
      %get3A = arith.index_cast %mul3A_288 : i32 to index
      %get3A_289 = tpu.vector_load %arg16[%get3A] {strides = array<i32>} : memref<128xi32, #tpu.memory_space<vmem>>, vector<16xi32>,
      %mul3A_290 = arith.constant 16 : i32
      %mul3A_291 = arith.muli %scan3A_282, %mul3A_290 : i32
      %add3A_292 = vector.broadcast %mul3A_291 : i32 to vector<16xi32>
      %add3A_293 = arith.addi %iota3A, %add3A_292 : vector<16xi32>
      %eq3A = arith.constant 0 : i32
      %eq3A_294 = vector.broadcast %eq3A : i32 to vector<16xi32>
      %eq3A_295 = arith.cmpi eq, %get3A_289, %eq3A_294 : vector<16xi32>
      %swap3A_296 = arith.index_cast %scan3A_283 : i32 to index
      %swap3A_297 = tpu.vector_load %arg27[%swap3A_296] masked %eq3A_295 {strides = array<i32>} : memref<192xi32, #tpu.memory_space<vmem>>, vector<16xi32>, vector<16xi1>
      tpu.vector_store %arg27[%swap3A_296], %add3A_293 masked %eq3A_295 {strides = array<i32>} : memref<192xi32, #tpu.memory_space<vmem>>, vector<16xi32>, vector<16xi1>
      %convert_element_type3A_298 = arith.extui %eq3A_295 : vector<16xi1> to vector<16xi32>
      %reduce_sum3A = arith.constant true
      %reduce_sum3A_299 = vector.broadcast %reduce_sum3A : i1 to vector<16xi1>
      %reduce_sum3A_300 = tpu.scan <sum>, %convert_element_type3A_298 masked %reduce_sum3A_299 : vector<16xi32>, vector<16xi1> -> vector<16xi32>
      %reduce_sum3A_301 = vector.extract %reduce_sum3A_300[15] : i32 from vector<16xi32>
      %add3A_302 = arith.addi %scan3A_283, %reduce_sum3A_301 : i32
      %eq3A_303 = arith.constant 1 : i32
      %eq3A_304 = vector.broadcast %eq3A_303 : i32 to vector<16xi32>
      %eq3A_305 = arith.cmpi eq, %get3A_289, %eq3A_304 : vector<16xi32>
      %swap3A_306 = arith.index_cast %scan3A_284 : i32 to index
      %swap3A_307 = tpu.vector_load %arg27[%swap3A_306] masked %eq3A_305 {strides = array<i32>} : memref<192xi32, #tpu.memory_space<vmem>>, vector<16xi32>, vector<16xi1>
      tpu.vector_store %arg27[%swap3A_306], %add3A_293 masked %eq3A_305 {strides = array<i32>} : memref<192xi32, #tpu.memory_space<vmem>>, vector<16xi32>, vector<16xi1>
      %convert_element_type3A_308 = arith.extui %eq3A_305 : vector<16xi1> to vector<16xi32>
      %reduce_sum3A_309 = arith.constant true
      %reduce_sum3A_310 = vector.broadcast %reduce_sum3A_309 : i1 to vector<16xi1>
      %reduce_sum3A_311 = tpu.scan <sum>, %convert_element_type3A_308 masked %reduce_sum3A_310 : vector<16xi32>, vector<16xi1> -> vector<16xi32>
      %reduce_sum3A_312 = vector.extract %reduce_sum3A_311[15] : i32 from vector<16xi32>
      %add3A_313 = arith.addi %scan3A_284, %reduce_sum3A_312 : i32
      %eq3A_314 = arith.constant 2 : i32
      %eq3A_315 = vector.broadcast %eq3A_314 : i32 to vector<16xi32>
      %eq3A_316 = arith.cmpi eq, %get3A_289, %eq3A_315 : vector<16xi32>
      %swap3A_317 = arith.index_cast %scan3A_285 : i32 to index
      %swap3A_318 = tpu.vector_load %arg27[%swap3A_317] masked %eq3A_316 {strides = array<i32>} : memref<192xi32, #tpu.memory_space<vmem>>, vector<16xi32>, vector<16xi1>
      tpu.vector_store %arg27[%swap3A_317], %add3A_293 masked %eq3A_316 {strides = array<i32>} : memref<192xi32, #tpu.memory_space<vmem>>, vector<16xi32>, vector<16xi1>
      %convert_element_type3A_319 = arith.extui %eq3A_316 : vector<16xi1> to vector<16xi32>
      %reduce_sum3A_320 = arith.constant true
      %reduce_sum3A_321 = vector.broadcast %reduce_sum3A_320 : i1 to vector<16xi1>
      %reduce_sum3A_322 = tpu.scan <sum>, %convert_element_type3A_319 masked %reduce_sum3A_321 : vector<16xi32>, vector<16xi1> -> vector<16xi32>
      %reduce_sum3A_323 = vector.extract %reduce_sum3A_322[15] : i32 from vector<16xi32>
      %add3A_324 = arith.addi %scan3A_285, %reduce_sum3A_323 : i32
      %eq3A_325 = arith.constant 3 : i32
      %eq3A_326 = vector.broadcast %eq3A_325 : i32 to vector<16xi32>
      %eq3A_327 = arith.cmpi eq, %get3A_289, %eq3A_326 : vector<16xi32>
      %swap3A_328 = arith.index_cast %scan3A_286 : i32 to index
      %swap3A_329 = tpu.vector_load %arg27[%swap3A_328] masked %eq3A_327 {strides = array<i32>} : memref<192xi32, #tpu.memory_space<vmem>>, vector<16xi32>, vector<16xi1>
      tpu.vector_store %arg27[%swap3A_328], %add3A_293 masked %eq3A_327 {strides = array<i32>} : memref<192xi32, #tpu.memory_space<vmem>>, vector<16xi32>, vector<16xi1>
      %convert_element_type3A_330 = arith.extui %eq3A_327 : vector<16xi1> to vector<16xi32>
      %reduce_sum3A_331 = arith.constant true
      %reduce_sum3A_332 = vector.broadcast %reduce_sum3A_331 : i1 to vector<16xi1>
      %reduce_sum3A_333 = tpu.scan <sum>, %convert_element_type3A_330 masked %reduce_sum3A_332 : vector<16xi32>, vector<16xi1> -> vector<16xi32>
      %reduce_sum3A_334 = vector.extract %reduce_sum3A_333[15] : i32 from vector<16xi32>
      %add3A_335 = arith.addi %scan3A_286, %reduce_sum3A_334 : i32
      scf.yield %add3A_302, %add3A_313, %add3A_324, %add3A_335 : i32, i32, i32, i32
    }
    %scan3A_135 = arith.constant 8 : i32
    %min3A = arith.minsi %scan3A_83#0, %scan3A_83#1 : i32
    %min3A_136 = arith.minsi %scan3A_83#2, %scan3A_83#3 : i32
    %min3A_137 = arith.minsi %min3A, %min3A_136 : i32
    %ge3A = arith.constant 16 : i32
    %ge3A_138 = arith.cmpi sge, %min3A_137, %ge3A : i32
    %convert_element_type3A = arith.extui %ge3A_138 : i1 to i32
    %cond3A = arith.constant 0 : i32
    %cond3A_139 = arith.cmpi ne, %convert_element_type3A, %cond3A : i32
    scf.if %cond3A_139 {
      %scan3A_282 = arith.constant 0 : i32
      %scan3A_283 = arith.constant 0 : i32
      %scan3A_284 = arith.constant 4 : i32
      %scan3A_285 = arith.addi %scan3A_283, %scan3A_284 : i32
      %scan3A_286 = arith.constant 1 : i32
      scf.for %scan3A_288 = %scan3A_283 to %scan3A_285 step %scan3A_286  : i32 {
        %eq3A = arith.constant 0 : i32
        %eq3A_289 = arith.cmpi eq, %scan3A_288, %eq3A : i32
        %eq3A_290 = arith.constant 1 : i32
        %eq3A_291 = arith.cmpi eq, %scan3A_288, %eq3A_290 : i32
        %eq3A_292 = arith.constant 2 : i32
        %eq3A_293 = arith.cmpi eq, %scan3A_288, %eq3A_292 : i32
        %select_n3A = arith.select %eq3A_293, %add3A_92, %add3A_97 : i32
        %select_n3A_294 = arith.select %eq3A_291, %and3A_87, %select_n3A : i32
        %jit3A = arith.constant 0 : i32
        %select_n3A_295 = arith.select %eq3A_289, %jit3A, %select_n3A_294 : i32
        %eq3A_296 = arith.constant 0 : i32
        %eq3A_297 = arith.cmpi eq, %scan3A_288, %eq3A_296 : i32
        %eq3A_298 = arith.constant 1 : i32
        %eq3A_299 = arith.cmpi eq, %scan3A_288, %eq3A_298 : i32
        %eq3A_300 = arith.constant 2 : i32
        %eq3A_301 = arith.cmpi eq, %scan3A_288, %eq3A_300 : i32
        %select_n3A_302 = arith.select %eq3A_301, %scan3A_83#2, %scan3A_83#3 : i32
        %select_n3A_303 = arith.select %eq3A_299, %scan3A_83#1, %select_n3A_302 : i32
        %select_n3A_304 = arith.select %eq3A_297, %scan3A_83#0, %select_n3A_303 : i32
        %eq3A_305 = arith.constant 0 : i32
        %eq3A_306 = arith.cmpi eq, %scan3A_288, %eq3A_305 : i32
        %eq3A_307 = arith.constant 1 : i32
        %eq3A_308 = arith.cmpi eq, %scan3A_288, %eq3A_307 : i32
        %eq3A_309 = arith.constant 2 : i32
        %eq3A_310 = arith.cmpi eq, %scan3A_288, %eq3A_309 : i32
        %select_n3A_311 = arith.select %eq3A_310, %add3A_123, %add3A_128 : i32
        %select_n3A_312 = arith.select %eq3A_308, %and3A_118, %select_n3A_311 : i32
        %jit3A_313 = arith.constant 0 : i32
        %select_n3A_314 = arith.select %eq3A_306, %jit3A_313, %select_n3A_312 : i32
        %eq3A_315 = arith.constant 0 : i32
        %eq3A_316 = arith.cmpi eq, %scan3A_288, %eq3A_315 : i32
        %eq3A_317 = arith.constant 1 : i32
        %eq3A_318 = arith.cmpi eq, %scan3A_288, %eq3A_317 : i32
        %eq3A_319 = arith.constant 2 : i32
        %eq3A_320 = arith.cmpi eq, %scan3A_288, %eq3A_319 : i32
        %select_n3A_321 = arith.select %eq3A_320, %scan3A_113#2, %scan3A_113#3 : i32
        %select_n3A_322 = arith.select %eq3A_318, %scan3A_113#1, %select_n3A_321 : i32
        %select_n3A_323 = arith.select %eq3A_316, %scan3A_113#0, %select_n3A_322 : i32
        %add3A_324 = arith.constant 15 : i32
        %add3A_325 = arith.addi %select_n3A_304, %add3A_324 : i32
        %jit3A_326 = arith.constant 16 : i32
        %div3A = arith.divsi %add3A_325, %jit3A_326 : i32
        %sign3A = arith.constant 0 : i32
        %sign3A_327 = arith.cmpi sgt, %add3A_325, %sign3A : i32
        %sign3A_328 = arith.extui %sign3A_327 : i1 to i32
        %sign3A_329 = arith.constant 0 : i32
        %sign3A_330 = arith.cmpi slt, %add3A_325, %sign3A_329 : i32
        %sign3A_331 = arith.extui %sign3A_330 : i1 to i32
        %sign3A_332 = arith.subi %sign3A_328, %sign3A_331 : i32
        %sign3A_333 = arith.constant 0 : i32
        %sign3A_334 = arith.cmpi sgt, %jit3A_326, %sign3A_333 : i32
        %sign3A_335 = arith.extui %sign3A_334 : i1 to i32
        %sign3A_336 = arith.constant 0 : i32
        %sign3A_337 = arith.cmpi slt, %jit3A_326, %sign3A_336 : i32
        %sign3A_338 = arith.extui %sign3A_337 : i1 to i32
        %sign3A_339 = arith.subi %sign3A_335, %sign3A_338 : i32
        %ne3A = arith.cmpi ne, %sign3A_332, %sign3A_339 : i32
        %rem3A = arith.remsi %add3A_325, %jit3A_326 : i32
        %ne3A_340 = arith.constant 0 : i32
        %ne3A_341 = arith.cmpi ne, %rem3A, %ne3A_340 : i32
        %and3A_342 = arith.andi %ne3A, %ne3A_341 : i1
        %sub3A = arith.constant 1 : i32
        %sub3A_343 = arith.subi %div3A, %sub3A : i32
        %select_n3A_344 = arith.select %and3A_342, %sub3A_343, %div3A : i32
        %add3A_345 = arith.constant 4 : i32
        %add3A_346 = arith.addi %select_n3A_323, %add3A_345 : i32
        %sub3A_347 = arith.constant 1 : i32
        %sub3A_348 = arith.subi %add3A_346, %sub3A_347 : i32
        %jit3A_349 = arith.constant 4 : i32
        %div3A_350 = arith.divsi %sub3A_348, %jit3A_349 : i32
        %sign3A_351 = arith.constant 0 : i32
        %sign3A_352 = arith.cmpi sgt, %sub3A_348, %sign3A_351 : i32
        %sign3A_353 = arith.extui %sign3A_352 : i1 to i32
        %sign3A_354 = arith.constant 0 : i32
        %sign3A_355 = arith.cmpi slt, %sub3A_348, %sign3A_354 : i32
        %sign3A_356 = arith.extui %sign3A_355 : i1 to i32
        %sign3A_357 = arith.subi %sign3A_353, %sign3A_356 : i32
        %sign3A_358 = arith.constant 0 : i32
        %sign3A_359 = arith.cmpi sgt, %jit3A_349, %sign3A_358 : i32
        %sign3A_360 = arith.extui %sign3A_359 : i1 to i32
        %sign3A_361 = arith.constant 0 : i32
        %sign3A_362 = arith.cmpi slt, %jit3A_349, %sign3A_361 : i32
        %sign3A_363 = arith.extui %sign3A_362 : i1 to i32
        %sign3A_364 = arith.subi %sign3A_360, %sign3A_363 : i32
        %ne3A_365 = arith.cmpi ne, %sign3A_357, %sign3A_364 : i32
        %rem3A_366 = arith.remsi %sub3A_348, %jit3A_349 : i32
        %ne3A_367 = arith.constant 0 : i32
        %ne3A_368 = arith.cmpi ne, %rem3A_366, %ne3A_367 : i32
        %and3A_369 = arith.andi %ne3A_365, %ne3A_368 : i1
        %sub3A_370 = arith.constant 1 : i32
        %sub3A_371 = arith.subi %div3A_350, %sub3A_370 : i32
        %select_n3A_372 = arith.select %and3A_369, %sub3A_371, %div3A_350 : i32
        %while3A = arith.constant 0 : i32
        %while3A_373 = arith.constant 0 : i32
        %while3A_374 = arith.subi %select_n3A_372, %while3A_373 : i32
        %while3A_375 = arith.addi %while3A_373, %while3A_374 : i32
        %while3A_376 = arith.constant 1 : i32
        %while3A_377 = arith.divsi %while3A_374, %while3A_376 : i32
        %while3A_378 = arith.muli %while3A_377, %while3A_376 : i32
        %while3A_379 = arith.addi %while3A_373, %while3A_378 : i32
        %while3A_380 = arith.constant 1 : i32
        scf.for %while3A_382 = %while3A_373 to %while3A_379 step %while3A_380  : i32 {
          %jit3A_383 = arith.constant 4 : i32
          %div3A_384 = arith.divsi %while3A_382, %jit3A_383 : i32
          %sign3A_385 = arith.constant 0 : i32
          %sign3A_386 = arith.cmpi sgt, %while3A_382, %sign3A_385 : i32
          %sign3A_387 = arith.extui %sign3A_386 : i1 to i32
          %sign3A_388 = arith.constant 0 : i32
          %sign3A_389 = arith.cmpi slt, %while3A_382, %sign3A_388 : i32
          %sign3A_390 = arith.extui %sign3A_389 : i1 to i32
          %sign3A_391 = arith.subi %sign3A_387, %sign3A_390 : i32
          %sign3A_392 = arith.constant 0 : i32
          %sign3A_393 = arith.cmpi sgt, %jit3A_383, %sign3A_392 : i32
          %sign3A_394 = arith.extui %sign3A_393 : i1 to i32
          %sign3A_395 = arith.constant 0 : i32
          %sign3A_396 = arith.cmpi slt, %jit3A_383, %sign3A_395 : i32
          %sign3A_397 = arith.extui %sign3A_396 : i1 to i32
          %sign3A_398 = arith.subi %sign3A_394, %sign3A_397 : i32
          %ne3A_399 = arith.cmpi ne, %sign3A_391, %sign3A_398 : i32
          %rem3A_400 = arith.remsi %while3A_382, %jit3A_383 : i32
          %ne3A_401 = arith.constant 0 : i32
          %ne3A_402 = arith.cmpi ne, %rem3A_400, %ne3A_401 : i32
          %and3A_403 = arith.andi %ne3A_399, %ne3A_402 : i1
          %sub3A_404 = arith.constant 1 : i32
          %sub3A_405 = arith.subi %div3A_384, %sub3A_404 : i32
          %select_n3A_406 = arith.select %and3A_403, %sub3A_405, %div3A_384 : i32
          %mul3A_407 = arith.constant 16 : i32
          %mul3A_408 = arith.muli %select_n3A_406, %mul3A_407 : i32
          %add3A_409 = arith.addi %select_n3A_314, %mul3A_408 : i32
          %get3A = arith.index_cast %add3A_409 : i32 to index
          %get3A_410 = tpu.vector_load %arg27[%get3A] {strides = array<i32>} : memref<192xi32, #tpu.memory_space<vmem>>, vector<16xi32>,
          %jit3A_411 = arith.constant 4 : i32
          %eq3A_412 = arith.constant 0 : i32
          %eq3A_413 = arith.cmpi eq, %jit3A_411, %eq3A_412 : i32
          %jit3A_414 = arith.constant 1 : i32
          %select_n3A_415 = arith.select %eq3A_413, %jit3A_414, %jit3A_411 : i32
          %rem3A_416 = arith.remsi %while3A_382, %select_n3A_415 : i32
          %ne3A_417 = arith.constant 0 : i32
          %ne3A_418 = arith.cmpi ne, %rem3A_416, %ne3A_417 : i32
          %lt3A = arith.constant 0 : i32
          %lt3A_419 = arith.cmpi slt, %rem3A_416, %lt3A : i32
          %lt3A_420 = arith.constant 0 : i32
          %lt3A_421 = arith.cmpi slt, %select_n3A_415, %lt3A_420 : i32
          %ne3A_422 = arith.xori %lt3A_419, %lt3A_421 : i1
          %and3A_423 = arith.andi %ne3A_422, %ne3A_418 : i1
          %add3A_424 = arith.addi %rem3A_416, %select_n3A_415 : i32
          %select_n3A_425 = arith.select %and3A_423, %add3A_424, %rem3A_416 : i32
          %mul3A_426 = arith.constant 4 : i32
          %mul3A_427 = arith.muli %select_n3A_425, %mul3A_426 : i32
          %add3A_428 = arith.constant 0 : i32
          %add3A_429 = arith.addi %mul3A_427, %add3A_428 : i32
          %broadcast_in_dim3A_430 = vector.broadcast %add3A_429 : i32 to vector<16xi32>
          %broadcast_in_dim3A_431 = vector.shape_cast %broadcast_in_dim3A_430 : vector<16xi32> to vector<16x1xi32>
          %gather3A = vector.shape_cast %broadcast_in_dim3A_431 : vector<16x1xi32> to vector<16xi32>
          %gather3A_432 = tpu.dynamic_gather %get3A_410[%gather3A] in [0] : vector<16xi32>, vector<16xi32> -> vector<16xi32>
          %and3A_433 = arith.constant 127 : i32
          %and3A_434 = vector.broadcast %and3A_433 : i32 to vector<16xi32>
          %and3A_435 = arith.andi %gather3A_432, %and3A_434 : vector<16xi32>
          %jit3A_436 = arith.constant 4 : i32
          %eq3A_437 = arith.constant 0 : i32
          %eq3A_438 = arith.cmpi eq, %jit3A_436, %eq3A_437 : i32
          %jit3A_439 = arith.constant 1 : i32
          %select_n3A_440 = arith.select %eq3A_438, %jit3A_439, %jit3A_436 : i32
          %rem3A_441 = arith.remsi %while3A_382, %select_n3A_440 : i32
          %ne3A_442 = arith.constant 0 : i32
          %ne3A_443 = arith.cmpi ne, %rem3A_441, %ne3A_442 : i32
          %lt3A_444 = arith.constant 0 : i32
          %lt3A_445 = arith.cmpi slt, %rem3A_441, %lt3A_444 : i32
          %lt3A_446 = arith.constant 0 : i32
          %lt3A_447 = arith.cmpi slt, %select_n3A_440, %lt3A_446 : i32
          %ne3A_448 = arith.xori %lt3A_445, %lt3A_447 : i1
          %and3A_449 = arith.andi %ne3A_448, %ne3A_443 : i1
          %add3A_450 = arith.addi %rem3A_441, %select_n3A_440 : i32
          %select_n3A_451 = arith.select %and3A_449, %add3A_450, %rem3A_441 : i32
          %mul3A_452 = arith.constant 4 : i32
          %mul3A_453 = arith.muli %select_n3A_451, %mul3A_452 : i32
          %add3A_454 = arith.constant 1 : i32
          %add3A_455 = arith.addi %mul3A_453, %add3A_454 : i32
          %broadcast_in_dim3A_456 = vector.broadcast %add3A_455 : i32 to vector<16xi32>
          %broadcast_in_dim3A_457 = vector.shape_cast %broadcast_in_dim3A_456 : vector<16xi32> to vector<16x1xi32>
          %gather3A_458 = vector.shape_cast %broadcast_in_dim3A_457 : vector<16x1xi32> to vector<16xi32>
          %gather3A_459 = tpu.dynamic_gather %get3A_410[%gather3A_458] in [0] : vector<16xi32>, vector<16xi32> -> vector<16xi32>
          %and3A_460 = arith.constant 127 : i32
          %and3A_461 = vector.broadcast %and3A_460 : i32 to vector<16xi32>
          %and3A_462 = arith.andi %gather3A_459, %and3A_461 : vector<16xi32>
          %jit3A_463 = arith.constant 4 : i32
          %eq3A_464 = arith.constant 0 : i32
          %eq3A_465 = arith.cmpi eq, %jit3A_463, %eq3A_464 : i32
          %jit3A_466 = arith.constant 1 : i32
          %select_n3A_467 = arith.select %eq3A_465, %jit3A_466, %jit3A_463 : i32
          %rem3A_468 = arith.remsi %while3A_382, %select_n3A_467 : i32
          %ne3A_469 = arith.constant 0 : i32
          %ne3A_470 = arith.cmpi ne, %rem3A_468, %ne3A_469 : i32
          %lt3A_471 = arith.constant 0 : i32
          %lt3A_472 = arith.cmpi slt, %rem3A_468, %lt3A_471 : i32
          %lt3A_473 = arith.constant 0 : i32
          %lt3A_474 = arith.cmpi slt, %select_n3A_467, %lt3A_473 : i32
          %ne3A_475 = arith.xori %lt3A_472, %lt3A_474 : i1
          %and3A_476 = arith.andi %ne3A_475, %ne3A_470 : i1
          %add3A_477 = arith.addi %rem3A_468, %select_n3A_467 : i32
          %select_n3A_478 = arith.select %and3A_476, %add3A_477, %rem3A_468 : i32
          %mul3A_479 = arith.constant 4 : i32
          %mul3A_480 = arith.muli %select_n3A_478, %mul3A_479 : i32
          %add3A_481 = arith.constant 2 : i32
          %add3A_482 = arith.addi %mul3A_480, %add3A_481 : i32
          %broadcast_in_dim3A_483 = vector.broadcast %add3A_482 : i32 to vector<16xi32>
          %broadcast_in_dim3A_484 = vector.shape_cast %broadcast_in_dim3A_483 : vector<16xi32> to vector<16x1xi32>
          %gather3A_485 = vector.shape_cast %broadcast_in_dim3A_484 : vector<16x1xi32> to vector<16xi32>
          %gather3A_486 = tpu.dynamic_gather %get3A_410[%gather3A_485] in [0] : vector<16xi32>, vector<16xi32> -> vector<16xi32>
          %and3A_487 = arith.constant 127 : i32
          %and3A_488 = vector.broadcast %and3A_487 : i32 to vector<16xi32>
          %and3A_489 = arith.andi %gather3A_486, %and3A_488 : vector<16xi32>
          %jit3A_490 = arith.constant 4 : i32
          %eq3A_491 = arith.constant 0 : i32
          %eq3A_492 = arith.cmpi eq, %jit3A_490, %eq3A_491 : i32
          %jit3A_493 = arith.constant 1 : i32
          %select_n3A_494 = arith.select %eq3A_492, %jit3A_493, %jit3A_490 : i32
          %rem3A_495 = arith.remsi %while3A_382, %select_n3A_494 : i32
          %ne3A_496 = arith.constant 0 : i32
          %ne3A_497 = arith.cmpi ne, %rem3A_495, %ne3A_496 : i32
          %lt3A_498 = arith.constant 0 : i32
          %lt3A_499 = arith.cmpi slt, %rem3A_495, %lt3A_498 : i32
          %lt3A_500 = arith.constant 0 : i32
          %lt3A_501 = arith.cmpi slt, %select_n3A_494, %lt3A_500 : i32
          %ne3A_502 = arith.xori %lt3A_499, %lt3A_501 : i1
          %and3A_503 = arith.andi %ne3A_502, %ne3A_497 : i1
          %add3A_504 = arith.addi %rem3A_495, %select_n3A_494 : i32
          %select_n3A_505 = arith.select %and3A_503, %add3A_504, %rem3A_495 : i32
          %mul3A_506 = arith.constant 4 : i32
          %mul3A_507 = arith.muli %select_n3A_505, %mul3A_506 : i32
          %add3A_508 = arith.constant 3 : i32
          %add3A_509 = arith.addi %mul3A_507, %add3A_508 : i32
          %broadcast_in_dim3A_510 = vector.broadcast %add3A_509 : i32 to vector<16xi32>
          %broadcast_in_dim3A_511 = vector.shape_cast %broadcast_in_dim3A_510 : vector<16xi32> to vector<16x1xi32>
          %gather3A_512 = vector.shape_cast %broadcast_in_dim3A_511 : vector<16x1xi32> to vector<16xi32>
          %gather3A_513 = tpu.dynamic_gather %get3A_410[%gather3A_512] in [0] : vector<16xi32>, vector<16xi32> -> vector<16xi32>
          %and3A_514 = arith.constant 127 : i32
          %and3A_515 = vector.broadcast %and3A_514 : i32 to vector<16xi32>
          %and3A_516 = arith.andi %gather3A_513, %and3A_515 : vector<16xi32>
          %gather3A_517 = tpu.vector_load_idx %arg13[%and3A_435] : memref<128xi32, #tpu.memory_space<vmem>>[vector<16xi32>], vector<16xi32>,
          %gather3A_518 = tpu.vector_load_idx %arg13[%and3A_462] : memref<128xi32, #tpu.memory_space<vmem>>[vector<16xi32>], vector<16xi32>,
          %gather3A_519 = tpu.vector_load_idx %arg13[%and3A_489] : memref<128xi32, #tpu.memory_space<vmem>>[vector<16xi32>], vector<16xi32>,
          %gather3A_520 = tpu.vector_load_idx %arg13[%and3A_516] : memref<128xi32, #tpu.memory_space<vmem>>[vector<16xi32>], vector<16xi32>,
          %gather3A_521 = tpu.vector_load_idx %arg14[%and3A_435] : memref<128xi32, #tpu.memory_space<vmem>>[vector<16xi32>], vector<16xi32>,
          %gather3A_522 = tpu.vector_load_idx %arg14[%and3A_462] : memref<128xi32, #tpu.memory_space<vmem>>[vector<16xi32>], vector<16xi32>,
          %gather3A_523 = tpu.vector_load_idx %arg14[%and3A_489] : memref<128xi32, #tpu.memory_space<vmem>>[vector<16xi32>], vector<16xi32>,
          %gather3A_524 = tpu.vector_load_idx %arg14[%and3A_516] : memref<128xi32, #tpu.memory_space<vmem>>[vector<16xi32>], vector<16xi32>,
          %gather3A_525 = tpu.vector_load_idx %arg15[%and3A_435] : memref<128xi32, #tpu.memory_space<vmem>>[vector<16xi32>], vector<16xi32>,
          %gather3A_526 = tpu.vector_load_idx %arg15[%and3A_462] : memref<128xi32, #tpu.memory_space<vmem>>[vector<16xi32>], vector<16xi32>,
          %gather3A_527 = tpu.vector_load_idx %arg15[%and3A_489] : memref<128xi32, #tpu.memory_space<vmem>>[vector<16xi32>], vector<16xi32>,
          %gather3A_528 = tpu.vector_load_idx %arg15[%and3A_516] : memref<128xi32, #tpu.memory_space<vmem>>[vector<16xi32>], vector<16xi32>,
          %add3A_529 = arith.constant 1 : i32
          %add3A_530 = arith.addi %select_n3A_344, %add3A_529 : i32
          %jit3A_531 = arith.constant 2 : i32
          %div3A_532 = arith.divsi %add3A_530, %jit3A_531 : i32
          %sign3A_533 = arith.constant 0 : i32
          %sign3A_534 = arith.cmpi sgt, %add3A_530, %sign3A_533 : i32
          %sign3A_535 = arith.extui %sign3A_534 : i1 to i32
          %sign3A_536 = arith.constant 0 : i32
          %sign3A_537 = arith.cmpi slt, %add3A_530, %sign3A_536 : i32
          %sign3A_538 = arith.extui %sign3A_537 : i1 to i32
          %sign3A_539 = arith.subi %sign3A_535, %sign3A_538 : i32
          %sign3A_540 = arith.constant 0 : i32
          %sign3A_541 = arith.cmpi sgt, %jit3A_531, %sign3A_540 : i32
          %sign3A_542 = arith.extui %sign3A_541 : i1 to i32
          %sign3A_543 = arith.constant 0 : i32
          %sign3A_544 = arith.cmpi slt, %jit3A_531, %sign3A_543 : i32
          %sign3A_545 = arith.extui %sign3A_544 : i1 to i32
          %sign3A_546 = arith.subi %sign3A_542, %sign3A_545 : i32
          %ne3A_547 = arith.cmpi ne, %sign3A_539, %sign3A_546 : i32
          %rem3A_548 = arith.remsi %add3A_530, %jit3A_531 : i32
          %ne3A_549 = arith.constant 0 : i32
          %ne3A_550 = arith.cmpi ne, %rem3A_548, %ne3A_549 : i32
          %and3A_551 = arith.andi %ne3A_547, %ne3A_550 : i1
          %sub3A_552 = arith.constant 1 : i32
          %sub3A_553 = arith.subi %div3A_532, %sub3A_552 : i32
          %select_n3A_554 = arith.select %and3A_551, %sub3A_553, %div3A_532 : i32
          %while3A_555 = arith.constant 0 : i32
          %while3A_556 = arith.subi %select_n3A_554, %while3A_555 : i32
          %while3A_557 = arith.addi %while3A_555, %while3A_556 : i32
          %while3A_558 = arith.constant 1 : i32
          %while3A_559 = arith.divsi %while3A_556, %while3A_558 : i32
          %while3A_560 = arith.muli %while3A_559, %while3A_558 : i32
          %while3A_561 = arith.addi %while3A_555, %while3A_560 : i32
          %while3A_562 = arith.constant 1 : i32
          %while3A_563:4 = scf.for %while3A_629 = %while3A_555 to %while3A_561 step %while3A_562 iter_args(%while3A_630 = %broadcast_in_dim3A_75, %while3A_631 = %broadcast_in_dim3A_75, %while3A_632 = %broadcast_in_dim3A_75, %while3A_633 = %broadcast_in_dim3A_75) -> (vector<16xi32>, vector<16xi32>, vector<16xi32>, vector<16xi32>)  : i32 {
            %mul3A_634 = arith.constant 2 : i32
            %mul3A_635 = arith.muli %while3A_629, %mul3A_634 : i32
            %add3A_636 = arith.constant 0 : i32
            %add3A_637 = arith.addi %mul3A_635, %add3A_636 : i32
            %mul3A_638 = arith.constant 16 : i32
            %mul3A_639 = arith.muli %add3A_637, %mul3A_638 : i32
            %add3A_640 = arith.addi %select_n3A_295, %mul3A_639 : i32
            %get3A_641 = arith.index_cast %add3A_640 : i32 to index
            %get3A_642 = tpu.vector_load %arg26[%get3A_641] {strides = array<i32>} : memref<8256xi32, #tpu.memory_space<vmem>>, vector<16xi32>,
            %and3A_643 = arith.constant 8191 : i32
            %and3A_644 = vector.broadcast %and3A_643 : i32 to vector<16xi32>
            %and3A_645 = arith.andi %get3A_642, %and3A_644 : vector<16xi32>
            %gather3A_646 = tpu.vector_load_idx %arg9[%and3A_645] : memref<8192xi32, #tpu.memory_space<vmem>>[vector<16xi32>], vector<16xi32>,
            %gather3A_647 = tpu.vector_load_idx %arg10[%and3A_645] : memref<8192xi32, #tpu.memory_space<vmem>>[vector<16xi32>], vector<16xi32>,
            %gather3A_648 = tpu.vector_load_idx %arg11[%and3A_645] : memref<8192xi32, #tpu.memory_space<vmem>>[vector<16xi32>], vector<16xi32>,
            %mul3A_649 = arith.constant 2 : i32
            %mul3A_650 = arith.muli %while3A_629, %mul3A_649 : i32
            %add3A_651 = arith.constant 0 : i32
            %add3A_652 = arith.addi %mul3A_650, %add3A_651 : i32
            %mul3A_653 = arith.constant 16 : i32
            %mul3A_654 = arith.muli %add3A_652, %mul3A_653 : i32
            %add3A_655 = vector.broadcast %mul3A_654 : i32 to vector<16xi32>
            %add3A_656 = arith.addi %add3A_655, %iota3A : vector<16xi32>
            %ge3A_657 = vector.broadcast %select_n3A_304 : i32 to vector<16xi32>
            %ge3A_658 = arith.cmpi sge, %add3A_656, %ge3A_657 : vector<16xi32>
            %sub3A_659 = arith.subi %gather3A_646, %gather3A_517 : vector<16xi32>
            %sub3A_660 = arith.subi %gather3A_647, %gather3A_521 : vector<16xi32>
            %sub3A_661 = arith.subi %gather3A_648, %gather3A_525 : vector<16xi32>
            %mul3A_662 = arith.muli %sub3A_659, %sub3A_659 : vector<16xi32>
            %mul3A_663 = arith.muli %sub3A_660, %sub3A_660 : vector<16xi32>
            %add3A_664 = arith.addi %mul3A_662, %mul3A_663 : vector<16xi32>
            %mul3A_665 = arith.muli %sub3A_661, %sub3A_661 : vector<16xi32>
            %add3A_666 = arith.addi %add3A_664, %mul3A_665 : vector<16xi32>
            %shift_left3A = arith.constant 13 : i32
            %shift_left3A_667 = vector.broadcast %shift_left3A : i32 to vector<16xi32>
            %shift_left3A_668 = arith.shli %add3A_666, %shift_left3A_667 : vector<16xi32>
            %or3A = arith.ori %shift_left3A_668, %and3A_645 : vector<16xi32>
            %jit3A_669 = arith.constant 2147483647 : i32
            %broadcast_in_dim3A_670 = vector.broadcast %jit3A_669 : i32 to vector<16xi32>
            %select_n3A_671 = arith.select %ge3A_658, %broadcast_in_dim3A_670, %or3A : vector<16xi1>, vector<16xi32>
            %sort3A = arith.constant dense<true> : vector<16xi1>
            %sort3A_672, %sort3A_673, %sort3A_674 = tpu.sort %select_n3A_671, %select_n3A_671 masked %sort3A : (vector<16xi32>, vector<16xi32>, vector<16xi1>) -> (vector<16xi1>, vector<16xi32>, vector<16xi32>)
            %rev3A = arith.constant 15 : i32
            %rev3A_675 = vector.broadcast %rev3A : i32 to vector<16xi32>
            %rev3A_676 = tpu.iota {dimensions = array<i32: 0>} : vector<16xi32>
            %rev3A_677 = arith.subi %rev3A_675, %rev3A_676 : vector<16xi32>
            %rev3A_678 = tpu.dynamic_gather %sort3A_673[%rev3A_677] in [0] : vector<16xi32>, vector<16xi32> -> vector<16xi32>
            %min3A_679 = arith.minsi %while3A_630, %rev3A_678 : vector<16xi32>
            %sort3A_680 = arith.constant dense<true> : vector<16xi1>
            %sort3A_681, %sort3A_682, %sort3A_683 = tpu.sort %min3A_679, %min3A_679 masked %sort3A_680 : (vector<16xi32>, vector<16xi32>, vector<16xi1>) -> (vector<16xi1>, vector<16xi32>, vector<16xi32>)
            %sub3A_684 = arith.subi %gather3A_646, %gather3A_518 : vector<16xi32>
            %sub3A_685 = arith.subi %gather3A_647, %gather3A_522 : vector<16xi32>
            %sub3A_686 = arith.subi %gather3A_648, %gather3A_526 : vector<16xi32>
            %mul3A_687 = arith.muli %sub3A_684, %sub3A_684 : vector<16xi32>
            %mul3A_688 = arith.muli %sub3A_685, %sub3A_685 : vector<16xi32>
            %add3A_689 = arith.addi %mul3A_687, %mul3A_688 : vector<16xi32>
            %mul3A_690 = arith.muli %sub3A_686, %sub3A_686 : vector<16xi32>
            %add3A_691 = arith.addi %add3A_689, %mul3A_690 : vector<16xi32>
            %shift_left3A_692 = arith.constant 13 : i32
            %shift_left3A_693 = vector.broadcast %shift_left3A_692 : i32 to vector<16xi32>
            %shift_left3A_694 = arith.shli %add3A_691, %shift_left3A_693 : vector<16xi32>
            %or3A_695 = arith.ori %shift_left3A_694, %and3A_645 : vector<16xi32>
            %jit3A_696 = arith.constant 2147483647 : i32
            %broadcast_in_dim3A_697 = vector.broadcast %jit3A_696 : i32 to vector<16xi32>
            %select_n3A_698 = arith.select %ge3A_658, %broadcast_in_dim3A_697, %or3A_695 : vector<16xi1>, vector<16xi32>
            %sort3A_699 = arith.constant dense<true> : vector<16xi1>
            %sort3A_700, %sort3A_701, %sort3A_702 = tpu.sort %select_n3A_698, %select_n3A_698 masked %sort3A_699 : (vector<16xi32>, vector<16xi32>, vector<16xi1>) -> (vector<16xi1>, vector<16xi32>, vector<16xi32>)
            %rev3A_703 = arith.constant 15 : i32
            %rev3A_704 = vector.broadcast %rev3A_703 : i32 to vector<16xi32>
            %rev3A_705 = tpu.iota {dimensions = array<i32: 0>} : vector<16xi32>
            %rev3A_706 = arith.subi %rev3A_704, %rev3A_705 : vector<16xi32>
            %rev3A_707 = tpu.dynamic_gather %sort3A_701[%rev3A_706] in [0] : vector<16xi32>, vector<16xi32> -> vector<16xi32>
            %min3A_708 = arith.minsi %while3A_631, %rev3A_707 : vector<16xi32>
            %sort3A_709 = arith.constant dense<true> : vector<16xi1>
            %sort3A_710, %sort3A_711, %sort3A_712 = tpu.sort %min3A_708, %min3A_708 masked %sort3A_709 : (vector<16xi32>, vector<16xi32>, vector<16xi1>) -> (vector<16xi1>, vector<16xi32>, vector<16xi32>)
            %sub3A_713 = arith.subi %gather3A_646, %gather3A_519 : vector<16xi32>
            %sub3A_714 = arith.subi %gather3A_647, %gather3A_523 : vector<16xi32>
            %sub3A_715 = arith.subi %gather3A_648, %gather3A_527 : vector<16xi32>
            %mul3A_716 = arith.muli %sub3A_713, %sub3A_713 : vector<16xi32>
            %mul3A_717 = arith.muli %sub3A_714, %sub3A_714 : vector<16xi32>
            %add3A_718 = arith.addi %mul3A_716, %mul3A_717 : vector<16xi32>
            %mul3A_719 = arith.muli %sub3A_715, %sub3A_715 : vector<16xi32>
            %add3A_720 = arith.addi %add3A_718, %mul3A_719 : vector<16xi32>
            %shift_left3A_721 = arith.constant 13 : i32
            %shift_left3A_722 = vector.broadcast %shift_left3A_721 : i32 to vector<16xi32>
            %shift_left3A_723 = arith.shli %add3A_720, %shift_left3A_722 : vector<16xi32>
            %or3A_724 = arith.ori %shift_left3A_723, %and3A_645 : vector<16xi32>
            %jit3A_725 = arith.constant 2147483647 : i32
            %broadcast_in_dim3A_726 = vector.broadcast %jit3A_725 : i32 to vector<16xi32>
            %select_n3A_727 = arith.select %ge3A_658, %broadcast_in_dim3A_726, %or3A_724 : vector<16xi1>, vector<16xi32>
            %sort3A_728 = arith.constant dense<true> : vector<16xi1>
            %sort3A_729, %sort3A_730, %sort3A_731 = tpu.sort %select_n3A_727, %select_n3A_727 masked %sort3A_728 : (vector<16xi32>, vector<16xi32>, vector<16xi1>) -> (vector<16xi1>, vector<16xi32>, vector<16xi32>)
            %rev3A_732 = arith.constant 15 : i32
            %rev3A_733 = vector.broadcast %rev3A_732 : i32 to vector<16xi32>
            %rev3A_734 = tpu.iota {dimensions = array<i32: 0>} : vector<16xi32>
            %rev3A_735 = arith.subi %rev3A_733, %rev3A_734 : vector<16xi32>
            %rev3A_736 = tpu.dynamic_gather %sort3A_730[%rev3A_735] in [0] : vector<16xi32>, vector<16xi32> -> vector<16xi32>
            %min3A_737 = arith.minsi %while3A_632, %rev3A_736 : vector<16xi32>
            %sort3A_738 = arith.constant dense<true> : vector<16xi1>
            %sort3A_739, %sort3A_740, %sort3A_741 = tpu.sort %min3A_737, %min3A_737 masked %sort3A_738 : (vector<16xi32>, vector<16xi32>, vector<16xi1>) -> (vector<16xi1>, vector<16xi32>, vector<16xi32>)
            %sub3A_742 = arith.subi %gather3A_646, %gather3A_520 : vector<16xi32>
            %sub3A_743 = arith.subi %gather3A_647, %gather3A_524 : vector<16xi32>
            %sub3A_744 = arith.subi %gather3A_648, %gather3A_528 : vector<16xi32>
            %mul3A_745 = arith.muli %sub3A_742, %sub3A_742 : vector<16xi32>
            %mul3A_746 = arith.muli %sub3A_743, %sub3A_743 : vector<16xi32>
            %add3A_747 = arith.addi %mul3A_745, %mul3A_746 : vector<16xi32>
            %mul3A_748 = arith.muli %sub3A_744, %sub3A_744 : vector<16xi32>
            %add3A_749 = arith.addi %add3A_747, %mul3A_748 : vector<16xi32>
            %shift_left3A_750 = arith.constant 13 : i32
            %shift_left3A_751 = vector.broadcast %shift_left3A_750 : i32 to vector<16xi32>
            %shift_left3A_752 = arith.shli %add3A_749, %shift_left3A_751 : vector<16xi32>
            %or3A_753 = arith.ori %shift_left3A_752, %and3A_645 : vector<16xi32>
            %jit3A_754 = arith.constant 2147483647 : i32
            %broadcast_in_dim3A_755 = vector.broadcast %jit3A_754 : i32 to vector<16xi32>
            %select_n3A_756 = arith.select %ge3A_658, %broadcast_in_dim3A_755, %or3A_753 : vector<16xi1>, vector<16xi32>
            %sort3A_757 = arith.constant dense<true> : vector<16xi1>
            %sort3A_758, %sort3A_759, %sort3A_760 = tpu.sort %select_n3A_756, %select_n3A_756 masked %sort3A_757 : (vector<16xi32>, vector<16xi32>, vector<16xi1>) -> (vector<16xi1>, vector<16xi32>, vector<16xi32>)
            %rev3A_761 = arith.constant 15 : i32
            %rev3A_762 = vector.broadcast %rev3A_761 : i32 to vector<16xi32>
            %rev3A_763 = tpu.iota {dimensions = array<i32: 0>} : vector<16xi32>
            %rev3A_764 = arith.subi %rev3A_762, %rev3A_763 : vector<16xi32>
            %rev3A_765 = tpu.dynamic_gather %sort3A_759[%rev3A_764] in [0] : vector<16xi32>, vector<16xi32> -> vector<16xi32>
            %min3A_766 = arith.minsi %while3A_633, %rev3A_765 : vector<16xi32>
            %sort3A_767 = arith.constant dense<true> : vector<16xi1>
            %sort3A_768, %sort3A_769, %sort3A_770 = tpu.sort %min3A_766, %min3A_766 masked %sort3A_767 : (vector<16xi32>, vector<16xi32>, vector<16xi1>) -> (vector<16xi1>, vector<16xi32>, vector<16xi32>)
            %mul3A_771 = arith.constant 2 : i32
            %mul3A_772 = arith.muli %while3A_629, %mul3A_771 : i32
            %add3A_773 = arith.constant 1 : i32
            %add3A_774 = arith.addi %mul3A_772, %add3A_773 : i32
            %mul3A_775 = arith.constant 16 : i32
            %mul3A_776 = arith.muli %add3A_774, %mul3A_775 : i32
            %add3A_777 = arith.addi %select_n3A_295, %mul3A_776 : i32
            %get3A_778 = arith.index_cast %add3A_777 : i32 to index
            %get3A_779 = tpu.vector_load %arg26[%get3A_778] {strides = array<i32>} : memref<8256xi32, #tpu.memory_space<vmem>>, vector<16xi32>,
            %and3A_780 = arith.constant 8191 : i32
            %and3A_781 = vector.broadcast %and3A_780 : i32 to vector<16xi32>
            %and3A_782 = arith.andi %get3A_779, %and3A_781 : vector<16xi32>
            %gather3A_783 = tpu.vector_load_idx %arg9[%and3A_782] : memref<8192xi32, #tpu.memory_space<vmem>>[vector<16xi32>], vector<16xi32>,
            %gather3A_784 = tpu.vector_load_idx %arg10[%and3A_782] : memref<8192xi32, #tpu.memory_space<vmem>>[vector<16xi32>], vector<16xi32>,
            %gather3A_785 = tpu.vector_load_idx %arg11[%and3A_782] : memref<8192xi32, #tpu.memory_space<vmem>>[vector<16xi32>], vector<16xi32>,
            %mul3A_786 = arith.constant 2 : i32
            %mul3A_787 = arith.muli %while3A_629, %mul3A_786 : i32
            %add3A_788 = arith.constant 1 : i32
            %add3A_789 = arith.addi %mul3A_787, %add3A_788 : i32
            %mul3A_790 = arith.constant 16 : i32
            %mul3A_791 = arith.muli %add3A_789, %mul3A_790 : i32
            %add3A_792 = vector.broadcast %mul3A_791 : i32 to vector<16xi32>
            %add3A_793 = arith.addi %add3A_792, %iota3A : vector<16xi32>
            %ge3A_794 = vector.broadcast %select_n3A_304 : i32 to vector<16xi32>
            %ge3A_795 = arith.cmpi sge, %add3A_793, %ge3A_794 : vector<16xi32>
            %sub3A_796 = arith.subi %gather3A_783, %gather3A_517 : vector<16xi32>
            %sub3A_797 = arith.subi %gather3A_784, %gather3A_521 : vector<16xi32>
            %sub3A_798 = arith.subi %gather3A_785, %gather3A_525 : vector<16xi32>
            %mul3A_799 = arith.muli %sub3A_796, %sub3A_796 : vector<16xi32>
            %mul3A_800 = arith.muli %sub3A_797, %sub3A_797 : vector<16xi32>
            %add3A_801 = arith.addi %mul3A_799, %mul3A_800 : vector<16xi32>
            %mul3A_802 = arith.muli %sub3A_798, %sub3A_798 : vector<16xi32>
            %add3A_803 = arith.addi %add3A_801, %mul3A_802 : vector<16xi32>
            %shift_left3A_804 = arith.constant 13 : i32
            %shift_left3A_805 = vector.broadcast %shift_left3A_804 : i32 to vector<16xi32>
            %shift_left3A_806 = arith.shli %add3A_803, %shift_left3A_805 : vector<16xi32>
            %or3A_807 = arith.ori %shift_left3A_806, %and3A_782 : vector<16xi32>
            %jit3A_808 = arith.constant 2147483647 : i32
            %broadcast_in_dim3A_809 = vector.broadcast %jit3A_808 : i32 to vector<16xi32>
            %select_n3A_810 = arith.select %ge3A_795, %broadcast_in_dim3A_809, %or3A_807 : vector<16xi1>, vector<16xi32>
            %sort3A_811 = arith.constant dense<true> : vector<16xi1>
            %sort3A_812, %sort3A_813, %sort3A_814 = tpu.sort %select_n3A_810, %select_n3A_810 masked %sort3A_811 : (vector<16xi32>, vector<16xi32>, vector<16xi1>) -> (vector<16xi1>, vector<16xi32>, vector<16xi32>)
            %rev3A_815 = arith.constant 15 : i32
            %rev3A_816 = vector.broadcast %rev3A_815 : i32 to vector<16xi32>
            %rev3A_817 = tpu.iota {dimensions = array<i32: 0>} : vector<16xi32>
            %rev3A_818 = arith.subi %rev3A_816, %rev3A_817 : vector<16xi32>
            %rev3A_819 = tpu.dynamic_gather %sort3A_813[%rev3A_818] in [0] : vector<16xi32>, vector<16xi32> -> vector<16xi32>
            %min3A_820 = arith.minsi %sort3A_682, %rev3A_819 : vector<16xi32>
            %sort3A_821 = arith.constant dense<true> : vector<16xi1>
            %sort3A_822, %sort3A_823, %sort3A_824 = tpu.sort %min3A_820, %min3A_820 masked %sort3A_821 : (vector<16xi32>, vector<16xi32>, vector<16xi1>) -> (vector<16xi1>, vector<16xi32>, vector<16xi32>)
            %sub3A_825 = arith.subi %gather3A_783, %gather3A_518 : vector<16xi32>
            %sub3A_826 = arith.subi %gather3A_784, %gather3A_522 : vector<16xi32>
            %sub3A_827 = arith.subi %gather3A_785, %gather3A_526 : vector<16xi32>
            %mul3A_828 = arith.muli %sub3A_825, %sub3A_825 : vector<16xi32>
            %mul3A_829 = arith.muli %sub3A_826, %sub3A_826 : vector<16xi32>
            %add3A_830 = arith.addi %mul3A_828, %mul3A_829 : vector<16xi32>
            %mul3A_831 = arith.muli %sub3A_827, %sub3A_827 : vector<16xi32>
            %add3A_832 = arith.addi %add3A_830, %mul3A_831 : vector<16xi32>
            %shift_left3A_833 = arith.constant 13 : i32
            %shift_left3A_834 = vector.broadcast %shift_left3A_833 : i32 to vector<16xi32>
            %shift_left3A_835 = arith.shli %add3A_832, %shift_left3A_834 : vector<16xi32>
            %or3A_836 = arith.ori %shift_left3A_835, %and3A_782 : vector<16xi32>
            %jit3A_837 = arith.constant 2147483647 : i32
            %broadcast_in_dim3A_838 = vector.broadcast %jit3A_837 : i32 to vector<16xi32>
            %select_n3A_839 = arith.select %ge3A_795, %broadcast_in_dim3A_838, %or3A_836 : vector<16xi1>, vector<16xi32>
            %sort3A_840 = arith.constant dense<true> : vector<16xi1>
            %sort3A_841, %sort3A_842, %sort3A_843 = tpu.sort %select_n3A_839, %select_n3A_839 masked %sort3A_840 : (vector<16xi32>, vector<16xi32>, vector<16xi1>) -> (vector<16xi1>, vector<16xi32>, vector<16xi32>)
            %rev3A_844 = arith.constant 15 : i32
            %rev3A_845 = vector.broadcast %rev3A_844 : i32 to vector<16xi32>
            %rev3A_846 = tpu.iota {dimensions = array<i32: 0>} : vector<16xi32>
            %rev3A_847 = arith.subi %rev3A_845, %rev3A_846 : vector<16xi32>
            %rev3A_848 = tpu.dynamic_gather %sort3A_842[%rev3A_847] in [0] : vector<16xi32>, vector<16xi32> -> vector<16xi32>
            %min3A_849 = arith.minsi %sort3A_711, %rev3A_848 : vector<16xi32>
            %sort3A_850 = arith.constant dense<true> : vector<16xi1>
            %sort3A_851, %sort3A_852, %sort3A_853 = tpu.sort %min3A_849, %min3A_849 masked %sort3A_850 : (vector<16xi32>, vector<16xi32>, vector<16xi1>) -> (vector<16xi1>, vector<16xi32>, vector<16xi32>)
            %sub3A_854 = arith.subi %gather3A_783, %gather3A_519 : vector<16xi32>
            %sub3A_855 = arith.subi %gather3A_784, %gather3A_523 : vector<16xi32>
            %sub3A_856 = arith.subi %gather3A_785, %gather3A_527 : vector<16xi32>
            %mul3A_857 = arith.muli %sub3A_854, %sub3A_854 : vector<16xi32>
            %mul3A_858 = arith.muli %sub3A_855, %sub3A_855 : vector<16xi32>
            %add3A_859 = arith.addi %mul3A_857, %mul3A_858 : vector<16xi32>
            %mul3A_860 = arith.muli %sub3A_856, %sub3A_856 : vector<16xi32>
            %add3A_861 = arith.addi %add3A_859, %mul3A_860 : vector<16xi32>
            %shift_left3A_862 = arith.constant 13 : i32
            %shift_left3A_863 = vector.broadcast %shift_left3A_862 : i32 to vector<16xi32>
            %shift_left3A_864 = arith.shli %add3A_861, %shift_left3A_863 : vector<16xi32>
            %or3A_865 = arith.ori %shift_left3A_864, %and3A_782 : vector<16xi32>
            %jit3A_866 = arith.constant 2147483647 : i32
            %broadcast_in_dim3A_867 = vector.broadcast %jit3A_866 : i32 to vector<16xi32>
            %select_n3A_868 = arith.select %ge3A_795, %broadcast_in_dim3A_867, %or3A_865 : vector<16xi1>, vector<16xi32>
            %sort3A_869 = arith.constant dense<true> : vector<16xi1>
            %sort3A_870, %sort3A_871, %sort3A_872 = tpu.sort %select_n3A_868, %select_n3A_868 masked %sort3A_869 : (vector<16xi32>, vector<16xi32>, vector<16xi1>) -> (vector<16xi1>, vector<16xi32>, vector<16xi32>)
            %rev3A_873 = arith.constant 15 : i32
            %rev3A_874 = vector.broadcast %rev3A_873 : i32 to vector<16xi32>
            %rev3A_875 = tpu.iota {dimensions = array<i32: 0>} : vector<16xi32>
            %rev3A_876 = arith.subi %rev3A_874, %rev3A_875 : vector<16xi32>
            %rev3A_877 = tpu.dynamic_gather %sort3A_871[%rev3A_876] in [0] : vector<16xi32>, vector<16xi32> -> vector<16xi32>
            %min3A_878 = arith.minsi %sort3A_740, %rev3A_877 : vector<16xi32>
            %sort3A_879 = arith.constant dense<true> : vector<16xi1>
            %sort3A_880, %sort3A_881, %sort3A_882 = tpu.sort %min3A_878, %min3A_878 masked %sort3A_879 : (vector<16xi32>, vector<16xi32>, vector<16xi1>) -> (vector<16xi1>, vector<16xi32>, vector<16xi32>)
            %sub3A_883 = arith.subi %gather3A_783, %gather3A_520 : vector<16xi32>
            %sub3A_884 = arith.subi %gather3A_784, %gather3A_524 : vector<16xi32>
            %sub3A_885 = arith.subi %gather3A_785, %gather3A_528 : vector<16xi32>
            %mul3A_886 = arith.muli %sub3A_883, %sub3A_883 : vector<16xi32>
            %mul3A_887 = arith.muli %sub3A_884, %sub3A_884 : vector<16xi32>
            %add3A_888 = arith.addi %mul3A_886, %mul3A_887 : vector<16xi32>
            %mul3A_889 = arith.muli %sub3A_885, %sub3A_885 : vector<16xi32>
            %add3A_890 = arith.addi %add3A_888, %mul3A_889 : vector<16xi32>
            %shift_left3A_891 = arith.constant 13 : i32
            %shift_left3A_892 = vector.broadcast %shift_left3A_891 : i32 to vector<16xi32>
            %shift_left3A_893 = arith.shli %add3A_890, %shift_left3A_892 : vector<16xi32>
            %or3A_894 = arith.ori %shift_left3A_893, %and3A_782 : vector<16xi32>
            %jit3A_895 = arith.constant 2147483647 : i32
            %broadcast_in_dim3A_896 = vector.broadcast %jit3A_895 : i32 to vector<16xi32>
            %select_n3A_897 = arith.select %ge3A_795, %broadcast_in_dim3A_896, %or3A_894 : vector<16xi1>, vector<16xi32>
            %sort3A_898 = arith.constant dense<true> : vector<16xi1>
            %sort3A_899, %sort3A_900, %sort3A_901 = tpu.sort %select_n3A_897, %select_n3A_897 masked %sort3A_898 : (vector<16xi32>, vector<16xi32>, vector<16xi1>) -> (vector<16xi1>, vector<16xi32>, vector<16xi32>)
            %rev3A_902 = arith.constant 15 : i32
            %rev3A_903 = vector.broadcast %rev3A_902 : i32 to vector<16xi32>
            %rev3A_904 = tpu.iota {dimensions = array<i32: 0>} : vector<16xi32>
            %rev3A_905 = arith.subi %rev3A_903, %rev3A_904 : vector<16xi32>
            %rev3A_906 = tpu.dynamic_gather %sort3A_900[%rev3A_905] in [0] : vector<16xi32>, vector<16xi32> -> vector<16xi32>
            %min3A_907 = arith.minsi %sort3A_769, %rev3A_906 : vector<16xi32>
            %sort3A_908 = arith.constant dense<true> : vector<16xi1>
            %sort3A_909, %sort3A_910, %sort3A_911 = tpu.sort %min3A_907, %min3A_907 masked %sort3A_908 : (vector<16xi32>, vector<16xi32>, vector<16xi1>) -> (vector<16xi1>, vector<16xi32>, vector<16xi32>)
            scf.yield %sort3A_823, %sort3A_852, %sort3A_881, %sort3A_910 : vector<16xi32>, vector<16xi32>, vector<16xi32>, vector<16xi32>
          }
          %while3A_564 = arith.constant 1 : i32
          %while3A_565:4 = scf.for %while3A_629 = %while3A_561 to %while3A_557 step %while3A_564 iter_args(%while3A_630 = %while3A_563#0, %while3A_631 = %while3A_563#1, %while3A_632 = %while3A_563#2, %while3A_633 = %while3A_563#3) -> (vector<16xi32>, vector<16xi32>, vector<16xi32>, vector<16xi32>)  : i32 {
            %mul3A_634 = arith.constant 2 : i32
            %mul3A_635 = arith.muli %while3A_629, %mul3A_634 : i32
            %add3A_636 = arith.constant 0 : i32
            %add3A_637 = arith.addi %mul3A_635, %add3A_636 : i32
            %mul3A_638 = arith.constant 16 : i32
            %mul3A_639 = arith.muli %add3A_637, %mul3A_638 : i32
            %add3A_640 = arith.addi %select_n3A_295, %mul3A_639 : i32
            %get3A_641 = arith.index_cast %add3A_640 : i32 to index
            %get3A_642 = tpu.vector_load %arg26[%get3A_641] {strides = array<i32>} : memref<8256xi32, #tpu.memory_space<vmem>>, vector<16xi32>,
            %and3A_643 = arith.constant 8191 : i32
            %and3A_644 = vector.broadcast %and3A_643 : i32 to vector<16xi32>
            %and3A_645 = arith.andi %get3A_642, %and3A_644 : vector<16xi32>
            %gather3A_646 = tpu.vector_load_idx %arg9[%and3A_645] : memref<8192xi32, #tpu.memory_space<vmem>>[vector<16xi32>], vector<16xi32>,
            %gather3A_647 = tpu.vector_load_idx %arg10[%and3A_645] : memref<8192xi32, #tpu.memory_space<vmem>>[vector<16xi32>], vector<16xi32>,
            %gather3A_648 = tpu.vector_load_idx %arg11[%and3A_645] : memref<8192xi32, #tpu.memory_space<vmem>>[vector<16xi32>], vector<16xi32>,
            %mul3A_649 = arith.constant 2 : i32
            %mul3A_650 = arith.muli %while3A_629, %mul3A_649 : i32
            %add3A_651 = arith.constant 0 : i32
            %add3A_652 = arith.addi %mul3A_650, %add3A_651 : i32
            %mul3A_653 = arith.constant 16 : i32
            %mul3A_654 = arith.muli %add3A_652, %mul3A_653 : i32
            %add3A_655 = vector.broadcast %mul3A_654 : i32 to vector<16xi32>
            %add3A_656 = arith.addi %add3A_655, %iota3A : vector<16xi32>
            %ge3A_657 = vector.broadcast %select_n3A_304 : i32 to vector<16xi32>
            %ge3A_658 = arith.cmpi sge, %add3A_656, %ge3A_657 : vector<16xi32>
            %sub3A_659 = arith.subi %gather3A_646, %gather3A_517 : vector<16xi32>
            %sub3A_660 = arith.subi %gather3A_647, %gather3A_521 : vector<16xi32>
            %sub3A_661 = arith.subi %gather3A_648, %gather3A_525 : vector<16xi32>
            %mul3A_662 = arith.muli %sub3A_659, %sub3A_659 : vector<16xi32>
            %mul3A_663 = arith.muli %sub3A_660, %sub3A_660 : vector<16xi32>
            %add3A_664 = arith.addi %mul3A_662, %mul3A_663 : vector<16xi32>
            %mul3A_665 = arith.muli %sub3A_661, %sub3A_661 : vector<16xi32>
            %add3A_666 = arith.addi %add3A_664, %mul3A_665 : vector<16xi32>
            %shift_left3A = arith.constant 13 : i32
            %shift_left3A_667 = vector.broadcast %shift_left3A : i32 to vector<16xi32>
            %shift_left3A_668 = arith.shli %add3A_666, %shift_left3A_667 : vector<16xi32>
            %or3A = arith.ori %shift_left3A_668, %and3A_645 : vector<16xi32>
            %jit3A_669 = arith.constant 2147483647 : i32
            %broadcast_in_dim3A_670 = vector.broadcast %jit3A_669 : i32 to vector<16xi32>
            %select_n3A_671 = arith.select %ge3A_658, %broadcast_in_dim3A_670, %or3A : vector<16xi1>, vector<16xi32>
            %sort3A = arith.constant dense<true> : vector<16xi1>
            %sort3A_672, %sort3A_673, %sort3A_674 = tpu.sort %select_n3A_671, %select_n3A_671 masked %sort3A : (vector<16xi32>, vector<16xi32>, vector<16xi1>) -> (vector<16xi1>, vector<16xi32>, vector<16xi32>)
            %rev3A = arith.constant 15 : i32
            %rev3A_675 = vector.broadcast %rev3A : i32 to vector<16xi32>
            %rev3A_676 = tpu.iota {dimensions = array<i32: 0>} : vector<16xi32>
            %rev3A_677 = arith.subi %rev3A_675, %rev3A_676 : vector<16xi32>
            %rev3A_678 = tpu.dynamic_gather %sort3A_673[%rev3A_677] in [0] : vector<16xi32>, vector<16xi32> -> vector<16xi32>
            %min3A_679 = arith.minsi %while3A_630, %rev3A_678 : vector<16xi32>
            %sort3A_680 = arith.constant dense<true> : vector<16xi1>
            %sort3A_681, %sort3A_682, %sort3A_683 = tpu.sort %min3A_679, %min3A_679 masked %sort3A_680 : (vector<16xi32>, vector<16xi32>, vector<16xi1>) -> (vector<16xi1>, vector<16xi32>, vector<16xi32>)
            %sub3A_684 = arith.subi %gather3A_646, %gather3A_518 : vector<16xi32>
            %sub3A_685 = arith.subi %gather3A_647, %gather3A_522 : vector<16xi32>
            %sub3A_686 = arith.subi %gather3A_648, %gather3A_526 : vector<16xi32>
            %mul3A_687 = arith.muli %sub3A_684, %sub3A_684 : vector<16xi32>
            %mul3A_688 = arith.muli %sub3A_685, %sub3A_685 : vector<16xi32>
            %add3A_689 = arith.addi %mul3A_687, %mul3A_688 : vector<16xi32>
            %mul3A_690 = arith.muli %sub3A_686, %sub3A_686 : vector<16xi32>
            %add3A_691 = arith.addi %add3A_689, %mul3A_690 : vector<16xi32>
            %shift_left3A_692 = arith.constant 13 : i32
            %shift_left3A_693 = vector.broadcast %shift_left3A_692 : i32 to vector<16xi32>
            %shift_left3A_694 = arith.shli %add3A_691, %shift_left3A_693 : vector<16xi32>
            %or3A_695 = arith.ori %shift_left3A_694, %and3A_645 : vector<16xi32>
            %jit3A_696 = arith.constant 2147483647 : i32
            %broadcast_in_dim3A_697 = vector.broadcast %jit3A_696 : i32 to vector<16xi32>
            %select_n3A_698 = arith.select %ge3A_658, %broadcast_in_dim3A_697, %or3A_695 : vector<16xi1>, vector<16xi32>
            %sort3A_699 = arith.constant dense<true> : vector<16xi1>
            %sort3A_700, %sort3A_701, %sort3A_702 = tpu.sort %select_n3A_698, %select_n3A_698 masked %sort3A_699 : (vector<16xi32>, vector<16xi32>, vector<16xi1>) -> (vector<16xi1>, vector<16xi32>, vector<16xi32>)
            %rev3A_703 = arith.constant 15 : i32
            %rev3A_704 = vector.broadcast %rev3A_703 : i32 to vector<16xi32>
            %rev3A_705 = tpu.iota {dimensions = array<i32: 0>} : vector<16xi32>
            %rev3A_706 = arith.subi %rev3A_704, %rev3A_705 : vector<16xi32>
            %rev3A_707 = tpu.dynamic_gather %sort3A_701[%rev3A_706] in [0] : vector<16xi32>, vector<16xi32> -> vector<16xi32>
            %min3A_708 = arith.minsi %while3A_631, %rev3A_707 : vector<16xi32>
            %sort3A_709 = arith.constant dense<true> : vector<16xi1>
            %sort3A_710, %sort3A_711, %sort3A_712 = tpu.sort %min3A_708, %min3A_708 masked %sort3A_709 : (vector<16xi32>, vector<16xi32>, vector<16xi1>) -> (vector<16xi1>, vector<16xi32>, vector<16xi32>)
            %sub3A_713 = arith.subi %gather3A_646, %gather3A_519 : vector<16xi32>
            %sub3A_714 = arith.subi %gather3A_647, %gather3A_523 : vector<16xi32>
            %sub3A_715 = arith.subi %gather3A_648, %gather3A_527 : vector<16xi32>
            %mul3A_716 = arith.muli %sub3A_713, %sub3A_713 : vector<16xi32>
            %mul3A_717 = arith.muli %sub3A_714, %sub3A_714 : vector<16xi32>
            %add3A_718 = arith.addi %mul3A_716, %mul3A_717 : vector<16xi32>
            %mul3A_719 = arith.muli %sub3A_715, %sub3A_715 : vector<16xi32>
            %add3A_720 = arith.addi %add3A_718, %mul3A_719 : vector<16xi32>
            %shift_left3A_721 = arith.constant 13 : i32
            %shift_left3A_722 = vector.broadcast %shift_left3A_721 : i32 to vector<16xi32>
            %shift_left3A_723 = arith.shli %add3A_720, %shift_left3A_722 : vector<16xi32>
            %or3A_724 = arith.ori %shift_left3A_723, %and3A_645 : vector<16xi32>
            %jit3A_725 = arith.constant 2147483647 : i32
            %broadcast_in_dim3A_726 = vector.broadcast %jit3A_725 : i32 to vector<16xi32>
            %select_n3A_727 = arith.select %ge3A_658, %broadcast_in_dim3A_726, %or3A_724 : vector<16xi1>, vector<16xi32>
            %sort3A_728 = arith.constant dense<true> : vector<16xi1>
            %sort3A_729, %sort3A_730, %sort3A_731 = tpu.sort %select_n3A_727, %select_n3A_727 masked %sort3A_728 : (vector<16xi32>, vector<16xi32>, vector<16xi1>) -> (vector<16xi1>, vector<16xi32>, vector<16xi32>)
            %rev3A_732 = arith.constant 15 : i32
            %rev3A_733 = vector.broadcast %rev3A_732 : i32 to vector<16xi32>
            %rev3A_734 = tpu.iota {dimensions = array<i32: 0>} : vector<16xi32>
            %rev3A_735 = arith.subi %rev3A_733, %rev3A_734 : vector<16xi32>
            %rev3A_736 = tpu.dynamic_gather %sort3A_730[%rev3A_735] in [0] : vector<16xi32>, vector<16xi32> -> vector<16xi32>
            %min3A_737 = arith.minsi %while3A_632, %rev3A_736 : vector<16xi32>
            %sort3A_738 = arith.constant dense<true> : vector<16xi1>
            %sort3A_739, %sort3A_740, %sort3A_741 = tpu.sort %min3A_737, %min3A_737 masked %sort3A_738 : (vector<16xi32>, vector<16xi32>, vector<16xi1>) -> (vector<16xi1>, vector<16xi32>, vector<16xi32>)
            %sub3A_742 = arith.subi %gather3A_646, %gather3A_520 : vector<16xi32>
            %sub3A_743 = arith.subi %gather3A_647, %gather3A_524 : vector<16xi32>
            %sub3A_744 = arith.subi %gather3A_648, %gather3A_528 : vector<16xi32>
            %mul3A_745 = arith.muli %sub3A_742, %sub3A_742 : vector<16xi32>
            %mul3A_746 = arith.muli %sub3A_743, %sub3A_743 : vector<16xi32>
            %add3A_747 = arith.addi %mul3A_745, %mul3A_746 : vector<16xi32>
            %mul3A_748 = arith.muli %sub3A_744, %sub3A_744 : vector<16xi32>
            %add3A_749 = arith.addi %add3A_747, %mul3A_748 : vector<16xi32>
            %shift_left3A_750 = arith.constant 13 : i32
            %shift_left3A_751 = vector.broadcast %shift_left3A_750 : i32 to vector<16xi32>
            %shift_left3A_752 = arith.shli %add3A_749, %shift_left3A_751 : vector<16xi32>
            %or3A_753 = arith.ori %shift_left3A_752, %and3A_645 : vector<16xi32>
            %jit3A_754 = arith.constant 2147483647 : i32
            %broadcast_in_dim3A_755 = vector.broadcast %jit3A_754 : i32 to vector<16xi32>
            %select_n3A_756 = arith.select %ge3A_658, %broadcast_in_dim3A_755, %or3A_753 : vector<16xi1>, vector<16xi32>
            %sort3A_757 = arith.constant dense<true> : vector<16xi1>
            %sort3A_758, %sort3A_759, %sort3A_760 = tpu.sort %select_n3A_756, %select_n3A_756 masked %sort3A_757 : (vector<16xi32>, vector<16xi32>, vector<16xi1>) -> (vector<16xi1>, vector<16xi32>, vector<16xi32>)
            %rev3A_761 = arith.constant 15 : i32
            %rev3A_762 = vector.broadcast %rev3A_761 : i32 to vector<16xi32>
            %rev3A_763 = tpu.iota {dimensions = array<i32: 0>} : vector<16xi32>
            %rev3A_764 = arith.subi %rev3A_762, %rev3A_763 : vector<16xi32>
            %rev3A_765 = tpu.dynamic_gather %sort3A_759[%rev3A_764] in [0] : vector<16xi32>, vector<16xi32> -> vector<16xi32>
            %min3A_766 = arith.minsi %while3A_633, %rev3A_765 : vector<16xi32>
            %sort3A_767 = arith.constant dense<true> : vector<16xi1>
            %sort3A_768, %sort3A_769, %sort3A_770 = tpu.sort %min3A_766, %min3A_766 masked %sort3A_767 : (vector<16xi32>, vector<16xi32>, vector<16xi1>) -> (vector<16xi1>, vector<16xi32>, vector<16xi32>)
            %mul3A_771 = arith.constant 2 : i32
            %mul3A_772 = arith.muli %while3A_629, %mul3A_771 : i32
            %add3A_773 = arith.constant 1 : i32
            %add3A_774 = arith.addi %mul3A_772, %add3A_773 : i32
            %mul3A_775 = arith.constant 16 : i32
            %mul3A_776 = arith.muli %add3A_774, %mul3A_775 : i32
            %add3A_777 = arith.addi %select_n3A_295, %mul3A_776 : i32
            %get3A_778 = arith.index_cast %add3A_777 : i32 to index
            %get3A_779 = tpu.vector_load %arg26[%get3A_778] {strides = array<i32>} : memref<8256xi32, #tpu.memory_space<vmem>>, vector<16xi32>,
            %and3A_780 = arith.constant 8191 : i32
            %and3A_781 = vector.broadcast %and3A_780 : i32 to vector<16xi32>
            %and3A_782 = arith.andi %get3A_779, %and3A_781 : vector<16xi32>
            %gather3A_783 = tpu.vector_load_idx %arg9[%and3A_782] : memref<8192xi32, #tpu.memory_space<vmem>>[vector<16xi32>], vector<16xi32>,
            %gather3A_784 = tpu.vector_load_idx %arg10[%and3A_782] : memref<8192xi32, #tpu.memory_space<vmem>>[vector<16xi32>], vector<16xi32>,
            %gather3A_785 = tpu.vector_load_idx %arg11[%and3A_782] : memref<8192xi32, #tpu.memory_space<vmem>>[vector<16xi32>], vector<16xi32>,
            %mul3A_786 = arith.constant 2 : i32
            %mul3A_787 = arith.muli %while3A_629, %mul3A_786 : i32
            %add3A_788 = arith.constant 1 : i32
            %add3A_789 = arith.addi %mul3A_787, %add3A_788 : i32
            %mul3A_790 = arith.constant 16 : i32
            %mul3A_791 = arith.muli %add3A_789, %mul3A_790 : i32
            %add3A_792 = vector.broadcast %mul3A_791 : i32 to vector<16xi32>
            %add3A_793 = arith.addi %add3A_792, %iota3A : vector<16xi32>
            %ge3A_794 = vector.broadcast %select_n3A_304 : i32 to vector<16xi32>
            %ge3A_795 = arith.cmpi sge, %add3A_793, %ge3A_794 : vector<16xi32>
            %sub3A_796 = arith.subi %gather3A_783, %gather3A_517 : vector<16xi32>
            %sub3A_797 = arith.subi %gather3A_784, %gather3A_521 : vector<16xi32>
            %sub3A_798 = arith.subi %gather3A_785, %gather3A_525 : vector<16xi32>
            %mul3A_799 = arith.muli %sub3A_796, %sub3A_796 : vector<16xi32>
            %mul3A_800 = arith.muli %sub3A_797, %sub3A_797 : vector<16xi32>
            %add3A_801 = arith.addi %mul3A_799, %mul3A_800 : vector<16xi32>
            %mul3A_802 = arith.muli %sub3A_798, %sub3A_798 : vector<16xi32>
            %add3A_803 = arith.addi %add3A_801, %mul3A_802 : vector<16xi32>
            %shift_left3A_804 = arith.constant 13 : i32
            %shift_left3A_805 = vector.broadcast %shift_left3A_804 : i32 to vector<16xi32>
            %shift_left3A_806 = arith.shli %add3A_803, %shift_left3A_805 : vector<16xi32>
            %or3A_807 = arith.ori %shift_left3A_806, %and3A_782 : vector<16xi32>
            %jit3A_808 = arith.constant 2147483647 : i32
            %broadcast_in_dim3A_809 = vector.broadcast %jit3A_808 : i32 to vector<16xi32>
            %select_n3A_810 = arith.select %ge3A_795, %broadcast_in_dim3A_809, %or3A_807 : vector<16xi1>, vector<16xi32>
            %sort3A_811 = arith.constant dense<true> : vector<16xi1>
            %sort3A_812, %sort3A_813, %sort3A_814 = tpu.sort %select_n3A_810, %select_n3A_810 masked %sort3A_811 : (vector<16xi32>, vector<16xi32>, vector<16xi1>) -> (vector<16xi1>, vector<16xi32>, vector<16xi32>)
            %rev3A_815 = arith.constant 15 : i32
            %rev3A_816 = vector.broadcast %rev3A_815 : i32 to vector<16xi32>
            %rev3A_817 = tpu.iota {dimensions = array<i32: 0>} : vector<16xi32>
            %rev3A_818 = arith.subi %rev3A_816, %rev3A_817 : vector<16xi32>
            %rev3A_819 = tpu.dynamic_gather %sort3A_813[%rev3A_818] in [0] : vector<16xi32>, vector<16xi32> -> vector<16xi32>
            %min3A_820 = arith.minsi %sort3A_682, %rev3A_819 : vector<16xi32>
            %sort3A_821 = arith.constant dense<true> : vector<16xi1>
            %sort3A_822, %sort3A_823, %sort3A_824 = tpu.sort %min3A_820, %min3A_820 masked %sort3A_821 : (vector<16xi32>, vector<16xi32>, vector<16xi1>) -> (vector<16xi1>, vector<16xi32>, vector<16xi32>)
            %sub3A_825 = arith.subi %gather3A_783, %gather3A_518 : vector<16xi32>
            %sub3A_826 = arith.subi %gather3A_784, %gather3A_522 : vector<16xi32>
            %sub3A_827 = arith.subi %gather3A_785, %gather3A_526 : vector<16xi32>
            %mul3A_828 = arith.muli %sub3A_825, %sub3A_825 : vector<16xi32>
            %mul3A_829 = arith.muli %sub3A_826, %sub3A_826 : vector<16xi32>
            %add3A_830 = arith.addi %mul3A_828, %mul3A_829 : vector<16xi32>
            %mul3A_831 = arith.muli %sub3A_827, %sub3A_827 : vector<16xi32>
            %add3A_832 = arith.addi %add3A_830, %mul3A_831 : vector<16xi32>
            %shift_left3A_833 = arith.constant 13 : i32
            %shift_left3A_834 = vector.broadcast %shift_left3A_833 : i32 to vector<16xi32>
            %shift_left3A_835 = arith.shli %add3A_832, %shift_left3A_834 : vector<16xi32>
            %or3A_836 = arith.ori %shift_left3A_835, %and3A_782 : vector<16xi32>
            %jit3A_837 = arith.constant 2147483647 : i32
            %broadcast_in_dim3A_838 = vector.broadcast %jit3A_837 : i32 to vector<16xi32>
            %select_n3A_839 = arith.select %ge3A_795, %broadcast_in_dim3A_838, %or3A_836 : vector<16xi1>, vector<16xi32>
            %sort3A_840 = arith.constant dense<true> : vector<16xi1>
            %sort3A_841, %sort3A_842, %sort3A_843 = tpu.sort %select_n3A_839, %select_n3A_839 masked %sort3A_840 : (vector<16xi32>, vector<16xi32>, vector<16xi1>) -> (vector<16xi1>, vector<16xi32>, vector<16xi32>)
            %rev3A_844 = arith.constant 15 : i32
            %rev3A_845 = vector.broadcast %rev3A_844 : i32 to vector<16xi32>
            %rev3A_846 = tpu.iota {dimensions = array<i32: 0>} : vector<16xi32>
            %rev3A_847 = arith.subi %rev3A_845, %rev3A_846 : vector<16xi32>
            %rev3A_848 = tpu.dynamic_gather %sort3A_842[%rev3A_847] in [0] : vector<16xi32>, vector<16xi32> -> vector<16xi32>
            %min3A_849 = arith.minsi %sort3A_711, %rev3A_848 : vector<16xi32>
            %sort3A_850 = arith.constant dense<true> : vector<16xi1>
            %sort3A_851, %sort3A_852, %sort3A_853 = tpu.sort %min3A_849, %min3A_849 masked %sort3A_850 : (vector<16xi32>, vector<16xi32>, vector<16xi1>) -> (vector<16xi1>, vector<16xi32>, vector<16xi32>)
            %sub3A_854 = arith.subi %gather3A_783, %gather3A_519 : vector<16xi32>
            %sub3A_855 = arith.subi %gather3A_784, %gather3A_523 : vector<16xi32>
            %sub3A_856 = arith.subi %gather3A_785, %gather3A_527 : vector<16xi32>
            %mul3A_857 = arith.muli %sub3A_854, %sub3A_854 : vector<16xi32>
            %mul3A_858 = arith.muli %sub3A_855, %sub3A_855 : vector<16xi32>
            %add3A_859 = arith.addi %mul3A_857, %mul3A_858 : vector<16xi32>
            %mul3A_860 = arith.muli %sub3A_856, %sub3A_856 : vector<16xi32>
            %add3A_861 = arith.addi %add3A_859, %mul3A_860 : vector<16xi32>
            %shift_left3A_862 = arith.constant 13 : i32
            %shift_left3A_863 = vector.broadcast %shift_left3A_862 : i32 to vector<16xi32>
            %shift_left3A_864 = arith.shli %add3A_861, %shift_left3A_863 : vector<16xi32>
            %or3A_865 = arith.ori %shift_left3A_864, %and3A_782 : vector<16xi32>
            %jit3A_866 = arith.constant 2147483647 : i32
            %broadcast_in_dim3A_867 = vector.broadcast %jit3A_866 : i32 to vector<16xi32>
            %select_n3A_868 = arith.select %ge3A_795, %broadcast_in_dim3A_867, %or3A_865 : vector<16xi1>, vector<16xi32>
            %sort3A_869 = arith.constant dense<true> : vector<16xi1>
            %sort3A_870, %sort3A_871, %sort3A_872 = tpu.sort %select_n3A_868, %select_n3A_868 masked %sort3A_869 : (vector<16xi32>, vector<16xi32>, vector<16xi1>) -> (vector<16xi1>, vector<16xi32>, vector<16xi32>)
            %rev3A_873 = arith.constant 15 : i32
            %rev3A_874 = vector.broadcast %rev3A_873 : i32 to vector<16xi32>
            %rev3A_875 = tpu.iota {dimensions = array<i32: 0>} : vector<16xi32>
            %rev3A_876 = arith.subi %rev3A_874, %rev3A_875 : vector<16xi32>
            %rev3A_877 = tpu.dynamic_gather %sort3A_871[%rev3A_876] in [0] : vector<16xi32>, vector<16xi32> -> vector<16xi32>
            %min3A_878 = arith.minsi %sort3A_740, %rev3A_877 : vector<16xi32>
            %sort3A_879 = arith.constant dense<true> : vector<16xi1>
            %sort3A_880, %sort3A_881, %sort3A_882 = tpu.sort %min3A_878, %min3A_878 masked %sort3A_879 : (vector<16xi32>, vector<16xi32>, vector<16xi1>) -> (vector<16xi1>, vector<16xi32>, vector<16xi32>)
            %sub3A_883 = arith.subi %gather3A_783, %gather3A_520 : vector<16xi32>
            %sub3A_884 = arith.subi %gather3A_784, %gather3A_524 : vector<16xi32>
            %sub3A_885 = arith.subi %gather3A_785, %gather3A_528 : vector<16xi32>
            %mul3A_886 = arith.muli %sub3A_883, %sub3A_883 : vector<16xi32>
            %mul3A_887 = arith.muli %sub3A_884, %sub3A_884 : vector<16xi32>
            %add3A_888 = arith.addi %mul3A_886, %mul3A_887 : vector<16xi32>
            %mul3A_889 = arith.muli %sub3A_885, %sub3A_885 : vector<16xi32>
            %add3A_890 = arith.addi %add3A_888, %mul3A_889 : vector<16xi32>
            %shift_left3A_891 = arith.constant 13 : i32
            %shift_left3A_892 = vector.broadcast %shift_left3A_891 : i32 to vector<16xi32>
            %shift_left3A_893 = arith.shli %add3A_890, %shift_left3A_892 : vector<16xi32>
            %or3A_894 = arith.ori %shift_left3A_893, %and3A_782 : vector<16xi32>
            %jit3A_895 = arith.constant 2147483647 : i32
            %broadcast_in_dim3A_896 = vector.broadcast %jit3A_895 : i32 to vector<16xi32>
            %select_n3A_897 = arith.select %ge3A_795, %broadcast_in_dim3A_896, %or3A_894 : vector<16xi1>, vector<16xi32>
            %sort3A_898 = arith.constant dense<true> : vector<16xi1>
            %sort3A_899, %sort3A_900, %sort3A_901 = tpu.sort %select_n3A_897, %select_n3A_897 masked %sort3A_898 : (vector<16xi32>, vector<16xi32>, vector<16xi1>) -> (vector<16xi1>, vector<16xi32>, vector<16xi32>)
            %rev3A_902 = arith.constant 15 : i32
            %rev3A_903 = vector.broadcast %rev3A_902 : i32 to vector<16xi32>
            %rev3A_904 = tpu.iota {dimensions = array<i32: 0>} : vector<16xi32>
            %rev3A_905 = arith.subi %rev3A_903, %rev3A_904 : vector<16xi32>
            %rev3A_906 = tpu.dynamic_gather %sort3A_900[%rev3A_905] in [0] : vector<16xi32>, vector<16xi32> -> vector<16xi32>
            %min3A_907 = arith.minsi %sort3A_769, %rev3A_906 : vector<16xi32>
            %sort3A_908 = arith.constant dense<true> : vector<16xi1>
            %sort3A_909, %sort3A_910, %sort3A_911 = tpu.sort %min3A_907, %min3A_907 masked %sort3A_908 : (vector<16xi32>, vector<16xi32>, vector<16xi1>) -> (vector<16xi1>, vector<16xi32>, vector<16xi32>)
            scf.yield %sort3A_823, %sort3A_852, %sort3A_881, %sort3A_910 : vector<16xi32>, vector<16xi32>, vector<16xi32>, vector<16xi32>
          }
          %reduce_max3A = arith.constant true
          %reduce_max3A_566 = vector.broadcast %reduce_max3A : i1 to vector<16xi1>
          %reduce_max3A_567 = arith.constant -2147483648 : i32
          %reduce_max3A_568 = vector.broadcast %reduce_max3A_567 : i32 to vector<16xi32>
          %reduce_max3A_569 = arith.xori %and3A_435, %reduce_max3A_568 : vector<16xi32>
          %reduce_max3A_570 = tpu.scan <max>, %reduce_max3A_569 masked %reduce_max3A_566 : vector<16xi32>, vector<16xi1> -> vector<16xi32>
          %reduce_max3A_571 = arith.xori %reduce_max3A_570, %reduce_max3A_568 : vector<16xi32>
          %reduce_max3A_572 = vector.extract %reduce_max3A_571[15] : i32 from vector<16xi32>
          %mul3A_573 = arith.constant 4 : i32
          %mul3A_574 = arith.muli %while3A_382, %mul3A_573 : i32
          %add3A_575 = arith.constant 0 : i32
          %add3A_576 = arith.addi %mul3A_574, %add3A_575 : i32
          %lt3A_577 = arith.cmpi slt, %add3A_576, %select_n3A_323 : i32
          %convert_element_type3A_578 = arith.extui %lt3A_577 : i1 to i32
          %cond3A_579 = arith.constant 0 : i32
          %cond3A_580 = arith.cmpi ne, %convert_element_type3A_578, %cond3A_579 : i32
          scf.if %cond3A_580 {
            %mul3A_629 = arith.constant 16 : i32
            %mul3A_630 = arith.muli %reduce_max3A_572, %mul3A_629 : i32
            %swap3A_631 = arith.index_cast %mul3A_630 : i32 to index
            %swap3A_632 = tpu.vector_load %arg19[%swap3A_631] {strides = array<i32>} : memref<2048xi32, #tpu.memory_space<vmem>>, vector<16xi32>,
            tpu.vector_store %arg19[%swap3A_631], %while3A_565#0 {strides = array<i32>} : memref<2048xi32, #tpu.memory_space<vmem>>, vector<16xi32>,
          } else {
          }
          %reduce_max3A_581 = arith.constant true
          %reduce_max3A_582 = vector.broadcast %reduce_max3A_581 : i1 to vector<16xi1>
          %reduce_max3A_583 = arith.constant -2147483648 : i32
          %reduce_max3A_584 = vector.broadcast %reduce_max3A_583 : i32 to vector<16xi32>
          %reduce_max3A_585 = arith.xori %and3A_462, %reduce_max3A_584 : vector<16xi32>
          %reduce_max3A_586 = tpu.scan <max>, %reduce_max3A_585 masked %reduce_max3A_582 : vector<16xi32>, vector<16xi1> -> vector<16xi32>
          %reduce_max3A_587 = arith.xori %reduce_max3A_586, %reduce_max3A_584 : vector<16xi32>
          %reduce_max3A_588 = vector.extract %reduce_max3A_587[15] : i32 from vector<16xi32>
          %mul3A_589 = arith.constant 4 : i32
          %mul3A_590 = arith.muli %while3A_382, %mul3A_589 : i32
          %add3A_591 = arith.constant 1 : i32
          %add3A_592 = arith.addi %mul3A_590, %add3A_591 : i32
          %lt3A_593 = arith.cmpi slt, %add3A_592, %select_n3A_323 : i32
          %convert_element_type3A_594 = arith.extui %lt3A_593 : i1 to i32
          %cond3A_595 = arith.constant 0 : i32
          %cond3A_596 = arith.cmpi ne, %convert_element_type3A_594, %cond3A_595 : i32
          scf.if %cond3A_596 {
            %mul3A_629 = arith.constant 16 : i32
            %mul3A_630 = arith.muli %reduce_max3A_588, %mul3A_629 : i32
            %swap3A_631 = arith.index_cast %mul3A_630 : i32 to index
            %swap3A_632 = tpu.vector_load %arg19[%swap3A_631] {strides = array<i32>} : memref<2048xi32, #tpu.memory_space<vmem>>, vector<16xi32>,
            tpu.vector_store %arg19[%swap3A_631], %while3A_565#1 {strides = array<i32>} : memref<2048xi32, #tpu.memory_space<vmem>>, vector<16xi32>,
          } else {
          }
          %reduce_max3A_597 = arith.constant true
          %reduce_max3A_598 = vector.broadcast %reduce_max3A_597 : i1 to vector<16xi1>
          %reduce_max3A_599 = arith.constant -2147483648 : i32
          %reduce_max3A_600 = vector.broadcast %reduce_max3A_599 : i32 to vector<16xi32>
          %reduce_max3A_601 = arith.xori %and3A_489, %reduce_max3A_600 : vector<16xi32>
          %reduce_max3A_602 = tpu.scan <max>, %reduce_max3A_601 masked %reduce_max3A_598 : vector<16xi32>, vector<16xi1> -> vector<16xi32>
          %reduce_max3A_603 = arith.xori %reduce_max3A_602, %reduce_max3A_600 : vector<16xi32>
          %reduce_max3A_604 = vector.extract %reduce_max3A_603[15] : i32 from vector<16xi32>
          %mul3A_605 = arith.constant 4 : i32
          %mul3A_606 = arith.muli %while3A_382, %mul3A_605 : i32
          %add3A_607 = arith.constant 2 : i32
          %add3A_608 = arith.addi %mul3A_606, %add3A_607 : i32
          %lt3A_609 = arith.cmpi slt, %add3A_608, %select_n3A_323 : i32
          %convert_element_type3A_610 = arith.extui %lt3A_609 : i1 to i32
          %cond3A_611 = arith.constant 0 : i32
          %cond3A_612 = arith.cmpi ne, %convert_element_type3A_610, %cond3A_611 : i32
          scf.if %cond3A_612 {
            %mul3A_629 = arith.constant 16 : i32
            %mul3A_630 = arith.muli %reduce_max3A_604, %mul3A_629 : i32
            %swap3A_631 = arith.index_cast %mul3A_630 : i32 to index
            %swap3A_632 = tpu.vector_load %arg19[%swap3A_631] {strides = array<i32>} : memref<2048xi32, #tpu.memory_space<vmem>>, vector<16xi32>,
            tpu.vector_store %arg19[%swap3A_631], %while3A_565#2 {strides = array<i32>} : memref<2048xi32, #tpu.memory_space<vmem>>, vector<16xi32>,
          } else {
          }
          %reduce_max3A_613 = arith.constant true
          %reduce_max3A_614 = vector.broadcast %reduce_max3A_613 : i1 to vector<16xi1>
          %reduce_max3A_615 = arith.constant -2147483648 : i32
          %reduce_max3A_616 = vector.broadcast %reduce_max3A_615 : i32 to vector<16xi32>
          %reduce_max3A_617 = arith.xori %and3A_516, %reduce_max3A_616 : vector<16xi32>
          %reduce_max3A_618 = tpu.scan <max>, %reduce_max3A_617 masked %reduce_max3A_614 : vector<16xi32>, vector<16xi1> -> vector<16xi32>
          %reduce_max3A_619 = arith.xori %reduce_max3A_618, %reduce_max3A_616 : vector<16xi32>
          %reduce_max3A_620 = vector.extract %reduce_max3A_619[15] : i32 from vector<16xi32>
          %mul3A_621 = arith.constant 4 : i32
          %mul3A_622 = arith.muli %while3A_382, %mul3A_621 : i32
          %add3A_623 = arith.constant 3 : i32
          %add3A_624 = arith.addi %mul3A_622, %add3A_623 : i32
          %lt3A_625 = arith.cmpi slt, %add3A_624, %select_n3A_323 : i32
          %convert_element_type3A_626 = arith.extui %lt3A_625 : i1 to i32
          %cond3A_627 = arith.constant 0 : i32
          %cond3A_628 = arith.cmpi ne, %convert_element_type3A_626, %cond3A_627 : i32
          scf.if %cond3A_628 {
            %mul3A_629 = arith.constant 16 : i32
            %mul3A_630 = arith.muli %reduce_max3A_620, %mul3A_629 : i32
            %swap3A_631 = arith.index_cast %mul3A_630 : i32 to index
            %swap3A_632 = tpu.vector_load %arg19[%swap3A_631] {strides = array<i32>} : memref<2048xi32, #tpu.memory_space<vmem>>, vector<16xi32>,
            tpu.vector_store %arg19[%swap3A_631], %while3A_565#3 {strides = array<i32>} : memref<2048xi32, #tpu.memory_space<vmem>>, vector<16xi32>,
          } else {
          }
        }
        %while3A_381 = arith.constant 1 : i32
        scf.for %while3A_382 = %while3A_379 to %while3A_375 step %while3A_381  : i32 {
          %jit3A_383 = arith.constant 4 : i32
          %div3A_384 = arith.divsi %while3A_382, %jit3A_383 : i32
          %sign3A_385 = arith.constant 0 : i32
          %sign3A_386 = arith.cmpi sgt, %while3A_382, %sign3A_385 : i32
          %sign3A_387 = arith.extui %sign3A_386 : i1 to i32
          %sign3A_388 = arith.constant 0 : i32
          %sign3A_389 = arith.cmpi slt, %while3A_382, %sign3A_388 : i32
          %sign3A_390 = arith.extui %sign3A_389 : i1 to i32
          %sign3A_391 = arith.subi %sign3A_387, %sign3A_390 : i32
          %sign3A_392 = arith.constant 0 : i32
          %sign3A_393 = arith.cmpi sgt, %jit3A_383, %sign3A_392 : i32
          %sign3A_394 = arith.extui %sign3A_393 : i1 to i32
          %sign3A_395 = arith.constant 0 : i32
          %sign3A_396 = arith.cmpi slt, %jit3A_383, %sign3A_395 : i32
          %sign3A_397 = arith.extui %sign3A_396 : i1 to i32
          %sign3A_398 = arith.subi %sign3A_394, %sign3A_397 : i32
          %ne3A_399 = arith.cmpi ne, %sign3A_391, %sign3A_398 : i32
          %rem3A_400 = arith.remsi %while3A_382, %jit3A_383 : i32
          %ne3A_401 = arith.constant 0 : i32
          %ne3A_402 = arith.cmpi ne, %rem3A_400, %ne3A_401 : i32
          %and3A_403 = arith.andi %ne3A_399, %ne3A_402 : i1
          %sub3A_404 = arith.constant 1 : i32
          %sub3A_405 = arith.subi %div3A_384, %sub3A_404 : i32
          %select_n3A_406 = arith.select %and3A_403, %sub3A_405, %div3A_384 : i32
          %mul3A_407 = arith.constant 16 : i32
          %mul3A_408 = arith.muli %select_n3A_406, %mul3A_407 : i32
          %add3A_409 = arith.addi %select_n3A_314, %mul3A_408 : i32
          %get3A = arith.index_cast %add3A_409 : i32 to index
          %get3A_410 = tpu.vector_load %arg27[%get3A] {strides = array<i32>} : memref<192xi32, #tpu.memory_space<vmem>>, vector<16xi32>,
          %jit3A_411 = arith.constant 4 : i32
          %eq3A_412 = arith.constant 0 : i32
          %eq3A_413 = arith.cmpi eq, %jit3A_411, %eq3A_412 : i32
          %jit3A_414 = arith.constant 1 : i32
          %select_n3A_415 = arith.select %eq3A_413, %jit3A_414, %jit3A_411 : i32
          %rem3A_416 = arith.remsi %while3A_382, %select_n3A_415 : i32
          %ne3A_417 = arith.constant 0 : i32
          %ne3A_418 = arith.cmpi ne, %rem3A_416, %ne3A_417 : i32
          %lt3A = arith.constant 0 : i32
          %lt3A_419 = arith.cmpi slt, %rem3A_416, %lt3A : i32
          %lt3A_420 = arith.constant 0 : i32
          %lt3A_421 = arith.cmpi slt, %select_n3A_415, %lt3A_420 : i32
          %ne3A_422 = arith.xori %lt3A_419, %lt3A_421 : i1
          %and3A_423 = arith.andi %ne3A_422, %ne3A_418 : i1
          %add3A_424 = arith.addi %rem3A_416, %select_n3A_415 : i32
          %select_n3A_425 = arith.select %and3A_423, %add3A_424, %rem3A_416 : i32
          %mul3A_426 = arith.constant 4 : i32
          %mul3A_427 = arith.muli %select_n3A_425, %mul3A_426 : i32
          %add3A_428 = arith.constant 0 : i32
          %add3A_429 = arith.addi %mul3A_427, %add3A_428 : i32
          %broadcast_in_dim3A_430 = vector.broadcast %add3A_429 : i32 to vector<16xi32>
          %broadcast_in_dim3A_431 = vector.shape_cast %broadcast_in_dim3A_430 : vector<16xi32> to vector<16x1xi32>
          %gather3A = vector.shape_cast %broadcast_in_dim3A_431 : vector<16x1xi32> to vector<16xi32>
          %gather3A_432 = tpu.dynamic_gather %get3A_410[%gather3A] in [0] : vector<16xi32>, vector<16xi32> -> vector<16xi32>
          %and3A_433 = arith.constant 127 : i32
          %and3A_434 = vector.broadcast %and3A_433 : i32 to vector<16xi32>
          %and3A_435 = arith.andi %gather3A_432, %and3A_434 : vector<16xi32>
          %jit3A_436 = arith.constant 4 : i32
          %eq3A_437 = arith.constant 0 : i32
          %eq3A_438 = arith.cmpi eq, %jit3A_436, %eq3A_437 : i32
          %jit3A_439 = arith.constant 1 : i32
          %select_n3A_440 = arith.select %eq3A_438, %jit3A_439, %jit3A_436 : i32
          %rem3A_441 = arith.remsi %while3A_382, %select_n3A_440 : i32
          %ne3A_442 = arith.constant 0 : i32
          %ne3A_443 = arith.cmpi ne, %rem3A_441, %ne3A_442 : i32
          %lt3A_444 = arith.constant 0 : i32
          %lt3A_445 = arith.cmpi slt, %rem3A_441, %lt3A_444 : i32
          %lt3A_446 = arith.constant 0 : i32
          %lt3A_447 = arith.cmpi slt, %select_n3A_440, %lt3A_446 : i32
          %ne3A_448 = arith.xori %lt3A_445, %lt3A_447 : i1
          %and3A_449 = arith.andi %ne3A_448, %ne3A_443 : i1
          %add3A_450 = arith.addi %rem3A_441, %select_n3A_440 : i32
          %select_n3A_451 = arith.select %and3A_449, %add3A_450, %rem3A_441 : i32
          %mul3A_452 = arith.constant 4 : i32
          %mul3A_453 = arith.muli %select_n3A_451, %mul3A_452 : i32
          %add3A_454 = arith.constant 1 : i32
          %add3A_455 = arith.addi %mul3A_453, %add3A_454 : i32
          %broadcast_in_dim3A_456 = vector.broadcast %add3A_455 : i32 to vector<16xi32>
          %broadcast_in_dim3A_457 = vector.shape_cast %broadcast_in_dim3A_456 : vector<16xi32> to vector<16x1xi32>
          %gather3A_458 = vector.shape_cast %broadcast_in_dim3A_457 : vector<16x1xi32> to vector<16xi32>
          %gather3A_459 = tpu.dynamic_gather %get3A_410[%gather3A_458] in [0] : vector<16xi32>, vector<16xi32> -> vector<16xi32>
          %and3A_460 = arith.constant 127 : i32
          %and3A_461 = vector.broadcast %and3A_460 : i32 to vector<16xi32>
          %and3A_462 = arith.andi %gather3A_459, %and3A_461 : vector<16xi32>
          %jit3A_463 = arith.constant 4 : i32
          %eq3A_464 = arith.constant 0 : i32
          %eq3A_465 = arith.cmpi eq, %jit3A_463, %eq3A_464 : i32
          %jit3A_466 = arith.constant 1 : i32
          %select_n3A_467 = arith.select %eq3A_465, %jit3A_466, %jit3A_463 : i32
          %rem3A_468 = arith.remsi %while3A_382, %select_n3A_467 : i32
          %ne3A_469 = arith.constant 0 : i32
          %ne3A_470 = arith.cmpi ne, %rem3A_468, %ne3A_469 : i32
          %lt3A_471 = arith.constant 0 : i32
          %lt3A_472 = arith.cmpi slt, %rem3A_468, %lt3A_471 : i32
          %lt3A_473 = arith.constant 0 : i32
          %lt3A_474 = arith.cmpi slt, %select_n3A_467, %lt3A_473 : i32
          %ne3A_475 = arith.xori %lt3A_472, %lt3A_474 : i1
          %and3A_476 = arith.andi %ne3A_475, %ne3A_470 : i1
          %add3A_477 = arith.addi %rem3A_468, %select_n3A_467 : i32
          %select_n3A_478 = arith.select %and3A_476, %add3A_477, %rem3A_468 : i32
          %mul3A_479 = arith.constant 4 : i32
          %mul3A_480 = arith.muli %select_n3A_478, %mul3A_479 : i32
          %add3A_481 = arith.constant 2 : i32
          %add3A_482 = arith.addi %mul3A_480, %add3A_481 : i32
          %broadcast_in_dim3A_483 = vector.broadcast %add3A_482 : i32 to vector<16xi32>
          %broadcast_in_dim3A_484 = vector.shape_cast %broadcast_in_dim3A_483 : vector<16xi32> to vector<16x1xi32>
          %gather3A_485 = vector.shape_cast %broadcast_in_dim3A_484 : vector<16x1xi32> to vector<16xi32>
          %gather3A_486 = tpu.dynamic_gather %get3A_410[%gather3A_485] in [0] : vector<16xi32>, vector<16xi32> -> vector<16xi32>
          %and3A_487 = arith.constant 127 : i32
          %and3A_488 = vector.broadcast %and3A_487 : i32 to vector<16xi32>
          %and3A_489 = arith.andi %gather3A_486, %and3A_488 : vector<16xi32>
          %jit3A_490 = arith.constant 4 : i32
          %eq3A_491 = arith.constant 0 : i32
          %eq3A_492 = arith.cmpi eq, %jit3A_490, %eq3A_491 : i32
          %jit3A_493 = arith.constant 1 : i32
          %select_n3A_494 = arith.select %eq3A_492, %jit3A_493, %jit3A_490 : i32
          %rem3A_495 = arith.remsi %while3A_382, %select_n3A_494 : i32
          %ne3A_496 = arith.constant 0 : i32
          %ne3A_497 = arith.cmpi ne, %rem3A_495, %ne3A_496 : i32
          %lt3A_498 = arith.constant 0 : i32
          %lt3A_499 = arith.cmpi slt, %rem3A_495, %lt3A_498 : i32
          %lt3A_500 = arith.constant 0 : i32
          %lt3A_501 = arith.cmpi slt, %select_n3A_494, %lt3A_500 : i32
          %ne3A_502 = arith.xori %lt3A_499, %lt3A_501 : i1
          %and3A_503 = arith.andi %ne3A_502, %ne3A_497 : i1
          %add3A_504 = arith.addi %rem3A_495, %select_n3A_494 : i32
          %select_n3A_505 = arith.select %and3A_503, %add3A_504, %rem3A_495 : i32
          %mul3A_506 = arith.constant 4 : i32
          %mul3A_507 = arith.muli %select_n3A_505, %mul3A_506 : i32
          %add3A_508 = arith.constant 3 : i32
          %add3A_509 = arith.addi %mul3A_507, %add3A_508 : i32
          %broadcast_in_dim3A_510 = vector.broadcast %add3A_509 : i32 to vector<16xi32>
          %broadcast_in_dim3A_511 = vector.shape_cast %broadcast_in_dim3A_510 : vector<16xi32> to vector<16x1xi32>
          %gather3A_512 = vector.shape_cast %broadcast_in_dim3A_511 : vector<16x1xi32> to vector<16xi32>
          %gather3A_513 = tpu.dynamic_gather %get3A_410[%gather3A_512] in [0] : vector<16xi32>, vector<16xi32> -> vector<16xi32>
          %and3A_514 = arith.constant 127 : i32
          %and3A_515 = vector.broadcast %and3A_514 : i32 to vector<16xi32>
          %and3A_516 = arith.andi %gather3A_513, %and3A_515 : vector<16xi32>
          %gather3A_517 = tpu.vector_load_idx %arg13[%and3A_435] : memref<128xi32, #tpu.memory_space<vmem>>[vector<16xi32>], vector<16xi32>,
          %gather3A_518 = tpu.vector_load_idx %arg13[%and3A_462] : memref<128xi32, #tpu.memory_space<vmem>>[vector<16xi32>], vector<16xi32>,
          %gather3A_519 = tpu.vector_load_idx %arg13[%and3A_489] : memref<128xi32, #tpu.memory_space<vmem>>[vector<16xi32>], vector<16xi32>,
          %gather3A_520 = tpu.vector_load_idx %arg13[%and3A_516] : memref<128xi32, #tpu.memory_space<vmem>>[vector<16xi32>], vector<16xi32>,
          %gather3A_521 = tpu.vector_load_idx %arg14[%and3A_435] : memref<128xi32, #tpu.memory_space<vmem>>[vector<16xi32>], vector<16xi32>,
          %gather3A_522 = tpu.vector_load_idx %arg14[%and3A_462] : memref<128xi32, #tpu.memory_space<vmem>>[vector<16xi32>], vector<16xi32>,
          %gather3A_523 = tpu.vector_load_idx %arg14[%and3A_489] : memref<128xi32, #tpu.memory_space<vmem>>[vector<16xi32>], vector<16xi32>,
          %gather3A_524 = tpu.vector_load_idx %arg14[%and3A_516] : memref<128xi32, #tpu.memory_space<vmem>>[vector<16xi32>], vector<16xi32>,
          %gather3A_525 = tpu.vector_load_idx %arg15[%and3A_435] : memref<128xi32, #tpu.memory_space<vmem>>[vector<16xi32>], vector<16xi32>,
          %gather3A_526 = tpu.vector_load_idx %arg15[%and3A_462] : memref<128xi32, #tpu.memory_space<vmem>>[vector<16xi32>], vector<16xi32>,
          %gather3A_527 = tpu.vector_load_idx %arg15[%and3A_489] : memref<128xi32, #tpu.memory_space<vmem>>[vector<16xi32>], vector<16xi32>,
          %gather3A_528 = tpu.vector_load_idx %arg15[%and3A_516] : memref<128xi32, #tpu.memory_space<vmem>>[vector<16xi32>], vector<16xi32>,
          %add3A_529 = arith.constant 1 : i32
          %add3A_530 = arith.addi %select_n3A_344, %add3A_529 : i32
          %jit3A_531 = arith.constant 2 : i32
          %div3A_532 = arith.divsi %add3A_530, %jit3A_531 : i32
          %sign3A_533 = arith.constant 0 : i32
          %sign3A_534 = arith.cmpi sgt, %add3A_530, %sign3A_533 : i32
          %sign3A_535 = arith.extui %sign3A_534 : i1 to i32
          %sign3A_536 = arith.constant 0 : i32
          %sign3A_537 = arith.cmpi slt, %add3A_530, %sign3A_536 : i32
          %sign3A_538 = arith.extui %sign3A_537 : i1 to i32
          %sign3A_539 = arith.subi %sign3A_535, %sign3A_538 : i32
          %sign3A_540 = arith.constant 0 : i32
          %sign3A_541 = arith.cmpi sgt, %jit3A_531, %sign3A_540 : i32
          %sign3A_542 = arith.extui %sign3A_541 : i1 to i32
          %sign3A_543 = arith.constant 0 : i32
          %sign3A_544 = arith.cmpi slt, %jit3A_531, %sign3A_543 : i32
          %sign3A_545 = arith.extui %sign3A_544 : i1 to i32
          %sign3A_546 = arith.subi %sign3A_542, %sign3A_545 : i32
          %ne3A_547 = arith.cmpi ne, %sign3A_539, %sign3A_546 : i32
          %rem3A_548 = arith.remsi %add3A_530, %jit3A_531 : i32
          %ne3A_549 = arith.constant 0 : i32
          %ne3A_550 = arith.cmpi ne, %rem3A_548, %ne3A_549 : i32
          %and3A_551 = arith.andi %ne3A_547, %ne3A_550 : i1
          %sub3A_552 = arith.constant 1 : i32
          %sub3A_553 = arith.subi %div3A_532, %sub3A_552 : i32
          %select_n3A_554 = arith.select %and3A_551, %sub3A_553, %div3A_532 : i32
          %while3A_555 = arith.constant 0 : i32
          %while3A_556 = arith.subi %select_n3A_554, %while3A_555 : i32
          %while3A_557 = arith.addi %while3A_555, %while3A_556 : i32
          %while3A_558 = arith.constant 1 : i32
          %while3A_559 = arith.divsi %while3A_556, %while3A_558 : i32
          %while3A_560 = arith.muli %while3A_559, %while3A_558 : i32
          %while3A_561 = arith.addi %while3A_555, %while3A_560 : i32
          %while3A_562 = arith.constant 1 : i32
          %while3A_563:4 = scf.for %while3A_629 = %while3A_555 to %while3A_561 step %while3A_562 iter_args(%while3A_630 = %broadcast_in_dim3A_75, %while3A_631 = %broadcast_in_dim3A_75, %while3A_632 = %broadcast_in_dim3A_75, %while3A_633 = %broadcast_in_dim3A_75) -> (vector<16xi32>, vector<16xi32>, vector<16xi32>, vector<16xi32>)  : i32 {
            %mul3A_634 = arith.constant 2 : i32
            %mul3A_635 = arith.muli %while3A_629, %mul3A_634 : i32
            %add3A_636 = arith.constant 0 : i32
            %add3A_637 = arith.addi %mul3A_635, %add3A_636 : i32
            %mul3A_638 = arith.constant 16 : i32
            %mul3A_639 = arith.muli %add3A_637, %mul3A_638 : i32
            %add3A_640 = arith.addi %select_n3A_295, %mul3A_639 : i32
            %get3A_641 = arith.index_cast %add3A_640 : i32 to index
            %get3A_642 = tpu.vector_load %arg26[%get3A_641] {strides = array<i32>} : memref<8256xi32, #tpu.memory_space<vmem>>, vector<16xi32>,
            %and3A_643 = arith.constant 8191 : i32
            %and3A_644 = vector.broadcast %and3A_643 : i32 to vector<16xi32>
            %and3A_645 = arith.andi %get3A_642, %and3A_644 : vector<16xi32>
            %gather3A_646 = tpu.vector_load_idx %arg9[%and3A_645] : memref<8192xi32, #tpu.memory_space<vmem>>[vector<16xi32>], vector<16xi32>,
            %gather3A_647 = tpu.vector_load_idx %arg10[%and3A_645] : memref<8192xi32, #tpu.memory_space<vmem>>[vector<16xi32>], vector<16xi32>,
            %gather3A_648 = tpu.vector_load_idx %arg11[%and3A_645] : memref<8192xi32, #tpu.memory_space<vmem>>[vector<16xi32>], vector<16xi32>,
            %mul3A_649 = arith.constant 2 : i32
            %mul3A_650 = arith.muli %while3A_629, %mul3A_649 : i32
            %add3A_651 = arith.constant 0 : i32
            %add3A_652 = arith.addi %mul3A_650, %add3A_651 : i32
            %mul3A_653 = arith.constant 16 : i32
            %mul3A_654 = arith.muli %add3A_652, %mul3A_653 : i32
            %add3A_655 = vector.broadcast %mul3A_654 : i32 to vector<16xi32>
            %add3A_656 = arith.addi %add3A_655, %iota3A : vector<16xi32>
            %ge3A_657 = vector.broadcast %select_n3A_304 : i32 to vector<16xi32>
            %ge3A_658 = arith.cmpi sge, %add3A_656, %ge3A_657 : vector<16xi32>
            %sub3A_659 = arith.subi %gather3A_646, %gather3A_517 : vector<16xi32>
            %sub3A_660 = arith.subi %gather3A_647, %gather3A_521 : vector<16xi32>
            %sub3A_661 = arith.subi %gather3A_648, %gather3A_525 : vector<16xi32>
            %mul3A_662 = arith.muli %sub3A_659, %sub3A_659 : vector<16xi32>
            %mul3A_663 = arith.muli %sub3A_660, %sub3A_660 : vector<16xi32>
            %add3A_664 = arith.addi %mul3A_662, %mul3A_663 : vector<16xi32>
            %mul3A_665 = arith.muli %sub3A_661, %sub3A_661 : vector<16xi32>
            %add3A_666 = arith.addi %add3A_664, %mul3A_665 : vector<16xi32>
            %shift_left3A = arith.constant 13 : i32
            %shift_left3A_667 = vector.broadcast %shift_left3A : i32 to vector<16xi32>
            %shift_left3A_668 = arith.shli %add3A_666, %shift_left3A_667 : vector<16xi32>
            %or3A = arith.ori %shift_left3A_668, %and3A_645 : vector<16xi32>
            %jit3A_669 = arith.constant 2147483647 : i32
            %broadcast_in_dim3A_670 = vector.broadcast %jit3A_669 : i32 to vector<16xi32>
            %select_n3A_671 = arith.select %ge3A_658, %broadcast_in_dim3A_670, %or3A : vector<16xi1>, vector<16xi32>
            %sort3A = arith.constant dense<true> : vector<16xi1>
            %sort3A_672, %sort3A_673, %sort3A_674 = tpu.sort %select_n3A_671, %select_n3A_671 masked %sort3A : (vector<16xi32>, vector<16xi32>, vector<16xi1>) -> (vector<16xi1>, vector<16xi32>, vector<16xi32>)
            %rev3A = arith.constant 15 : i32
            %rev3A_675 = vector.broadcast %rev3A : i32 to vector<16xi32>
            %rev3A_676 = tpu.iota {dimensions = array<i32: 0>} : vector<16xi32>
            %rev3A_677 = arith.subi %rev3A_675, %rev3A_676 : vector<16xi32>
            %rev3A_678 = tpu.dynamic_gather %sort3A_673[%rev3A_677] in [0] : vector<16xi32>, vector<16xi32> -> vector<16xi32>
            %min3A_679 = arith.minsi %while3A_630, %rev3A_678 : vector<16xi32>
            %sort3A_680 = arith.constant dense<true> : vector<16xi1>
            %sort3A_681, %sort3A_682, %sort3A_683 = tpu.sort %min3A_679, %min3A_679 masked %sort3A_680 : (vector<16xi32>, vector<16xi32>, vector<16xi1>) -> (vector<16xi1>, vector<16xi32>, vector<16xi32>)
            %sub3A_684 = arith.subi %gather3A_646, %gather3A_518 : vector<16xi32>
            %sub3A_685 = arith.subi %gather3A_647, %gather3A_522 : vector<16xi32>
            %sub3A_686 = arith.subi %gather3A_648, %gather3A_526 : vector<16xi32>
            %mul3A_687 = arith.muli %sub3A_684, %sub3A_684 : vector<16xi32>
            %mul3A_688 = arith.muli %sub3A_685, %sub3A_685 : vector<16xi32>
            %add3A_689 = arith.addi %mul3A_687, %mul3A_688 : vector<16xi32>
            %mul3A_690 = arith.muli %sub3A_686, %sub3A_686 : vector<16xi32>
            %add3A_691 = arith.addi %add3A_689, %mul3A_690 : vector<16xi32>
            %shift_left3A_692 = arith.constant 13 : i32
            %shift_left3A_693 = vector.broadcast %shift_left3A_692 : i32 to vector<16xi32>
            %shift_left3A_694 = arith.shli %add3A_691, %shift_left3A_693 : vector<16xi32>
            %or3A_695 = arith.ori %shift_left3A_694, %and3A_645 : vector<16xi32>
            %jit3A_696 = arith.constant 2147483647 : i32
            %broadcast_in_dim3A_697 = vector.broadcast %jit3A_696 : i32 to vector<16xi32>
            %select_n3A_698 = arith.select %ge3A_658, %broadcast_in_dim3A_697, %or3A_695 : vector<16xi1>, vector<16xi32>
            %sort3A_699 = arith.constant dense<true> : vector<16xi1>
            %sort3A_700, %sort3A_701, %sort3A_702 = tpu.sort %select_n3A_698, %select_n3A_698 masked %sort3A_699 : (vector<16xi32>, vector<16xi32>, vector<16xi1>) -> (vector<16xi1>, vector<16xi32>, vector<16xi32>)
            %rev3A_703 = arith.constant 15 : i32
            %rev3A_704 = vector.broadcast %rev3A_703 : i32 to vector<16xi32>
            %rev3A_705 = tpu.iota {dimensions = array<i32: 0>} : vector<16xi32>
            %rev3A_706 = arith.subi %rev3A_704, %rev3A_705 : vector<16xi32>
            %rev3A_707 = tpu.dynamic_gather %sort3A_701[%rev3A_706] in [0] : vector<16xi32>, vector<16xi32> -> vector<16xi32>
            %min3A_708 = arith.minsi %while3A_631, %rev3A_707 : vector<16xi32>
            %sort3A_709 = arith.constant dense<true> : vector<16xi1>
            %sort3A_710, %sort3A_711, %sort3A_712 = tpu.sort %min3A_708, %min3A_708 masked %sort3A_709 : (vector<16xi32>, vector<16xi32>, vector<16xi1>) -> (vector<16xi1>, vector<16xi32>, vector<16xi32>)
            %sub3A_713 = arith.subi %gather3A_646, %gather3A_519 : vector<16xi32>
            %sub3A_714 = arith.subi %gather3A_647, %gather3A_523 : vector<16xi32>
            %sub3A_715 = arith.subi %gather3A_648, %gather3A_527 : vector<16xi32>
            %mul3A_716 = arith.muli %sub3A_713, %sub3A_713 : vector<16xi32>
            %mul3A_717 = arith.muli %sub3A_714, %sub3A_714 : vector<16xi32>
            %add3A_718 = arith.addi %mul3A_716, %mul3A_717 : vector<16xi32>
            %mul3A_719 = arith.muli %sub3A_715, %sub3A_715 : vector<16xi32>
            %add3A_720 = arith.addi %add3A_718, %mul3A_719 : vector<16xi32>
            %shift_left3A_721 = arith.constant 13 : i32
            %shift_left3A_722 = vector.broadcast %shift_left3A_721 : i32 to vector<16xi32>
            %shift_left3A_723 = arith.shli %add3A_720, %shift_left3A_722 : vector<16xi32>
            %or3A_724 = arith.ori %shift_left3A_723, %and3A_645 : vector<16xi32>
            %jit3A_725 = arith.constant 2147483647 : i32
            %broadcast_in_dim3A_726 = vector.broadcast %jit3A_725 : i32 to vector<16xi32>
            %select_n3A_727 = arith.select %ge3A_658, %broadcast_in_dim3A_726, %or3A_724 : vector<16xi1>, vector<16xi32>
            %sort3A_728 = arith.constant dense<true> : vector<16xi1>
            %sort3A_729, %sort3A_730, %sort3A_731 = tpu.sort %select_n3A_727, %select_n3A_727 masked %sort3A_728 : (vector<16xi32>, vector<16xi32>, vector<16xi1>) -> (vector<16xi1>, vector<16xi32>, vector<16xi32>)
            %rev3A_732 = arith.constant 15 : i32
            %rev3A_733 = vector.broadcast %rev3A_732 : i32 to vector<16xi32>
            %rev3A_734 = tpu.iota {dimensions = array<i32: 0>} : vector<16xi32>
            %rev3A_735 = arith.subi %rev3A_733, %rev3A_734 : vector<16xi32>
            %rev3A_736 = tpu.dynamic_gather %sort3A_730[%rev3A_735] in [0] : vector<16xi32>, vector<16xi32> -> vector<16xi32>
            %min3A_737 = arith.minsi %while3A_632, %rev3A_736 : vector<16xi32>
            %sort3A_738 = arith.constant dense<true> : vector<16xi1>
            %sort3A_739, %sort3A_740, %sort3A_741 = tpu.sort %min3A_737, %min3A_737 masked %sort3A_738 : (vector<16xi32>, vector<16xi32>, vector<16xi1>) -> (vector<16xi1>, vector<16xi32>, vector<16xi32>)
            %sub3A_742 = arith.subi %gather3A_646, %gather3A_520 : vector<16xi32>
            %sub3A_743 = arith.subi %gather3A_647, %gather3A_524 : vector<16xi32>
            %sub3A_744 = arith.subi %gather3A_648, %gather3A_528 : vector<16xi32>
            %mul3A_745 = arith.muli %sub3A_742, %sub3A_742 : vector<16xi32>
            %mul3A_746 = arith.muli %sub3A_743, %sub3A_743 : vector<16xi32>
            %add3A_747 = arith.addi %mul3A_745, %mul3A_746 : vector<16xi32>
            %mul3A_748 = arith.muli %sub3A_744, %sub3A_744 : vector<16xi32>
            %add3A_749 = arith.addi %add3A_747, %mul3A_748 : vector<16xi32>
            %shift_left3A_750 = arith.constant 13 : i32
            %shift_left3A_751 = vector.broadcast %shift_left3A_750 : i32 to vector<16xi32>
            %shift_left3A_752 = arith.shli %add3A_749, %shift_left3A_751 : vector<16xi32>
            %or3A_753 = arith.ori %shift_left3A_752, %and3A_645 : vector<16xi32>
            %jit3A_754 = arith.constant 2147483647 : i32
            %broadcast_in_dim3A_755 = vector.broadcast %jit3A_754 : i32 to vector<16xi32>
            %select_n3A_756 = arith.select %ge3A_658, %broadcast_in_dim3A_755, %or3A_753 : vector<16xi1>, vector<16xi32>
            %sort3A_757 = arith.constant dense<true> : vector<16xi1>
            %sort3A_758, %sort3A_759, %sort3A_760 = tpu.sort %select_n3A_756, %select_n3A_756 masked %sort3A_757 : (vector<16xi32>, vector<16xi32>, vector<16xi1>) -> (vector<16xi1>, vector<16xi32>, vector<16xi32>)
            %rev3A_761 = arith.constant 15 : i32
            %rev3A_762 = vector.broadcast %rev3A_761 : i32 to vector<16xi32>
            %rev3A_763 = tpu.iota {dimensions = array<i32: 0>} : vector<16xi32>
            %rev3A_764 = arith.subi %rev3A_762, %rev3A_763 : vector<16xi32>
            %rev3A_765 = tpu.dynamic_gather %sort3A_759[%rev3A_764] in [0] : vector<16xi32>, vector<16xi32> -> vector<16xi32>
            %min3A_766 = arith.minsi %while3A_633, %rev3A_765 : vector<16xi32>
            %sort3A_767 = arith.constant dense<true> : vector<16xi1>
            %sort3A_768, %sort3A_769, %sort3A_770 = tpu.sort %min3A_766, %min3A_766 masked %sort3A_767 : (vector<16xi32>, vector<16xi32>, vector<16xi1>) -> (vector<16xi1>, vector<16xi32>, vector<16xi32>)
            %mul3A_771 = arith.constant 2 : i32
            %mul3A_772 = arith.muli %while3A_629, %mul3A_771 : i32
            %add3A_773 = arith.constant 1 : i32
            %add3A_774 = arith.addi %mul3A_772, %add3A_773 : i32
            %mul3A_775 = arith.constant 16 : i32
            %mul3A_776 = arith.muli %add3A_774, %mul3A_775 : i32
            %add3A_777 = arith.addi %select_n3A_295, %mul3A_776 : i32
            %get3A_778 = arith.index_cast %add3A_777 : i32 to index
            %get3A_779 = tpu.vector_load %arg26[%get3A_778] {strides = array<i32>} : memref<8256xi32, #tpu.memory_space<vmem>>, vector<16xi32>,
            %and3A_780 = arith.constant 8191 : i32
            %and3A_781 = vector.broadcast %and3A_780 : i32 to vector<16xi32>
            %and3A_782 = arith.andi %get3A_779, %and3A_781 : vector<16xi32>
            %gather3A_783 = tpu.vector_load_idx %arg9[%and3A_782] : memref<8192xi32, #tpu.memory_space<vmem>>[vector<16xi32>], vector<16xi32>,
            %gather3A_784 = tpu.vector_load_idx %arg10[%and3A_782] : memref<8192xi32, #tpu.memory_space<vmem>>[vector<16xi32>], vector<16xi32>,
            %gather3A_785 = tpu.vector_load_idx %arg11[%and3A_782] : memref<8192xi32, #tpu.memory_space<vmem>>[vector<16xi32>], vector<16xi32>,
            %mul3A_786 = arith.constant 2 : i32
            %mul3A_787 = arith.muli %while3A_629, %mul3A_786 : i32
            %add3A_788 = arith.constant 1 : i32
            %add3A_789 = arith.addi %mul3A_787, %add3A_788 : i32
            %mul3A_790 = arith.constant 16 : i32
            %mul3A_791 = arith.muli %add3A_789, %mul3A_790 : i32
            %add3A_792 = vector.broadcast %mul3A_791 : i32 to vector<16xi32>
            %add3A_793 = arith.addi %add3A_792, %iota3A : vector<16xi32>
            %ge3A_794 = vector.broadcast %select_n3A_304 : i32 to vector<16xi32>
            %ge3A_795 = arith.cmpi sge, %add3A_793, %ge3A_794 : vector<16xi32>
            %sub3A_796 = arith.subi %gather3A_783, %gather3A_517 : vector<16xi32>
            %sub3A_797 = arith.subi %gather3A_784, %gather3A_521 : vector<16xi32>
            %sub3A_798 = arith.subi %gather3A_785, %gather3A_525 : vector<16xi32>
            %mul3A_799 = arith.muli %sub3A_796, %sub3A_796 : vector<16xi32>
            %mul3A_800 = arith.muli %sub3A_797, %sub3A_797 : vector<16xi32>
            %add3A_801 = arith.addi %mul3A_799, %mul3A_800 : vector<16xi32>
            %mul3A_802 = arith.muli %sub3A_798, %sub3A_798 : vector<16xi32>
            %add3A_803 = arith.addi %add3A_801, %mul3A_802 : vector<16xi32>
            %shift_left3A_804 = arith.constant 13 : i32
            %shift_left3A_805 = vector.broadcast %shift_left3A_804 : i32 to vector<16xi32>
            %shift_left3A_806 = arith.shli %add3A_803, %shift_left3A_805 : vector<16xi32>
            %or3A_807 = arith.ori %shift_left3A_806, %and3A_782 : vector<16xi32>
            %jit3A_808 = arith.constant 2147483647 : i32
            %broadcast_in_dim3A_809 = vector.broadcast %jit3A_808 : i32 to vector<16xi32>
            %select_n3A_810 = arith.select %ge3A_795, %broadcast_in_dim3A_809, %or3A_807 : vector<16xi1>, vector<16xi32>
            %sort3A_811 = arith.constant dense<true> : vector<16xi1>
            %sort3A_812, %sort3A_813, %sort3A_814 = tpu.sort %select_n3A_810, %select_n3A_810 masked %sort3A_811 : (vector<16xi32>, vector<16xi32>, vector<16xi1>) -> (vector<16xi1>, vector<16xi32>, vector<16xi32>)
            %rev3A_815 = arith.constant 15 : i32
            %rev3A_816 = vector.broadcast %rev3A_815 : i32 to vector<16xi32>
            %rev3A_817 = tpu.iota {dimensions = array<i32: 0>} : vector<16xi32>
            %rev3A_818 = arith.subi %rev3A_816, %rev3A_817 : vector<16xi32>
            %rev3A_819 = tpu.dynamic_gather %sort3A_813[%rev3A_818] in [0] : vector<16xi32>, vector<16xi32> -> vector<16xi32>
            %min3A_820 = arith.minsi %sort3A_682, %rev3A_819 : vector<16xi32>
            %sort3A_821 = arith.constant dense<true> : vector<16xi1>
            %sort3A_822, %sort3A_823, %sort3A_824 = tpu.sort %min3A_820, %min3A_820 masked %sort3A_821 : (vector<16xi32>, vector<16xi32>, vector<16xi1>) -> (vector<16xi1>, vector<16xi32>, vector<16xi32>)
            %sub3A_825 = arith.subi %gather3A_783, %gather3A_518 : vector<16xi32>
            %sub3A_826 = arith.subi %gather3A_784, %gather3A_522 : vector<16xi32>
            %sub3A_827 = arith.subi %gather3A_785, %gather3A_526 : vector<16xi32>
            %mul3A_828 = arith.muli %sub3A_825, %sub3A_825 : vector<16xi32>
            %mul3A_829 = arith.muli %sub3A_826, %sub3A_826 : vector<16xi32>
            %add3A_830 = arith.addi %mul3A_828, %mul3A_829 : vector<16xi32>
            %mul3A_831 = arith.muli %sub3A_827, %sub3A_827 : vector<16xi32>
            %add3A_832 = arith.addi %add3A_830, %mul3A_831 : vector<16xi32>
            %shift_left3A_833 = arith.constant 13 : i32
            %shift_left3A_834 = vector.broadcast %shift_left3A_833 : i32 to vector<16xi32>
            %shift_left3A_835 = arith.shli %add3A_832, %shift_left3A_834 : vector<16xi32>
            %or3A_836 = arith.ori %shift_left3A_835, %and3A_782 : vector<16xi32>
            %jit3A_837 = arith.constant 2147483647 : i32
            %broadcast_in_dim3A_838 = vector.broadcast %jit3A_837 : i32 to vector<16xi32>
            %select_n3A_839 = arith.select %ge3A_795, %broadcast_in_dim3A_838, %or3A_836 : vector<16xi1>, vector<16xi32>
            %sort3A_840 = arith.constant dense<true> : vector<16xi1>
            %sort3A_841, %sort3A_842, %sort3A_843 = tpu.sort %select_n3A_839, %select_n3A_839 masked %sort3A_840 : (vector<16xi32>, vector<16xi32>, vector<16xi1>) -> (vector<16xi1>, vector<16xi32>, vector<16xi32>)
            %rev3A_844 = arith.constant 15 : i32
            %rev3A_845 = vector.broadcast %rev3A_844 : i32 to vector<16xi32>
            %rev3A_846 = tpu.iota {dimensions = array<i32: 0>} : vector<16xi32>
            %rev3A_847 = arith.subi %rev3A_845, %rev3A_846 : vector<16xi32>
            %rev3A_848 = tpu.dynamic_gather %sort3A_842[%rev3A_847] in [0] : vector<16xi32>, vector<16xi32> -> vector<16xi32>
            %min3A_849 = arith.minsi %sort3A_711, %rev3A_848 : vector<16xi32>
            %sort3A_850 = arith.constant dense<true> : vector<16xi1>
            %sort3A_851, %sort3A_852, %sort3A_853 = tpu.sort %min3A_849, %min3A_849 masked %sort3A_850 : (vector<16xi32>, vector<16xi32>, vector<16xi1>) -> (vector<16xi1>, vector<16xi32>, vector<16xi32>)
            %sub3A_854 = arith.subi %gather3A_783, %gather3A_519 : vector<16xi32>
            %sub3A_855 = arith.subi %gather3A_784, %gather3A_523 : vector<16xi32>
            %sub3A_856 = arith.subi %gather3A_785, %gather3A_527 : vector<16xi32>
            %mul3A_857 = arith.muli %sub3A_854, %sub3A_854 : vector<16xi32>
            %mul3A_858 = arith.muli %sub3A_855, %sub3A_855 : vector<16xi32>
            %add3A_859 = arith.addi %mul3A_857, %mul3A_858 : vector<16xi32>
            %mul3A_860 = arith.muli %sub3A_856, %sub3A_856 : vector<16xi32>
            %add3A_861 = arith.addi %add3A_859, %mul3A_860 : vector<16xi32>
            %shift_left3A_862 = arith.constant 13 : i32
            %shift_left3A_863 = vector.broadcast %shift_left3A_862 : i32 to vector<16xi32>
            %shift_left3A_864 = arith.shli %add3A_861, %shift_left3A_863 : vector<16xi32>
            %or3A_865 = arith.ori %shift_left3A_864, %and3A_782 : vector<16xi32>
            %jit3A_866 = arith.constant 2147483647 : i32
            %broadcast_in_dim3A_867 = vector.broadcast %jit3A_866 : i32 to vector<16xi32>
            %select_n3A_868 = arith.select %ge3A_795, %broadcast_in_dim3A_867, %or3A_865 : vector<16xi1>, vector<16xi32>
            %sort3A_869 = arith.constant dense<true> : vector<16xi1>
            %sort3A_870, %sort3A_871, %sort3A_872 = tpu.sort %select_n3A_868, %select_n3A_868 masked %sort3A_869 : (vector<16xi32>, vector<16xi32>, vector<16xi1>) -> (vector<16xi1>, vector<16xi32>, vector<16xi32>)
            %rev3A_873 = arith.constant 15 : i32
            %rev3A_874 = vector.broadcast %rev3A_873 : i32 to vector<16xi32>
            %rev3A_875 = tpu.iota {dimensions = array<i32: 0>} : vector<16xi32>
            %rev3A_876 = arith.subi %rev3A_874, %rev3A_875 : vector<16xi32>
            %rev3A_877 = tpu.dynamic_gather %sort3A_871[%rev3A_876] in [0] : vector<16xi32>, vector<16xi32> -> vector<16xi32>
            %min3A_878 = arith.minsi %sort3A_740, %rev3A_877 : vector<16xi32>
            %sort3A_879 = arith.constant dense<true> : vector<16xi1>
            %sort3A_880, %sort3A_881, %sort3A_882 = tpu.sort %min3A_878, %min3A_878 masked %sort3A_879 : (vector<16xi32>, vector<16xi32>, vector<16xi1>) -> (vector<16xi1>, vector<16xi32>, vector<16xi32>)
            %sub3A_883 = arith.subi %gather3A_783, %gather3A_520 : vector<16xi32>
            %sub3A_884 = arith.subi %gather3A_784, %gather3A_524 : vector<16xi32>
            %sub3A_885 = arith.subi %gather3A_785, %gather3A_528 : vector<16xi32>
            %mul3A_886 = arith.muli %sub3A_883, %sub3A_883 : vector<16xi32>
            %mul3A_887 = arith.muli %sub3A_884, %sub3A_884 : vector<16xi32>
            %add3A_888 = arith.addi %mul3A_886, %mul3A_887 : vector<16xi32>
            %mul3A_889 = arith.muli %sub3A_885, %sub3A_885 : vector<16xi32>
            %add3A_890 = arith.addi %add3A_888, %mul3A_889 : vector<16xi32>
            %shift_left3A_891 = arith.constant 13 : i32
            %shift_left3A_892 = vector.broadcast %shift_left3A_891 : i32 to vector<16xi32>
            %shift_left3A_893 = arith.shli %add3A_890, %shift_left3A_892 : vector<16xi32>
            %or3A_894 = arith.ori %shift_left3A_893, %and3A_782 : vector<16xi32>
            %jit3A_895 = arith.constant 2147483647 : i32
            %broadcast_in_dim3A_896 = vector.broadcast %jit3A_895 : i32 to vector<16xi32>
            %select_n3A_897 = arith.select %ge3A_795, %broadcast_in_dim3A_896, %or3A_894 : vector<16xi1>, vector<16xi32>
            %sort3A_898 = arith.constant dense<true> : vector<16xi1>
            %sort3A_899, %sort3A_900, %sort3A_901 = tpu.sort %select_n3A_897, %select_n3A_897 masked %sort3A_898 : (vector<16xi32>, vector<16xi32>, vector<16xi1>) -> (vector<16xi1>, vector<16xi32>, vector<16xi32>)
            %rev3A_902 = arith.constant 15 : i32
            %rev3A_903 = vector.broadcast %rev3A_902 : i32 to vector<16xi32>
            %rev3A_904 = tpu.iota {dimensions = array<i32: 0>} : vector<16xi32>
            %rev3A_905 = arith.subi %rev3A_903, %rev3A_904 : vector<16xi32>
            %rev3A_906 = tpu.dynamic_gather %sort3A_900[%rev3A_905] in [0] : vector<16xi32>, vector<16xi32> -> vector<16xi32>
            %min3A_907 = arith.minsi %sort3A_769, %rev3A_906 : vector<16xi32>
            %sort3A_908 = arith.constant dense<true> : vector<16xi1>
            %sort3A_909, %sort3A_910, %sort3A_911 = tpu.sort %min3A_907, %min3A_907 masked %sort3A_908 : (vector<16xi32>, vector<16xi32>, vector<16xi1>) -> (vector<16xi1>, vector<16xi32>, vector<16xi32>)
            scf.yield %sort3A_823, %sort3A_852, %sort3A_881, %sort3A_910 : vector<16xi32>, vector<16xi32>, vector<16xi32>, vector<16xi32>
          }
          %while3A_564 = arith.constant 1 : i32
          %while3A_565:4 = scf.for %while3A_629 = %while3A_561 to %while3A_557 step %while3A_564 iter_args(%while3A_630 = %while3A_563#0, %while3A_631 = %while3A_563#1, %while3A_632 = %while3A_563#2, %while3A_633 = %while3A_563#3) -> (vector<16xi32>, vector<16xi32>, vector<16xi32>, vector<16xi32>)  : i32 {
            %mul3A_634 = arith.constant 2 : i32
            %mul3A_635 = arith.muli %while3A_629, %mul3A_634 : i32
            %add3A_636 = arith.constant 0 : i32
            %add3A_637 = arith.addi %mul3A_635, %add3A_636 : i32
            %mul3A_638 = arith.constant 16 : i32
            %mul3A_639 = arith.muli %add3A_637, %mul3A_638 : i32
            %add3A_640 = arith.addi %select_n3A_295, %mul3A_639 : i32
            %get3A_641 = arith.index_cast %add3A_640 : i32 to index
            %get3A_642 = tpu.vector_load %arg26[%get3A_641] {strides = array<i32>} : memref<8256xi32, #tpu.memory_space<vmem>>, vector<16xi32>,
            %and3A_643 = arith.constant 8191 : i32
            %and3A_644 = vector.broadcast %and3A_643 : i32 to vector<16xi32>
            %and3A_645 = arith.andi %get3A_642, %and3A_644 : vector<16xi32>
            %gather3A_646 = tpu.vector_load_idx %arg9[%and3A_645] : memref<8192xi32, #tpu.memory_space<vmem>>[vector<16xi32>], vector<16xi32>,
            %gather3A_647 = tpu.vector_load_idx %arg10[%and3A_645] : memref<8192xi32, #tpu.memory_space<vmem>>[vector<16xi32>], vector<16xi32>,
            %gather3A_648 = tpu.vector_load_idx %arg11[%and3A_645] : memref<8192xi32, #tpu.memory_space<vmem>>[vector<16xi32>], vector<16xi32>,
            %mul3A_649 = arith.constant 2 : i32
            %mul3A_650 = arith.muli %while3A_629, %mul3A_649 : i32
            %add3A_651 = arith.constant 0 : i32
            %add3A_652 = arith.addi %mul3A_650, %add3A_651 : i32
            %mul3A_653 = arith.constant 16 : i32
            %mul3A_654 = arith.muli %add3A_652, %mul3A_653 : i32
            %add3A_655 = vector.broadcast %mul3A_654 : i32 to vector<16xi32>
            %add3A_656 = arith.addi %add3A_655, %iota3A : vector<16xi32>
            %ge3A_657 = vector.broadcast %select_n3A_304 : i32 to vector<16xi32>
            %ge3A_658 = arith.cmpi sge, %add3A_656, %ge3A_657 : vector<16xi32>
            %sub3A_659 = arith.subi %gather3A_646, %gather3A_517 : vector<16xi32>
            %sub3A_660 = arith.subi %gather3A_647, %gather3A_521 : vector<16xi32>
            %sub3A_661 = arith.subi %gather3A_648, %gather3A_525 : vector<16xi32>
            %mul3A_662 = arith.muli %sub3A_659, %sub3A_659 : vector<16xi32>
            %mul3A_663 = arith.muli %sub3A_660, %sub3A_660 : vector<16xi32>
            %add3A_664 = arith.addi %mul3A_662, %mul3A_663 : vector<16xi32>
            %mul3A_665 = arith.muli %sub3A_661, %sub3A_661 : vector<16xi32>
            %add3A_666 = arith.addi %add3A_664, %mul3A_665 : vector<16xi32>
            %shift_left3A = arith.constant 13 : i32
            %shift_left3A_667 = vector.broadcast %shift_left3A : i32 to vector<16xi32>
            %shift_left3A_668 = arith.shli %add3A_666, %shift_left3A_667 : vector<16xi32>
            %or3A = arith.ori %shift_left3A_668, %and3A_645 : vector<16xi32>
            %jit3A_669 = arith.constant 2147483647 : i32
            %broadcast_in_dim3A_670 = vector.broadcast %jit3A_669 : i32 to vector<16xi32>
            %select_n3A_671 = arith.select %ge3A_658, %broadcast_in_dim3A_670, %or3A : vector<16xi1>, vector<16xi32>
            %sort3A = arith.constant dense<true> : vector<16xi1>
            %sort3A_672, %sort3A_673, %sort3A_674 = tpu.sort %select_n3A_671, %select_n3A_671 masked %sort3A : (vector<16xi32>, vector<16xi32>, vector<16xi1>) -> (vector<16xi1>, vector<16xi32>, vector<16xi32>)
            %rev3A = arith.constant 15 : i32
            %rev3A_675 = vector.broadcast %rev3A : i32 to vector<16xi32>
            %rev3A_676 = tpu.iota {dimensions = array<i32: 0>} : vector<16xi32>
            %rev3A_677 = arith.subi %rev3A_675, %rev3A_676 : vector<16xi32>
            %rev3A_678 = tpu.dynamic_gather %sort3A_673[%rev3A_677] in [0] : vector<16xi32>, vector<16xi32> -> vector<16xi32>
            %min3A_679 = arith.minsi %while3A_630, %rev3A_678 : vector<16xi32>
            %sort3A_680 = arith.constant dense<true> : vector<16xi1>
            %sort3A_681, %sort3A_682, %sort3A_683 = tpu.sort %min3A_679, %min3A_679 masked %sort3A_680 : (vector<16xi32>, vector<16xi32>, vector<16xi1>) -> (vector<16xi1>, vector<16xi32>, vector<16xi32>)
            %sub3A_684 = arith.subi %gather3A_646, %gather3A_518 : vector<16xi32>
            %sub3A_685 = arith.subi %gather3A_647, %gather3A_522 : vector<16xi32>
            %sub3A_686 = arith.subi %gather3A_648, %gather3A_526 : vector<16xi32>
            %mul3A_687 = arith.muli %sub3A_684, %sub3A_684 : vector<16xi32>
            %mul3A_688 = arith.muli %sub3A_685, %sub3A_685 : vector<16xi32>
            %add3A_689 = arith.addi %mul3A_687, %mul3A_688 : vector<16xi32>
            %mul3A_690 = arith.muli %sub3A_686, %sub3A_686 : vector<16xi32>
            %add3A_691 = arith.addi %add3A_689, %mul3A_690 : vector<16xi32>
            %shift_left3A_692 = arith.constant 13 : i32
            %shift_left3A_693 = vector.broadcast %shift_left3A_692 : i32 to vector<16xi32>
            %shift_left3A_694 = arith.shli %add3A_691, %shift_left3A_693 : vector<16xi32>
            %or3A_695 = arith.ori %shift_left3A_694, %and3A_645 : vector<16xi32>
            %jit3A_696 = arith.constant 2147483647 : i32
            %broadcast_in_dim3A_697 = vector.broadcast %jit3A_696 : i32 to vector<16xi32>
            %select_n3A_698 = arith.select %ge3A_658, %broadcast_in_dim3A_697, %or3A_695 : vector<16xi1>, vector<16xi32>
            %sort3A_699 = arith.constant dense<true> : vector<16xi1>
            %sort3A_700, %sort3A_701, %sort3A_702 = tpu.sort %select_n3A_698, %select_n3A_698 masked %sort3A_699 : (vector<16xi32>, vector<16xi32>, vector<16xi1>) -> (vector<16xi1>, vector<16xi32>, vector<16xi32>)
            %rev3A_703 = arith.constant 15 : i32
            %rev3A_704 = vector.broadcast %rev3A_703 : i32 to vector<16xi32>
            %rev3A_705 = tpu.iota {dimensions = array<i32: 0>} : vector<16xi32>
            %rev3A_706 = arith.subi %rev3A_704, %rev3A_705 : vector<16xi32>
            %rev3A_707 = tpu.dynamic_gather %sort3A_701[%rev3A_706] in [0] : vector<16xi32>, vector<16xi32> -> vector<16xi32>
            %min3A_708 = arith.minsi %while3A_631, %rev3A_707 : vector<16xi32>
            %sort3A_709 = arith.constant dense<true> : vector<16xi1>
            %sort3A_710, %sort3A_711, %sort3A_712 = tpu.sort %min3A_708, %min3A_708 masked %sort3A_709 : (vector<16xi32>, vector<16xi32>, vector<16xi1>) -> (vector<16xi1>, vector<16xi32>, vector<16xi32>)
            %sub3A_713 = arith.subi %gather3A_646, %gather3A_519 : vector<16xi32>
            %sub3A_714 = arith.subi %gather3A_647, %gather3A_523 : vector<16xi32>
            %sub3A_715 = arith.subi %gather3A_648, %gather3A_527 : vector<16xi32>
            %mul3A_716 = arith.muli %sub3A_713, %sub3A_713 : vector<16xi32>
            %mul3A_717 = arith.muli %sub3A_714, %sub3A_714 : vector<16xi32>
            %add3A_718 = arith.addi %mul3A_716, %mul3A_717 : vector<16xi32>
            %mul3A_719 = arith.muli %sub3A_715, %sub3A_715 : vector<16xi32>
            %add3A_720 = arith.addi %add3A_718, %mul3A_719 : vector<16xi32>
            %shift_left3A_721 = arith.constant 13 : i32
            %shift_left3A_722 = vector.broadcast %shift_left3A_721 : i32 to vector<16xi32>
            %shift_left3A_723 = arith.shli %add3A_720, %shift_left3A_722 : vector<16xi32>
            %or3A_724 = arith.ori %shift_left3A_723, %and3A_645 : vector<16xi32>
            %jit3A_725 = arith.constant 2147483647 : i32
            %broadcast_in_dim3A_726 = vector.broadcast %jit3A_725 : i32 to vector<16xi32>
            %select_n3A_727 = arith.select %ge3A_658, %broadcast_in_dim3A_726, %or3A_724 : vector<16xi1>, vector<16xi32>
            %sort3A_728 = arith.constant dense<true> : vector<16xi1>
            %sort3A_729, %sort3A_730, %sort3A_731 = tpu.sort %select_n3A_727, %select_n3A_727 masked %sort3A_728 : (vector<16xi32>, vector<16xi32>, vector<16xi1>) -> (vector<16xi1>, vector<16xi32>, vector<16xi32>)
            %rev3A_732 = arith.constant 15 : i32
            %rev3A_733 = vector.broadcast %rev3A_732 : i32 to vector<16xi32>
            %rev3A_734 = tpu.iota {dimensions = array<i32: 0>} : vector<16xi32>
            %rev3A_735 = arith.subi %rev3A_733, %rev3A_734 : vector<16xi32>
            %rev3A_736 = tpu.dynamic_gather %sort3A_730[%rev3A_735] in [0] : vector<16xi32>, vector<16xi32> -> vector<16xi32>
            %min3A_737 = arith.minsi %while3A_632, %rev3A_736 : vector<16xi32>
            %sort3A_738 = arith.constant dense<true> : vector<16xi1>
            %sort3A_739, %sort3A_740, %sort3A_741 = tpu.sort %min3A_737, %min3A_737 masked %sort3A_738 : (vector<16xi32>, vector<16xi32>, vector<16xi1>) -> (vector<16xi1>, vector<16xi32>, vector<16xi32>)
            %sub3A_742 = arith.subi %gather3A_646, %gather3A_520 : vector<16xi32>
            %sub3A_743 = arith.subi %gather3A_647, %gather3A_524 : vector<16xi32>
            %sub3A_744 = arith.subi %gather3A_648, %gather3A_528 : vector<16xi32>
            %mul3A_745 = arith.muli %sub3A_742, %sub3A_742 : vector<16xi32>
            %mul3A_746 = arith.muli %sub3A_743, %sub3A_743 : vector<16xi32>
            %add3A_747 = arith.addi %mul3A_745, %mul3A_746 : vector<16xi32>
            %mul3A_748 = arith.muli %sub3A_744, %sub3A_744 : vector<16xi32>
            %add3A_749 = arith.addi %add3A_747, %mul3A_748 : vector<16xi32>
            %shift_left3A_750 = arith.constant 13 : i32
            %shift_left3A_751 = vector.broadcast %shift_left3A_750 : i32 to vector<16xi32>
            %shift_left3A_752 = arith.shli %add3A_749, %shift_left3A_751 : vector<16xi32>
            %or3A_753 = arith.ori %shift_left3A_752, %and3A_645 : vector<16xi32>
            %jit3A_754 = arith.constant 2147483647 : i32
            %broadcast_in_dim3A_755 = vector.broadcast %jit3A_754 : i32 to vector<16xi32>
            %select_n3A_756 = arith.select %ge3A_658, %broadcast_in_dim3A_755, %or3A_753 : vector<16xi1>, vector<16xi32>
            %sort3A_757 = arith.constant dense<true> : vector<16xi1>
            %sort3A_758, %sort3A_759, %sort3A_760 = tpu.sort %select_n3A_756, %select_n3A_756 masked %sort3A_757 : (vector<16xi32>, vector<16xi32>, vector<16xi1>) -> (vector<16xi1>, vector<16xi32>, vector<16xi32>)
            %rev3A_761 = arith.constant 15 : i32
            %rev3A_762 = vector.broadcast %rev3A_761 : i32 to vector<16xi32>
            %rev3A_763 = tpu.iota {dimensions = array<i32: 0>} : vector<16xi32>
            %rev3A_764 = arith.subi %rev3A_762, %rev3A_763 : vector<16xi32>
            %rev3A_765 = tpu.dynamic_gather %sort3A_759[%rev3A_764] in [0] : vector<16xi32>, vector<16xi32> -> vector<16xi32>
            %min3A_766 = arith.minsi %while3A_633, %rev3A_765 : vector<16xi32>
            %sort3A_767 = arith.constant dense<true> : vector<16xi1>
            %sort3A_768, %sort3A_769, %sort3A_770 = tpu.sort %min3A_766, %min3A_766 masked %sort3A_767 : (vector<16xi32>, vector<16xi32>, vector<16xi1>) -> (vector<16xi1>, vector<16xi32>, vector<16xi32>)
            %mul3A_771 = arith.constant 2 : i32
            %mul3A_772 = arith.muli %while3A_629, %mul3A_771 : i32
            %add3A_773 = arith.constant 1 : i32
            %add3A_774 = arith.addi %mul3A_772, %add3A_773 : i32
            %mul3A_775 = arith.constant 16 : i32
            %mul3A_776 = arith.muli %add3A_774, %mul3A_775 : i32
            %add3A_777 = arith.addi %select_n3A_295, %mul3A_776 : i32
            %get3A_778 = arith.index_cast %add3A_777 : i32 to index
            %get3A_779 = tpu.vector_load %arg26[%get3A_778] {strides = array<i32>} : memref<8256xi32, #tpu.memory_space<vmem>>, vector<16xi32>,
            %and3A_780 = arith.constant 8191 : i32
            %and3A_781 = vector.broadcast %and3A_780 : i32 to vector<16xi32>
            %and3A_782 = arith.andi %get3A_779, %and3A_781 : vector<16xi32>
            %gather3A_783 = tpu.vector_load_idx %arg9[%and3A_782] : memref<8192xi32, #tpu.memory_space<vmem>>[vector<16xi32>], vector<16xi32>,
            %gather3A_784 = tpu.vector_load_idx %arg10[%and3A_782] : memref<8192xi32, #tpu.memory_space<vmem>>[vector<16xi32>], vector<16xi32>,
            %gather3A_785 = tpu.vector_load_idx %arg11[%and3A_782] : memref<8192xi32, #tpu.memory_space<vmem>>[vector<16xi32>], vector<16xi32>,
            %mul3A_786 = arith.constant 2 : i32
            %mul3A_787 = arith.muli %while3A_629, %mul3A_786 : i32
            %add3A_788 = arith.constant 1 : i32
            %add3A_789 = arith.addi %mul3A_787, %add3A_788 : i32
            %mul3A_790 = arith.constant 16 : i32
            %mul3A_791 = arith.muli %add3A_789, %mul3A_790 : i32
            %add3A_792 = vector.broadcast %mul3A_791 : i32 to vector<16xi32>
            %add3A_793 = arith.addi %add3A_792, %iota3A : vector<16xi32>
            %ge3A_794 = vector.broadcast %select_n3A_304 : i32 to vector<16xi32>
            %ge3A_795 = arith.cmpi sge, %add3A_793, %ge3A_794 : vector<16xi32>
            %sub3A_796 = arith.subi %gather3A_783, %gather3A_517 : vector<16xi32>
            %sub3A_797 = arith.subi %gather3A_784, %gather3A_521 : vector<16xi32>
            %sub3A_798 = arith.subi %gather3A_785, %gather3A_525 : vector<16xi32>
            %mul3A_799 = arith.muli %sub3A_796, %sub3A_796 : vector<16xi32>
            %mul3A_800 = arith.muli %sub3A_797, %sub3A_797 : vector<16xi32>
            %add3A_801 = arith.addi %mul3A_799, %mul3A_800 : vector<16xi32>
            %mul3A_802 = arith.muli %sub3A_798, %sub3A_798 : vector<16xi32>
            %add3A_803 = arith.addi %add3A_801, %mul3A_802 : vector<16xi32>
            %shift_left3A_804 = arith.constant 13 : i32
            %shift_left3A_805 = vector.broadcast %shift_left3A_804 : i32 to vector<16xi32>
            %shift_left3A_806 = arith.shli %add3A_803, %shift_left3A_805 : vector<16xi32>
            %or3A_807 = arith.ori %shift_left3A_806, %and3A_782 : vector<16xi32>
            %jit3A_808 = arith.constant 2147483647 : i32
            %broadcast_in_dim3A_809 = vector.broadcast %jit3A_808 : i32 to vector<16xi32>
            %select_n3A_810 = arith.select %ge3A_795, %broadcast_in_dim3A_809, %or3A_807 : vector<16xi1>, vector<16xi32>
            %sort3A_811 = arith.constant dense<true> : vector<16xi1>
            %sort3A_812, %sort3A_813, %sort3A_814 = tpu.sort %select_n3A_810, %select_n3A_810 masked %sort3A_811 : (vector<16xi32>, vector<16xi32>, vector<16xi1>) -> (vector<16xi1>, vector<16xi32>, vector<16xi32>)
            %rev3A_815 = arith.constant 15 : i32
            %rev3A_816 = vector.broadcast %rev3A_815 : i32 to vector<16xi32>
            %rev3A_817 = tpu.iota {dimensions = array<i32: 0>} : vector<16xi32>
            %rev3A_818 = arith.subi %rev3A_816, %rev3A_817 : vector<16xi32>
            %rev3A_819 = tpu.dynamic_gather %sort3A_813[%rev3A_818] in [0] : vector<16xi32>, vector<16xi32> -> vector<16xi32>
            %min3A_820 = arith.minsi %sort3A_682, %rev3A_819 : vector<16xi32>
            %sort3A_821 = arith.constant dense<true> : vector<16xi1>
            %sort3A_822, %sort3A_823, %sort3A_824 = tpu.sort %min3A_820, %min3A_820 masked %sort3A_821 : (vector<16xi32>, vector<16xi32>, vector<16xi1>) -> (vector<16xi1>, vector<16xi32>, vector<16xi32>)
            %sub3A_825 = arith.subi %gather3A_783, %gather3A_518 : vector<16xi32>
            %sub3A_826 = arith.subi %gather3A_784, %gather3A_522 : vector<16xi32>
            %sub3A_827 = arith.subi %gather3A_785, %gather3A_526 : vector<16xi32>
            %mul3A_828 = arith.muli %sub3A_825, %sub3A_825 : vector<16xi32>
            %mul3A_829 = arith.muli %sub3A_826, %sub3A_826 : vector<16xi32>
            %add3A_830 = arith.addi %mul3A_828, %mul3A_829 : vector<16xi32>
            %mul3A_831 = arith.muli %sub3A_827, %sub3A_827 : vector<16xi32>
            %add3A_832 = arith.addi %add3A_830, %mul3A_831 : vector<16xi32>
            %shift_left3A_833 = arith.constant 13 : i32
            %shift_left3A_834 = vector.broadcast %shift_left3A_833 : i32 to vector<16xi32>
            %shift_left3A_835 = arith.shli %add3A_832, %shift_left3A_834 : vector<16xi32>
            %or3A_836 = arith.ori %shift_left3A_835, %and3A_782 : vector<16xi32>
            %jit3A_837 = arith.constant 2147483647 : i32
            %broadcast_in_dim3A_838 = vector.broadcast %jit3A_837 : i32 to vector<16xi32>
            %select_n3A_839 = arith.select %ge3A_795, %broadcast_in_dim3A_838, %or3A_836 : vector<16xi1>, vector<16xi32>
            %sort3A_840 = arith.constant dense<true> : vector<16xi1>
            %sort3A_841, %sort3A_842, %sort3A_843 = tpu.sort %select_n3A_839, %select_n3A_839 masked %sort3A_840 : (vector<16xi32>, vector<16xi32>, vector<16xi1>) -> (vector<16xi1>, vector<16xi32>, vector<16xi32>)
            %rev3A_844 = arith.constant 15 : i32
            %rev3A_845 = vector.broadcast %rev3A_844 : i32 to vector<16xi32>
            %rev3A_846 = tpu.iota {dimensions = array<i32: 0>} : vector<16xi32>
            %rev3A_847 = arith.subi %rev3A_845, %rev3A_846 : vector<16xi32>
            %rev3A_848 = tpu.dynamic_gather %sort3A_842[%rev3A_847] in [0] : vector<16xi32>, vector<16xi32> -> vector<16xi32>
            %min3A_849 = arith.minsi %sort3A_711, %rev3A_848 : vector<16xi32>
            %sort3A_850 = arith.constant dense<true> : vector<16xi1>
            %sort3A_851, %sort3A_852, %sort3A_853 = tpu.sort %min3A_849, %min3A_849 masked %sort3A_850 : (vector<16xi32>, vector<16xi32>, vector<16xi1>) -> (vector<16xi1>, vector<16xi32>, vector<16xi32>)
            %sub3A_854 = arith.subi %gather3A_783, %gather3A_519 : vector<16xi32>
            %sub3A_855 = arith.subi %gather3A_784, %gather3A_523 : vector<16xi32>
            %sub3A_856 = arith.subi %gather3A_785, %gather3A_527 : vector<16xi32>
            %mul3A_857 = arith.muli %sub3A_854, %sub3A_854 : vector<16xi32>
            %mul3A_858 = arith.muli %sub3A_855, %sub3A_855 : vector<16xi32>
            %add3A_859 = arith.addi %mul3A_857, %mul3A_858 : vector<16xi32>
            %mul3A_860 = arith.muli %sub3A_856, %sub3A_856 : vector<16xi32>
            %add3A_861 = arith.addi %add3A_859, %mul3A_860 : vector<16xi32>
            %shift_left3A_862 = arith.constant 13 : i32
            %shift_left3A_863 = vector.broadcast %shift_left3A_862 : i32 to vector<16xi32>
            %shift_left3A_864 = arith.shli %add3A_861, %shift_left3A_863 : vector<16xi32>
            %or3A_865 = arith.ori %shift_left3A_864, %and3A_782 : vector<16xi32>
            %jit3A_866 = arith.constant 2147483647 : i32
            %broadcast_in_dim3A_867 = vector.broadcast %jit3A_866 : i32 to vector<16xi32>
            %select_n3A_868 = arith.select %ge3A_795, %broadcast_in_dim3A_867, %or3A_865 : vector<16xi1>, vector<16xi32>
            %sort3A_869 = arith.constant dense<true> : vector<16xi1>
            %sort3A_870, %sort3A_871, %sort3A_872 = tpu.sort %select_n3A_868, %select_n3A_868 masked %sort3A_869 : (vector<16xi32>, vector<16xi32>, vector<16xi1>) -> (vector<16xi1>, vector<16xi32>, vector<16xi32>)
            %rev3A_873 = arith.constant 15 : i32
            %rev3A_874 = vector.broadcast %rev3A_873 : i32 to vector<16xi32>
            %rev3A_875 = tpu.iota {dimensions = array<i32: 0>} : vector<16xi32>
            %rev3A_876 = arith.subi %rev3A_874, %rev3A_875 : vector<16xi32>
            %rev3A_877 = tpu.dynamic_gather %sort3A_871[%rev3A_876] in [0] : vector<16xi32>, vector<16xi32> -> vector<16xi32>
            %min3A_878 = arith.minsi %sort3A_740, %rev3A_877 : vector<16xi32>
            %sort3A_879 = arith.constant dense<true> : vector<16xi1>
            %sort3A_880, %sort3A_881, %sort3A_882 = tpu.sort %min3A_878, %min3A_878 masked %sort3A_879 : (vector<16xi32>, vector<16xi32>, vector<16xi1>) -> (vector<16xi1>, vector<16xi32>, vector<16xi32>)
            %sub3A_883 = arith.subi %gather3A_783, %gather3A_520 : vector<16xi32>
            %sub3A_884 = arith.subi %gather3A_784, %gather3A_524 : vector<16xi32>
            %sub3A_885 = arith.subi %gather3A_785, %gather3A_528 : vector<16xi32>
            %mul3A_886 = arith.muli %sub3A_883, %sub3A_883 : vector<16xi32>
            %mul3A_887 = arith.muli %sub3A_884, %sub3A_884 : vector<16xi32>
            %add3A_888 = arith.addi %mul3A_886, %mul3A_887 : vector<16xi32>
            %mul3A_889 = arith.muli %sub3A_885, %sub3A_885 : vector<16xi32>
            %add3A_890 = arith.addi %add3A_888, %mul3A_889 : vector<16xi32>
            %shift_left3A_891 = arith.constant 13 : i32
            %shift_left3A_892 = vector.broadcast %shift_left3A_891 : i32 to vector<16xi32>
            %shift_left3A_893 = arith.shli %add3A_890, %shift_left3A_892 : vector<16xi32>
            %or3A_894 = arith.ori %shift_left3A_893, %and3A_782 : vector<16xi32>
            %jit3A_895 = arith.constant 2147483647 : i32
            %broadcast_in_dim3A_896 = vector.broadcast %jit3A_895 : i32 to vector<16xi32>
            %select_n3A_897 = arith.select %ge3A_795, %broadcast_in_dim3A_896, %or3A_894 : vector<16xi1>, vector<16xi32>
            %sort3A_898 = arith.constant dense<true> : vector<16xi1>
            %sort3A_899, %sort3A_900, %sort3A_901 = tpu.sort %select_n3A_897, %select_n3A_897 masked %sort3A_898 : (vector<16xi32>, vector<16xi32>, vector<16xi1>) -> (vector<16xi1>, vector<16xi32>, vector<16xi32>)
            %rev3A_902 = arith.constant 15 : i32
            %rev3A_903 = vector.broadcast %rev3A_902 : i32 to vector<16xi32>
            %rev3A_904 = tpu.iota {dimensions = array<i32: 0>} : vector<16xi32>
            %rev3A_905 = arith.subi %rev3A_903, %rev3A_904 : vector<16xi32>
            %rev3A_906 = tpu.dynamic_gather %sort3A_900[%rev3A_905] in [0] : vector<16xi32>, vector<16xi32> -> vector<16xi32>
            %min3A_907 = arith.minsi %sort3A_769, %rev3A_906 : vector<16xi32>
            %sort3A_908 = arith.constant dense<true> : vector<16xi1>
            %sort3A_909, %sort3A_910, %sort3A_911 = tpu.sort %min3A_907, %min3A_907 masked %sort3A_908 : (vector<16xi32>, vector<16xi32>, vector<16xi1>) -> (vector<16xi1>, vector<16xi32>, vector<16xi32>)
            scf.yield %sort3A_823, %sort3A_852, %sort3A_881, %sort3A_910 : vector<16xi32>, vector<16xi32>, vector<16xi32>, vector<16xi32>
          }
          %reduce_max3A = arith.constant true
          %reduce_max3A_566 = vector.broadcast %reduce_max3A : i1 to vector<16xi1>
          %reduce_max3A_567 = arith.constant -2147483648 : i32
          %reduce_max3A_568 = vector.broadcast %reduce_max3A_567 : i32 to vector<16xi32>
          %reduce_max3A_569 = arith.xori %and3A_435, %reduce_max3A_568 : vector<16xi32>
          %reduce_max3A_570 = tpu.scan <max>, %reduce_max3A_569 masked %reduce_max3A_566 : vector<16xi32>, vector<16xi1> -> vector<16xi32>
          %reduce_max3A_571 = arith.xori %reduce_max3A_570, %reduce_max3A_568 : vector<16xi32>
          %reduce_max3A_572 = vector.extract %reduce_max3A_571[15] : i32 from vector<16xi32>
          %mul3A_573 = arith.constant 4 : i32
          %mul3A_574 = arith.muli %while3A_382, %mul3A_573 : i32
          %add3A_575 = arith.constant 0 : i32
          %add3A_576 = arith.addi %mul3A_574, %add3A_575 : i32
          %lt3A_577 = arith.cmpi slt, %add3A_576, %select_n3A_323 : i32
          %convert_element_type3A_578 = arith.extui %lt3A_577 : i1 to i32
          %cond3A_579 = arith.constant 0 : i32
          %cond3A_580 = arith.cmpi ne, %convert_element_type3A_578, %cond3A_579 : i32
          scf.if %cond3A_580 {
            %mul3A_629 = arith.constant 16 : i32
            %mul3A_630 = arith.muli %reduce_max3A_572, %mul3A_629 : i32
            %swap3A_631 = arith.index_cast %mul3A_630 : i32 to index
            %swap3A_632 = tpu.vector_load %arg19[%swap3A_631] {strides = array<i32>} : memref<2048xi32, #tpu.memory_space<vmem>>, vector<16xi32>,
            tpu.vector_store %arg19[%swap3A_631], %while3A_565#0 {strides = array<i32>} : memref<2048xi32, #tpu.memory_space<vmem>>, vector<16xi32>,
          } else {
          }
          %reduce_max3A_581 = arith.constant true
          %reduce_max3A_582 = vector.broadcast %reduce_max3A_581 : i1 to vector<16xi1>
          %reduce_max3A_583 = arith.constant -2147483648 : i32
          %reduce_max3A_584 = vector.broadcast %reduce_max3A_583 : i32 to vector<16xi32>
          %reduce_max3A_585 = arith.xori %and3A_462, %reduce_max3A_584 : vector<16xi32>
          %reduce_max3A_586 = tpu.scan <max>, %reduce_max3A_585 masked %reduce_max3A_582 : vector<16xi32>, vector<16xi1> -> vector<16xi32>
          %reduce_max3A_587 = arith.xori %reduce_max3A_586, %reduce_max3A_584 : vector<16xi32>
          %reduce_max3A_588 = vector.extract %reduce_max3A_587[15] : i32 from vector<16xi32>
          %mul3A_589 = arith.constant 4 : i32
          %mul3A_590 = arith.muli %while3A_382, %mul3A_589 : i32
          %add3A_591 = arith.constant 1 : i32
          %add3A_592 = arith.addi %mul3A_590, %add3A_591 : i32
          %lt3A_593 = arith.cmpi slt, %add3A_592, %select_n3A_323 : i32
          %convert_element_type3A_594 = arith.extui %lt3A_593 : i1 to i32
          %cond3A_595 = arith.constant 0 : i32
          %cond3A_596 = arith.cmpi ne, %convert_element_type3A_594, %cond3A_595 : i32
          scf.if %cond3A_596 {
            %mul3A_629 = arith.constant 16 : i32
            %mul3A_630 = arith.muli %reduce_max3A_588, %mul3A_629 : i32
            %swap3A_631 = arith.index_cast %mul3A_630 : i32 to index
            %swap3A_632 = tpu.vector_load %arg19[%swap3A_631] {strides = array<i32>} : memref<2048xi32, #tpu.memory_space<vmem>>, vector<16xi32>,
            tpu.vector_store %arg19[%swap3A_631], %while3A_565#1 {strides = array<i32>} : memref<2048xi32, #tpu.memory_space<vmem>>, vector<16xi32>,
          } else {
          }
          %reduce_max3A_597 = arith.constant true
          %reduce_max3A_598 = vector.broadcast %reduce_max3A_597 : i1 to vector<16xi1>
          %reduce_max3A_599 = arith.constant -2147483648 : i32
          %reduce_max3A_600 = vector.broadcast %reduce_max3A_599 : i32 to vector<16xi32>
          %reduce_max3A_601 = arith.xori %and3A_489, %reduce_max3A_600 : vector<16xi32>
          %reduce_max3A_602 = tpu.scan <max>, %reduce_max3A_601 masked %reduce_max3A_598 : vector<16xi32>, vector<16xi1> -> vector<16xi32>
          %reduce_max3A_603 = arith.xori %reduce_max3A_602, %reduce_max3A_600 : vector<16xi32>
          %reduce_max3A_604 = vector.extract %reduce_max3A_603[15] : i32 from vector<16xi32>
          %mul3A_605 = arith.constant 4 : i32
          %mul3A_606 = arith.muli %while3A_382, %mul3A_605 : i32
          %add3A_607 = arith.constant 2 : i32
          %add3A_608 = arith.addi %mul3A_606, %add3A_607 : i32
          %lt3A_609 = arith.cmpi slt, %add3A_608, %select_n3A_323 : i32
          %convert_element_type3A_610 = arith.extui %lt3A_609 : i1 to i32
          %cond3A_611 = arith.constant 0 : i32
          %cond3A_612 = arith.cmpi ne, %convert_element_type3A_610, %cond3A_611 : i32
          scf.if %cond3A_612 {
            %mul3A_629 = arith.constant 16 : i32
            %mul3A_630 = arith.muli %reduce_max3A_604, %mul3A_629 : i32
            %swap3A_631 = arith.index_cast %mul3A_630 : i32 to index
            %swap3A_632 = tpu.vector_load %arg19[%swap3A_631] {strides = array<i32>} : memref<2048xi32, #tpu.memory_space<vmem>>, vector<16xi32>,
            tpu.vector_store %arg19[%swap3A_631], %while3A_565#2 {strides = array<i32>} : memref<2048xi32, #tpu.memory_space<vmem>>, vector<16xi32>,
          } else {
          }
          %reduce_max3A_613 = arith.constant true
          %reduce_max3A_614 = vector.broadcast %reduce_max3A_613 : i1 to vector<16xi1>
          %reduce_max3A_615 = arith.constant -2147483648 : i32
          %reduce_max3A_616 = vector.broadcast %reduce_max3A_615 : i32 to vector<16xi32>
          %reduce_max3A_617 = arith.xori %and3A_516, %reduce_max3A_616 : vector<16xi32>
          %reduce_max3A_618 = tpu.scan <max>, %reduce_max3A_617 masked %reduce_max3A_614 : vector<16xi32>, vector<16xi1> -> vector<16xi32>
          %reduce_max3A_619 = arith.xori %reduce_max3A_618, %reduce_max3A_616 : vector<16xi32>
          %reduce_max3A_620 = vector.extract %reduce_max3A_619[15] : i32 from vector<16xi32>
          %mul3A_621 = arith.constant 4 : i32
          %mul3A_622 = arith.muli %while3A_382, %mul3A_621 : i32
          %add3A_623 = arith.constant 3 : i32
          %add3A_624 = arith.addi %mul3A_622, %add3A_623 : i32
          %lt3A_625 = arith.cmpi slt, %add3A_624, %select_n3A_323 : i32
          %convert_element_type3A_626 = arith.extui %lt3A_625 : i1 to i32
          %cond3A_627 = arith.constant 0 : i32
          %cond3A_628 = arith.cmpi ne, %convert_element_type3A_626, %cond3A_627 : i32
          scf.if %cond3A_628 {
            %mul3A_629 = arith.constant 16 : i32
            %mul3A_630 = arith.muli %reduce_max3A_620, %mul3A_629 : i32
            %swap3A_631 = arith.index_cast %mul3A_630 : i32 to index
            %swap3A_632 = tpu.vector_load %arg19[%swap3A_631] {strides = array<i32>} : memref<2048xi32, #tpu.memory_space<vmem>>, vector<16xi32>,
            tpu.vector_store %arg19[%swap3A_631], %while3A_565#3 {strides = array<i32>} : memref<2048xi32, #tpu.memory_space<vmem>>, vector<16xi32>,
          } else {
          }
        }
      }
      %scan3A_287 = arith.constant 4 : i32
    } else {
      %scan3A_282 = arith.constant 0 : i32
      %scan3A_283 = arith.constant 0 : i32
      %scan3A_284 = arith.constant 32 : i32
      %scan3A_285 = arith.addi %scan3A_283, %scan3A_284 : i32
      %scan3A_286 = arith.constant 1 : i32
      scf.for %scan3A_288 = %scan3A_283 to %scan3A_285 step %scan3A_286  : i32 {
        %mul3A_289 = arith.constant 4 : i32
        %mul3A_290 = arith.muli %scan3A_288, %mul3A_289 : i32
        %add3A_291 = arith.constant 0 : i32
        %add3A_292 = arith.addi %mul3A_290, %add3A_291 : i32
        %broadcast_in_dim3A_293 = vector.broadcast %add3A_292 : i32 to vector<16xi32>
        %gather3A = tpu.vector_load_idx %arg13[%broadcast_in_dim3A_293] : memref<128xi32, #tpu.memory_space<vmem>>[vector<16xi32>], vector<16xi32>,
        %add3A_294 = arith.constant 1 : i32
        %add3A_295 = arith.addi %mul3A_290, %add3A_294 : i32
        %broadcast_in_dim3A_296 = vector.broadcast %add3A_295 : i32 to vector<16xi32>
        %gather3A_297 = tpu.vector_load_idx %arg13[%broadcast_in_dim3A_296] : memref<128xi32, #tpu.memory_space<vmem>>[vector<16xi32>], vector<16xi32>,
        %add3A_298 = arith.constant 2 : i32
        %add3A_299 = arith.addi %mul3A_290, %add3A_298 : i32
        %broadcast_in_dim3A_300 = vector.broadcast %add3A_299 : i32 to vector<16xi32>
        %gather3A_301 = tpu.vector_load_idx %arg13[%broadcast_in_dim3A_300] : memref<128xi32, #tpu.memory_space<vmem>>[vector<16xi32>], vector<16xi32>,
        %add3A_302 = arith.constant 3 : i32
        %add3A_303 = arith.addi %mul3A_290, %add3A_302 : i32
        %broadcast_in_dim3A_304 = vector.broadcast %add3A_303 : i32 to vector<16xi32>
        %gather3A_305 = tpu.vector_load_idx %arg13[%broadcast_in_dim3A_304] : memref<128xi32, #tpu.memory_space<vmem>>[vector<16xi32>], vector<16xi32>,
        %add3A_306 = arith.constant 0 : i32
        %add3A_307 = arith.addi %mul3A_290, %add3A_306 : i32
        %broadcast_in_dim3A_308 = vector.broadcast %add3A_307 : i32 to vector<16xi32>
        %gather3A_309 = tpu.vector_load_idx %arg14[%broadcast_in_dim3A_308] : memref<128xi32, #tpu.memory_space<vmem>>[vector<16xi32>], vector<16xi32>,
        %add3A_310 = arith.constant 1 : i32
        %add3A_311 = arith.addi %mul3A_290, %add3A_310 : i32
        %broadcast_in_dim3A_312 = vector.broadcast %add3A_311 : i32 to vector<16xi32>
        %gather3A_313 = tpu.vector_load_idx %arg14[%broadcast_in_dim3A_312] : memref<128xi32, #tpu.memory_space<vmem>>[vector<16xi32>], vector<16xi32>,
        %add3A_314 = arith.constant 2 : i32
        %add3A_315 = arith.addi %mul3A_290, %add3A_314 : i32
        %broadcast_in_dim3A_316 = vector.broadcast %add3A_315 : i32 to vector<16xi32>
        %gather3A_317 = tpu.vector_load_idx %arg14[%broadcast_in_dim3A_316] : memref<128xi32, #tpu.memory_space<vmem>>[vector<16xi32>], vector<16xi32>,
        %add3A_318 = arith.constant 3 : i32
        %add3A_319 = arith.addi %mul3A_290, %add3A_318 : i32
        %broadcast_in_dim3A_320 = vector.broadcast %add3A_319 : i32 to vector<16xi32>
        %gather3A_321 = tpu.vector_load_idx %arg14[%broadcast_in_dim3A_320] : memref<128xi32, #tpu.memory_space<vmem>>[vector<16xi32>], vector<16xi32>,
        %add3A_322 = arith.constant 0 : i32
        %add3A_323 = arith.addi %mul3A_290, %add3A_322 : i32
        %broadcast_in_dim3A_324 = vector.broadcast %add3A_323 : i32 to vector<16xi32>
        %gather3A_325 = tpu.vector_load_idx %arg15[%broadcast_in_dim3A_324] : memref<128xi32, #tpu.memory_space<vmem>>[vector<16xi32>], vector<16xi32>,
        %add3A_326 = arith.constant 1 : i32
        %add3A_327 = arith.addi %mul3A_290, %add3A_326 : i32
        %broadcast_in_dim3A_328 = vector.broadcast %add3A_327 : i32 to vector<16xi32>
        %gather3A_329 = tpu.vector_load_idx %arg15[%broadcast_in_dim3A_328] : memref<128xi32, #tpu.memory_space<vmem>>[vector<16xi32>], vector<16xi32>,
        %add3A_330 = arith.constant 2 : i32
        %add3A_331 = arith.addi %mul3A_290, %add3A_330 : i32
        %broadcast_in_dim3A_332 = vector.broadcast %add3A_331 : i32 to vector<16xi32>
        %gather3A_333 = tpu.vector_load_idx %arg15[%broadcast_in_dim3A_332] : memref<128xi32, #tpu.memory_space<vmem>>[vector<16xi32>], vector<16xi32>,
        %add3A_334 = arith.constant 3 : i32
        %add3A_335 = arith.addi %mul3A_290, %add3A_334 : i32
        %broadcast_in_dim3A_336 = vector.broadcast %add3A_335 : i32 to vector<16xi32>
        %gather3A_337 = tpu.vector_load_idx %arg15[%broadcast_in_dim3A_336] : memref<128xi32, #tpu.memory_space<vmem>>[vector<16xi32>], vector<16xi32>,
        %add3A_338 = arith.constant 0 : i32
        %add3A_339 = arith.addi %mul3A_290, %add3A_338 : i32
        %broadcast_in_dim3A_340 = vector.broadcast %add3A_339 : i32 to vector<16xi32>
        %gather3A_341 = tpu.vector_load_idx %arg16[%broadcast_in_dim3A_340] : memref<128xi32, #tpu.memory_space<vmem>>[vector<16xi32>], vector<16xi32>,
        %add3A_342 = arith.constant 1 : i32
        %add3A_343 = arith.addi %mul3A_290, %add3A_342 : i32
        %broadcast_in_dim3A_344 = vector.broadcast %add3A_343 : i32 to vector<16xi32>
        %gather3A_345 = tpu.vector_load_idx %arg16[%broadcast_in_dim3A_344] : memref<128xi32, #tpu.memory_space<vmem>>[vector<16xi32>], vector<16xi32>,
        %add3A_346 = arith.constant 2 : i32
        %add3A_347 = arith.addi %mul3A_290, %add3A_346 : i32
        %broadcast_in_dim3A_348 = vector.broadcast %add3A_347 : i32 to vector<16xi32>
        %gather3A_349 = tpu.vector_load_idx %arg16[%broadcast_in_dim3A_348] : memref<128xi32, #tpu.memory_space<vmem>>[vector<16xi32>], vector<16xi32>,
        %add3A_350 = arith.constant 3 : i32
        %add3A_351 = arith.addi %mul3A_290, %add3A_350 : i32
        %broadcast_in_dim3A_352 = vector.broadcast %add3A_351 : i32 to vector<16xi32>
        %gather3A_353 = tpu.vector_load_idx %arg16[%broadcast_in_dim3A_352] : memref<128xi32, #tpu.memory_space<vmem>>[vector<16xi32>], vector<16xi32>,
        %scan3A_354 = arith.constant 0 : i32
        %scan3A_355 = arith.constant 512 : i32
        %scan3A_356 = arith.addi %scan3A_354, %scan3A_355 : i32
        %scan3A_357 = arith.constant 1 : i32
        %scan3A_358:4 = scf.for %scan3A_384 = %scan3A_354 to %scan3A_356 step %scan3A_357 iter_args(%scan3A_385 = %broadcast_in_dim3A_75, %scan3A_386 = %broadcast_in_dim3A_75, %scan3A_387 = %broadcast_in_dim3A_75, %scan3A_388 = %broadcast_in_dim3A_75) -> (vector<16xi32>, vector<16xi32>, vector<16xi32>, vector<16xi32>)  : i32 {
          %mul3A_389 = arith.constant 16 : i32
          %mul3A_390 = arith.muli %scan3A_384, %mul3A_389 : i32
          %get3A = arith.index_cast %mul3A_390 : i32 to index
          %get3A_391 = tpu.vector_load %arg9[%get3A] {strides = array<i32>} : memref<8192xi32, #tpu.memory_space<vmem>>, vector<16xi32>,
          %get3A_392 = arith.index_cast %mul3A_390 : i32 to index
          %get3A_393 = tpu.vector_load %arg10[%get3A_392] {strides = array<i32>} : memref<8192xi32, #tpu.memory_space<vmem>>, vector<16xi32>,
          %get3A_394 = arith.index_cast %mul3A_390 : i32 to index
          %get3A_395 = tpu.vector_load %arg11[%get3A_394] {strides = array<i32>} : memref<8192xi32, #tpu.memory_space<vmem>>, vector<16xi32>,
          %get3A_396 = arith.index_cast %mul3A_390 : i32 to index
          %get3A_397 = tpu.vector_load %arg12[%get3A_396] {strides = array<i32>} : memref<8192xi32, #tpu.memory_space<vmem>>, vector<16xi32>,
          %add3A_398 = vector.broadcast %mul3A_390 : i32 to vector<16xi32>
          %add3A_399 = arith.addi %iota3A, %add3A_398 : vector<16xi32>
          %or3A = arith.constant 2147475456 : i32
          %or3A_400 = vector.broadcast %or3A : i32 to vector<16xi32>
          %or3A_401 = arith.ori %add3A_399, %or3A_400 : vector<16xi32>
          %sub3A = arith.subi %get3A_391, %gather3A : vector<16xi32>
          %sub3A_402 = arith.subi %get3A_393, %gather3A_309 : vector<16xi32>
          %sub3A_403 = arith.subi %get3A_395, %gather3A_325 : vector<16xi32>
          %mul3A_404 = arith.muli %sub3A, %sub3A : vector<16xi32>
          %mul3A_405 = arith.muli %sub3A_402, %sub3A_402 : vector<16xi32>
          %add3A_406 = arith.addi %mul3A_404, %mul3A_405 : vector<16xi32>
          %mul3A_407 = arith.muli %sub3A_403, %sub3A_403 : vector<16xi32>
          %add3A_408 = arith.addi %add3A_406, %mul3A_407 : vector<16xi32>
          %eq3A = arith.cmpi eq, %get3A_397, %gather3A_341 : vector<16xi32>
          %shift_left3A = arith.constant 13 : i32
          %shift_left3A_409 = vector.broadcast %shift_left3A : i32 to vector<16xi32>
          %shift_left3A_410 = arith.shli %add3A_408, %shift_left3A_409 : vector<16xi32>
          %or3A_411 = arith.ori %shift_left3A_410, %add3A_399 : vector<16xi32>
          %select_n3A = arith.select %eq3A, %or3A_411, %or3A_401 : vector<16xi1>, vector<16xi32>
          %sort3A = arith.constant dense<true> : vector<16xi1>
          %sort3A_412, %sort3A_413, %sort3A_414 = tpu.sort %select_n3A, %select_n3A masked %sort3A : (vector<16xi32>, vector<16xi32>, vector<16xi1>) -> (vector<16xi1>, vector<16xi32>, vector<16xi32>)
          %rev3A = arith.constant 15 : i32
          %rev3A_415 = vector.broadcast %rev3A : i32 to vector<16xi32>
          %rev3A_416 = tpu.iota {dimensions = array<i32: 0>} : vector<16xi32>
          %rev3A_417 = arith.subi %rev3A_415, %rev3A_416 : vector<16xi32>
          %rev3A_418 = tpu.dynamic_gather %sort3A_413[%rev3A_417] in [0] : vector<16xi32>, vector<16xi32> -> vector<16xi32>
          %min3A_419 = arith.minsi %scan3A_385, %rev3A_418 : vector<16xi32>
          %sort3A_420 = arith.constant dense<true> : vector<16xi1>
          %sort3A_421, %sort3A_422, %sort3A_423 = tpu.sort %min3A_419, %min3A_419 masked %sort3A_420 : (vector<16xi32>, vector<16xi32>, vector<16xi1>) -> (vector<16xi1>, vector<16xi32>, vector<16xi32>)
          %sub3A_424 = arith.subi %get3A_391, %gather3A_297 : vector<16xi32>
          %sub3A_425 = arith.subi %get3A_393, %gather3A_313 : vector<16xi32>
          %sub3A_426 = arith.subi %get3A_395, %gather3A_329 : vector<16xi32>
          %mul3A_427 = arith.muli %sub3A_424, %sub3A_424 : vector<16xi32>
          %mul3A_428 = arith.muli %sub3A_425, %sub3A_425 : vector<16xi32>
          %add3A_429 = arith.addi %mul3A_427, %mul3A_428 : vector<16xi32>
          %mul3A_430 = arith.muli %sub3A_426, %sub3A_426 : vector<16xi32>
          %add3A_431 = arith.addi %add3A_429, %mul3A_430 : vector<16xi32>
          %eq3A_432 = arith.cmpi eq, %get3A_397, %gather3A_345 : vector<16xi32>
          %shift_left3A_433 = arith.constant 13 : i32
          %shift_left3A_434 = vector.broadcast %shift_left3A_433 : i32 to vector<16xi32>
          %shift_left3A_435 = arith.shli %add3A_431, %shift_left3A_434 : vector<16xi32>
          %or3A_436 = arith.ori %shift_left3A_435, %add3A_399 : vector<16xi32>
          %select_n3A_437 = arith.select %eq3A_432, %or3A_436, %or3A_401 : vector<16xi1>, vector<16xi32>
          %sort3A_438 = arith.constant dense<true> : vector<16xi1>
          %sort3A_439, %sort3A_440, %sort3A_441 = tpu.sort %select_n3A_437, %select_n3A_437 masked %sort3A_438 : (vector<16xi32>, vector<16xi32>, vector<16xi1>) -> (vector<16xi1>, vector<16xi32>, vector<16xi32>)
          %rev3A_442 = arith.constant 15 : i32
          %rev3A_443 = vector.broadcast %rev3A_442 : i32 to vector<16xi32>
          %rev3A_444 = tpu.iota {dimensions = array<i32: 0>} : vector<16xi32>
          %rev3A_445 = arith.subi %rev3A_443, %rev3A_444 : vector<16xi32>
          %rev3A_446 = tpu.dynamic_gather %sort3A_440[%rev3A_445] in [0] : vector<16xi32>, vector<16xi32> -> vector<16xi32>
          %min3A_447 = arith.minsi %scan3A_386, %rev3A_446 : vector<16xi32>
          %sort3A_448 = arith.constant dense<true> : vector<16xi1>
          %sort3A_449, %sort3A_450, %sort3A_451 = tpu.sort %min3A_447, %min3A_447 masked %sort3A_448 : (vector<16xi32>, vector<16xi32>, vector<16xi1>) -> (vector<16xi1>, vector<16xi32>, vector<16xi32>)
          %sub3A_452 = arith.subi %get3A_391, %gather3A_301 : vector<16xi32>
          %sub3A_453 = arith.subi %get3A_393, %gather3A_317 : vector<16xi32>
          %sub3A_454 = arith.subi %get3A_395, %gather3A_333 : vector<16xi32>
          %mul3A_455 = arith.muli %sub3A_452, %sub3A_452 : vector<16xi32>
          %mul3A_456 = arith.muli %sub3A_453, %sub3A_453 : vector<16xi32>
          %add3A_457 = arith.addi %mul3A_455, %mul3A_456 : vector<16xi32>
          %mul3A_458 = arith.muli %sub3A_454, %sub3A_454 : vector<16xi32>
          %add3A_459 = arith.addi %add3A_457, %mul3A_458 : vector<16xi32>
          %eq3A_460 = arith.cmpi eq, %get3A_397, %gather3A_349 : vector<16xi32>
          %shift_left3A_461 = arith.constant 13 : i32
          %shift_left3A_462 = vector.broadcast %shift_left3A_461 : i32 to vector<16xi32>
          %shift_left3A_463 = arith.shli %add3A_459, %shift_left3A_462 : vector<16xi32>
          %or3A_464 = arith.ori %shift_left3A_463, %add3A_399 : vector<16xi32>
          %select_n3A_465 = arith.select %eq3A_460, %or3A_464, %or3A_401 : vector<16xi1>, vector<16xi32>
          %sort3A_466 = arith.constant dense<true> : vector<16xi1>
          %sort3A_467, %sort3A_468, %sort3A_469 = tpu.sort %select_n3A_465, %select_n3A_465 masked %sort3A_466 : (vector<16xi32>, vector<16xi32>, vector<16xi1>) -> (vector<16xi1>, vector<16xi32>, vector<16xi32>)
          %rev3A_470 = arith.constant 15 : i32
          %rev3A_471 = vector.broadcast %rev3A_470 : i32 to vector<16xi32>
          %rev3A_472 = tpu.iota {dimensions = array<i32: 0>} : vector<16xi32>
          %rev3A_473 = arith.subi %rev3A_471, %rev3A_472 : vector<16xi32>
          %rev3A_474 = tpu.dynamic_gather %sort3A_468[%rev3A_473] in [0] : vector<16xi32>, vector<16xi32> -> vector<16xi32>
          %min3A_475 = arith.minsi %scan3A_387, %rev3A_474 : vector<16xi32>
          %sort3A_476 = arith.constant dense<true> : vector<16xi1>
          %sort3A_477, %sort3A_478, %sort3A_479 = tpu.sort %min3A_475, %min3A_475 masked %sort3A_476 : (vector<16xi32>, vector<16xi32>, vector<16xi1>) -> (vector<16xi1>, vector<16xi32>, vector<16xi32>)
          %sub3A_480 = arith.subi %get3A_391, %gather3A_305 : vector<16xi32>
          %sub3A_481 = arith.subi %get3A_393, %gather3A_321 : vector<16xi32>
          %sub3A_482 = arith.subi %get3A_395, %gather3A_337 : vector<16xi32>
          %mul3A_483 = arith.muli %sub3A_480, %sub3A_480 : vector<16xi32>
          %mul3A_484 = arith.muli %sub3A_481, %sub3A_481 : vector<16xi32>
          %add3A_485 = arith.addi %mul3A_483, %mul3A_484 : vector<16xi32>
          %mul3A_486 = arith.muli %sub3A_482, %sub3A_482 : vector<16xi32>
          %add3A_487 = arith.addi %add3A_485, %mul3A_486 : vector<16xi32>
          %eq3A_488 = arith.cmpi eq, %get3A_397, %gather3A_353 : vector<16xi32>
          %shift_left3A_489 = arith.constant 13 : i32
          %shift_left3A_490 = vector.broadcast %shift_left3A_489 : i32 to vector<16xi32>
          %shift_left3A_491 = arith.shli %add3A_487, %shift_left3A_490 : vector<16xi32>
          %or3A_492 = arith.ori %shift_left3A_491, %add3A_399 : vector<16xi32>
          %select_n3A_493 = arith.select %eq3A_488, %or3A_492, %or3A_401 : vector<16xi1>, vector<16xi32>
          %sort3A_494 = arith.constant dense<true> : vector<16xi1>
          %sort3A_495, %sort3A_496, %sort3A_497 = tpu.sort %select_n3A_493, %select_n3A_493 masked %sort3A_494 : (vector<16xi32>, vector<16xi32>, vector<16xi1>) -> (vector<16xi1>, vector<16xi32>, vector<16xi32>)
          %rev3A_498 = arith.constant 15 : i32
          %rev3A_499 = vector.broadcast %rev3A_498 : i32 to vector<16xi32>
          %rev3A_500 = tpu.iota {dimensions = array<i32: 0>} : vector<16xi32>
          %rev3A_501 = arith.subi %rev3A_499, %rev3A_500 : vector<16xi32>
          %rev3A_502 = tpu.dynamic_gather %sort3A_496[%rev3A_501] in [0] : vector<16xi32>, vector<16xi32> -> vector<16xi32>
          %min3A_503 = arith.minsi %scan3A_388, %rev3A_502 : vector<16xi32>
          %sort3A_504 = arith.constant dense<true> : vector<16xi1>
          %sort3A_505, %sort3A_506, %sort3A_507 = tpu.sort %min3A_503, %min3A_503 masked %sort3A_504 : (vector<16xi32>, vector<16xi32>, vector<16xi1>) -> (vector<16xi1>, vector<16xi32>, vector<16xi32>)
          scf.yield %sort3A_422, %sort3A_450, %sort3A_478, %sort3A_506 : vector<16xi32>, vector<16xi32>, vector<16xi32>, vector<16xi32>
        }
        %scan3A_359 = arith.constant 512 : i32
        %add3A_360 = arith.constant 0 : i32
        %add3A_361 = arith.addi %mul3A_290, %add3A_360 : i32
        %mul3A_362 = arith.constant 16 : i32
        %mul3A_363 = arith.muli %add3A_361, %mul3A_362 : i32
        %swap3A_364 = arith.index_cast %mul3A_363 : i32 to index
        %swap3A_365 = tpu.vector_load %arg19[%swap3A_364] {strides = array<i32>} : memref<2048xi32, #tpu.memory_space<vmem>>, vector<16xi32>,
        tpu.vector_store %arg19[%swap3A_364], %scan3A_358#0 {strides = array<i32>} : memref<2048xi32, #tpu.memory_space<vmem>>, vector<16xi32>,
        %add3A_366 = arith.constant 1 : i32
        %add3A_367 = arith.addi %mul3A_290, %add3A_366 : i32
        %mul3A_368 = arith.constant 16 : i32
        %mul3A_369 = arith.muli %add3A_367, %mul3A_368 : i32
        %swap3A_370 = arith.index_cast %mul3A_369 : i32 to index
        %swap3A_371 = tpu.vector_load %arg19[%swap3A_370] {strides = array<i32>} : memref<2048xi32, #tpu.memory_space<vmem>>, vector<16xi32>,
        tpu.vector_store %arg19[%swap3A_370], %scan3A_358#1 {strides = array<i32>} : memref<2048xi32, #tpu.memory_space<vmem>>, vector<16xi32>,
        %add3A_372 = arith.constant 2 : i32
        %add3A_373 = arith.addi %mul3A_290, %add3A_372 : i32
        %mul3A_374 = arith.constant 16 : i32
        %mul3A_375 = arith.muli %add3A_373, %mul3A_374 : i32
        %swap3A_376 = arith.index_cast %mul3A_375 : i32 to index
        %swap3A_377 = tpu.vector_load %arg19[%swap3A_376] {strides = array<i32>} : memref<2048xi32, #tpu.memory_space<vmem>>, vector<16xi32>,
        tpu.vector_store %arg19[%swap3A_376], %scan3A_358#2 {strides = array<i32>} : memref<2048xi32, #tpu.memory_space<vmem>>, vector<16xi32>,
        %add3A_378 = arith.constant 3 : i32
        %add3A_379 = arith.addi %mul3A_290, %add3A_378 : i32
        %mul3A_380 = arith.constant 16 : i32
        %mul3A_381 = arith.muli %add3A_379, %mul3A_380 : i32
        %swap3A_382 = arith.index_cast %mul3A_381 : i32 to index
        %swap3A_383 = tpu.vector_load %arg19[%swap3A_382] {strides = array<i32>} : memref<2048xi32, #tpu.memory_space<vmem>>, vector<16xi32>,
        tpu.vector_store %arg19[%swap3A_382], %scan3A_358#3 {strides = array<i32>} : memref<2048xi32, #tpu.memory_space<vmem>>, vector<16xi32>,
      }
      %scan3A_287 = arith.constant 32 : i32
    }
    %broadcast_in_dim3A_140 = arith.constant 0.000000e+00 : f32
    %broadcast_in_dim3A_141 = vector.broadcast %broadcast_in_dim3A_140 : f32 to vector<16xf32>
    %scan3A_142 = arith.constant 0 : i32
    %scan3A_143 = arith.constant 128 : i32
    %scan3A_144 = arith.addi %scan3A_142, %scan3A_143 : i32
    %scan3A_145 = arith.constant 1 : i32
    %scan3A_146 = scf.for %scan3A_282 = %scan3A_142 to %scan3A_144 step %scan3A_145 iter_args(%scan3A_283 = %broadcast_in_dim3A_141) -> (vector<16xf32>)  : i32 {
      %broadcast_in_dim3A_284 = vector.broadcast %scan3A_282 : i32 to vector<16xi32>
      %mul3A_285 = arith.constant 16 : i32
      %mul3A_286 = arith.muli %scan3A_282, %mul3A_285 : i32
      %get3A = arith.index_cast %mul3A_286 : i32 to index
      %get3A_287 = tpu.vector_load %arg19[%get3A] {strides = array<i32>} : memref<2048xi32, #tpu.memory_space<vmem>>, vector<16xi32>,
      %and3A_288 = arith.constant 8191 : i32
      %and3A_289 = vector.broadcast %and3A_288 : i32 to vector<16xi32>
      %and3A_290 = arith.andi %get3A_287, %and3A_289 : vector<16xi32>
      %mul3A_291 = arith.constant 16 : i32
      %mul3A_292 = arith.muli %scan3A_282, %mul3A_291 : i32
      %swap3A_293 = arith.index_cast %mul3A_292 : i32 to index
      %swap3A_294 = tpu.vector_load %arg20[%swap3A_293] {strides = array<i32>} : memref<2048xi32, #tpu.memory_space<vmem>>, vector<16xi32>,
      tpu.vector_store %arg20[%swap3A_293], %and3A_290 {strides = array<i32>} : memref<2048xi32, #tpu.memory_space<vmem>>, vector<16xi32>,
      %and3A_295 = arith.constant 0 : i32
      %and3A_296 = vector.broadcast %and3A_295 : i32 to vector<16xi32>
      %and3A_297 = arith.andi %iota3A, %and3A_296 : vector<16xi32>
      %broadcast_in_dim3A_298 = vector.shape_cast %and3A_297 : vector<16xi32> to vector<16x1xi32>
      %gather3A = vector.shape_cast %broadcast_in_dim3A_298 : vector<16x1xi32> to vector<16xi32>
      %gather3A_299 = tpu.dynamic_gather %get3A_287[%gather3A] in [0] : vector<16xi32>, vector<16xi32> -> vector<16xi32>
      %lt3A = arith.constant 2147475456 : i32
      %lt3A_300 = vector.broadcast %lt3A : i32 to vector<16xi32>
      %lt3A_301 = arith.cmpi slt, %gather3A_299, %lt3A_300 : vector<16xi32>
      %jit3A = arith.constant 1.000000e+00 : f32
      %jit3A_302 = arith.constant 0.000000e+00 : f32
      %broadcast_in_dim3A_303 = vector.broadcast %jit3A : f32 to vector<16xf32>
      %broadcast_in_dim3A_304 = vector.broadcast %jit3A_302 : f32 to vector<16xf32>
      %select_n3A = arith.select %lt3A_301, %broadcast_in_dim3A_303, %broadcast_in_dim3A_304 : vector<16xi1>, vector<16xf32>
      %eq3A = arith.constant 0 : i32
      %eq3A_305 = vector.broadcast %eq3A : i32 to vector<16xi32>
      %eq3A_306 = arith.cmpi eq, %iota3A, %eq3A_305 : vector<16xi32>
      tpu.vector_store_idx %arg24[%broadcast_in_dim3A_284], %select_n3A masked %eq3A_306 : memref<128xf32, #tpu.memory_space<vmem>>[vector<16xi32>], vector<16xf32>, vector<16xi1>
      %gather3A_307 = tpu.vector_load_idx %arg13[%broadcast_in_dim3A_284] : memref<128xi32, #tpu.memory_space<vmem>>[vector<16xi32>], vector<16xi32>,
      %gather3A_308 = tpu.vector_load_idx %arg14[%broadcast_in_dim3A_284] : memref<128xi32, #tpu.memory_space<vmem>>[vector<16xi32>], vector<16xi32>,
      %gather3A_309 = tpu.vector_load_idx %arg15[%broadcast_in_dim3A_284] : memref<128xi32, #tpu.memory_space<vmem>>[vector<16xi32>], vector<16xi32>,
      %gather3A_310 = tpu.vector_load_idx %arg9[%and3A_290] : memref<8192xi32, #tpu.memory_space<vmem>>[vector<16xi32>], vector<16xi32>,
      %gather3A_311 = tpu.vector_load_idx %arg10[%and3A_290] : memref<8192xi32, #tpu.memory_space<vmem>>[vector<16xi32>], vector<16xi32>,
      %gather3A_312 = tpu.vector_load_idx %arg11[%and3A_290] : memref<8192xi32, #tpu.memory_space<vmem>>[vector<16xi32>], vector<16xi32>,
      %sub3A = arith.subi %gather3A_312, %gather3A_309 : vector<16xi32>
      %convert_element_type3A_313 = arith.sitofp %sub3A : vector<16xi32> to vector<16xf32>
      %sub3A_314 = arith.subi %gather3A_311, %gather3A_308 : vector<16xi32>
      %convert_element_type3A_315 = arith.sitofp %sub3A_314 : vector<16xi32> to vector<16xf32>
      %sub3A_316 = arith.subi %gather3A_310, %gather3A_307 : vector<16xi32>
      %convert_element_type3A_317 = arith.sitofp %sub3A_316 : vector<16xi32> to vector<16xf32>
      %get3A_318 = arith.index_cast %scan3A_282 : i32 to index
      %get3A_319 = arith.constant 0 : index
      %get3A_320 = tpu.vector_load %arg17[%get3A_318, %get3A_319] {strides = array<i32>} : memref<128x16xf32, #tpu.memory_space<vmem>>, vector<16xf32>,
      %broadcast_in_dim3A_321 = arith.constant 0.000000e+00 : f32
      %broadcast_in_dim3A_322 = vector.broadcast %broadcast_in_dim3A_321 : f32 to vector<16xf32>
      %broadcast_in_dim3A_323 = arith.constant 0 : i32
      %broadcast_in_dim3A_324 = vector.broadcast %broadcast_in_dim3A_323 : i32 to vector<16xi32>
      %broadcast_in_dim3A_325 = vector.shape_cast %broadcast_in_dim3A_324 : vector<16xi32> to vector<16x1xi32>
      %gather3A_326 = vector.shape_cast %broadcast_in_dim3A_325 : vector<16x1xi32> to vector<16xi32>
      %gather3A_327 = tpu.dynamic_gather %get3A_320[%gather3A_326] in [0] : vector<16xf32>, vector<16xi32> -> vector<16xf32>
      %sub3A_328 = arith.subf %gather3A_327, %convert_element_type3A_313 : vector<16xf32>
      %abs3A = math.absf %sub3A_328 : vector<16xf32>
      %lt3A_329 = arith.constant 1.000000e+00 : f32
      %lt3A_330 = vector.broadcast %lt3A_329 : f32 to vector<16xf32>
      %lt3A_331 = arith.cmpf olt, %abs3A, %lt3A_330 : vector<16xf32>
      %mul3A_332 = arith.constant 5.000000e-01 : f32
      %mul3A_333 = vector.broadcast %mul3A_332 : f32 to vector<16xf32>
      %mul3A_334 = arith.mulf %mul3A_333, %sub3A_328 : vector<16xf32>
      %mul3A_335 = arith.mulf %mul3A_334, %sub3A_328 : vector<16xf32>
      %sub3A_336 = arith.constant 5.000000e-01 : f32
      %sub3A_337 = vector.broadcast %sub3A_336 : f32 to vector<16xf32>
      %sub3A_338 = arith.subf %abs3A, %sub3A_337 : vector<16xf32>
      %select_n3A_339 = arith.select %lt3A_331, %mul3A_335, %sub3A_338 : vector<16xi1>, vector<16xf32>
      %add3A_340 = arith.addf %broadcast_in_dim3A_322, %select_n3A_339 : vector<16xf32>
      %broadcast_in_dim3A_341 = arith.constant 1 : i32
      %broadcast_in_dim3A_342 = vector.broadcast %broadcast_in_dim3A_341 : i32 to vector<16xi32>
      %broadcast_in_dim3A_343 = vector.shape_cast %broadcast_in_dim3A_342 : vector<16xi32> to vector<16x1xi32>
      %gather3A_344 = vector.shape_cast %broadcast_in_dim3A_343 : vector<16x1xi32> to vector<16xi32>
      %gather3A_345 = tpu.dynamic_gather %get3A_320[%gather3A_344] in [0] : vector<16xf32>, vector<16xi32> -> vector<16xf32>
      %sub3A_346 = arith.subf %gather3A_345, %convert_element_type3A_315 : vector<16xf32>
      %abs3A_347 = math.absf %sub3A_346 : vector<16xf32>
      %lt3A_348 = arith.constant 1.000000e+00 : f32
      %lt3A_349 = vector.broadcast %lt3A_348 : f32 to vector<16xf32>
      %lt3A_350 = arith.cmpf olt, %abs3A_347, %lt3A_349 : vector<16xf32>
      %mul3A_351 = arith.constant 5.000000e-01 : f32
      %mul3A_352 = vector.broadcast %mul3A_351 : f32 to vector<16xf32>
      %mul3A_353 = arith.mulf %mul3A_352, %sub3A_346 : vector<16xf32>
      %mul3A_354 = arith.mulf %mul3A_353, %sub3A_346 : vector<16xf32>
      %sub3A_355 = arith.constant 5.000000e-01 : f32
      %sub3A_356 = vector.broadcast %sub3A_355 : f32 to vector<16xf32>
      %sub3A_357 = arith.subf %abs3A_347, %sub3A_356 : vector<16xf32>
      %select_n3A_358 = arith.select %lt3A_350, %mul3A_354, %sub3A_357 : vector<16xi1>, vector<16xf32>
      %add3A_359 = arith.addf %add3A_340, %select_n3A_358 : vector<16xf32>
      %broadcast_in_dim3A_360 = arith.constant 2 : i32
      %broadcast_in_dim3A_361 = vector.broadcast %broadcast_in_dim3A_360 : i32 to vector<16xi32>
      %broadcast_in_dim3A_362 = vector.shape_cast %broadcast_in_dim3A_361 : vector<16xi32> to vector<16x1xi32>
      %gather3A_363 = vector.shape_cast %broadcast_in_dim3A_362 : vector<16x1xi32> to vector<16xi32>
      %gather3A_364 = tpu.dynamic_gather %get3A_320[%gather3A_363] in [0] : vector<16xf32>, vector<16xi32> -> vector<16xf32>
      %sub3A_365 = arith.subf %gather3A_364, %convert_element_type3A_317 : vector<16xf32>
      %abs3A_366 = math.absf %sub3A_365 : vector<16xf32>
      %lt3A_367 = arith.constant 1.000000e+00 : f32
      %lt3A_368 = vector.broadcast %lt3A_367 : f32 to vector<16xf32>
      %lt3A_369 = arith.cmpf olt, %abs3A_366, %lt3A_368 : vector<16xf32>
      %mul3A_370 = arith.constant 5.000000e-01 : f32
      %mul3A_371 = vector.broadcast %mul3A_370 : f32 to vector<16xf32>
      %mul3A_372 = arith.mulf %mul3A_371, %sub3A_365 : vector<16xf32>
      %mul3A_373 = arith.mulf %mul3A_372, %sub3A_365 : vector<16xf32>
      %sub3A_374 = arith.constant 5.000000e-01 : f32
      %sub3A_375 = vector.broadcast %sub3A_374 : f32 to vector<16xf32>
      %sub3A_376 = arith.subf %abs3A_366, %sub3A_375 : vector<16xf32>
      %select_n3A_377 = arith.select %lt3A_369, %mul3A_373, %sub3A_376 : vector<16xi1>, vector<16xf32>
      %add3A_378 = arith.addf %add3A_359, %select_n3A_377 : vector<16xf32>
      %broadcast_in_dim3A_379 = arith.constant 3 : i32
      %broadcast_in_dim3A_380 = vector.broadcast %broadcast_in_dim3A_379 : i32 to vector<16xi32>
      %broadcast_in_dim3A_381 = vector.shape_cast %broadcast_in_dim3A_380 : vector<16xi32> to vector<16x1xi32>
      %gather3A_382 = vector.shape_cast %broadcast_in_dim3A_381 : vector<16x1xi32> to vector<16xi32>
      %gather3A_383 = tpu.dynamic_gather %get3A_320[%gather3A_382] in [0] : vector<16xf32>, vector<16xi32> -> vector<16xf32>
      %sub3A_384 = arith.subf %gather3A_383, %convert_element_type3A_313 : vector<16xf32>
      %abs3A_385 = math.absf %sub3A_384 : vector<16xf32>
      %lt3A_386 = arith.constant 1.000000e+00 : f32
      %lt3A_387 = vector.broadcast %lt3A_386 : f32 to vector<16xf32>
      %lt3A_388 = arith.cmpf olt, %abs3A_385, %lt3A_387 : vector<16xf32>
      %mul3A_389 = arith.constant 5.000000e-01 : f32
      %mul3A_390 = vector.broadcast %mul3A_389 : f32 to vector<16xf32>
      %mul3A_391 = arith.mulf %mul3A_390, %sub3A_384 : vector<16xf32>
      %mul3A_392 = arith.mulf %mul3A_391, %sub3A_384 : vector<16xf32>
      %sub3A_393 = arith.constant 5.000000e-01 : f32
      %sub3A_394 = vector.broadcast %sub3A_393 : f32 to vector<16xf32>
      %sub3A_395 = arith.subf %abs3A_385, %sub3A_394 : vector<16xf32>
      %select_n3A_396 = arith.select %lt3A_388, %mul3A_392, %sub3A_395 : vector<16xi1>, vector<16xf32>
      %add3A_397 = arith.addf %add3A_378, %select_n3A_396 : vector<16xf32>
      %broadcast_in_dim3A_398 = arith.constant 4 : i32
      %broadcast_in_dim3A_399 = vector.broadcast %broadcast_in_dim3A_398 : i32 to vector<16xi32>
      %broadcast_in_dim3A_400 = vector.shape_cast %broadcast_in_dim3A_399 : vector<16xi32> to vector<16x1xi32>
      %gather3A_401 = vector.shape_cast %broadcast_in_dim3A_400 : vector<16x1xi32> to vector<16xi32>
      %gather3A_402 = tpu.dynamic_gather %get3A_320[%gather3A_401] in [0] : vector<16xf32>, vector<16xi32> -> vector<16xf32>
      %sub3A_403 = arith.subf %gather3A_402, %convert_element_type3A_315 : vector<16xf32>
      %abs3A_404 = math.absf %sub3A_403 : vector<16xf32>
      %lt3A_405 = arith.constant 1.000000e+00 : f32
      %lt3A_406 = vector.broadcast %lt3A_405 : f32 to vector<16xf32>
      %lt3A_407 = arith.cmpf olt, %abs3A_404, %lt3A_406 : vector<16xf32>
      %mul3A_408 = arith.constant 5.000000e-01 : f32
      %mul3A_409 = vector.broadcast %mul3A_408 : f32 to vector<16xf32>
      %mul3A_410 = arith.mulf %mul3A_409, %sub3A_403 : vector<16xf32>
      %mul3A_411 = arith.mulf %mul3A_410, %sub3A_403 : vector<16xf32>
      %sub3A_412 = arith.constant 5.000000e-01 : f32
      %sub3A_413 = vector.broadcast %sub3A_412 : f32 to vector<16xf32>
      %sub3A_414 = arith.subf %abs3A_404, %sub3A_413 : vector<16xf32>
      %select_n3A_415 = arith.select %lt3A_407, %mul3A_411, %sub3A_414 : vector<16xi1>, vector<16xf32>
      %add3A_416 = arith.addf %add3A_397, %select_n3A_415 : vector<16xf32>
      %broadcast_in_dim3A_417 = arith.constant 5 : i32
      %broadcast_in_dim3A_418 = vector.broadcast %broadcast_in_dim3A_417 : i32 to vector<16xi32>
      %broadcast_in_dim3A_419 = vector.shape_cast %broadcast_in_dim3A_418 : vector<16xi32> to vector<16x1xi32>
      %gather3A_420 = vector.shape_cast %broadcast_in_dim3A_419 : vector<16x1xi32> to vector<16xi32>
      %gather3A_421 = tpu.dynamic_gather %get3A_320[%gather3A_420] in [0] : vector<16xf32>, vector<16xi32> -> vector<16xf32>
      %sub3A_422 = arith.subf %gather3A_421, %convert_element_type3A_317 : vector<16xf32>
      %abs3A_423 = math.absf %sub3A_422 : vector<16xf32>
      %lt3A_424 = arith.constant 1.000000e+00 : f32
      %lt3A_425 = vector.broadcast %lt3A_424 : f32 to vector<16xf32>
      %lt3A_426 = arith.cmpf olt, %abs3A_423, %lt3A_425 : vector<16xf32>
      %mul3A_427 = arith.constant 5.000000e-01 : f32
      %mul3A_428 = vector.broadcast %mul3A_427 : f32 to vector<16xf32>
      %mul3A_429 = arith.mulf %mul3A_428, %sub3A_422 : vector<16xf32>
      %mul3A_430 = arith.mulf %mul3A_429, %sub3A_422 : vector<16xf32>
      %sub3A_431 = arith.constant 5.000000e-01 : f32
      %sub3A_432 = vector.broadcast %sub3A_431 : f32 to vector<16xf32>
      %sub3A_433 = arith.subf %abs3A_423, %sub3A_432 : vector<16xf32>
      %select_n3A_434 = arith.select %lt3A_426, %mul3A_430, %sub3A_433 : vector<16xi1>, vector<16xf32>
      %add3A_435 = arith.addf %add3A_416, %select_n3A_434 : vector<16xf32>
      %broadcast_in_dim3A_436 = arith.constant 6 : i32
      %broadcast_in_dim3A_437 = vector.broadcast %broadcast_in_dim3A_436 : i32 to vector<16xi32>
      %broadcast_in_dim3A_438 = vector.shape_cast %broadcast_in_dim3A_437 : vector<16xi32> to vector<16x1xi32>
      %gather3A_439 = vector.shape_cast %broadcast_in_dim3A_438 : vector<16x1xi32> to vector<16xi32>
      %gather3A_440 = tpu.dynamic_gather %get3A_320[%gather3A_439] in [0] : vector<16xf32>, vector<16xi32> -> vector<16xf32>
      %sub3A_441 = arith.subf %gather3A_440, %convert_element_type3A_313 : vector<16xf32>
      %abs3A_442 = math.absf %sub3A_441 : vector<16xf32>
      %lt3A_443 = arith.constant 1.000000e+00 : f32
      %lt3A_444 = vector.broadcast %lt3A_443 : f32 to vector<16xf32>
      %lt3A_445 = arith.cmpf olt, %abs3A_442, %lt3A_444 : vector<16xf32>
      %mul3A_446 = arith.constant 5.000000e-01 : f32
      %mul3A_447 = vector.broadcast %mul3A_446 : f32 to vector<16xf32>
      %mul3A_448 = arith.mulf %mul3A_447, %sub3A_441 : vector<16xf32>
      %mul3A_449 = arith.mulf %mul3A_448, %sub3A_441 : vector<16xf32>
      %sub3A_450 = arith.constant 5.000000e-01 : f32
      %sub3A_451 = vector.broadcast %sub3A_450 : f32 to vector<16xf32>
      %sub3A_452 = arith.subf %abs3A_442, %sub3A_451 : vector<16xf32>
      %select_n3A_453 = arith.select %lt3A_445, %mul3A_449, %sub3A_452 : vector<16xi1>, vector<16xf32>
      %add3A_454 = arith.addf %add3A_435, %select_n3A_453 : vector<16xf32>
      %broadcast_in_dim3A_455 = arith.constant 7 : i32
      %broadcast_in_dim3A_456 = vector.broadcast %broadcast_in_dim3A_455 : i32 to vector<16xi32>
      %broadcast_in_dim3A_457 = vector.shape_cast %broadcast_in_dim3A_456 : vector<16xi32> to vector<16x1xi32>
      %gather3A_458 = vector.shape_cast %broadcast_in_dim3A_457 : vector<16x1xi32> to vector<16xi32>
      %gather3A_459 = tpu.dynamic_gather %get3A_320[%gather3A_458] in [0] : vector<16xf32>, vector<16xi32> -> vector<16xf32>
      %sub3A_460 = arith.subf %gather3A_459, %convert_element_type3A_315 : vector<16xf32>
      %abs3A_461 = math.absf %sub3A_460 : vector<16xf32>
      %lt3A_462 = arith.constant 1.000000e+00 : f32
      %lt3A_463 = vector.broadcast %lt3A_462 : f32 to vector<16xf32>
      %lt3A_464 = arith.cmpf olt, %abs3A_461, %lt3A_463 : vector<16xf32>
      %mul3A_465 = arith.constant 5.000000e-01 : f32
      %mul3A_466 = vector.broadcast %mul3A_465 : f32 to vector<16xf32>
      %mul3A_467 = arith.mulf %mul3A_466, %sub3A_460 : vector<16xf32>
      %mul3A_468 = arith.mulf %mul3A_467, %sub3A_460 : vector<16xf32>
      %sub3A_469 = arith.constant 5.000000e-01 : f32
      %sub3A_470 = vector.broadcast %sub3A_469 : f32 to vector<16xf32>
      %sub3A_471 = arith.subf %abs3A_461, %sub3A_470 : vector<16xf32>
      %select_n3A_472 = arith.select %lt3A_464, %mul3A_468, %sub3A_471 : vector<16xi1>, vector<16xf32>
      %add3A_473 = arith.addf %add3A_454, %select_n3A_472 : vector<16xf32>
      %broadcast_in_dim3A_474 = arith.constant 8 : i32
      %broadcast_in_dim3A_475 = vector.broadcast %broadcast_in_dim3A_474 : i32 to vector<16xi32>
      %broadcast_in_dim3A_476 = vector.shape_cast %broadcast_in_dim3A_475 : vector<16xi32> to vector<16x1xi32>
      %gather3A_477 = vector.shape_cast %broadcast_in_dim3A_476 : vector<16x1xi32> to vector<16xi32>
      %gather3A_478 = tpu.dynamic_gather %get3A_320[%gather3A_477] in [0] : vector<16xf32>, vector<16xi32> -> vector<16xf32>
      %sub3A_479 = arith.subf %gather3A_478, %convert_element_type3A_317 : vector<16xf32>
      %abs3A_480 = math.absf %sub3A_479 : vector<16xf32>
      %lt3A_481 = arith.constant 1.000000e+00 : f32
      %lt3A_482 = vector.broadcast %lt3A_481 : f32 to vector<16xf32>
      %lt3A_483 = arith.cmpf olt, %abs3A_480, %lt3A_482 : vector<16xf32>
      %mul3A_484 = arith.constant 5.000000e-01 : f32
      %mul3A_485 = vector.broadcast %mul3A_484 : f32 to vector<16xf32>
      %mul3A_486 = arith.mulf %mul3A_485, %sub3A_479 : vector<16xf32>
      %mul3A_487 = arith.mulf %mul3A_486, %sub3A_479 : vector<16xf32>
      %sub3A_488 = arith.constant 5.000000e-01 : f32
      %sub3A_489 = vector.broadcast %sub3A_488 : f32 to vector<16xf32>
      %sub3A_490 = arith.subf %abs3A_480, %sub3A_489 : vector<16xf32>
      %select_n3A_491 = arith.select %lt3A_483, %mul3A_487, %sub3A_490 : vector<16xi1>, vector<16xf32>
      %add3A_492 = arith.addf %add3A_473, %select_n3A_491 : vector<16xf32>
      %broadcast_in_dim3A_493 = arith.constant 9 : i32
      %broadcast_in_dim3A_494 = vector.broadcast %broadcast_in_dim3A_493 : i32 to vector<16xi32>
      %broadcast_in_dim3A_495 = vector.shape_cast %broadcast_in_dim3A_494 : vector<16xi32> to vector<16x1xi32>
      %gather3A_496 = vector.shape_cast %broadcast_in_dim3A_495 : vector<16x1xi32> to vector<16xi32>
      %gather3A_497 = tpu.dynamic_gather %get3A_320[%gather3A_496] in [0] : vector<16xf32>, vector<16xi32> -> vector<16xf32>
      %sub3A_498 = arith.subf %gather3A_497, %convert_element_type3A_313 : vector<16xf32>
      %abs3A_499 = math.absf %sub3A_498 : vector<16xf32>
      %lt3A_500 = arith.constant 1.000000e+00 : f32
      %lt3A_501 = vector.broadcast %lt3A_500 : f32 to vector<16xf32>
      %lt3A_502 = arith.cmpf olt, %abs3A_499, %lt3A_501 : vector<16xf32>
      %mul3A_503 = arith.constant 5.000000e-01 : f32
      %mul3A_504 = vector.broadcast %mul3A_503 : f32 to vector<16xf32>
      %mul3A_505 = arith.mulf %mul3A_504, %sub3A_498 : vector<16xf32>
      %mul3A_506 = arith.mulf %mul3A_505, %sub3A_498 : vector<16xf32>
      %sub3A_507 = arith.constant 5.000000e-01 : f32
      %sub3A_508 = vector.broadcast %sub3A_507 : f32 to vector<16xf32>
      %sub3A_509 = arith.subf %abs3A_499, %sub3A_508 : vector<16xf32>
      %select_n3A_510 = arith.select %lt3A_502, %mul3A_506, %sub3A_509 : vector<16xi1>, vector<16xf32>
      %add3A_511 = arith.addf %add3A_492, %select_n3A_510 : vector<16xf32>
      %broadcast_in_dim3A_512 = arith.constant 10 : i32
      %broadcast_in_dim3A_513 = vector.broadcast %broadcast_in_dim3A_512 : i32 to vector<16xi32>
      %broadcast_in_dim3A_514 = vector.shape_cast %broadcast_in_dim3A_513 : vector<16xi32> to vector<16x1xi32>
      %gather3A_515 = vector.shape_cast %broadcast_in_dim3A_514 : vector<16x1xi32> to vector<16xi32>
      %gather3A_516 = tpu.dynamic_gather %get3A_320[%gather3A_515] in [0] : vector<16xf32>, vector<16xi32> -> vector<16xf32>
      %sub3A_517 = arith.subf %gather3A_516, %convert_element_type3A_315 : vector<16xf32>
      %abs3A_518 = math.absf %sub3A_517 : vector<16xf32>
      %lt3A_519 = arith.constant 1.000000e+00 : f32
      %lt3A_520 = vector.broadcast %lt3A_519 : f32 to vector<16xf32>
      %lt3A_521 = arith.cmpf olt, %abs3A_518, %lt3A_520 : vector<16xf32>
      %mul3A_522 = arith.constant 5.000000e-01 : f32
      %mul3A_523 = vector.broadcast %mul3A_522 : f32 to vector<16xf32>
      %mul3A_524 = arith.mulf %mul3A_523, %sub3A_517 : vector<16xf32>
      %mul3A_525 = arith.mulf %mul3A_524, %sub3A_517 : vector<16xf32>
      %sub3A_526 = arith.constant 5.000000e-01 : f32
      %sub3A_527 = vector.broadcast %sub3A_526 : f32 to vector<16xf32>
      %sub3A_528 = arith.subf %abs3A_518, %sub3A_527 : vector<16xf32>
      %select_n3A_529 = arith.select %lt3A_521, %mul3A_525, %sub3A_528 : vector<16xi1>, vector<16xf32>
      %add3A_530 = arith.addf %add3A_511, %select_n3A_529 : vector<16xf32>
      %broadcast_in_dim3A_531 = arith.constant 11 : i32
      %broadcast_in_dim3A_532 = vector.broadcast %broadcast_in_dim3A_531 : i32 to vector<16xi32>
      %broadcast_in_dim3A_533 = vector.shape_cast %broadcast_in_dim3A_532 : vector<16xi32> to vector<16x1xi32>
      %gather3A_534 = vector.shape_cast %broadcast_in_dim3A_533 : vector<16x1xi32> to vector<16xi32>
      %gather3A_535 = tpu.dynamic_gather %get3A_320[%gather3A_534] in [0] : vector<16xf32>, vector<16xi32> -> vector<16xf32>
      %sub3A_536 = arith.subf %gather3A_535, %convert_element_type3A_317 : vector<16xf32>
      %abs3A_537 = math.absf %sub3A_536 : vector<16xf32>
      %lt3A_538 = arith.constant 1.000000e+00 : f32
      %lt3A_539 = vector.broadcast %lt3A_538 : f32 to vector<16xf32>
      %lt3A_540 = arith.cmpf olt, %abs3A_537, %lt3A_539 : vector<16xf32>
      %mul3A_541 = arith.constant 5.000000e-01 : f32
      %mul3A_542 = vector.broadcast %mul3A_541 : f32 to vector<16xf32>
      %mul3A_543 = arith.mulf %mul3A_542, %sub3A_536 : vector<16xf32>
      %mul3A_544 = arith.mulf %mul3A_543, %sub3A_536 : vector<16xf32>
      %sub3A_545 = arith.constant 5.000000e-01 : f32
      %sub3A_546 = vector.broadcast %sub3A_545 : f32 to vector<16xf32>
      %sub3A_547 = arith.subf %abs3A_537, %sub3A_546 : vector<16xf32>
      %select_n3A_548 = arith.select %lt3A_540, %mul3A_544, %sub3A_547 : vector<16xi1>, vector<16xf32>
      %add3A_549 = arith.addf %add3A_530, %select_n3A_548 : vector<16xf32>
      %broadcast_in_dim3A_550 = arith.constant 12 : i32
      %broadcast_in_dim3A_551 = vector.broadcast %broadcast_in_dim3A_550 : i32 to vector<16xi32>
      %broadcast_in_dim3A_552 = vector.shape_cast %broadcast_in_dim3A_551 : vector<16xi32> to vector<16x1xi32>
      %gather3A_553 = vector.shape_cast %broadcast_in_dim3A_552 : vector<16x1xi32> to vector<16xi32>
      %gather3A_554 = tpu.dynamic_gather %get3A_320[%gather3A_553] in [0] : vector<16xf32>, vector<16xi32> -> vector<16xf32>
      %sub3A_555 = arith.subf %gather3A_554, %convert_element_type3A_313 : vector<16xf32>
      %abs3A_556 = math.absf %sub3A_555 : vector<16xf32>
      %lt3A_557 = arith.constant 1.000000e+00 : f32
      %lt3A_558 = vector.broadcast %lt3A_557 : f32 to vector<16xf32>
      %lt3A_559 = arith.cmpf olt, %abs3A_556, %lt3A_558 : vector<16xf32>
      %mul3A_560 = arith.constant 5.000000e-01 : f32
      %mul3A_561 = vector.broadcast %mul3A_560 : f32 to vector<16xf32>
      %mul3A_562 = arith.mulf %mul3A_561, %sub3A_555 : vector<16xf32>
      %mul3A_563 = arith.mulf %mul3A_562, %sub3A_555 : vector<16xf32>
      %sub3A_564 = arith.constant 5.000000e-01 : f32
      %sub3A_565 = vector.broadcast %sub3A_564 : f32 to vector<16xf32>
      %sub3A_566 = arith.subf %abs3A_556, %sub3A_565 : vector<16xf32>
      %select_n3A_567 = arith.select %lt3A_559, %mul3A_563, %sub3A_566 : vector<16xi1>, vector<16xf32>
      %add3A_568 = arith.addf %add3A_549, %select_n3A_567 : vector<16xf32>
      %broadcast_in_dim3A_569 = arith.constant 13 : i32
      %broadcast_in_dim3A_570 = vector.broadcast %broadcast_in_dim3A_569 : i32 to vector<16xi32>
      %broadcast_in_dim3A_571 = vector.shape_cast %broadcast_in_dim3A_570 : vector<16xi32> to vector<16x1xi32>
      %gather3A_572 = vector.shape_cast %broadcast_in_dim3A_571 : vector<16x1xi32> to vector<16xi32>
      %gather3A_573 = tpu.dynamic_gather %get3A_320[%gather3A_572] in [0] : vector<16xf32>, vector<16xi32> -> vector<16xf32>
      %sub3A_574 = arith.subf %gather3A_573, %convert_element_type3A_315 : vector<16xf32>
      %abs3A_575 = math.absf %sub3A_574 : vector<16xf32>
      %lt3A_576 = arith.constant 1.000000e+00 : f32
      %lt3A_577 = vector.broadcast %lt3A_576 : f32 to vector<16xf32>
      %lt3A_578 = arith.cmpf olt, %abs3A_575, %lt3A_577 : vector<16xf32>
      %mul3A_579 = arith.constant 5.000000e-01 : f32
      %mul3A_580 = vector.broadcast %mul3A_579 : f32 to vector<16xf32>
      %mul3A_581 = arith.mulf %mul3A_580, %sub3A_574 : vector<16xf32>
      %mul3A_582 = arith.mulf %mul3A_581, %sub3A_574 : vector<16xf32>
      %sub3A_583 = arith.constant 5.000000e-01 : f32
      %sub3A_584 = vector.broadcast %sub3A_583 : f32 to vector<16xf32>
      %sub3A_585 = arith.subf %abs3A_575, %sub3A_584 : vector<16xf32>
      %select_n3A_586 = arith.select %lt3A_578, %mul3A_582, %sub3A_585 : vector<16xi1>, vector<16xf32>
      %add3A_587 = arith.addf %add3A_568, %select_n3A_586 : vector<16xf32>
      %broadcast_in_dim3A_588 = arith.constant 14 : i32
      %broadcast_in_dim3A_589 = vector.broadcast %broadcast_in_dim3A_588 : i32 to vector<16xi32>
      %broadcast_in_dim3A_590 = vector.shape_cast %broadcast_in_dim3A_589 : vector<16xi32> to vector<16x1xi32>
      %gather3A_591 = vector.shape_cast %broadcast_in_dim3A_590 : vector<16x1xi32> to vector<16xi32>
      %gather3A_592 = tpu.dynamic_gather %get3A_320[%gather3A_591] in [0] : vector<16xf32>, vector<16xi32> -> vector<16xf32>
      %sub3A_593 = arith.subf %gather3A_592, %convert_element_type3A_317 : vector<16xf32>
      %abs3A_594 = math.absf %sub3A_593 : vector<16xf32>
      %lt3A_595 = arith.constant 1.000000e+00 : f32
      %lt3A_596 = vector.broadcast %lt3A_595 : f32 to vector<16xf32>
      %lt3A_597 = arith.cmpf olt, %abs3A_594, %lt3A_596 : vector<16xf32>
      %mul3A_598 = arith.constant 5.000000e-01 : f32
      %mul3A_599 = vector.broadcast %mul3A_598 : f32 to vector<16xf32>
      %mul3A_600 = arith.mulf %mul3A_599, %sub3A_593 : vector<16xf32>
      %mul3A_601 = arith.mulf %mul3A_600, %sub3A_593 : vector<16xf32>
      %sub3A_602 = arith.constant 5.000000e-01 : f32
      %sub3A_603 = vector.broadcast %sub3A_602 : f32 to vector<16xf32>
      %sub3A_604 = arith.subf %abs3A_594, %sub3A_603 : vector<16xf32>
      %select_n3A_605 = arith.select %lt3A_597, %mul3A_601, %sub3A_604 : vector<16xi1>, vector<16xf32>
      %add3A_606 = arith.addf %add3A_587, %select_n3A_605 : vector<16xf32>
      %lt3A_607 = arith.constant 10 : i32
      %lt3A_608 = vector.broadcast %lt3A_607 : i32 to vector<16xi32>
      %lt3A_609 = arith.cmpi slt, %iota3A, %lt3A_608 : vector<16xi32>
      %mul3A_610 = arith.mulf %select_n3A, %add3A_606 : vector<16xf32>
      %jit3A_611 = arith.constant 0.000000e+00 : f32
      %broadcast_in_dim3A_612 = vector.broadcast %jit3A_611 : f32 to vector<16xf32>
      %select_n3A_613 = arith.select %lt3A_609, %mul3A_610, %broadcast_in_dim3A_612 : vector<16xi1>, vector<16xf32>
      %add3A_614 = arith.addf %scan3A_283, %select_n3A_613 : vector<16xf32>
      scf.yield %add3A_614 : vector<16xf32>
    }
    %scan3A_147 = arith.constant 128 : i32
    %broadcast_in_dim3A_148 = arith.constant 0.000000e+00 : f32
    %broadcast_in_dim3A_149 = vector.broadcast %broadcast_in_dim3A_148 : f32 to vector<16xf32>
    %dma_wait3A_150 = arith.constant 0 : i32
    %dma_wait3A_151 = tpu.memref_slice %arg6[%dma_wait3A_150] : memref<163840xf32, #tpu.memory_space<hbm>> -> memref<16384xf32, #tpu.memory_space<hbm>>
    %dma_wait3A_152 = arith.constant 0 : i32
    %dma_wait3A_153 = tpu.memref_slice %arg6[%dma_wait3A_152] : memref<163840xf32, #tpu.memory_space<hbm>> -> memref<16384xf32, #tpu.memory_space<hbm>>
    tpu.wait_dma2 semaphore(%arg29 : memref<!tpu.dma_semaphore, #tpu.memory_space<semaphore_mem>>) src(%dma_wait3A_153 : memref<16384xf32, #tpu.memory_space<hbm>>) dst(%arg21 : memref<16384xf32, #tpu.memory_space<vmem>>)
    %dma_start3A_154 = arith.constant 16384 : i32
    %dma_start3A_155 = tpu.memref_slice %arg6[%dma_start3A_154] : memref<163840xf32, #tpu.memory_space<hbm>> -> memref<16384xf32, #tpu.memory_space<hbm>>
    %dma_start3A_156 = arith.constant 16384 : i32
    %dma_start3A_157 = tpu.memref_slice %arg6[%dma_start3A_156] : memref<163840xf32, #tpu.memory_space<hbm>> -> memref<16384xf32, #tpu.memory_space<hbm>>
    tpu.enqueue_dma source(%dma_start3A_157 : memref<16384xf32, #tpu.memory_space<hbm>>) target(%arg22 : memref<16384xf32, #tpu.memory_space<vmem>>) target_semaphore(%arg29 : memref<!tpu.dma_semaphore, #tpu.memory_space<semaphore_mem>>)
    %scan3A_158 = arith.constant 0 : i32
    %scan3A_159 = arith.constant 128 : i32
    %scan3A_160 = arith.addi %scan3A_158, %scan3A_159 : i32
    %scan3A_161 = arith.constant 1 : i32
    scf.for %scan3A_282 = %scan3A_158 to %scan3A_160 step %scan3A_161  : i32 {
      %broadcast_in_dim3A_283 = vector.broadcast %scan3A_282 : i32 to vector<16xi32>
      %mul3A_284 = arith.constant 16 : i32
      %mul3A_285 = arith.muli %scan3A_282, %mul3A_284 : i32
      %get3A = arith.index_cast %mul3A_285 : i32 to index
      %get3A_286 = tpu.vector_load %arg20[%get3A] {strides = array<i32>} : memref<2048xi32, #tpu.memory_space<vmem>>, vector<16xi32>,
      %broadcast_in_dim3A_287 = arith.constant 0.000000e+00 : f32
      %broadcast_in_dim3A_288 = vector.broadcast %broadcast_in_dim3A_287 : f32 to vector<16xf32>
      %broadcast_in_dim3A_289 = arith.constant 0 : i32
      %broadcast_in_dim3A_290 = vector.broadcast %broadcast_in_dim3A_289 : i32 to vector<16xi32>
      %gather3A = tpu.vector_load_idx %arg18[%broadcast_in_dim3A_283, %broadcast_in_dim3A_290] : memref<128x32xf32, #tpu.memory_space<vmem>>[vector<16xi32>, vector<16xi32>], vector<16xf32>,
      %add3A_291 = arith.constant 0 : i32
      %add3A_292 = vector.broadcast %add3A_291 : i32 to vector<16xi32>
      %add3A_293 = arith.addi %get3A_286, %add3A_292 : vector<16xi32>
      %gather3A_294 = tpu.vector_load_idx %arg21[%add3A_293] : memref<16384xf32, #tpu.memory_space<vmem>>[vector<16xi32>], vector<16xf32>,
      %sub3A = arith.subf %gather3A, %gather3A_294 : vector<16xf32>
      %abs3A = math.absf %sub3A : vector<16xf32>
      %add3A_295 = arith.addf %broadcast_in_dim3A_288, %abs3A : vector<16xf32>
      %broadcast_in_dim3A_296 = arith.constant 1 : i32
      %broadcast_in_dim3A_297 = vector.broadcast %broadcast_in_dim3A_296 : i32 to vector<16xi32>
      %gather3A_298 = tpu.vector_load_idx %arg18[%broadcast_in_dim3A_283, %broadcast_in_dim3A_297] : memref<128x32xf32, #tpu.memory_space<vmem>>[vector<16xi32>, vector<16xi32>], vector<16xf32>,
      %add3A_299 = arith.constant 8192 : i32
      %add3A_300 = vector.broadcast %add3A_299 : i32 to vector<16xi32>
      %add3A_301 = arith.addi %get3A_286, %add3A_300 : vector<16xi32>
      %gather3A_302 = tpu.vector_load_idx %arg21[%add3A_301] : memref<16384xf32, #tpu.memory_space<vmem>>[vector<16xi32>], vector<16xf32>,
      %sub3A_303 = arith.subf %gather3A_298, %gather3A_302 : vector<16xf32>
      %abs3A_304 = math.absf %sub3A_303 : vector<16xf32>
      %add3A_305 = arith.addf %add3A_295, %abs3A_304 : vector<16xf32>
      %mul3A_306 = arith.constant 16 : i32
      %mul3A_307 = arith.muli %scan3A_282, %mul3A_306 : i32
      %swap3A_308 = arith.index_cast %mul3A_307 : i32 to index
      %swap3A_309 = tpu.vector_load %arg23[%swap3A_308] {strides = array<i32>} : memref<2048xf32, #tpu.memory_space<vmem>>, vector<16xf32>,
      tpu.vector_store %arg23[%swap3A_308], %add3A_305 {strides = array<i32>} : memref<2048xf32, #tpu.memory_space<vmem>>, vector<16xf32>,
    }
    %scan3A_162 = arith.constant 128 : i32
    %dma_wait3A_163 = arith.constant 16384 : i32
    %dma_wait3A_164 = tpu.memref_slice %arg6[%dma_wait3A_163] : memref<163840xf32, #tpu.memory_space<hbm>> -> memref<16384xf32, #tpu.memory_space<hbm>>
    %dma_wait3A_165 = arith.constant 16384 : i32
    %dma_wait3A_166 = tpu.memref_slice %arg6[%dma_wait3A_165] : memref<163840xf32, #tpu.memory_space<hbm>> -> memref<16384xf32, #tpu.memory_space<hbm>>
    tpu.wait_dma2 semaphore(%arg29 : memref<!tpu.dma_semaphore, #tpu.memory_space<semaphore_mem>>) src(%dma_wait3A_166 : memref<16384xf32, #tpu.memory_space<hbm>>) dst(%arg22 : memref<16384xf32, #tpu.memory_space<vmem>>)
    %dma_start3A_167 = arith.constant 32768 : i32
    %dma_start3A_168 = tpu.memref_slice %arg6[%dma_start3A_167] : memref<163840xf32, #tpu.memory_space<hbm>> -> memref<16384xf32, #tpu.memory_space<hbm>>
    %dma_start3A_169 = arith.constant 32768 : i32
    %dma_start3A_170 = tpu.memref_slice %arg6[%dma_start3A_169] : memref<163840xf32, #tpu.memory_space<hbm>> -> memref<16384xf32, #tpu.memory_space<hbm>>
    tpu.enqueue_dma source(%dma_start3A_170 : memref<16384xf32, #tpu.memory_space<hbm>>) target(%arg21 : memref<16384xf32, #tpu.memory_space<vmem>>) target_semaphore(%arg29 : memref<!tpu.dma_semaphore, #tpu.memory_space<semaphore_mem>>)
    %scan3A_171 = arith.constant 0 : i32
    %scan3A_172 = arith.constant 128 : i32
    %scan3A_173 = arith.addi %scan3A_171, %scan3A_172 : i32
    %scan3A_174 = arith.constant 1 : i32
    scf.for %scan3A_282 = %scan3A_171 to %scan3A_173 step %scan3A_174  : i32 {
      %broadcast_in_dim3A_283 = vector.broadcast %scan3A_282 : i32 to vector<16xi32>
      %mul3A_284 = arith.constant 16 : i32
      %mul3A_285 = arith.muli %scan3A_282, %mul3A_284 : i32
      %get3A = arith.index_cast %mul3A_285 : i32 to index
      %get3A_286 = tpu.vector_load %arg20[%get3A] {strides = array<i32>} : memref<2048xi32, #tpu.memory_space<vmem>>, vector<16xi32>,
      %mul3A_287 = arith.constant 16 : i32
      %mul3A_288 = arith.muli %scan3A_282, %mul3A_287 : i32
      %get3A_289 = arith.index_cast %mul3A_288 : i32 to index
      %get3A_290 = tpu.vector_load %arg23[%get3A_289] {strides = array<i32>} : memref<2048xf32, #tpu.memory_space<vmem>>, vector<16xf32>,
      %broadcast_in_dim3A_291 = arith.constant 2 : i32
      %broadcast_in_dim3A_292 = vector.broadcast %broadcast_in_dim3A_291 : i32 to vector<16xi32>
      %gather3A = tpu.vector_load_idx %arg18[%broadcast_in_dim3A_283, %broadcast_in_dim3A_292] : memref<128x32xf32, #tpu.memory_space<vmem>>[vector<16xi32>, vector<16xi32>], vector<16xf32>,
      %add3A_293 = arith.constant 0 : i32
      %add3A_294 = vector.broadcast %add3A_293 : i32 to vector<16xi32>
      %add3A_295 = arith.addi %get3A_286, %add3A_294 : vector<16xi32>
      %gather3A_296 = tpu.vector_load_idx %arg22[%add3A_295] : memref<16384xf32, #tpu.memory_space<vmem>>[vector<16xi32>], vector<16xf32>,
      %sub3A = arith.subf %gather3A, %gather3A_296 : vector<16xf32>
      %abs3A = math.absf %sub3A : vector<16xf32>
      %add3A_297 = arith.addf %get3A_290, %abs3A : vector<16xf32>
      %broadcast_in_dim3A_298 = arith.constant 3 : i32
      %broadcast_in_dim3A_299 = vector.broadcast %broadcast_in_dim3A_298 : i32 to vector<16xi32>
      %gather3A_300 = tpu.vector_load_idx %arg18[%broadcast_in_dim3A_283, %broadcast_in_dim3A_299] : memref<128x32xf32, #tpu.memory_space<vmem>>[vector<16xi32>, vector<16xi32>], vector<16xf32>,
      %add3A_301 = arith.constant 8192 : i32
      %add3A_302 = vector.broadcast %add3A_301 : i32 to vector<16xi32>
      %add3A_303 = arith.addi %get3A_286, %add3A_302 : vector<16xi32>
      %gather3A_304 = tpu.vector_load_idx %arg22[%add3A_303] : memref<16384xf32, #tpu.memory_space<vmem>>[vector<16xi32>], vector<16xf32>,
      %sub3A_305 = arith.subf %gather3A_300, %gather3A_304 : vector<16xf32>
      %abs3A_306 = math.absf %sub3A_305 : vector<16xf32>
      %add3A_307 = arith.addf %add3A_297, %abs3A_306 : vector<16xf32>
      %mul3A_308 = arith.constant 16 : i32
      %mul3A_309 = arith.muli %scan3A_282, %mul3A_308 : i32
      %swap3A_310 = arith.index_cast %mul3A_309 : i32 to index
      %swap3A_311 = tpu.vector_load %arg23[%swap3A_310] {strides = array<i32>} : memref<2048xf32, #tpu.memory_space<vmem>>, vector<16xf32>,
      tpu.vector_store %arg23[%swap3A_310], %add3A_307 {strides = array<i32>} : memref<2048xf32, #tpu.memory_space<vmem>>, vector<16xf32>,
    }
    %scan3A_175 = arith.constant 128 : i32
    %dma_wait3A_176 = arith.constant 32768 : i32
    %dma_wait3A_177 = tpu.memref_slice %arg6[%dma_wait3A_176] : memref<163840xf32, #tpu.memory_space<hbm>> -> memref<16384xf32, #tpu.memory_space<hbm>>
    %dma_wait3A_178 = arith.constant 32768 : i32
    %dma_wait3A_179 = tpu.memref_slice %arg6[%dma_wait3A_178] : memref<163840xf32, #tpu.memory_space<hbm>> -> memref<16384xf32, #tpu.memory_space<hbm>>
    tpu.wait_dma2 semaphore(%arg29 : memref<!tpu.dma_semaphore, #tpu.memory_space<semaphore_mem>>) src(%dma_wait3A_179 : memref<16384xf32, #tpu.memory_space<hbm>>) dst(%arg21 : memref<16384xf32, #tpu.memory_space<vmem>>)
    %dma_start3A_180 = arith.constant 49152 : i32
    %dma_start3A_181 = tpu.memref_slice %arg6[%dma_start3A_180] : memref<163840xf32, #tpu.memory_space<hbm>> -> memref<16384xf32, #tpu.memory_space<hbm>>
    %dma_start3A_182 = arith.constant 49152 : i32
    %dma_start3A_183 = tpu.memref_slice %arg6[%dma_start3A_182] : memref<163840xf32, #tpu.memory_space<hbm>> -> memref<16384xf32, #tpu.memory_space<hbm>>
    tpu.enqueue_dma source(%dma_start3A_183 : memref<16384xf32, #tpu.memory_space<hbm>>) target(%arg22 : memref<16384xf32, #tpu.memory_space<vmem>>) target_semaphore(%arg29 : memref<!tpu.dma_semaphore, #tpu.memory_space<semaphore_mem>>)
    %scan3A_184 = arith.constant 0 : i32
    %scan3A_185 = arith.constant 128 : i32
    %scan3A_186 = arith.addi %scan3A_184, %scan3A_185 : i32
    %scan3A_187 = arith.constant 1 : i32
    scf.for %scan3A_282 = %scan3A_184 to %scan3A_186 step %scan3A_187  : i32 {
      %broadcast_in_dim3A_283 = vector.broadcast %scan3A_282 : i32 to vector<16xi32>
      %mul3A_284 = arith.constant 16 : i32
      %mul3A_285 = arith.muli %scan3A_282, %mul3A_284 : i32
      %get3A = arith.index_cast %mul3A_285 : i32 to index
      %get3A_286 = tpu.vector_load %arg20[%get3A] {strides = array<i32>} : memref<2048xi32, #tpu.memory_space<vmem>>, vector<16xi32>,
      %mul3A_287 = arith.constant 16 : i32
      %mul3A_288 = arith.muli %scan3A_282, %mul3A_287 : i32
      %get3A_289 = arith.index_cast %mul3A_288 : i32 to index
      %get3A_290 = tpu.vector_load %arg23[%get3A_289] {strides = array<i32>} : memref<2048xf32, #tpu.memory_space<vmem>>, vector<16xf32>,
      %broadcast_in_dim3A_291 = arith.constant 4 : i32
      %broadcast_in_dim3A_292 = vector.broadcast %broadcast_in_dim3A_291 : i32 to vector<16xi32>
      %gather3A = tpu.vector_load_idx %arg18[%broadcast_in_dim3A_283, %broadcast_in_dim3A_292] : memref<128x32xf32, #tpu.memory_space<vmem>>[vector<16xi32>, vector<16xi32>], vector<16xf32>,
      %add3A_293 = arith.constant 0 : i32
      %add3A_294 = vector.broadcast %add3A_293 : i32 to vector<16xi32>
      %add3A_295 = arith.addi %get3A_286, %add3A_294 : vector<16xi32>
      %gather3A_296 = tpu.vector_load_idx %arg21[%add3A_295] : memref<16384xf32, #tpu.memory_space<vmem>>[vector<16xi32>], vector<16xf32>,
      %sub3A = arith.subf %gather3A, %gather3A_296 : vector<16xf32>
      %abs3A = math.absf %sub3A : vector<16xf32>
      %add3A_297 = arith.addf %get3A_290, %abs3A : vector<16xf32>
      %broadcast_in_dim3A_298 = arith.constant 5 : i32
      %broadcast_in_dim3A_299 = vector.broadcast %broadcast_in_dim3A_298 : i32 to vector<16xi32>
      %gather3A_300 = tpu.vector_load_idx %arg18[%broadcast_in_dim3A_283, %broadcast_in_dim3A_299] : memref<128x32xf32, #tpu.memory_space<vmem>>[vector<16xi32>, vector<16xi32>], vector<16xf32>,
      %add3A_301 = arith.constant 8192 : i32
      %add3A_302 = vector.broadcast %add3A_301 : i32 to vector<16xi32>
      %add3A_303 = arith.addi %get3A_286, %add3A_302 : vector<16xi32>
      %gather3A_304 = tpu.vector_load_idx %arg21[%add3A_303] : memref<16384xf32, #tpu.memory_space<vmem>>[vector<16xi32>], vector<16xf32>,
      %sub3A_305 = arith.subf %gather3A_300, %gather3A_304 : vector<16xf32>
      %abs3A_306 = math.absf %sub3A_305 : vector<16xf32>
      %add3A_307 = arith.addf %add3A_297, %abs3A_306 : vector<16xf32>
      %mul3A_308 = arith.constant 16 : i32
      %mul3A_309 = arith.muli %scan3A_282, %mul3A_308 : i32
      %swap3A_310 = arith.index_cast %mul3A_309 : i32 to index
      %swap3A_311 = tpu.vector_load %arg23[%swap3A_310] {strides = array<i32>} : memref<2048xf32, #tpu.memory_space<vmem>>, vector<16xf32>,
      tpu.vector_store %arg23[%swap3A_310], %add3A_307 {strides = array<i32>} : memref<2048xf32, #tpu.memory_space<vmem>>, vector<16xf32>,
    }
    %scan3A_188 = arith.constant 128 : i32
    %dma_wait3A_189 = arith.constant 49152 : i32
    %dma_wait3A_190 = tpu.memref_slice %arg6[%dma_wait3A_189] : memref<163840xf32, #tpu.memory_space<hbm>> -> memref<16384xf32, #tpu.memory_space<hbm>>
    %dma_wait3A_191 = arith.constant 49152 : i32
    %dma_wait3A_192 = tpu.memref_slice %arg6[%dma_wait3A_191] : memref<163840xf32, #tpu.memory_space<hbm>> -> memref<16384xf32, #tpu.memory_space<hbm>>
    tpu.wait_dma2 semaphore(%arg29 : memref<!tpu.dma_semaphore, #tpu.memory_space<semaphore_mem>>) src(%dma_wait3A_192 : memref<16384xf32, #tpu.memory_space<hbm>>) dst(%arg22 : memref<16384xf32, #tpu.memory_space<vmem>>)
    %dma_start3A_193 = arith.constant 65536 : i32
    %dma_start3A_194 = tpu.memref_slice %arg6[%dma_start3A_193] : memref<163840xf32, #tpu.memory_space<hbm>> -> memref<16384xf32, #tpu.memory_space<hbm>>
    %dma_start3A_195 = arith.constant 65536 : i32
    %dma_start3A_196 = tpu.memref_slice %arg6[%dma_start3A_195] : memref<163840xf32, #tpu.memory_space<hbm>> -> memref<16384xf32, #tpu.memory_space<hbm>>
    tpu.enqueue_dma source(%dma_start3A_196 : memref<16384xf32, #tpu.memory_space<hbm>>) target(%arg21 : memref<16384xf32, #tpu.memory_space<vmem>>) target_semaphore(%arg29 : memref<!tpu.dma_semaphore, #tpu.memory_space<semaphore_mem>>)
    %scan3A_197 = arith.constant 0 : i32
    %scan3A_198 = arith.constant 128 : i32
    %scan3A_199 = arith.addi %scan3A_197, %scan3A_198 : i32
    %scan3A_200 = arith.constant 1 : i32
    scf.for %scan3A_282 = %scan3A_197 to %scan3A_199 step %scan3A_200  : i32 {
      %broadcast_in_dim3A_283 = vector.broadcast %scan3A_282 : i32 to vector<16xi32>
      %mul3A_284 = arith.constant 16 : i32
      %mul3A_285 = arith.muli %scan3A_282, %mul3A_284 : i32
      %get3A = arith.index_cast %mul3A_285 : i32 to index
      %get3A_286 = tpu.vector_load %arg20[%get3A] {strides = array<i32>} : memref<2048xi32, #tpu.memory_space<vmem>>, vector<16xi32>,
      %mul3A_287 = arith.constant 16 : i32
      %mul3A_288 = arith.muli %scan3A_282, %mul3A_287 : i32
      %get3A_289 = arith.index_cast %mul3A_288 : i32 to index
      %get3A_290 = tpu.vector_load %arg23[%get3A_289] {strides = array<i32>} : memref<2048xf32, #tpu.memory_space<vmem>>, vector<16xf32>,
      %broadcast_in_dim3A_291 = arith.constant 6 : i32
      %broadcast_in_dim3A_292 = vector.broadcast %broadcast_in_dim3A_291 : i32 to vector<16xi32>
      %gather3A = tpu.vector_load_idx %arg18[%broadcast_in_dim3A_283, %broadcast_in_dim3A_292] : memref<128x32xf32, #tpu.memory_space<vmem>>[vector<16xi32>, vector<16xi32>], vector<16xf32>,
      %add3A_293 = arith.constant 0 : i32
      %add3A_294 = vector.broadcast %add3A_293 : i32 to vector<16xi32>
      %add3A_295 = arith.addi %get3A_286, %add3A_294 : vector<16xi32>
      %gather3A_296 = tpu.vector_load_idx %arg22[%add3A_295] : memref<16384xf32, #tpu.memory_space<vmem>>[vector<16xi32>], vector<16xf32>,
      %sub3A = arith.subf %gather3A, %gather3A_296 : vector<16xf32>
      %abs3A = math.absf %sub3A : vector<16xf32>
      %add3A_297 = arith.addf %get3A_290, %abs3A : vector<16xf32>
      %broadcast_in_dim3A_298 = arith.constant 7 : i32
      %broadcast_in_dim3A_299 = vector.broadcast %broadcast_in_dim3A_298 : i32 to vector<16xi32>
      %gather3A_300 = tpu.vector_load_idx %arg18[%broadcast_in_dim3A_283, %broadcast_in_dim3A_299] : memref<128x32xf32, #tpu.memory_space<vmem>>[vector<16xi32>, vector<16xi32>], vector<16xf32>,
      %add3A_301 = arith.constant 8192 : i32
      %add3A_302 = vector.broadcast %add3A_301 : i32 to vector<16xi32>
      %add3A_303 = arith.addi %get3A_286, %add3A_302 : vector<16xi32>
      %gather3A_304 = tpu.vector_load_idx %arg22[%add3A_303] : memref<16384xf32, #tpu.memory_space<vmem>>[vector<16xi32>], vector<16xf32>,
      %sub3A_305 = arith.subf %gather3A_300, %gather3A_304 : vector<16xf32>
      %abs3A_306 = math.absf %sub3A_305 : vector<16xf32>
      %add3A_307 = arith.addf %add3A_297, %abs3A_306 : vector<16xf32>
      %mul3A_308 = arith.constant 16 : i32
      %mul3A_309 = arith.muli %scan3A_282, %mul3A_308 : i32
      %swap3A_310 = arith.index_cast %mul3A_309 : i32 to index
      %swap3A_311 = tpu.vector_load %arg23[%swap3A_310] {strides = array<i32>} : memref<2048xf32, #tpu.memory_space<vmem>>, vector<16xf32>,
      tpu.vector_store %arg23[%swap3A_310], %add3A_307 {strides = array<i32>} : memref<2048xf32, #tpu.memory_space<vmem>>, vector<16xf32>,
    }
    %scan3A_201 = arith.constant 128 : i32
    %dma_wait3A_202 = arith.constant 65536 : i32
    %dma_wait3A_203 = tpu.memref_slice %arg6[%dma_wait3A_202] : memref<163840xf32, #tpu.memory_space<hbm>> -> memref<16384xf32, #tpu.memory_space<hbm>>
    %dma_wait3A_204 = arith.constant 65536 : i32
    %dma_wait3A_205 = tpu.memref_slice %arg6[%dma_wait3A_204] : memref<163840xf32, #tpu.memory_space<hbm>> -> memref<16384xf32, #tpu.memory_space<hbm>>
    tpu.wait_dma2 semaphore(%arg29 : memref<!tpu.dma_semaphore, #tpu.memory_space<semaphore_mem>>) src(%dma_wait3A_205 : memref<16384xf32, #tpu.memory_space<hbm>>) dst(%arg21 : memref<16384xf32, #tpu.memory_space<vmem>>)
    %dma_start3A_206 = arith.constant 81920 : i32
    %dma_start3A_207 = tpu.memref_slice %arg6[%dma_start3A_206] : memref<163840xf32, #tpu.memory_space<hbm>> -> memref<16384xf32, #tpu.memory_space<hbm>>
    %dma_start3A_208 = arith.constant 81920 : i32
    %dma_start3A_209 = tpu.memref_slice %arg6[%dma_start3A_208] : memref<163840xf32, #tpu.memory_space<hbm>> -> memref<16384xf32, #tpu.memory_space<hbm>>
    tpu.enqueue_dma source(%dma_start3A_209 : memref<16384xf32, #tpu.memory_space<hbm>>) target(%arg22 : memref<16384xf32, #tpu.memory_space<vmem>>) target_semaphore(%arg29 : memref<!tpu.dma_semaphore, #tpu.memory_space<semaphore_mem>>)
    %scan3A_210 = arith.constant 0 : i32
    %scan3A_211 = arith.constant 128 : i32
    %scan3A_212 = arith.addi %scan3A_210, %scan3A_211 : i32
    %scan3A_213 = arith.constant 1 : i32
    scf.for %scan3A_282 = %scan3A_210 to %scan3A_212 step %scan3A_213  : i32 {
      %broadcast_in_dim3A_283 = vector.broadcast %scan3A_282 : i32 to vector<16xi32>
      %mul3A_284 = arith.constant 16 : i32
      %mul3A_285 = arith.muli %scan3A_282, %mul3A_284 : i32
      %get3A = arith.index_cast %mul3A_285 : i32 to index
      %get3A_286 = tpu.vector_load %arg20[%get3A] {strides = array<i32>} : memref<2048xi32, #tpu.memory_space<vmem>>, vector<16xi32>,
      %mul3A_287 = arith.constant 16 : i32
      %mul3A_288 = arith.muli %scan3A_282, %mul3A_287 : i32
      %get3A_289 = arith.index_cast %mul3A_288 : i32 to index
      %get3A_290 = tpu.vector_load %arg23[%get3A_289] {strides = array<i32>} : memref<2048xf32, #tpu.memory_space<vmem>>, vector<16xf32>,
      %broadcast_in_dim3A_291 = arith.constant 8 : i32
      %broadcast_in_dim3A_292 = vector.broadcast %broadcast_in_dim3A_291 : i32 to vector<16xi32>
      %gather3A = tpu.vector_load_idx %arg18[%broadcast_in_dim3A_283, %broadcast_in_dim3A_292] : memref<128x32xf32, #tpu.memory_space<vmem>>[vector<16xi32>, vector<16xi32>], vector<16xf32>,
      %add3A_293 = arith.constant 0 : i32
      %add3A_294 = vector.broadcast %add3A_293 : i32 to vector<16xi32>
      %add3A_295 = arith.addi %get3A_286, %add3A_294 : vector<16xi32>
      %gather3A_296 = tpu.vector_load_idx %arg21[%add3A_295] : memref<16384xf32, #tpu.memory_space<vmem>>[vector<16xi32>], vector<16xf32>,
      %sub3A = arith.subf %gather3A, %gather3A_296 : vector<16xf32>
      %abs3A = math.absf %sub3A : vector<16xf32>
      %add3A_297 = arith.addf %get3A_290, %abs3A : vector<16xf32>
      %broadcast_in_dim3A_298 = arith.constant 9 : i32
      %broadcast_in_dim3A_299 = vector.broadcast %broadcast_in_dim3A_298 : i32 to vector<16xi32>
      %gather3A_300 = tpu.vector_load_idx %arg18[%broadcast_in_dim3A_283, %broadcast_in_dim3A_299] : memref<128x32xf32, #tpu.memory_space<vmem>>[vector<16xi32>, vector<16xi32>], vector<16xf32>,
      %add3A_301 = arith.constant 8192 : i32
      %add3A_302 = vector.broadcast %add3A_301 : i32 to vector<16xi32>
      %add3A_303 = arith.addi %get3A_286, %add3A_302 : vector<16xi32>
      %gather3A_304 = tpu.vector_load_idx %arg21[%add3A_303] : memref<16384xf32, #tpu.memory_space<vmem>>[vector<16xi32>], vector<16xf32>,
      %sub3A_305 = arith.subf %gather3A_300, %gather3A_304 : vector<16xf32>
      %abs3A_306 = math.absf %sub3A_305 : vector<16xf32>
      %add3A_307 = arith.addf %add3A_297, %abs3A_306 : vector<16xf32>
      %mul3A_308 = arith.constant 16 : i32
      %mul3A_309 = arith.muli %scan3A_282, %mul3A_308 : i32
      %swap3A_310 = arith.index_cast %mul3A_309 : i32 to index
      %swap3A_311 = tpu.vector_load %arg23[%swap3A_310] {strides = array<i32>} : memref<2048xf32, #tpu.memory_space<vmem>>, vector<16xf32>,
      tpu.vector_store %arg23[%swap3A_310], %add3A_307 {strides = array<i32>} : memref<2048xf32, #tpu.memory_space<vmem>>, vector<16xf32>,
    }
    %scan3A_214 = arith.constant 128 : i32
    %dma_wait3A_215 = arith.constant 81920 : i32
    %dma_wait3A_216 = tpu.memref_slice %arg6[%dma_wait3A_215] : memref<163840xf32, #tpu.memory_space<hbm>> -> memref<16384xf32, #tpu.memory_space<hbm>>
    %dma_wait3A_217 = arith.constant 81920 : i32
    %dma_wait3A_218 = tpu.memref_slice %arg6[%dma_wait3A_217] : memref<163840xf32, #tpu.memory_space<hbm>> -> memref<16384xf32, #tpu.memory_space<hbm>>
    tpu.wait_dma2 semaphore(%arg29 : memref<!tpu.dma_semaphore, #tpu.memory_space<semaphore_mem>>) src(%dma_wait3A_218 : memref<16384xf32, #tpu.memory_space<hbm>>) dst(%arg22 : memref<16384xf32, #tpu.memory_space<vmem>>)
    %dma_start3A_219 = arith.constant 98304 : i32
    %dma_start3A_220 = tpu.memref_slice %arg6[%dma_start3A_219] : memref<163840xf32, #tpu.memory_space<hbm>> -> memref<16384xf32, #tpu.memory_space<hbm>>
    %dma_start3A_221 = arith.constant 98304 : i32
    %dma_start3A_222 = tpu.memref_slice %arg6[%dma_start3A_221] : memref<163840xf32, #tpu.memory_space<hbm>> -> memref<16384xf32, #tpu.memory_space<hbm>>
    tpu.enqueue_dma source(%dma_start3A_222 : memref<16384xf32, #tpu.memory_space<hbm>>) target(%arg21 : memref<16384xf32, #tpu.memory_space<vmem>>) target_semaphore(%arg29 : memref<!tpu.dma_semaphore, #tpu.memory_space<semaphore_mem>>)
    %scan3A_223 = arith.constant 0 : i32
    %scan3A_224 = arith.constant 128 : i32
    %scan3A_225 = arith.addi %scan3A_223, %scan3A_224 : i32
    %scan3A_226 = arith.constant 1 : i32
    scf.for %scan3A_282 = %scan3A_223 to %scan3A_225 step %scan3A_226  : i32 {
      %broadcast_in_dim3A_283 = vector.broadcast %scan3A_282 : i32 to vector<16xi32>
      %mul3A_284 = arith.constant 16 : i32
      %mul3A_285 = arith.muli %scan3A_282, %mul3A_284 : i32
      %get3A = arith.index_cast %mul3A_285 : i32 to index
      %get3A_286 = tpu.vector_load %arg20[%get3A] {strides = array<i32>} : memref<2048xi32, #tpu.memory_space<vmem>>, vector<16xi32>,
      %mul3A_287 = arith.constant 16 : i32
      %mul3A_288 = arith.muli %scan3A_282, %mul3A_287 : i32
      %get3A_289 = arith.index_cast %mul3A_288 : i32 to index
      %get3A_290 = tpu.vector_load %arg23[%get3A_289] {strides = array<i32>} : memref<2048xf32, #tpu.memory_space<vmem>>, vector<16xf32>,
      %broadcast_in_dim3A_291 = arith.constant 10 : i32
      %broadcast_in_dim3A_292 = vector.broadcast %broadcast_in_dim3A_291 : i32 to vector<16xi32>
      %gather3A = tpu.vector_load_idx %arg18[%broadcast_in_dim3A_283, %broadcast_in_dim3A_292] : memref<128x32xf32, #tpu.memory_space<vmem>>[vector<16xi32>, vector<16xi32>], vector<16xf32>,
      %add3A_293 = arith.constant 0 : i32
      %add3A_294 = vector.broadcast %add3A_293 : i32 to vector<16xi32>
      %add3A_295 = arith.addi %get3A_286, %add3A_294 : vector<16xi32>
      %gather3A_296 = tpu.vector_load_idx %arg22[%add3A_295] : memref<16384xf32, #tpu.memory_space<vmem>>[vector<16xi32>], vector<16xf32>,
      %sub3A = arith.subf %gather3A, %gather3A_296 : vector<16xf32>
      %abs3A = math.absf %sub3A : vector<16xf32>
      %add3A_297 = arith.addf %get3A_290, %abs3A : vector<16xf32>
      %broadcast_in_dim3A_298 = arith.constant 11 : i32
      %broadcast_in_dim3A_299 = vector.broadcast %broadcast_in_dim3A_298 : i32 to vector<16xi32>
      %gather3A_300 = tpu.vector_load_idx %arg18[%broadcast_in_dim3A_283, %broadcast_in_dim3A_299] : memref<128x32xf32, #tpu.memory_space<vmem>>[vector<16xi32>, vector<16xi32>], vector<16xf32>,
      %add3A_301 = arith.constant 8192 : i32
      %add3A_302 = vector.broadcast %add3A_301 : i32 to vector<16xi32>
      %add3A_303 = arith.addi %get3A_286, %add3A_302 : vector<16xi32>
      %gather3A_304 = tpu.vector_load_idx %arg22[%add3A_303] : memref<16384xf32, #tpu.memory_space<vmem>>[vector<16xi32>], vector<16xf32>,
      %sub3A_305 = arith.subf %gather3A_300, %gather3A_304 : vector<16xf32>
      %abs3A_306 = math.absf %sub3A_305 : vector<16xf32>
      %add3A_307 = arith.addf %add3A_297, %abs3A_306 : vector<16xf32>
      %mul3A_308 = arith.constant 16 : i32
      %mul3A_309 = arith.muli %scan3A_282, %mul3A_308 : i32
      %swap3A_310 = arith.index_cast %mul3A_309 : i32 to index
      %swap3A_311 = tpu.vector_load %arg23[%swap3A_310] {strides = array<i32>} : memref<2048xf32, #tpu.memory_space<vmem>>, vector<16xf32>,
      tpu.vector_store %arg23[%swap3A_310], %add3A_307 {strides = array<i32>} : memref<2048xf32, #tpu.memory_space<vmem>>, vector<16xf32>,
    }
    %scan3A_227 = arith.constant 128 : i32
    %dma_wait3A_228 = arith.constant 98304 : i32
    %dma_wait3A_229 = tpu.memref_slice %arg6[%dma_wait3A_228] : memref<163840xf32, #tpu.memory_space<hbm>> -> memref<16384xf32, #tpu.memory_space<hbm>>
    %dma_wait3A_230 = arith.constant 98304 : i32
    %dma_wait3A_231 = tpu.memref_slice %arg6[%dma_wait3A_230] : memref<163840xf32, #tpu.memory_space<hbm>> -> memref<16384xf32, #tpu.memory_space<hbm>>
    tpu.wait_dma2 semaphore(%arg29 : memref<!tpu.dma_semaphore, #tpu.memory_space<semaphore_mem>>) src(%dma_wait3A_231 : memref<16384xf32, #tpu.memory_space<hbm>>) dst(%arg21 : memref<16384xf32, #tpu.memory_space<vmem>>)
    %dma_start3A_232 = arith.constant 114688 : i32
    %dma_start3A_233 = tpu.memref_slice %arg6[%dma_start3A_232] : memref<163840xf32, #tpu.memory_space<hbm>> -> memref<16384xf32, #tpu.memory_space<hbm>>
    %dma_start3A_234 = arith.constant 114688 : i32
    %dma_start3A_235 = tpu.memref_slice %arg6[%dma_start3A_234] : memref<163840xf32, #tpu.memory_space<hbm>> -> memref<16384xf32, #tpu.memory_space<hbm>>
    tpu.enqueue_dma source(%dma_start3A_235 : memref<16384xf32, #tpu.memory_space<hbm>>) target(%arg22 : memref<16384xf32, #tpu.memory_space<vmem>>) target_semaphore(%arg29 : memref<!tpu.dma_semaphore, #tpu.memory_space<semaphore_mem>>)
    %scan3A_236 = arith.constant 0 : i32
    %scan3A_237 = arith.constant 128 : i32
    %scan3A_238 = arith.addi %scan3A_236, %scan3A_237 : i32
    %scan3A_239 = arith.constant 1 : i32
    scf.for %scan3A_282 = %scan3A_236 to %scan3A_238 step %scan3A_239  : i32 {
      %broadcast_in_dim3A_283 = vector.broadcast %scan3A_282 : i32 to vector<16xi32>
      %mul3A_284 = arith.constant 16 : i32
      %mul3A_285 = arith.muli %scan3A_282, %mul3A_284 : i32
      %get3A = arith.index_cast %mul3A_285 : i32 to index
      %get3A_286 = tpu.vector_load %arg20[%get3A] {strides = array<i32>} : memref<2048xi32, #tpu.memory_space<vmem>>, vector<16xi32>,
      %mul3A_287 = arith.constant 16 : i32
      %mul3A_288 = arith.muli %scan3A_282, %mul3A_287 : i32
      %get3A_289 = arith.index_cast %mul3A_288 : i32 to index
      %get3A_290 = tpu.vector_load %arg23[%get3A_289] {strides = array<i32>} : memref<2048xf32, #tpu.memory_space<vmem>>, vector<16xf32>,
      %broadcast_in_dim3A_291 = arith.constant 12 : i32
      %broadcast_in_dim3A_292 = vector.broadcast %broadcast_in_dim3A_291 : i32 to vector<16xi32>
      %gather3A = tpu.vector_load_idx %arg18[%broadcast_in_dim3A_283, %broadcast_in_dim3A_292] : memref<128x32xf32, #tpu.memory_space<vmem>>[vector<16xi32>, vector<16xi32>], vector<16xf32>,
      %add3A_293 = arith.constant 0 : i32
      %add3A_294 = vector.broadcast %add3A_293 : i32 to vector<16xi32>
      %add3A_295 = arith.addi %get3A_286, %add3A_294 : vector<16xi32>
      %gather3A_296 = tpu.vector_load_idx %arg21[%add3A_295] : memref<16384xf32, #tpu.memory_space<vmem>>[vector<16xi32>], vector<16xf32>,
      %sub3A = arith.subf %gather3A, %gather3A_296 : vector<16xf32>
      %abs3A = math.absf %sub3A : vector<16xf32>
      %add3A_297 = arith.addf %get3A_290, %abs3A : vector<16xf32>
      %broadcast_in_dim3A_298 = arith.constant 13 : i32
      %broadcast_in_dim3A_299 = vector.broadcast %broadcast_in_dim3A_298 : i32 to vector<16xi32>
      %gather3A_300 = tpu.vector_load_idx %arg18[%broadcast_in_dim3A_283, %broadcast_in_dim3A_299] : memref<128x32xf32, #tpu.memory_space<vmem>>[vector<16xi32>, vector<16xi32>], vector<16xf32>,
      %add3A_301 = arith.constant 8192 : i32
      %add3A_302 = vector.broadcast %add3A_301 : i32 to vector<16xi32>
      %add3A_303 = arith.addi %get3A_286, %add3A_302 : vector<16xi32>
      %gather3A_304 = tpu.vector_load_idx %arg21[%add3A_303] : memref<16384xf32, #tpu.memory_space<vmem>>[vector<16xi32>], vector<16xf32>,
      %sub3A_305 = arith.subf %gather3A_300, %gather3A_304 : vector<16xf32>
      %abs3A_306 = math.absf %sub3A_305 : vector<16xf32>
      %add3A_307 = arith.addf %add3A_297, %abs3A_306 : vector<16xf32>
      %mul3A_308 = arith.constant 16 : i32
      %mul3A_309 = arith.muli %scan3A_282, %mul3A_308 : i32
      %swap3A_310 = arith.index_cast %mul3A_309 : i32 to index
      %swap3A_311 = tpu.vector_load %arg23[%swap3A_310] {strides = array<i32>} : memref<2048xf32, #tpu.memory_space<vmem>>, vector<16xf32>,
      tpu.vector_store %arg23[%swap3A_310], %add3A_307 {strides = array<i32>} : memref<2048xf32, #tpu.memory_space<vmem>>, vector<16xf32>,
    }
    %scan3A_240 = arith.constant 128 : i32
    %dma_wait3A_241 = arith.constant 114688 : i32
    %dma_wait3A_242 = tpu.memref_slice %arg6[%dma_wait3A_241] : memref<163840xf32, #tpu.memory_space<hbm>> -> memref<16384xf32, #tpu.memory_space<hbm>>
    %dma_wait3A_243 = arith.constant 114688 : i32
    %dma_wait3A_244 = tpu.memref_slice %arg6[%dma_wait3A_243] : memref<163840xf32, #tpu.memory_space<hbm>> -> memref<16384xf32, #tpu.memory_space<hbm>>
    tpu.wait_dma2 semaphore(%arg29 : memref<!tpu.dma_semaphore, #tpu.memory_space<semaphore_mem>>) src(%dma_wait3A_244 : memref<16384xf32, #tpu.memory_space<hbm>>) dst(%arg22 : memref<16384xf32, #tpu.memory_space<vmem>>)
    %dma_start3A_245 = arith.constant 131072 : i32
    %dma_start3A_246 = tpu.memref_slice %arg6[%dma_start3A_245] : memref<163840xf32, #tpu.memory_space<hbm>> -> memref<16384xf32, #tpu.memory_space<hbm>>
    %dma_start3A_247 = arith.constant 131072 : i32
    %dma_start3A_248 = tpu.memref_slice %arg6[%dma_start3A_247] : memref<163840xf32, #tpu.memory_space<hbm>> -> memref<16384xf32, #tpu.memory_space<hbm>>
    tpu.enqueue_dma source(%dma_start3A_248 : memref<16384xf32, #tpu.memory_space<hbm>>) target(%arg21 : memref<16384xf32, #tpu.memory_space<vmem>>) target_semaphore(%arg29 : memref<!tpu.dma_semaphore, #tpu.memory_space<semaphore_mem>>)
    %scan3A_249 = arith.constant 0 : i32
    %scan3A_250 = arith.constant 128 : i32
    %scan3A_251 = arith.addi %scan3A_249, %scan3A_250 : i32
    %scan3A_252 = arith.constant 1 : i32
    scf.for %scan3A_282 = %scan3A_249 to %scan3A_251 step %scan3A_252  : i32 {
      %broadcast_in_dim3A_283 = vector.broadcast %scan3A_282 : i32 to vector<16xi32>
      %mul3A_284 = arith.constant 16 : i32
      %mul3A_285 = arith.muli %scan3A_282, %mul3A_284 : i32
      %get3A = arith.index_cast %mul3A_285 : i32 to index
      %get3A_286 = tpu.vector_load %arg20[%get3A] {strides = array<i32>} : memref<2048xi32, #tpu.memory_space<vmem>>, vector<16xi32>,
      %mul3A_287 = arith.constant 16 : i32
      %mul3A_288 = arith.muli %scan3A_282, %mul3A_287 : i32
      %get3A_289 = arith.index_cast %mul3A_288 : i32 to index
      %get3A_290 = tpu.vector_load %arg23[%get3A_289] {strides = array<i32>} : memref<2048xf32, #tpu.memory_space<vmem>>, vector<16xf32>,
      %broadcast_in_dim3A_291 = arith.constant 14 : i32
      %broadcast_in_dim3A_292 = vector.broadcast %broadcast_in_dim3A_291 : i32 to vector<16xi32>
      %gather3A = tpu.vector_load_idx %arg18[%broadcast_in_dim3A_283, %broadcast_in_dim3A_292] : memref<128x32xf32, #tpu.memory_space<vmem>>[vector<16xi32>, vector<16xi32>], vector<16xf32>,
      %add3A_293 = arith.constant 0 : i32
      %add3A_294 = vector.broadcast %add3A_293 : i32 to vector<16xi32>
      %add3A_295 = arith.addi %get3A_286, %add3A_294 : vector<16xi32>
      %gather3A_296 = tpu.vector_load_idx %arg22[%add3A_295] : memref<16384xf32, #tpu.memory_space<vmem>>[vector<16xi32>], vector<16xf32>,
      %sub3A = arith.subf %gather3A, %gather3A_296 : vector<16xf32>
      %abs3A = math.absf %sub3A : vector<16xf32>
      %add3A_297 = arith.addf %get3A_290, %abs3A : vector<16xf32>
      %broadcast_in_dim3A_298 = arith.constant 15 : i32
      %broadcast_in_dim3A_299 = vector.broadcast %broadcast_in_dim3A_298 : i32 to vector<16xi32>
      %gather3A_300 = tpu.vector_load_idx %arg18[%broadcast_in_dim3A_283, %broadcast_in_dim3A_299] : memref<128x32xf32, #tpu.memory_space<vmem>>[vector<16xi32>, vector<16xi32>], vector<16xf32>,
      %add3A_301 = arith.constant 8192 : i32
      %add3A_302 = vector.broadcast %add3A_301 : i32 to vector<16xi32>
      %add3A_303 = arith.addi %get3A_286, %add3A_302 : vector<16xi32>
      %gather3A_304 = tpu.vector_load_idx %arg22[%add3A_303] : memref<16384xf32, #tpu.memory_space<vmem>>[vector<16xi32>], vector<16xf32>,
      %sub3A_305 = arith.subf %gather3A_300, %gather3A_304 : vector<16xf32>
      %abs3A_306 = math.absf %sub3A_305 : vector<16xf32>
      %add3A_307 = arith.addf %add3A_297, %abs3A_306 : vector<16xf32>
      %mul3A_308 = arith.constant 16 : i32
      %mul3A_309 = arith.muli %scan3A_282, %mul3A_308 : i32
      %swap3A_310 = arith.index_cast %mul3A_309 : i32 to index
      %swap3A_311 = tpu.vector_load %arg23[%swap3A_310] {strides = array<i32>} : memref<2048xf32, #tpu.memory_space<vmem>>, vector<16xf32>,
      tpu.vector_store %arg23[%swap3A_310], %add3A_307 {strides = array<i32>} : memref<2048xf32, #tpu.memory_space<vmem>>, vector<16xf32>,
    }
    %scan3A_253 = arith.constant 128 : i32
    %dma_wait3A_254 = arith.constant 131072 : i32
    %dma_wait3A_255 = tpu.memref_slice %arg6[%dma_wait3A_254] : memref<163840xf32, #tpu.memory_space<hbm>> -> memref<16384xf32, #tpu.memory_space<hbm>>
    %dma_wait3A_256 = arith.constant 131072 : i32
    %dma_wait3A_257 = tpu.memref_slice %arg6[%dma_wait3A_256] : memref<163840xf32, #tpu.memory_space<hbm>> -> memref<16384xf32, #tpu.memory_space<hbm>>
    tpu.wait_dma2 semaphore(%arg29 : memref<!tpu.dma_semaphore, #tpu.memory_space<semaphore_mem>>) src(%dma_wait3A_257 : memref<16384xf32, #tpu.memory_space<hbm>>) dst(%arg21 : memref<16384xf32, #tpu.memory_space<vmem>>)
    %dma_start3A_258 = arith.constant 147456 : i32
    %dma_start3A_259 = tpu.memref_slice %arg6[%dma_start3A_258] : memref<163840xf32, #tpu.memory_space<hbm>> -> memref<16384xf32, #tpu.memory_space<hbm>>
    %dma_start3A_260 = arith.constant 147456 : i32
    %dma_start3A_261 = tpu.memref_slice %arg6[%dma_start3A_260] : memref<163840xf32, #tpu.memory_space<hbm>> -> memref<16384xf32, #tpu.memory_space<hbm>>
    tpu.enqueue_dma source(%dma_start3A_261 : memref<16384xf32, #tpu.memory_space<hbm>>) target(%arg22 : memref<16384xf32, #tpu.memory_space<vmem>>) target_semaphore(%arg29 : memref<!tpu.dma_semaphore, #tpu.memory_space<semaphore_mem>>)
    %scan3A_262 = arith.constant 0 : i32
    %scan3A_263 = arith.constant 128 : i32
    %scan3A_264 = arith.addi %scan3A_262, %scan3A_263 : i32
    %scan3A_265 = arith.constant 1 : i32
    scf.for %scan3A_282 = %scan3A_262 to %scan3A_264 step %scan3A_265  : i32 {
      %broadcast_in_dim3A_283 = vector.broadcast %scan3A_282 : i32 to vector<16xi32>
      %mul3A_284 = arith.constant 16 : i32
      %mul3A_285 = arith.muli %scan3A_282, %mul3A_284 : i32
      %get3A = arith.index_cast %mul3A_285 : i32 to index
      %get3A_286 = tpu.vector_load %arg20[%get3A] {strides = array<i32>} : memref<2048xi32, #tpu.memory_space<vmem>>, vector<16xi32>,
      %mul3A_287 = arith.constant 16 : i32
      %mul3A_288 = arith.muli %scan3A_282, %mul3A_287 : i32
      %get3A_289 = arith.index_cast %mul3A_288 : i32 to index
      %get3A_290 = tpu.vector_load %arg23[%get3A_289] {strides = array<i32>} : memref<2048xf32, #tpu.memory_space<vmem>>, vector<16xf32>,
      %broadcast_in_dim3A_291 = arith.constant 16 : i32
      %broadcast_in_dim3A_292 = vector.broadcast %broadcast_in_dim3A_291 : i32 to vector<16xi32>
      %gather3A = tpu.vector_load_idx %arg18[%broadcast_in_dim3A_283, %broadcast_in_dim3A_292] : memref<128x32xf32, #tpu.memory_space<vmem>>[vector<16xi32>, vector<16xi32>], vector<16xf32>,
      %add3A_293 = arith.constant 0 : i32
      %add3A_294 = vector.broadcast %add3A_293 : i32 to vector<16xi32>
      %add3A_295 = arith.addi %get3A_286, %add3A_294 : vector<16xi32>
      %gather3A_296 = tpu.vector_load_idx %arg21[%add3A_295] : memref<16384xf32, #tpu.memory_space<vmem>>[vector<16xi32>], vector<16xf32>,
      %sub3A = arith.subf %gather3A, %gather3A_296 : vector<16xf32>
      %abs3A = math.absf %sub3A : vector<16xf32>
      %add3A_297 = arith.addf %get3A_290, %abs3A : vector<16xf32>
      %broadcast_in_dim3A_298 = arith.constant 17 : i32
      %broadcast_in_dim3A_299 = vector.broadcast %broadcast_in_dim3A_298 : i32 to vector<16xi32>
      %gather3A_300 = tpu.vector_load_idx %arg18[%broadcast_in_dim3A_283, %broadcast_in_dim3A_299] : memref<128x32xf32, #tpu.memory_space<vmem>>[vector<16xi32>, vector<16xi32>], vector<16xf32>,
      %add3A_301 = arith.constant 8192 : i32
      %add3A_302 = vector.broadcast %add3A_301 : i32 to vector<16xi32>
      %add3A_303 = arith.addi %get3A_286, %add3A_302 : vector<16xi32>
      %gather3A_304 = tpu.vector_load_idx %arg21[%add3A_303] : memref<16384xf32, #tpu.memory_space<vmem>>[vector<16xi32>], vector<16xf32>,
      %sub3A_305 = arith.subf %gather3A_300, %gather3A_304 : vector<16xf32>
      %abs3A_306 = math.absf %sub3A_305 : vector<16xf32>
      %add3A_307 = arith.addf %add3A_297, %abs3A_306 : vector<16xf32>
      %mul3A_308 = arith.constant 16 : i32
      %mul3A_309 = arith.muli %scan3A_282, %mul3A_308 : i32
      %swap3A_310 = arith.index_cast %mul3A_309 : i32 to index
      %swap3A_311 = tpu.vector_load %arg23[%swap3A_310] {strides = array<i32>} : memref<2048xf32, #tpu.memory_space<vmem>>, vector<16xf32>,
      tpu.vector_store %arg23[%swap3A_310], %add3A_307 {strides = array<i32>} : memref<2048xf32, #tpu.memory_space<vmem>>, vector<16xf32>,
    }
    %scan3A_266 = arith.constant 128 : i32
    %dma_wait3A_267 = arith.constant 147456 : i32
    %dma_wait3A_268 = tpu.memref_slice %arg6[%dma_wait3A_267] : memref<163840xf32, #tpu.memory_space<hbm>> -> memref<16384xf32, #tpu.memory_space<hbm>>
    %dma_wait3A_269 = arith.constant 147456 : i32
    %dma_wait3A_270 = tpu.memref_slice %arg6[%dma_wait3A_269] : memref<163840xf32, #tpu.memory_space<hbm>> -> memref<16384xf32, #tpu.memory_space<hbm>>
    tpu.wait_dma2 semaphore(%arg29 : memref<!tpu.dma_semaphore, #tpu.memory_space<semaphore_mem>>) src(%dma_wait3A_270 : memref<16384xf32, #tpu.memory_space<hbm>>) dst(%arg22 : memref<16384xf32, #tpu.memory_space<vmem>>)
    %scan3A_271 = arith.constant 0 : i32
    %scan3A_272 = arith.constant 128 : i32
    %scan3A_273 = arith.addi %scan3A_271, %scan3A_272 : i32
    %scan3A_274 = arith.constant 1 : i32
    %scan3A_275 = scf.for %scan3A_282 = %scan3A_271 to %scan3A_273 step %scan3A_274 iter_args(%scan3A_283 = %broadcast_in_dim3A_149) -> (vector<16xf32>)  : i32 {
      %broadcast_in_dim3A_284 = vector.broadcast %scan3A_282 : i32 to vector<16xi32>
      %mul3A_285 = arith.constant 16 : i32
      %mul3A_286 = arith.muli %scan3A_282, %mul3A_285 : i32
      %get3A = arith.index_cast %mul3A_286 : i32 to index
      %get3A_287 = tpu.vector_load %arg20[%get3A] {strides = array<i32>} : memref<2048xi32, #tpu.memory_space<vmem>>, vector<16xi32>,
      %mul3A_288 = arith.constant 16 : i32
      %mul3A_289 = arith.muli %scan3A_282, %mul3A_288 : i32
      %get3A_290 = arith.index_cast %mul3A_289 : i32 to index
      %get3A_291 = tpu.vector_load %arg23[%get3A_290] {strides = array<i32>} : memref<2048xf32, #tpu.memory_space<vmem>>, vector<16xf32>,
      %broadcast_in_dim3A_292 = arith.constant 18 : i32
      %broadcast_in_dim3A_293 = vector.broadcast %broadcast_in_dim3A_292 : i32 to vector<16xi32>
      %gather3A = tpu.vector_load_idx %arg18[%broadcast_in_dim3A_284, %broadcast_in_dim3A_293] : memref<128x32xf32, #tpu.memory_space<vmem>>[vector<16xi32>, vector<16xi32>], vector<16xf32>,
      %add3A_294 = arith.constant 0 : i32
      %add3A_295 = vector.broadcast %add3A_294 : i32 to vector<16xi32>
      %add3A_296 = arith.addi %get3A_287, %add3A_295 : vector<16xi32>
      %gather3A_297 = tpu.vector_load_idx %arg22[%add3A_296] : memref<16384xf32, #tpu.memory_space<vmem>>[vector<16xi32>], vector<16xf32>,
      %sub3A = arith.subf %gather3A, %gather3A_297 : vector<16xf32>
      %abs3A = math.absf %sub3A : vector<16xf32>
      %add3A_298 = arith.addf %get3A_291, %abs3A : vector<16xf32>
      %broadcast_in_dim3A_299 = arith.constant 19 : i32
      %broadcast_in_dim3A_300 = vector.broadcast %broadcast_in_dim3A_299 : i32 to vector<16xi32>
      %gather3A_301 = tpu.vector_load_idx %arg18[%broadcast_in_dim3A_284, %broadcast_in_dim3A_300] : memref<128x32xf32, #tpu.memory_space<vmem>>[vector<16xi32>, vector<16xi32>], vector<16xf32>,
      %add3A_302 = arith.constant 8192 : i32
      %add3A_303 = vector.broadcast %add3A_302 : i32 to vector<16xi32>
      %add3A_304 = arith.addi %get3A_287, %add3A_303 : vector<16xi32>
      %gather3A_305 = tpu.vector_load_idx %arg22[%add3A_304] : memref<16384xf32, #tpu.memory_space<vmem>>[vector<16xi32>], vector<16xf32>,
      %sub3A_306 = arith.subf %gather3A_301, %gather3A_305 : vector<16xf32>
      %abs3A_307 = math.absf %sub3A_306 : vector<16xf32>
      %add3A_308 = arith.addf %add3A_298, %abs3A_307 : vector<16xf32>
      %mul3A_309 = arith.constant 16 : i32
      %mul3A_310 = arith.muli %scan3A_282, %mul3A_309 : i32
      %get3A_311 = arith.index_cast %mul3A_310 : i32 to index
      %get3A_312 = tpu.vector_load %arg19[%get3A_311] {strides = array<i32>} : memref<2048xi32, #tpu.memory_space<vmem>>, vector<16xi32>,
      %and3A_313 = arith.constant 0 : i32
      %and3A_314 = vector.broadcast %and3A_313 : i32 to vector<16xi32>
      %and3A_315 = arith.andi %iota3A, %and3A_314 : vector<16xi32>
      %broadcast_in_dim3A_316 = vector.shape_cast %and3A_315 : vector<16xi32> to vector<16x1xi32>
      %gather3A_317 = vector.shape_cast %broadcast_in_dim3A_316 : vector<16x1xi32> to vector<16xi32>
      %gather3A_318 = tpu.dynamic_gather %get3A_312[%gather3A_317] in [0] : vector<16xi32>, vector<16xi32> -> vector<16xi32>
      %lt3A = arith.constant 2147475456 : i32
      %lt3A_319 = vector.broadcast %lt3A : i32 to vector<16xi32>
      %lt3A_320 = arith.cmpi slt, %gather3A_318, %lt3A_319 : vector<16xi32>
      %jit3A = arith.constant 1.000000e+00 : f32
      %jit3A_321 = arith.constant 0.000000e+00 : f32
      %broadcast_in_dim3A_322 = vector.broadcast %jit3A : f32 to vector<16xf32>
      %broadcast_in_dim3A_323 = vector.broadcast %jit3A_321 : f32 to vector<16xf32>
      %select_n3A = arith.select %lt3A_320, %broadcast_in_dim3A_322, %broadcast_in_dim3A_323 : vector<16xi1>, vector<16xf32>
      %lt3A_324 = arith.constant 10 : i32
      %lt3A_325 = vector.broadcast %lt3A_324 : i32 to vector<16xi32>
      %lt3A_326 = arith.cmpi slt, %iota3A, %lt3A_325 : vector<16xi32>
      %mul3A_327 = arith.mulf %select_n3A, %add3A_308 : vector<16xf32>
      %jit3A_328 = arith.constant 0.000000e+00 : f32
      %broadcast_in_dim3A_329 = vector.broadcast %jit3A_328 : f32 to vector<16xf32>
      %select_n3A_330 = arith.select %lt3A_326, %mul3A_327, %broadcast_in_dim3A_329 : vector<16xi1>, vector<16xf32>
      %add3A_331 = arith.addf %scan3A_283, %select_n3A_330 : vector<16xf32>
      scf.yield %add3A_331 : vector<16xf32>
    }
    %scan3A_276 = arith.constant 128 : i32
    %swap3A = arith.constant 0 : index
    %swap3A_277 = tpu.vector_load %arg25[%swap3A] {strides = array<i32>} : memref<32xf32, #tpu.memory_space<vmem>>, vector<16xf32>,
    tpu.vector_store %arg25[%swap3A], %scan3A_146 {strides = array<i32>} : memref<32xf32, #tpu.memory_space<vmem>>, vector<16xf32>,
    %swap3A_278 = arith.constant 16 : index
    %swap3A_279 = tpu.vector_load %arg25[%swap3A_278] {strides = array<i32>} : memref<32xf32, #tpu.memory_space<vmem>>, vector<16xf32>,
    tpu.vector_store %arg25[%swap3A_278], %scan3A_275 {strides = array<i32>} : memref<32xf32, #tpu.memory_space<vmem>>, vector<16xf32>,
    %mul3A_280 = arith.constant 32 : i32
    %mul3A_281 = arith.muli %add3A, %mul3A_280 : i32
    "tpu.region"() ({
      %run_scoped3A = tpu.sem_alloc : memref<!tpu.dma_semaphore, #tpu.memory_space<semaphore_mem>>
      %dma_start3A_282 = tpu.memref_slice %arg8[%mul3A_281] : memref<1024xf32, #tpu.memory_space<hbm>> -> memref<32xf32, #tpu.memory_space<hbm>>
      %dma_start3A_283 = tpu.memref_slice %arg8[%mul3A_281] : memref<1024xf32, #tpu.memory_space<hbm>> -> memref<32xf32, #tpu.memory_space<hbm>>
      tpu.enqueue_dma source(%arg25 : memref<32xf32, #tpu.memory_space<vmem>>) target(%dma_start3A_283 : memref<32xf32, #tpu.memory_space<hbm>>) target_semaphore(%run_scoped3A : memref<!tpu.dma_semaphore, #tpu.memory_space<semaphore_mem>>)
      %dma_wait3A_284 = tpu.memref_slice %arg8[%mul3A_281] : memref<1024xf32, #tpu.memory_space<hbm>> -> memref<32xf32, #tpu.memory_space<hbm>>
      %dma_wait3A_285 = tpu.memref_slice %arg8[%mul3A_281] : memref<1024xf32, #tpu.memory_space<hbm>> -> memref<32xf32, #tpu.memory_space<hbm>>
      tpu.wait_dma2 semaphore(%run_scoped3A : memref<!tpu.dma_semaphore, #tpu.memory_space<semaphore_mem>>) src(%arg25 : memref<32xf32, #tpu.memory_space<vmem>>) dst(%dma_wait3A_285 : memref<32xf32, #tpu.memory_space<hbm>>)
      tpu.yield
    }) : () -> ()
    "tpu.region"() ({
      %run_scoped3A = tpu.sem_alloc : memref<!tpu.dma_semaphore, #tpu.memory_space<semaphore_mem>>
      %dma_start3A_282 = tpu.memref_slice %arg7[%mul3A_2] : memref<4096xf32, #tpu.memory_space<hbm>> -> memref<128xf32, #tpu.memory_space<hbm>>
      %dma_start3A_283 = tpu.memref_slice %arg7[%mul3A_2] : memref<4096xf32, #tpu.memory_space<hbm>> -> memref<128xf32, #tpu.memory_space<hbm>>
      tpu.enqueue_dma source(%arg24 : memref<128xf32, #tpu.memory_space<vmem>>) target(%dma_start3A_283 : memref<128xf32, #tpu.memory_space<hbm>>) target_semaphore(%run_scoped3A : memref<!tpu.dma_semaphore, #tpu.memory_space<semaphore_mem>>)
      %dma_wait3A_284 = tpu.memref_slice %arg7[%mul3A_2] : memref<4096xf32, #tpu.memory_space<hbm>> -> memref<128xf32, #tpu.memory_space<hbm>>
      %dma_wait3A_285 = tpu.memref_slice %arg7[%mul3A_2] : memref<4096xf32, #tpu.memory_space<hbm>> -> memref<128xf32, #tpu.memory_space<hbm>>
      tpu.wait_dma2 semaphore(%run_scoped3A : memref<!tpu.dma_semaphore, #tpu.memory_space<semaphore_mem>>) src(%arg24 : memref<128xf32, #tpu.memory_space<vmem>>) dst(%dma_wait3A_285 : memref<128xf32, #tpu.memory_space<hbm>>)
      tpu.yield
    }) : () -> ()
    return
  }
}

module attributes {stable_mosaic.version = 14 : i64} {
  func.func @_tc_body(%arg0: memref<160x128xf32, #tpu.memory_space<vmem>>, %arg1: memref<160x128xf32, #tpu.memory_space<vmem>>, %arg2: memref<32x128xf32, #tpu.memory_space<vmem>>, %arg3: memref<8x128xf32, #tpu.memory_space<vmem>>, %arg4: memref<1x1xf32, #tpu.memory_space<vmem>>) attributes {dimension_semantics = [], scalar_prefetch = 0 : i64, scratch_operands = 0 : i64, tpu.core_type = #tpu.core_type<tc>} {
    %get3A = arith.constant 0 : index
    %get3A_0 = arith.constant 0 : index
    %get3A_1 = vector.load %arg0[%get3A, %get3A_0] : memref<160x128xf32, #tpu.memory_space<vmem>>, vector<160x128xf32>
    %max3A = arith.constant 0.000000e+00 : f32
    %max3A_2 = vector.broadcast %max3A : f32 to vector<160x128xf32>
    %max3A_3 = arith.maximumf %get3A_1, %max3A_2 : vector<160x128xf32>
    %abs3A = math.absf %get3A_1 : vector<160x128xf32>
    %neg3A = arith.constant 0.000000e+00 : f32
    %neg3A_4 = vector.broadcast %neg3A : f32 to vector<160x128xf32>
    %neg3A_5 = arith.subf %neg3A_4, %abs3A : vector<160x128xf32>
    %exp3A = math.exp %neg3A_5 : vector<160x128xf32>
    %log1p3A = math.log1p %exp3A : vector<160x128xf32>
    %add3A = arith.addf %max3A_3, %log1p3A : vector<160x128xf32>
    %reduce_sum3A = vector.shape_cast %add3A : vector<160x128xf32> to vector<1x160x128xf32>
    %reduce_sum3A_6 = arith.constant dense<0.000000e+00> : vector<1xf32>
    %reduce_sum3A_7 = vector.multi_reduction <add>, %reduce_sum3A, %reduce_sum3A_6 [1, 2] : vector<1x160x128xf32> to vector<1xf32>
    %reduce_sum3A_8 = vector.shape_cast %reduce_sum3A_7 : vector<1xf32> to vector<1x1x1xf32>
    %reduce_sum3A_9 = vector.extract %reduce_sum3A_8[0, 0, 0] : f32 from vector<1x1x1xf32>
    %get3A_10 = arith.constant 0 : index
    %get3A_11 = arith.constant 0 : index
    %get3A_12 = vector.load %arg1[%get3A_10, %get3A_11] : memref<160x128xf32, #tpu.memory_space<vmem>>, vector<160x128xf32>
    %mul3A = arith.mulf %get3A_12, %get3A_1 : vector<160x128xf32>
    %reduce_sum3A_13 = vector.shape_cast %mul3A : vector<160x128xf32> to vector<1x160x128xf32>
    %reduce_sum3A_14 = arith.constant dense<0.000000e+00> : vector<1xf32>
    %reduce_sum3A_15 = vector.multi_reduction <add>, %reduce_sum3A_13, %reduce_sum3A_14 [1, 2] : vector<1x160x128xf32> to vector<1xf32>
    %reduce_sum3A_16 = vector.shape_cast %reduce_sum3A_15 : vector<1xf32> to vector<1x1x1xf32>
    %reduce_sum3A_17 = vector.extract %reduce_sum3A_16[0, 0, 0] : f32 from vector<1x1x1xf32>
    %get3A_18 = arith.constant 0 : index
    %get3A_19 = arith.constant 0 : index
    %get3A_20 = vector.load %arg2[%get3A_18, %get3A_19] : memref<32x128xf32, #tpu.memory_space<vmem>>, vector<32x128xf32>
    %reduce_sum3A_21 = vector.shape_cast %get3A_20 : vector<32x128xf32> to vector<1x32x128xf32>
    %reduce_sum3A_22 = arith.constant dense<0.000000e+00> : vector<1xf32>
    %reduce_sum3A_23 = vector.multi_reduction <add>, %reduce_sum3A_21, %reduce_sum3A_22 [1, 2] : vector<1x32x128xf32> to vector<1xf32>
    %reduce_sum3A_24 = vector.shape_cast %reduce_sum3A_23 : vector<1xf32> to vector<1x1x1xf32>
    %reduce_sum3A_25 = vector.extract %reduce_sum3A_24[0, 0, 0] : f32 from vector<1x1x1xf32>
    %get3A_26 = arith.constant 0 : index
    %get3A_27 = arith.constant 0 : index
    %get3A_28 = vector.load %arg3[%get3A_26, %get3A_27] : memref<8x128xf32, #tpu.memory_space<vmem>>, vector<8x128xf32>
    %iota3A = tpu.iota {dimensions = array<i32: 1>} : vector<8x128xi32>
    %and3A = arith.constant 31 : i32
    %and3A_29 = vector.broadcast %and3A : i32 to vector<8x128xi32>
    %and3A_30 = arith.andi %iota3A, %and3A_29 : vector<8x128xi32>
    %lt3A = arith.constant 16 : i32
    %lt3A_31 = vector.broadcast %lt3A : i32 to vector<8x128xi32>
    %lt3A_32 = arith.cmpi slt, %and3A_30, %lt3A_31 : vector<8x128xi32>
    %jit3A = arith.constant 0.000000e+00 : f32
    %broadcast_in_dim3A = vector.broadcast %jit3A : f32 to vector<8x128xf32>
    %select_n3A = arith.select %lt3A_32, %get3A_28, %broadcast_in_dim3A : vector<8x128xi1>, vector<8x128xf32>
    %reduce_sum3A_33 = vector.shape_cast %select_n3A : vector<8x128xf32> to vector<1x8x128xf32>
    %reduce_sum3A_34 = arith.constant dense<0.000000e+00> : vector<1xf32>
    %reduce_sum3A_35 = vector.multi_reduction <add>, %reduce_sum3A_33, %reduce_sum3A_34 [1, 2] : vector<1x8x128xf32> to vector<1xf32>
    %reduce_sum3A_36 = vector.shape_cast %reduce_sum3A_35 : vector<1xf32> to vector<1x1x1xf32>
    %reduce_sum3A_37 = vector.extract %reduce_sum3A_36[0, 0, 0] : f32 from vector<1x1x1xf32>
    %jit3A_38 = arith.constant 0.000000e+00 : f32
    %broadcast_in_dim3A_39 = vector.broadcast %jit3A_38 : f32 to vector<8x128xf32>
    %select_n3A_40 = arith.select %lt3A_32, %broadcast_in_dim3A_39, %get3A_28 : vector<8x128xi1>, vector<8x128xf32>
    %reduce_sum3A_41 = vector.shape_cast %select_n3A_40 : vector<8x128xf32> to vector<1x8x128xf32>
    %reduce_sum3A_42 = arith.constant dense<0.000000e+00> : vector<1xf32>
    %reduce_sum3A_43 = vector.multi_reduction <add>, %reduce_sum3A_41, %reduce_sum3A_42 [1, 2] : vector<1x8x128xf32> to vector<1xf32>
    %reduce_sum3A_44 = vector.shape_cast %reduce_sum3A_43 : vector<1xf32> to vector<1x1x1xf32>
    %reduce_sum3A_45 = vector.extract %reduce_sum3A_44[0, 0, 0] : f32 from vector<1x1x1xf32>
    %mul3A_46 = arith.constant 1.000000e+01 : f32
    %mul3A_47 = arith.mulf %mul3A_46, %reduce_sum3A_9 : f32
    %mul3A_48 = arith.constant 1.000000e+01 : f32
    %mul3A_49 = arith.mulf %mul3A_48, %reduce_sum3A_17 : f32
    %sub3A = arith.subf %mul3A_47, %mul3A_49 : f32
    %div3A = arith.constant 2.048000e+05 : f32
    %div3A_50 = arith.divf %sub3A, %div3A : f32
    %mul3A_51 = arith.constant 1.500000e+02 : f32
    %mul3A_52 = arith.mulf %mul3A_51, %reduce_sum3A_25 : f32
    %max3A_53 = arith.constant 1.000000e+00 : f32
    %max3A_54 = arith.maximumf %mul3A_52, %max3A_53 : f32
    %div3A_55 = arith.divf %reduce_sum3A_37, %max3A_54 : f32
    %mul3A_56 = arith.constant 2.000000e+02 : f32
    %mul3A_57 = arith.mulf %mul3A_56, %reduce_sum3A_25 : f32
    %max3A_58 = arith.constant 1.000000e+00 : f32
    %max3A_59 = arith.maximumf %mul3A_57, %max3A_58 : f32
    %div3A_60 = arith.divf %reduce_sum3A_45, %max3A_59 : f32
    %mul3A_61 = arith.constant 2.000000e-01 : f32
    %mul3A_62 = arith.mulf %mul3A_61, %div3A_50 : f32
    %add3A_63 = arith.addf %mul3A_62, %div3A_55 : f32
    %add3A_64 = arith.addf %add3A_63, %div3A_60 : f32
    %reshape3A = vector.broadcast %add3A_64 : f32 to vector<1x1xf32>
    %swap3A = arith.constant 0 : index
    %swap3A_65 = arith.constant 0 : index
    %swap3A_66 = vector.load %arg4[%swap3A, %swap3A_65] : memref<1x1xf32, #tpu.memory_space<vmem>>, vector<1x1xf32>
    tpu.vector_store %arg4[%swap3A, %swap3A_65], %reshape3A {strides = array<i32>} : memref<1x1xf32, #tpu.memory_space<vmem>>, vector<1x1xf32>,
    return
  }
}

</mosaic_0001>

<sc_bundles>
// kernel: kernel.4.cloned.1.call-start
scs
__scs_entry_jumppad:
0x0: {  	(pc) =	sbr.rel $0x88, $3  }
0x1: {  	(tag) =	ssettag $0x0;
	lr =	simm.s32 $0x1  }
0x2: {  	[smem:$0x3F9A] =	sst lr;
	_ =	strace $0xD0000000  }
0x3: {  	_ = 	snop  }
0x4: {  	_ = 	snop  }
0x5: {  	_ = 	snop  }
0x6: {  	_ = 	snop  }
0x7: {  	_ = 	snop  }
__scs_overlays_trampoline_lowered:
0x8: {  	[smem:$0x3FA9] =	sst s0  }
0x9: {  	[smem:$0x3FAA] =	sst s1  }
0xa: {  	[smem:$0x3FAB] =	sst s2  }
0xb: {  	[smem:$0x3FAC] =	sst s3  }
0xc: {  	[smem:$0x3FAD] =	sst s4  }
0xd: {  	[smem:$0x3FAE] =	sst s5  }
0xe: {  	[smem:$0x3FAF] =	sst s6  }
0xf: {  	[smem:$0x3FB0] =	sst s7  }
0x10: {  	[smem:$0x3FB1] =	sst s8  }
0x11: {  	[smem:$0x3FB2] =	sst s9;
	s0 =	simm.s32 @!p0 $0x0  }
0x12: {  	s1 =	sld [smem:$0x3F98];
	s0 =	simm.s32 @p0 $0x1  }
0x13: {  	[smem:$0x3FB3] =	sst s0;
	s0 =	simm.s32 @!p1 $0x0  }
0x14: {  	s2 =	sld [smem:$0x3F97];
	s0 =	simm.s32 @p1 $0x1  }
0x15: {  	[smem:$0x3FB4] =	sst s0;
	s0 =	simm.s32 @!p2 $0x0  }
0x16: {  	s3 =	sld [smem:$0x3FDB];
	s0 =	simm.s32 @p2 $0x1  }
0x17: {  	s4 =	simm.s32 $0x1BF5;
	[smem:$0x3FB6] =	sst s0  }
0x18: {  	s0 =	sld [smem:$0x3F99];
	_ =	swait.ge [sflag:s4], $0x0  }
0x19: {  	s7 =	sld [smem:$0x3F9A]  }
0x1a: {  	s8 =	sadd.s32 $0xFFFFE003, lr  }
0x1b: {  	s9 =	sadd.s32 $0xFFFFFEF7, lr;
	s5 =	simm.s32 $0xFFFFFFFF;
	p2 =	slt.u32 s8, $0xFFFFF086  }
0x1c: {  	p1 =	slt.u32 s9, $0xF7A;
	s5 =	simm.s32 @!p2 $0x0  }
0x1d: {  	s5 =	simm.s32 @p1 $0x1;
	p0 =	seq.s32 s7, s2  }
0x1e: {  	s7 =	smul.u32 @!p0 $0xF7A, s2;
	p2 =	seq.s32 @!p0 s5, $0x0  }
0x1f: {  	s9 =	smul.u32 $0xF7A, s1;
	s8 =	simm.s32 @!p0 $0x1BF5;
	p2 =	por !p2, p0  }
0x20: {  	[sflag:s8] =	ssyncset.s32 @!p0 $0xFFFFF086;
	s6 =	sadd.s32 @!p0 s3, s7;
	s7 =	simm.s32 @!p0 $0x108  }
0x21: {  	s3 =	sadd.s32 s3, s9;
	s6 =	sadd.s32 @!p0 $0x88, s6;
	s7 =	simm.s32 @p2 $0x1082  }
0x22: {  	[simem:s7], [sflag:s8] =	dma.local @!p0 [hbm:s6], $0xF7A  }
0x23: {  	s9 =	sor.u32 $0xD0000000, s2;
	s6 =	simm.s32 $0x108;
	_ =	swait.ge @!p0 [sflag:s8], $0x0  }
0x24: {  	s3 =	sadd.s32 $0x88, s3;
	s6 =	simm.s32 @!p1 $0x1082;
	[sflag:s4] =	ssyncset.s32 $0xFFFFF086  }
0x25: {  	[simem:s6], [sflag:s4] =	dma.local [hbm:s3], $0xF7A  }
0x26: {  	[smem:$0x3F9A] =	sst s1;
	(tag) =	ssettag s2;
	_ =	strace s9  }
0x27: {  	s1 =	sld [smem:$0x3FAA]  }
0x28: {  	s2 =	sld [smem:$0x3FAB]  }
0x29: {  	s4 =	sld [smem:$0x3FAD]  }
0x2a: {  	p0 =	seq.s32 s5, $0x0;
	s5 =	sld [smem:$0x3FAE]  }
0x2b: {  	s6 =	sld [smem:$0x3FAF]  }
0x2c: {  	s7 =	sld [smem:$0x3FB0]  }
0x2d: {  	s3 =	simm.s32 $0x108;
	s8 =	sld [smem:$0x3FB1]  }
0x2e: {  	s3 =	simm.s32 @!p0 $0x1082;
	s9 =	sld [smem:$0x3FB2]  }
0x2f: {  	lr =	sadd.s32 s0, s3;
	s0 =	sld [smem:$0x3FA9]  }
0x30: {  	s3 =	sld [smem:$0x3FAC]  }
0x31: {  	[smem:$0x3FB5] =	sst s10  }
0x32: {  	s10 =	sld [smem:$0x3FB3];
	_ =	sdelay $0x3  }
0x33: {  	p0 =	seq.s32 s10, $0x1;
	s10 =	sld [smem:$0x3FB5];
	_ =	sdelay $0x3  }
0x34: {  	[smem:$0x3FB5] =	sst s10  }
0x35: {  	s10 =	sld [smem:$0x3FB4];
	_ =	sdelay $0x3  }
0x36: {  	p1 =	seq.s32 s10, $0x1;
	s10 =	sld [smem:$0x3FB5];
	_ =	sdelay $0x3  }
0x37: {  	[smem:$0x3FB5] =	sst s10  }
0x38: {  	s10 =	sld [smem:$0x3FB6]  }
0x39: {  	_ = 	snop;
	(pc) =	sbr.ind lr, $3  }
0x3a: {  	_ = 	snop  }
0x3b: {  	_ = 	snop  }
0x3c: {  	p2 =	seq.s32 s10, $0x1;
	s10 =	sld [smem:$0x3FB5]  }
0x3d: {  	_ =	shalt  }
0x3e: {  	_ =	shalt  }
0x3f: {  	_ =	shalt  }
0x40: {  	_ =	shalt  }
0x41: {  	_ =	shalt  }
0x42: {  	_ =	shalt  }
0x43: {  	_ =	shalt  }
0x44: {  	_ =	shalt  }
0x45: {  	_ =	shalt  }
0x46: {  	_ =	shalt  }
0x47: {  	_ =	shalt  }
0x48: {  	_ =	shalt  }
0x49: {  	_ =	shalt  }
0x4a: {  	_ =	shalt  }
0x4b: {  	_ =	shalt  }
0x4c: {  	_ =	shalt  }
0x4d: {  	_ =	shalt  }
0x4e: {  	_ =	shalt  }
0x4f: {  	_ =	shalt  }
0x50: {  	_ =	shalt  }
0x51: {  	_ =	shalt  }
0x52: {  	_ =	shalt  }
0x53: {  	_ =	shalt  }
0x54: {  	_ =	shalt  }
0x55: {  	_ =	shalt  }
0x56: {  	_ =	shalt  }
0x57: {  	_ =	shalt  }
0x58: {  	_ =	shalt  }
0x59: {  	_ =	shalt  }
0x5a: {  	_ =	shalt  }
0x5b: {  	_ =	shalt  }
0x5c: {  	_ =	shalt  }
0x5d: {  	_ =	shalt  }
0x5e: {  	_ =	shalt  }
0x5f: {  	_ =	shalt  }
0x60: {  	_ =	shalt  }
0x61: {  	_ =	shalt  }
0x62: {  	_ =	shalt  }
0x63: {  	_ =	shalt  }
0x64: {  	_ =	shalt  }
0x65: {  	_ =	shalt  }
0x66: {  	_ =	shalt  }
0x67: {  	_ =	shalt  }
0x68: {  	_ =	shalt  }
0x69: {  	_ =	shalt  }
0x6a: {  	_ =	shalt  }
0x6b: {  	_ =	shalt  }
0x6c: {  	_ =	shalt  }
0x6d: {  	_ =	shalt  }
0x6e: {  	_ =	shalt  }
0x6f: {  	_ =	shalt  }
0x70: {  	_ =	shalt  }
0x71: {  	_ =	shalt  }
0x72: {  	_ =	shalt  }
0x73: {  	_ =	shalt  }
0x74: {  	_ =	shalt  }
0x75: {  	_ =	shalt  }
0x76: {  	_ =	shalt  }
0x77: {  	_ =	shalt  }
0x78: {  	_ =	shalt  }
0x79: {  	_ =	shalt  }
0x7a: {  	_ =	shalt  }
0x7b: {  	_ =	shalt  }
0x7c: {  	_ =	shalt  }
0x7d: {  	_ =	shalt  }
0x7e: {  	_ =	shalt  }
0x7f: {  	_ =	shalt  }
0x80: {  	_ =	shalt  }
0x81: {  	_ =	shalt  }
0x82: {  	_ =	shalt  }
0x83: {  	_ =	shalt  }
0x84: {  	_ =	shalt  }
0x85: {  	_ =	shalt  }
0x86: {  	_ =	shalt  }
0x87: {  	_ =	shalt  }
.Lfunc_end0:
.L_simem_size_0:
called_computation_lowered:
.L_overlay_start_0:
0x88: {  	s2 =	sld [smem:$0x3FD9]  }
0x89: {  	s3 =	sld [smem:$0x3FFE];
	_ =	sdelay $0x1  }
0x8a: {  	s1 =	srdreg.scid  }
0x8b: {  	s0 =	sand.u32 $0x1, s1  }
0x8c: {  	s16 =	sshll.u32 s0, $0xA;
	s2 =	sadd.s32 s3, s2  }
0x8d: {  	s2 =	sadd.s32 s2, s16  }
0x8e: {  	[smem:$0x3FC1] =	sst s2  }
0x8f: {  	_ = 	snop  }
0x90: {  	(tm) =	ssettm $0x1  }
0x91: {  	s17 =	sld [smem:$0x3FFB];
	_ =	sdelay $0x3  }
0x92: {  	_ =	strace s17  }
0x93: {  	s2 =	sld [smem:$0x3FFC];
	_ =	sdelay $0x3  }
0x94: {  	_ =	strace s2  }
0x95: {  	s2 =	sld [smem:$0x3FFD];
	_ =	sdelay $0x3  }
0x96: {  	_ =	strace s2  }
0x97: {  	_ =	strace $0x8FFFFFFF  }
0x98: {  	s18 =	sld [smem:$0x3FDB];
	_ =	sdelay $0x1  }
0x99: {  	s19 =	simm.s32 $_scs_section_size  }
0x9a: {  	s4 =	simm.s32 $_size__tile_overlayer_lowered;
	s5 =	simm.s32 $_tile_overlayer_lowered  }
0x9b: {  	s22 =	simm.s32 $0x1BFF;
	s21 =	sshll.u32 s5, $0x1;
	s2 =	sadd.s32 s19, s18  }
0x9c: {  	s6 =	simm.s32 $0x0;
	s20 =	sshll.u32 s4, $0x1;
	s4 =	sadd.s32 s21, s2  }
0x9d: {  	[timem:s6], [sflag:s22] =	dma.local [hbm:s4], s20  }
0x9e: {  	_ =	swait.ge [sflag:s22], s20  }
0x9f: {  	s3 =	ssub.s32 $0x0, s20;
	[sflag:s22] =	ssyncset.done $0x0  }
0xa0: {  	[sflag:s22] =	ssyncadd.s32 s3;
	_ =	sdelay $0x1  }
0xa1: {  	s23 =	simm.s32 $0x1B8B  }
0xa2: {  	_ =	swait.ge [sflag:s23], $0x1  }
0xa3: {  	[sflag:s23] =	ssyncset.done $0x0  }
0xa4: {  	s25 =	simm.s32 $0x1B8E;
	s24 =	sld [smem:$0x3FFE];
	[sflag:s23] =	ssyncadd.s32 $0xFFFFFFFF  }
0xa5: {  	s26 =	simm.s32 $execute0_lowered;
	[smem:$0x3FD2] =	sst s25  }
0xa6: {  	s4 =	sshll.u32 s26, $0x1;
	_ =	strace $0x80000046;
	[dreg:$0x1] =	wrdreg $0xFFFFFFFF  }
0xa7: {  	s28 =	simm.s32 $_size_execute0_lowered;
	s2 =	sadd.s32 s2, s4;
	[dreg:$0x0] =	wrdreg $0x0  }
0xa8: {  	s4 =	sshll.u32 s28, $0x1;
	[dreg:$0x2] =	wrdreg s2  }
0xa9: {  	[dreg:$0x3] =	wrdreg s4  }
0xaa: {  	[dreg:$0x4] =	wrdreg $0xC0  }
0xab: {  	_ =	task [dreg:s6], $0x5FFFF  }
0xac: {  	[dreg:$0x1] =	wrdreg $0xFFFFFFFF  }
0xad: {  	[dreg:$0x0] =	wrdreg $0x60  }
0xae: {  	[dreg:$0x2] =	wrdreg s24  }
0xaf: {  	[dreg:$0x3] =	wrdreg $0x9  }
0xb0: {  	_ =	task.clear_ibuf [dreg:s6], $0x4FFFF;
	_ =	strace $0x90000046  }
0xb1: {  	s29 =	simm.s32 $0x9;
	_ =	strace $0x80000048  }
0xb2: {  	_ =	swait.ge [sflag:s29], $0x1  }
0xb3: {  	[sflag:s29] =	ssyncadd.s32 $0xFFFFFFFF  }
0xb4: {  	_ =	strace $0x90000048  }
0xb5: {  	_ =	sfence  }
0xb6: {  	s30 =	sld [smem:$0x0];
	_ =	sdelay $0x2  }
0xb7: {  	s31 =	sshll.u32 s1, $0xD;
	s1 =	sshrl.u32 s1, $0x2  }
0xb8: {  	s3 =	sand.u32 $0x4000, s31;
	s1 =	sadd.s32 s1, s30  }
0xb9: {  	s0 =	sor.u32 s3, s0;
	s1 =	sshll.u32 s1, $0x11  }
0xba: {  	s0 =	sor.u32 s1, s0  }
0xbb: {  	s0 =	sadd.s32 $0x8F2B, s0  }
0xbc: {  	[sflag:s0] =	ssyncadd.remote.s32 $0x1  }
0xbd: {  	_ =	sfence.sel $0xFFFF  }
0xbe: {  	[dreg:$0x0] =	wrdreg $0xFFFFFFFF;
	(pc) =	sbr.abs _section_cstart, $3  }
0xbf: {  	[dreg:$0x1] =	wrdreg $0xFFFFFFFF  }
0xc0: {  	_ =	task.clear_ibuf [dreg:s6], $0x2FFFF;
	_ =	strace $0x9FFFFFFF  }
0xc1: {  	(tm) =	ssettm $0x7FFFFFFF  }
tec
execute0_lowered:
.L_overlay_start_1:
0x0: {  	(tag) =	ssettag $0x1  }
0x1: {  	s0 =	rddreg [dreg:$0x0];
	s2 =	simm.s32 $0x0  }
0x2: {  	[smem:$0x7FF] =	sst s2;
	s5 =	sadd.s32 $0x26600, s0  }
0x3: {  	s7 =	sadd.s32 $0x21600, s0;
	_ =	strace $0x80000047;
	[dreg:$0x2] =	wrdreg s5  }
0x4: {  	s9 =	sadd.s32 $0x26A00, s0;
	[dreg:$0x3] =	wrdreg s7  }
0x5: {  	s10 =	sadd.s32 $0x26E00, s0;
	[dreg:$0x4] =	wrdreg s9  }
0x6: {  	s11 =	sadd.s32 $0x27200, s0;
	[dreg:$0x5] =	wrdreg s10  }
0x7: {  	s17 =	sadd.s32 $0x21E00, s0;
	[dreg:$0x6] =	wrdreg s11  }
0x8: {  	s18 =	sadd.s32 $0x22600, s0;
	[dreg:$0xd] =	wrdreg s17  }
0x9: {  	s1 =	srdreg.scid;
	s19 =	sadd.s32 $0x22E00, s0;
	[dreg:$0xe] =	wrdreg s18  }
0xa: {  	s3 =	stileid.u32;
	s20 =	sadd.s32 $0x23600, s0;
	[dreg:$0xf] =	wrdreg s19  }
0xb: {  	s29 =	simm.s32 $0x2000;
	s21 =	sadd.s32 $0x23E00, s0;
	[dreg:$0x10] =	wrdreg s20  }
0xc: {  	s1 =	sand.u32 $0x1, s1;
	s22 =	sadd.s32 $0x24600, s0;
	[dreg:$0x11] =	wrdreg s21  }
0xd: {  	s3 =	sshll.u32 s3, $0x1;
	s23 =	sadd.s32 $0x24E00, s0;
	[dreg:$0x12] =	wrdreg s22  }
0xe: {  	s24 =	sadd.s32 $0x25600, s0;
	s3 =	sor.u32 s1, s3;
	[dreg:$0x13] =	wrdreg s23  }
0xf: {  	s30 =	simm.s32 $0x4000;
	[dreg:$0x14] =	wrdreg s24;
	s4 =	sshll.u32 s3, $0xB  }
0x10: {  	s8 =	sshll.u32 s3, $0x4;
	s3 =	sshll.u32 s3, $0x2;
	s4 =	sadd.s32 s4, s0  }
0x11: {  	s5 =	sadd.s32 s8, s0;
	s3 =	sadd.s32 s3, s0;
	s0 =	sadd.s32 $0x25E00, s0  }
0x12: {  	s28 =	simm.s32 $0x8100;
	s12 =	sadd.s32 $0x27600, s5;
	[dreg:$0x15] =	wrdreg s0  }
0x13: {  	s1 =	ssub.s32 $0x2, s1;
	s13 =	sadd.s32 $0x27800, s5;
	[dreg:$0x7] =	wrdreg s12  }
0x14: {  	s7 =	simm.s32 $0x15200;
	s14 =	sadd.s32 $0x27A00, s5;
	[dreg:$0x8] =	wrdreg s13  }
0x15: {  	s6 =	sshrl.u32 s1, $0x1;
	s15 =	sadd.s32 $0x27C00, s5;
	[dreg:$0x9] =	wrdreg s14  }
0x16: {  	v0 =	vimm.s32 $0x0;
	v1 =	vlaneseq.u32;
	s1 =	ssub.s32 s1, s6;
	s16 =	sadd.s32 $0x11600, s4;
	[dreg:$0xa] =	wrdreg s15  }
0x17: {  	v2 =	vimm.f32 $0.0e+00;
	v60 =	vimm.s32 $0x1;
	v63 =	vimm.s32 $0x2;
	s8 =	simm.s32 $0x0;
	s4 =	sadd.s32 $0x1600, s4;
	[dreg:$0xb] =	wrdreg s16  }
0x18: {  	v51 =	vimm.s32 $0x3;
	v52 =	vimm.s32 $0x4;
	v53 =	vimm.s32 $0x5;
	s25 =	sadd.s32 $0x28000, s3;
	s26 =	sadd.s32 $0x27E00, s5;
	[dreg:$0xc] =	wrdreg s4  }
0x19: {  	v54 =	vimm.s32 $0x6;
	v55 =	vimm.s32 $0x7;
	v56 =	vimm.s32 $0x8;
	s31 =	smax.u32 s1, $0x1;
	s0 =	simm.s32 $0x8000;
	[dreg:$0x16] =	wrdreg s25  }
0x1a: {  	v57 =	vimm.s32 $0x9;
	v58 =	vimm.s32 $0xA;
	v59 =	vimm.s32 $0xB;
	s1 =	simm.s32 $0x8080;
	s3 =	simm.s32 $0xC200;
	[dreg:$0x17] =	wrdreg s26  }
0x1b: {  	v14 =	vimm.s32 $0xC;
	v15 =	vimm.s32 $0xD;
	v16 =	vimm.s32 $0xE;
	s5 =	simm.s32 $0x19A00;
	[dreg:$0x18] =	wrdreg s31;
	s26 =	simm.s32 $0x11200  }
.LBB2_1:
0x1c: {  	[dreg:$0x19] =	wrdreg s8  }
0x1d: {  	s4 =	rddreg [dreg:$0x3]  }
0x1e: {  	[tilespmem:s26], [sflag:$0x2] =	stream.linear.gather [hbm4b:s4+s2], $0x4000, $0x38;
	[tilespmem:$0x1BC80] =	vst v63  }
0x1f: {  	s31 =	rddreg [dreg:$0x2];
	s6 =	simm.s32 $0x6000  }
0x20: {  	[tilespmem:s6], [sflag:$0x1] =	stream.linear.gather [hbm4b:s31+s2], $0x2000, $0x38;
	[tilespmem:$0x1BC80] =	vst v63  }
0x21: {  	s6 =	rddreg [dreg:$0x4]  }
0x22: {  	[tilespmem:s2], [sflag:$0x1] =	stream.linear.gather [hbm4b:s6+s2], $0x2000, $0x38;
	[tilespmem:$0x1BC80] =	vst v63  }
0x23: {  	s8 =	rddreg [dreg:$0x5]  }
0x24: {  	[tilespmem:s29], [sflag:$0x1] =	stream.linear.gather [hbm4b:s8+s2], $0x2000, $0x38;
	[tilespmem:$0x1BC80] =	vst v63  }
0x25: {  	s9 =	rddreg [dreg:$0x6]  }
0x26: {  	[tilespmem:s30], [sflag:$0x1] =	stream.linear.gather [hbm4b:s9+s2], $0x2000, $0x38;
	[tilespmem:$0x1BC80] =	vst v63  }
0x27: {  	s10 =	rddreg [dreg:$0x7];
	s11 =	simm.s32 $0x8180  }
0x28: {  	[tilespmem:s11], [sflag:$0x1] =	stream.linear.gather [hbm4b:s10+s2], $0x80, $0x38;
	[tilespmem:$0x1BC80] =	vst v63  }
0x29: {  	s12 =	rddreg [dreg:$0x8]  }
0x2a: {  	[tilespmem:s0], [sflag:$0x1] =	stream.linear.gather [hbm4b:s12+s2], $0x80, $0x38;
	[tilespmem:$0x1BC80] =	vst v63  }
0x2b: {  	s13 =	rddreg [dreg:$0x9]  }
0x2c: {  	[tilespmem:s1], [sflag:$0x1] =	stream.linear.gather [hbm4b:s13+s2], $0x80, $0x38;
	[tilespmem:$0x1BC80] =	vst v63  }
0x2d: {  	s14 =	rddreg [dreg:$0xa]  }
0x2e: {  	[tilespmem:s28], [sflag:$0x1] =	stream.linear.gather [hbm4b:s14+s2], $0x80, $0x38;
	[tilespmem:$0x1BC80] =	vst v63  }
0x2f: {  	s15 =	rddreg [dreg:$0xb];
	s16 =	simm.s32 $0x8200  }
0x30: {  	[tilespmem:s16], [sflag:$0x1] =	stream.linear.gather [hbm4b:s15+s2], $0x4000, $0x38;
	[tilespmem:$0x1BC80] =	vst v63  }
0x31: {  	s17 =	rddreg [dreg:$0xc];
	s18 =	simm.s32 $0x1  }
0x32: {  	[tilespmem:s3], [sflag:$0x1] =	stream.linear.gather [hbm4b:s17+s2], $0x4000, $0x38;
	[tilespmem:$0x1BC80] =	vst v63  }
0x33: {  	_ =	swait.ge [sflag:s18], $0x2000  }
0x34: {  	[sflag:s18] =	ssyncset.done $0x0  }
0x35: {  	[sflag:s18] =	ssyncadd.s32 $0xFFFFE000  }
0x36: {  	_ =	swait.ge [sflag:s18], $0x2000  }
0x37: {  	[sflag:s18] =	ssyncset.done $0x0  }
0x38: {  	[sflag:s18] =	ssyncadd.s32 $0xFFFFE000  }
0x39: {  	_ =	swait.ge [sflag:s18], $0x2000  }
0x3a: {  	[sflag:s18] =	ssyncset.done $0x0  }
0x3b: {  	[sflag:s18] =	ssyncadd.s32 $0xFFFFE000  }
0x3c: {  	_ =	swait.ge [sflag:s18], $0x2000  }
0x3d: {  	[sflag:s18] =	ssyncset.done $0x0  }
0x3e: {  	[sflag:s18] =	ssyncadd.s32 $0xFFFFE000  }
0x3f: {  	_ =	swait.ge [sflag:s18], $0x80  }
0x40: {  	[sflag:s18] =	ssyncset.done $0x0  }
0x41: {  	[sflag:s18] =	ssyncadd.s32 $0xFFFFFF80  }
0x42: {  	_ =	swait.ge [sflag:s18], $0x80  }
0x43: {  	[sflag:s18] =	ssyncset.done $0x0  }
0x44: {  	[sflag:s18] =	ssyncadd.s32 $0xFFFFFF80  }
0x45: {  	_ =	swait.ge [sflag:s18], $0x80  }
0x46: {  	[sflag:s18] =	ssyncset.done $0x0  }
0x47: {  	[sflag:s18] =	ssyncadd.s32 $0xFFFFFF80  }
0x48: {  	_ =	swait.ge [sflag:s18], $0x80  }
0x49: {  	[sflag:s18] =	ssyncset.done $0x0  }
0x4a: {  	[sflag:s18] =	ssyncadd.s32 $0xFFFFFF80  }
0x4b: {  	_ =	swait.ge [sflag:s18], $0x4000  }
0x4c: {  	[sflag:s18] =	ssyncset.done $0x0  }
0x4d: {  	[sflag:s18] =	ssyncadd.s32 $0xFFFFC000  }
0x4e: {  	_ =	swait.ge [sflag:s18], $0x4000  }
0x4f: {  	[sflag:s18] =	ssyncset.done $0x0  }
0x50: {  	s19 =	simm.s32 $0x0;
	[sflag:s18] =	ssyncadd.s32 $0xFFFFC000  }
0x51: {  	v17 =	vld [tilespmem:s19+$0x6000];
	_ =	sdelay $0x4  }
0x52: {  	vm0 =	veq.s32 v17, $0x3  }
0x53: {  	vm1 =	veq.s32 v17, $0x0;
	v18 =	vsel vm0, $0x1, v0  }
0x54: {  	s20 =	simm.s32 $0x10;
	v19 =	vsel vm1, $0x1, v0;
	(xrf0) =	vadd.scan.msk.s32 $0xffff, v18  }
0x55: {  	vm10 =	veq.s32 v17, $0x1;
	(xrf0) =	vadd.scan.msk.s32 $0xffff, v19;
	v19 =	vld [tilespmem:s20+$0x6000]  }
0x56: {  	v18 =	vsel vm10, $0x1, v0  }
0x57: {  	s21 =	simm.s32 $0x20;
	(xrf0) =	vadd.scan.msk.s32 $0xffff, v18  }
0x58: {  	vm11 =	veq.s32 v17, $0x2;
	v17 =	vld [tilespmem:s21+$0x6000];
	_ =	sdelay $0x1  }
0x59: {  	v20 =	vsel vm11, $0x1, v0;
	v18, _, _ =	vpop (xrf0);
	vm12 =	veq.s32 v19, $0x3  }
0x5a: {  	vm13 =	veq.s32 v19, $0x0;
	v21, _, _ =	vpop (xrf0);
	(v2sf) =	vpush v18, $0xF;
	(xrf0) =	vadd.scan.msk.s32 $0xffff, v20;
	v18 =	vsel vm12, $0x1, v0  }
0x5b: {  	vm14 =	veq.s32 v19, $0x1;
	v48 =	vsel vm13, $0x1, v0;
	(xrf0) =	vadd.scan.msk.s32 $0xffff, v18  }
0x5c: {  	s22 =	simm.s32 $0x30;
	vm4 =	veq.s32 v17, $0x3;
	(v2sf) =	vpush v21, $0xF;
	v20, _, _ =	vpop (xrf0);
	v18 =	vsel vm14, $0x1, v0;
	(xrf0) =	vadd.scan.msk.s32 $0xffff, v48  }
0x5d: {  	vm15 =	veq.s32 v19, $0x2;
	v19 =	vld [tilespmem:s22+$0x6000];
	(v2sf) =	vpush v20, $0xF;
	(xrf0) =	vadd.scan.msk.s32 $0xffff, v18;
	v18 =	vsel vm4, $0x1, v0  }
0x5e: {  	v20 =	vsel vm15, $0x1, v0  }
0x5f: {  	vm5 =	veq.s32 v17, $0x0;
	vm6 =	veq.s32 v17, $0x1;
	(xrf0) =	vadd.scan.msk.s32 $0xffff, v20  }
0x60: {  	s23 =	simm.s32 $0x40;
	vm7 =	veq.s32 v17, $0x2;
	v17 =	vsel vm6, $0x1, v0;
	v20 =	vsel vm5, $0x1, v0;
	(xrf0) =	vadd.scan.msk.s32 $0xffff, v18;
	v18, _, _ =	vpop (xrf0)  }
0x61: {  	(xrf0) =	vadd.scan.msk.s32 $0xffff, v20;
	(v2sf) =	vpush v18, $0xF;
	v18 =	vld [tilespmem:s23+$0x6000]  }
0x62: {  	vm8 =	veq.s32 v19, $0x3;
	v20 =	vsel vm7, $0x1, v0;
	v49, _, _ =	vpop (xrf0);
	(xrf0) =	vadd.scan.msk.s32 $0xffff, v17  }
0x63: {  	vm9 =	veq.s32 v19, $0x0;
	v17, _, _ =	vpop (xrf0);
	(v2sf) =	vpush v49, $0xF;
	(xrf0) =	vadd.scan.msk.s32 $0xffff, v20;
	v20 =	vsel vm8, $0x1, v0  }
0x64: {  	vm10 =	veq.s32 v19, $0x1;
	v50 =	vsel vm9, $0x1, v0;
	(v2sf) =	vpush v17, $0xF;
	v17, _, _ =	vpop (xrf0);
	(xrf0) =	vadd.scan.msk.s32 $0xffff, v20  }
0x65: {  	vm11 =	veq.s32 v19, $0x2;
	v20 =	vsel vm10, $0x1, v0;
	(v2sf) =	vpush v17, $0xF;
	v17, _, _ =	vpop (xrf0);
	(xrf0) =	vadd.scan.msk.s32 $0xffff, v50  }
0x66: {  	v19 =	vsel vm11, $0x1, v0;
	v61, _, _ =	vpop (xrf0);
	(v2sf) =	vpush v17, $0xF;
	(xrf0) =	vadd.scan.msk.s32 $0xffff, v20;
	vm12 =	veq.s32 v18, $0x3  }
0x67: {  	v17, _, _ =	vpop (xrf0);
	(v2sf) =	vpush v61, $0xF;
	(xrf0) =	vadd.scan.msk.s32 $0xffff, v19;
	vm13 =	veq.s32 v18, $0x0;
	v19 =	vsel vm12, $0x1, v0  }
0x68: {  	(v2sf) =	vpush v17, $0xF;
	v17, _, _ =	vpop (xrf0);
	v20 =	vsel vm13, $0x1, v0  }
0x69: {  	(v2sf) =	vpush v17, $0xF;
	v17, _, _ =	vpop (xrf0)  }
0x6a: {  	(xrf0) =	vadd.scan.msk.s32 $0xffff, v19;
	s24 =	spop (v2sf);
	(v2sf) =	vpush v17, $0xF;
	v19, _, _ =	vpop (xrf0)  }
0x6b: {  	(xrf0) =	vadd.scan.msk.s32 $0xffff, v20;
	s31 =	spop (v2sf);
	v20, _, _ =	vpop (xrf0);
	(v2sf) =	vpush v19, $0xF  }
0x6c: {  	s9 =	spop (v2sf);
	(v2sf) =	vpush v20, $0xF;
	_ =	sdelay $0x4  }
0x6d: {  	s25 =	simm.s32 $0x50  }
0x6e: {  	v17 =	vld [tilespmem:s25+$0x6000]  }
0x6f: {  	vm14 =	veq.s32 v18, $0x1  }
0x70: {  	s10 =	simm.s32 $0x180;
	vm15 =	veq.s32 v18, $0x2;
	v62 =	vsel vm14, $0x1, v0;
	s4 =	sadd.s32 $0x0, s24  }
0x71: {  	v18 =	vsel vm15, $0x1, v0;
	(xrf0) =	vadd.scan.msk.s32 $0xffff, v62;
	s8 =	sadd.s32 $0x0, s31;
	s6 =	sadd.s32 $0x0, s9;
	v19, _, _ =	vpop (xrf0);
	s9 =	simm.s32 $0x0  }
.LBB2_2:
0x72: {  	s11 =	sshra.s32 s10, $0x2;
	(xrf0) =	vadd.scan.msk.s32 $0xffff, v18;
	(v2sf) =	vpush v19, $0xF;
	v19, _, _ =	vpop (xrf0);
	s12 =	spop (v2sf);
	p0 =	sne.s32 s10, $0x7FC0  }
.Ltmp0:
0x73: {  	s10 =	sadd.s32 $0x40, s10;
	vm0 =	veq.s32 v17, $0x0;
	vm1 =	veq.s32 v17, $0x1;
	vm2 =	veq.s32 v17, $0x3;
	s13 =	spop (v2sf);
	(pc) =	sbr.rel @p0 .LBB2_2-.Ltmp0, $4  }
0x74: {  	s9 =	sadd.s32 s9, s12;
	v20 =	vsel vm0, $0x1, v0;
	vm0 =	veq.s32 v17, $0x2;
	v17 =	vld [tilespmem:s11+$0x6000];
	v3 =	vsel vm2, $0x1, v0;
	s4 =	sadd.s32 s4, s13;
	s11 =	spop (v2sf)  }
0x75: {  	v22 =	vsel vm1, $0x1, v0;
	v18 =	vsel vm0, $0x1, v0;
	(xrf0) =	vadd.scan.msk.s32 $0xffff, v3;
	v21, _, _ =	vpop (xrf0);
	(v2sf) =	vpush v19, $0xF;
	s8 =	sadd.s32 s8, s11;
	s11 =	spop (v2sf)  }
0x76: {  	(xrf0) =	vadd.scan.msk.s32 $0xffff, v20;
	v19, _, _ =	vpop (xrf0);
	(v2sf) =	vpush v21, $0xF;
	s6 =	sadd.s32 s6, s11  }
0x77: {  	(xrf0) =	vadd.scan.msk.s32 $0xffff, v22;
	(v2sf) =	vpush v19, $0xF;
	v19, _, _ =	vpop (xrf0)  }
0x78: {  	_ = 	snop  }
0x79: {  	vm0 =	veq.s32 v17, $0x3  }
0x7a: {  	(xrf0) =	vadd.scan.msk.s32 $0xffff, v18;
	v18 =	vsel vm0, $0x1, v0  }
0x7b: {  	vm1 =	veq.s32 v17, $0x0;
	vm0 =	veq.s32 v17, $0x1  }
0x7c: {  	v20 =	vsel vm1, $0x1, v0;
	vm1 =	veq.s32 v17, $0x2;
	(xrf0) =	vadd.scan.msk.s32 $0xffff, v18;
	v17 =	vsel vm0, $0x1, v0  }
0x7d: {  	(v2sf) =	vpush v19, $0xF;
	v18, _, _ =	vpop (xrf0);
	(xrf0) =	vadd.scan.msk.s32 $0xffff, v20  }
0x7e: {  	v19 =	vsel vm1, $0x1, v0;
	v50, _, _ =	vpop (xrf0);
	(v2sf) =	vpush v18, $0xF;
	(xrf0) =	vadd.scan.msk.s32 $0xffff, v17  }
0x7f: {  	v17, _, _ =	vpop (xrf0);
	(v2sf) =	vpush v50, $0xF;
	(xrf0) =	vadd.scan.msk.s32 $0xffff, v19  }
0x80: {  	v18, _, _ =	vpop (xrf0);
	(v2sf) =	vpush v17, $0xF  }
0x81: {  	s13 =	spop (v2sf);
	(v2sf) =	vpush v18, $0xF;
	v17, _, _ =	vpop (xrf0)  }
0x82: {  	s10 =	spop (v2sf);
	v18, _, _ =	vpop (xrf0);
	(v2sf) =	vpush v17, $0xF  }
0x83: {  	s14 =	spop (v2sf);
	v17, _, _ =	vpop (xrf0);
	(v2sf) =	vpush v18, $0xF  }
0x84: {  	s15 =	spop (v2sf);
	(v2sf) =	vpush v17, $0xF;
	v17, _, _ =	vpop (xrf0)  }
0x85: {  	s16 =	spop (v2sf);
	(v2sf) =	vpush v17, $0xF;
	v17, _, _ =	vpop (xrf0)  }
0x86: {  	s11 =	spop (v2sf);
	(v2sf) =	vpush v17, $0xF  }
0x87: {  	s17 =	spop (v2sf)  }
0x88: {  	s18 =	spop (v2sf)  }
0x89: {  	s12 =	simm.s32 $0x6000;
	s19 =	spop (v2sf)  }
0x8a: {  	v17 =	vld [tilespmem:s12+$0x0];
	s12 =	spop (v2sf)  }
0x8b: {  	s20 =	spop (v2sf)  }
0x8c: {  	s21 =	spop (v2sf)  }
0x8d: {  	s22 =	spop (v2sf)  }
0x8e: {  	s13 =	sadd.s32 s9, s13;
	s8 =	sadd.s32 s8, s14;
	s9 =	spop (v2sf)  }
0x8f: {  	s6 =	sadd.s32 s6, s15;
	s13 =	sadd.s32 s13, s16;
	s24 =	spop (v2sf)  }
0x90: {  	s8 =	sadd.s32 s8, s17;
	s6 =	sadd.s32 s6, s18;
	s25 =	spop (v2sf)  }
0x91: {  	s13 =	sadd.s32 s13, s19;
	s8 =	sadd.s32 s8, s20;
	s31 =	spop (v2sf)  }
0x92: {  	s6 =	sadd.s32 s6, s21;
	vm0 =	veq.s32 v17, $0x0;
	s13 =	sadd.s32 s13, s22;
	s17 =	spop (v2sf)  }
0x93: {  	v18 =	vsel vm0, $0x1, v0;
	s8 =	sadd.s32 s8, s24;
	s6 =	sadd.s32 s6, s25;
	s15 =	spop (v2sf)  }
0x94: {  	(xrf0) =	vadd.scan.msk.s32 $0xffff, v18;
	s13 =	sadd.s32 s13, s31;
	s14 =	sadd.s32 s8, s15;
	s16 =	spop (v2sf)  }
0x95: {  	s15 =	sadd.s32 s6, s16;
	s18 =	spop (v2sf);
	s6 =	simm.s32 $0x0  }
0x96: {  	s19 =	sadd.s32 $0xF, s14;
	s13 =	sadd.s32 s13, s18;
	s20 =	sadd.s32 $0xF, s15;
	v19 =	vor.u32 s6, v1  }
0x97: {  	vm1 =	veq.s32 v17, $0x1;
	s21 =	sand.u32 $0xFFFFFFF0, s19;
	s22 =	sand.u32 $0xFFFFFFF0, s20;
	s23 =	sadd.s32 $0xF, s13;
	[tilespmem:s6+$0x19B00] =	vst.msk vm0, v19  }
0x98: {  	[dreg:$0x1a] =	wrdreg s14;
	vm0 =	veq.s32 v17, $0x2;
	s14 =	sadd.s32 s21, s22;
	s24 =	sand.u32 $0xFFFFFFF0, s23;
	[tilespmem:s21+$0x19B00] =	vst.msk vm1, v19  }
0x99: {  	vm2 =	veq.s32 v17, $0x3;
	s25 =	sadd.s32 s24, s14;
	[tilespmem:s14+$0x19B00] =	vst.msk vm0, v19  }
0x9a: {  	v18, _, _ =	vpop (xrf0);
	s8 =	simm.s32 $0x6010;
	[tilespmem:s25+$0x19B00] =	vst.msk vm2, v19  }
0x9b: {  	(v2sf) =	vpush v18, $0xF;
	v18 =	vld [tilespmem:s8+$0x0]  }
0x9c: {  	v17 =	vsel vm1, $0x1, v0  }
0x9d: {  	(xrf0) =	vadd.scan.msk.s32 $0xffff, v17;
	v19 =	vsel vm0, $0x1, v0  }
0x9e: {  	v17 =	vsel vm2, $0x1, v0;
	(xrf0) =	vadd.scan.msk.s32 $0xffff, v19  }
0x9f: {  	(xrf0) =	vadd.scan.msk.s32 $0xffff, v17  }
0xa0: {  	vm3 =	veq.s32 v18, $0x0  }
0xa1: {  	v17 =	vsel vm3, $0x1, v0;
	_ =	sdelay $0x1  }
0xa2: {  	v19, _, _ =	vpop (xrf0)  }
0xa3: {  	(v2sf) =	vpush v19, $0xF;
	(xrf0) =	vadd.scan.msk.s32 $0xffff, v17;
	v17, _, _ =	vpop (xrf0)  }
0xa4: {  	(v2sf) =	vpush v17, $0xF;
	v19, _, _ =	vpop (xrf0)  }
0xa5: {  	(v2sf) =	vpush v19, $0xF;
	_ =	sdelay $0x1  }
0xa6: {  	s4 =	sadd.s32 s4, s10  }
0xa7: {  	s4 =	sadd.s32 s4, s11  }
0xa8: {  	s4 =	sadd.s32 s4, s12  }
0xa9: {  	s4 =	sadd.s32 s4, s9  }
0xaa: {  	s4 =	sadd.s32 s4, s17  }
0xab: {  	[dreg:$0x1f] =	wrdreg s4;
	vm2 =	veq.s32 v18, $0x1  }
0xac: {  	[dreg:$0x1b] =	wrdreg s15;
	vm0 =	veq.s32 v18, $0x2;
	v61 =	vsel vm2, $0x1, v0  }
0xad: {  	s11 =	simm.s32 $0x20;
	s31 =	simm.s32 $0x10;
	[dreg:$0x1c] =	wrdreg s13;
	vm1 =	veq.s32 v18, $0x3;
	v18 =	vsel vm0, $0x1, v0;
	(xrf0) =	vadd.scan.msk.s32 $0xffff, v61  }
0xae: {  	[dreg:$0x1d] =	wrdreg s21;
	s10 =	smov.u32 s21;
	s9 =	smov.u32 s14;
	v62 =	vsel vm1, $0x1, v0;
	(xrf0) =	vadd.scan.msk.s32 $0xffff, v18  }
0xaf: {  	[dreg:$0x1e] =	wrdreg s25;
	s4 =	smov.u32 s25;
	s12 =	spop (v2sf);
	v17 =	vor.u32 s31, v1;
	(xrf0) =	vadd.scan.msk.s32 $0xffff, v62  }
.LBB2_4:
0xb0: {  	s15 =	smov.u32 s11  }
0xb1: {  	v18 =	vor.u32 s11, v1;
	s6 =	sadd.s32 s6, s12;
	s12 =	spop (v2sf);
	s15 =	sadd.s32 $0x10, s11  }
0xb2: {  	p0 =	sne.s32 s11, $0x1FF0;
	s10 =	sadd.s32 s10, s12;
	[tilespmem:s6+$0x19B00] =	vst.msk vm3, v17;
	v19, _, _ =	vpop (xrf0);
	s11 =	spop (v2sf)  }
0xb3: {  	[tilespmem:s10+$0x19B00] =	vst.msk vm2, v17;
	(v2sf) =	vpush v19, $0xF;
	v19, _, _ =	vpop (xrf0);
	s9 =	sadd.s32 s9, s11;
	s11 =	spop (v2sf)  }
0xb4: {  	[tilespmem:s9+$0x19B00] =	vst.msk vm0, v17;
	(v2sf) =	vpush v19, $0xF;
	v19, _, _ =	vpop (xrf0);
	s4 =	sadd.s32 s4, s11  }
0xb5: {  	[tilespmem:s4+$0x19B00] =	vst.msk vm1, v17;
	(v2sf) =	vpush v19, $0xF;
	v19, _, _ =	vpop (xrf0);
	v17 =	vmov v18  }
0xb6: {  	s8 =	sadd.s32 $0x10, s8;
	(v2sf) =	vpush v19, $0xF  }
0xb7: {  	v18 =	vld [tilespmem:s8+$0x0];
	_ =	sdelay $0x4  }
0xb8: {  	vm3 =	veq.s32 v18, $0x0;
	vm2 =	veq.s32 v18, $0x1;
	vm0 =	veq.s32 v18, $0x2  }
0xb9: {  	vm1 =	veq.s32 v18, $0x3;
	v19 =	vsel vm3, $0x1, v0;
	v20 =	vsel vm2, $0x1, v0  }
.Ltmp1:
0xba: {  	v18 =	vsel vm0, $0x1, v0;
	v21 =	vsel vm1, $0x1, v0;
	(xrf0) =	vadd.scan.msk.s32 $0xffff, v19;
	(pc) =	sbr.rel @p0 .LBB2_4-.Ltmp1, $4  }
0xbb: {  	(xrf0) =	vadd.scan.msk.s32 $0xffff, v20  }
0xbc: {  	(xrf0) =	vadd.scan.msk.s32 $0xffff, v18  }
0xbd: {  	(xrf0) =	vadd.scan.msk.s32 $0xffff, v21  }
0xbe: {  	s11 =	smov.u32 s15;
	s12 =	spop (v2sf)  }
0xbf: {  	s6 =	sadd.s32 s6, s12;
	s8 =	spop (v2sf)  }
0xc0: {  	[tilespmem:s6+$0x19B00] =	vst.msk vm3, v17;
	s22 =	sadd.s32 s10, s8;
	s23 =	spop (v2sf)  }
0xc1: {  	[tilespmem:s22+$0x19B00] =	vst.msk vm2, v17;
	s24 =	sadd.s32 s9, s23;
	s25 =	spop (v2sf)  }
0xc2: {  	[tilespmem:s24+$0x19B00] =	vst.msk vm0, v17;
	s4 =	sadd.s32 s4, s25  }
0xc3: {  	[tilespmem:s4+$0x19B00] =	vst.msk vm1, v17  }
0xc4: {  	v18 =	vld [tilespmem:$0x8180];
	_ =	sdelay $0x2  }
0xc5: {  	v17 =	vld [tilespmem:$0x8190];
	_ =	sdelay $0x1  }
0xc6: {  	vm0 =	veq.s32 v18, $0x0  }
0xc7: {  	v19 =	vld [tilespmem:$0x81A0];
	v20 =	vsel vm0, $0x1, v0;
	vm0 =	veq.s32 v18, $0x1  }
0xc8: {  	(xrf0) =	vadd.scan.msk.s32 $0xffff, v20;
	v20 =	vsel vm0, $0x1, v0;
	vm0 =	veq.s32 v18, $0x2  }
0xc9: {  	(xrf0) =	vadd.scan.msk.s32 $0xffff, v20;
	v20 =	vsel vm0, $0x1, v0;
	vm0 =	veq.s32 v17, $0x0  }
0xca: {  	v21, _, _ =	vpop (xrf0);
	(xrf0) =	vadd.scan.msk.s32 $0xffff, v20;
	v22 =	vsel vm0, $0x1, v0;
	vm0 =	veq.s32 v17, $0x1;
	v20 =	vld [tilespmem:$0x81B0]  }
0xcb: {  	(v2sf) =	vpush v21, $0xF;
	v21, _, _ =	vpop (xrf0);
	(xrf0) =	vadd.scan.msk.s32 $0xffff, v22;
	v22 =	vsel vm0, $0x1, v0;
	vm0 =	veq.s32 v17, $0x2  }
0xcc: {  	(v2sf) =	vpush v21, $0xF;
	v21, _, _ =	vpop (xrf0);
	(xrf0) =	vadd.scan.msk.s32 $0xffff, v22;
	v22 =	vsel vm0, $0x1, v0;
	vm0 =	veq.s32 v19, $0x0  }
0xcd: {  	(v2sf) =	vpush v21, $0xF;
	v23, _, _ =	vpop (xrf0);
	v21 =	vld [tilespmem:$0x81C0];
	(xrf0) =	vadd.scan.msk.s32 $0xffff, v22;
	v22 =	vsel vm0, $0x1, v0;
	vm0 =	veq.s32 v19, $0x1  }
0xce: {  	(v2sf) =	vpush v23, $0xF;
	v23, _, _ =	vpop (xrf0);
	(xrf0) =	vadd.scan.msk.s32 $0xffff, v22;
	v22 =	vsel vm0, $0x1, v0;
	vm0 =	veq.s32 v19, $0x2  }
0xcf: {  	(v2sf) =	vpush v23, $0xF;
	v23, _, _ =	vpop (xrf0);
	(xrf0) =	vadd.scan.msk.s32 $0xffff, v22;
	v22 =	vsel vm0, $0x1, v0;
	vm0 =	veq.s32 v20, $0x0  }
0xd0: {  	(v2sf) =	vpush v23, $0xF;
	v23, _, _ =	vpop (xrf0);
	(xrf0) =	vadd.scan.msk.s32 $0xffff, v22;
	v24 =	vsel vm0, $0x1, v0;
	vm0 =	veq.s32 v20, $0x1;
	v22 =	vld [tilespmem:$0x81D0]  }
0xd1: {  	(v2sf) =	vpush v23, $0xF;
	v23, _, _ =	vpop (xrf0);
	(xrf0) =	vadd.scan.msk.s32 $0xffff, v24;
	v24 =	vsel vm0, $0x1, v0;
	vm0 =	veq.s32 v20, $0x2  }
0xd2: {  	(v2sf) =	vpush v23, $0xF;
	v23, _, _ =	vpop (xrf0);
	(xrf0) =	vadd.scan.msk.s32 $0xffff, v24;
	v24 =	vsel vm0, $0x1, v0;
	vm0 =	veq.s32 v21, $0x0  }
0xd3: {  	(v2sf) =	vpush v23, $0xF;
	v25, _, _ =	vpop (xrf0);
	(xrf0) =	vadd.scan.msk.s32 $0xffff, v24;
	v24 =	vsel vm0, $0x1, v0;
	vm0 =	veq.s32 v21, $0x1;
	v23 =	vld [tilespmem:$0x81E0]  }
0xd4: {  	(v2sf) =	vpush v25, $0xF;
	v25, _, _ =	vpop (xrf0);
	(xrf0) =	vadd.scan.msk.s32 $0xffff, v24;
	v24 =	vsel vm0, $0x1, v0;
	vm0 =	veq.s32 v21, $0x2  }
0xd5: {  	(v2sf) =	vpush v25, $0xF;
	v25, _, _ =	vpop (xrf0);
	(xrf0) =	vadd.scan.msk.s32 $0xffff, v24;
	v24 =	vsel vm0, $0x1, v0;
	vm0 =	veq.s32 v22, $0x0  }
0xd6: {  	(v2sf) =	vpush v25, $0xF;
	v25, _, _ =	vpop (xrf0);
	(xrf0) =	vadd.scan.msk.s32 $0xffff, v24;
	v24 =	vsel vm0, $0x1, v0;
	vm0 =	veq.s32 v22, $0x1  }
0xd7: {  	(v2sf) =	vpush v25, $0xF;
	v25, _, _ =	vpop (xrf0);
	(xrf0) =	vadd.scan.msk.s32 $0xffff, v24;
	v24 =	vsel vm0, $0x1, v0;
	vm0 =	veq.s32 v22, $0x2  }
0xd8: {  	(v2sf) =	vpush v25, $0xF;
	v25, _, _ =	vpop (xrf0);
	(xrf0) =	vadd.scan.msk.s32 $0xffff, v24;
	v26 =	vsel vm0, $0x1, v0;
	vm0 =	veq.s32 v23, $0x0  }
0xd9: {  	v24 =	vld [tilespmem:$0x81F0];
	(v2sf) =	vpush v25, $0xF;
	v25, _, _ =	vpop (xrf0);
	(xrf0) =	vadd.scan.msk.s32 $0xffff, v26;
	v26 =	vsel vm0, $0x1, v0;
	vm0 =	veq.s32 v23, $0x1  }
0xda: {  	s31 =	spop (v2sf);
	(v2sf) =	vpush v25, $0xF;
	v25, _, _ =	vpop (xrf0);
	(xrf0) =	vadd.scan.msk.s32 $0xffff, v26;
	v26 =	vsel vm0, $0x1, v0;
	_ =	sdelay $0x1  }
0xdb: {  	s6 =	spop (v2sf);
	(v2sf) =	vpush v25, $0xF;
	v25, _, _ =	vpop (xrf0)  }
0xdc: {  	s8 =	spop (v2sf);
	vm0 =	veq.s32 v23, $0x2;
	(xrf0) =	vadd.scan.msk.s32 $0xffff, v26;
	(v2sf) =	vpush v25, $0xF;
	v26, _, _ =	vpop (xrf0)  }
0xdd: {  	s9 =	spop (v2sf);
	v25, _, _ =	vpop (xrf0);
	(v2sf) =	vpush v26, $0xF;
	v26 =	vsel vm0, $0x1, v0;
	vm0 =	veq.s32 v24, $0x0  }
0xde: {  	s4 =	spop (v2sf);
	(v2sf) =	vpush v25, $0xF;
	v25, _, _ =	vpop (xrf0);
	(xrf0) =	vadd.scan.msk.s32 $0xffff, v26;
	v26 =	vsel vm0, $0x1, v0;
	vm0 =	veq.s32 v24, $0x1  }
0xdf: {  	(xrf0) =	vadd.scan.msk.s32 $0xffff, v26;
	v26 =	vsel vm0, $0x1, v0;
	vm0 =	veq.s32 v24, $0x2  }
0xe0: {  	s10 =	spop (v2sf);
	(v2sf) =	vpush v25, $0xF;
	v25, _, _ =	vpop (xrf0);
	(xrf0) =	vadd.scan.msk.s32 $0xffff, v26;
	v26 =	vsel vm0, $0x1, v0  }
0xe1: {  	s8 =	spop (v2sf);
	(v2sf) =	vpush v25, $0xF;
	v25, _, _ =	vpop (xrf0);
	(xrf0) =	vadd.scan.msk.s32 $0xffff, v26;
	_ =	sdelay $0x1  }
0xe2: {  	s12 =	spop (v2sf);
	(v2sf) =	vpush v25, $0xF;
	v25, _, _ =	vpop (xrf0)  }
0xe3: {  	s13 =	spop (v2sf);
	(v2sf) =	vpush v25, $0xF;
	v25, _, _ =	vpop (xrf0)  }
0xe4: {  	s11 =	spop (v2sf);
	(v2sf) =	vpush v25, $0xF;
	v25, _, _ =	vpop (xrf0)  }
0xe5: {  	s24 =	spop (v2sf);
	(v2sf) =	vpush v25, $0xF;
	v25, _, _ =	vpop (xrf0)  }
0xe6: {  	s15 =	spop (v2sf);
	(v2sf) =	vpush v25, $0xF;
	v25, _, _ =	vpop (xrf0)  }
0xe7: {  	s16 =	spop (v2sf);
	(v2sf) =	vpush v25, $0xF  }
0xe8: {  	s17 =	spop (v2sf)  }
0xe9: {  	s18 =	spop (v2sf)  }
0xea: {  	s19 =	spop (v2sf)  }
0xeb: {  	s21 =	spop (v2sf)  }
0xec: {  	s20 =	simm.s32 $0x8180;
	s4 =	sadd.s32 s4, s12;
	s25 =	spop (v2sf)  }
0xed: {  	s6 =	sadd.s32 s10, s13;
	s8 =	sadd.s32 s8, s11;
	s22 =	spop (v2sf)  }
0xee: {  	s4 =	sadd.s32 s4, s24;
	s6 =	sadd.s32 s6, s15;
	v25 =	vld [tilespmem:s20+$0x0];
	s23 =	spop (v2sf)  }
0xef: {  	s8 =	sadd.s32 s8, s16;
	s4 =	sadd.s32 s4, s17;
	s31 =	spop (v2sf)  }
0xf0: {  	s6 =	sadd.s32 s6, s18;
	s8 =	sadd.s32 s8, s19;
	s13 =	spop (v2sf)  }
0xf1: {  	s4 =	sadd.s32 s4, s21;
	s6 =	sadd.s32 s6, s25;
	s15 =	spop (v2sf)  }
0xf2: {  	s8 =	sadd.s32 s8, s22;
	s4 =	sadd.s32 s4, s23;
	s16 =	spop (v2sf)  }
0xf3: {  	vm0 =	veq.s32 v25, $0x0;
	s6 =	sadd.s32 s6, s31;
	s8 =	sadd.s32 s8, s13;
	s17 =	spop (v2sf)  }
0xf4: {  	v26 =	vsel vm0, $0x1, v0;
	s4 =	sadd.s32 s4, s15;
	s6 =	sadd.s32 s6, s16;
	s18 =	spop (v2sf)  }
0xf5: {  	(xrf0) =	vadd.scan.msk.s32 $0xffff, v26;
	s8 =	sadd.s32 s8, s17;
	s18 =	sadd.s32 s4, s18;
	s19 =	spop (v2sf)  }
0xf6: {  	s4 =	simm.s32 $0x0;
	s19 =	sadd.s32 s6, s19;
	s20 =	spop (v2sf)  }
0xf7: {  	s21 =	sadd.s32 $0xF, s18;
	v27 =	vor.u32 s4, v1;
	s20 =	sadd.s32 s8, s20;
	s22 =	sadd.s32 $0xF, s19  }
0xf8: {  	vm1 =	veq.s32 v25, $0x1;
	s21 =	sand.u32 $0xFFFFFFF0, s21;
	[tilespmem:s4+$0x1BB80] =	vst.msk vm0, v27;
	s23 =	sand.u32 $0xFFFFFFF0, s22;
	s24 =	sadd.s32 $0xF, s20  }
0xf9: {  	vm0 =	veq.s32 v25, $0x2;
	[tilespmem:s21+$0x1BB80] =	vst.msk vm1, v27;
	s22 =	sadd.s32 s21, s23;
	s25 =	sand.u32 $0xFFFFFFF0, s24  }
0xfa: {  	vm2 =	veq.s32 v25, $0x3;
	s23 =	sadd.s32 s25, s22;
	[tilespmem:s22+$0x1BB80] =	vst.msk vm0, v27  }
0xfb: {  	s10 =	simm.s32 $0x8190;
	v26, _, _ =	vpop (xrf0);
	[tilespmem:s23+$0x1BB80] =	vst.msk vm2, v27  }
0xfc: {  	(v2sf) =	vpush v26, $0xF;
	v26 =	vld [tilespmem:s10+$0x0]  }
0xfd: {  	v25 =	vsel vm1, $0x1, v0  }
0xfe: {  	(xrf0) =	vadd.scan.msk.s32 $0xffff, v25;
	v27 =	vsel vm0, $0x1, v0  }
0xff: {  	v25 =	vsel vm2, $0x1, v0;
	(xrf0) =	vadd.scan.msk.s32 $0xffff, v27  }
0x100: {  	(xrf0) =	vadd.scan.msk.s32 $0xffff, v25  }
0x101: {  	vm3 =	veq.s32 v26, $0x0  }
0x102: {  	v25 =	vsel vm3, $0x1, v0;
	_ =	sdelay $0x1  }
0x103: {  	v27, _, _ =	vpop (xrf0)  }
0x104: {  	(v2sf) =	vpush v27, $0xF;
	(xrf0) =	vadd.scan.msk.s32 $0xffff, v25;
	v25, _, _ =	vpop (xrf0)  }
0x105: {  	(v2sf) =	vpush v25, $0xF;
	v27, _, _ =	vpop (xrf0)  }
0x106: {  	(v2sf) =	vpush v27, $0xF;
	_ =	sdelay $0x6  }
0x107: {  	vm2 =	veq.s32 v26, $0x1  }
0x108: {  	vm0 =	veq.s32 v26, $0x2;
	v28 =	vsel vm2, $0x1, v0  }
0x109: {  	vm1 =	veq.s32 v26, $0x3;
	v26 =	vsel vm0, $0x1, v0;
	(xrf0) =	vadd.scan.msk.s32 $0xffff, v28  }
0x10a: {  	s12 =	simm.s32 $0x20;
	s31 =	simm.s32 $0x10;
	s9 =	smov.u32 s21;
	v62 =	vsel vm1, $0x1, v0;
	(xrf0) =	vadd.scan.msk.s32 $0xffff, v26  }
0x10b: {  	s8 =	smov.u32 s22;
	s6 =	smov.u32 s23;
	s11 =	spop (v2sf);
	v25 =	vor.u32 s31, v1;
	(xrf0) =	vadd.scan.msk.s32 $0xffff, v62  }
.LBB2_6:
0x10c: {  	s15 =	smov.u32 s12  }
0x10d: {  	v26 =	vor.u32 s12, v1;
	s4 =	sadd.s32 s4, s11;
	s11 =	spop (v2sf);
	s15 =	sadd.s32 $0x10, s12  }
0x10e: {  	p0 =	sne.s32 s12, $0x70;
	s9 =	sadd.s32 s9, s11;
	[tilespmem:s4+$0x1BB80] =	vst.msk vm3, v25;
	v27, _, _ =	vpop (xrf0);
	s11 =	spop (v2sf)  }
0x10f: {  	[tilespmem:s9+$0x1BB80] =	vst.msk vm2, v25;
	(v2sf) =	vpush v27, $0xF;
	v27, _, _ =	vpop (xrf0);
	s8 =	sadd.s32 s8, s11;
	s11 =	spop (v2sf)  }
0x110: {  	[tilespmem:s8+$0x1BB80] =	vst.msk vm0, v25;
	(v2sf) =	vpush v27, $0xF;
	v27, _, _ =	vpop (xrf0);
	s6 =	sadd.s32 s6, s11  }
0x111: {  	[tilespmem:s6+$0x1BB80] =	vst.msk vm1, v25;
	(v2sf) =	vpush v27, $0xF;
	v27, _, _ =	vpop (xrf0);
	v25 =	vmov v26  }
0x112: {  	s10 =	sadd.s32 $0x10, s10;
	(v2sf) =	vpush v27, $0xF  }
0x113: {  	v26 =	vld [tilespmem:s10+$0x0];
	_ =	sdelay $0x4  }
0x114: {  	vm3 =	veq.s32 v26, $0x0;
	vm2 =	veq.s32 v26, $0x1;
	vm0 =	veq.s32 v26, $0x2  }
0x115: {  	vm1 =	veq.s32 v26, $0x3;
	v27 =	vsel vm3, $0x1, v0;
	v28 =	vsel vm2, $0x1, v0  }
.Ltmp2:
0x116: {  	v26 =	vsel vm0, $0x1, v0;
	v29 =	vsel vm1, $0x1, v0;
	(xrf0) =	vadd.scan.msk.s32 $0xffff, v27;
	(pc) =	sbr.rel @p0 .LBB2_6-.Ltmp2, $4  }
0x117: {  	(xrf0) =	vadd.scan.msk.s32 $0xffff, v28  }
0x118: {  	(xrf0) =	vadd.scan.msk.s32 $0xffff, v26  }
0x119: {  	(xrf0) =	vadd.scan.msk.s32 $0xffff, v29  }
0x11a: {  	s12 =	smov.u32 s15;
	s11 =	spop (v2sf)  }
0x11b: {  	vm4 =	veq.s32 v18, $0x3  }
0x11c: {  	vm9 =	veq.s32 v17, $0x3;
	v18 =	vsel vm4, $0x1, v0  }
0x11d: {  	vm10 =	veq.s32 v19, $0x3;
	v17 =	vsel vm9, $0x1, v0;
	(xrf0) =	vadd.scan.msk.s32 $0xffff, v18  }
0x11e: {  	vm11 =	veq.s32 v20, $0x3;
	(xrf0) =	vadd.scan.msk.s32 $0xffff, v17;
	v17 =	vsel vm10, $0x1, v0  }
0x11f: {  	vm12 =	veq.s32 v21, $0x3;
	v18, _, _ =	vpop (xrf0);
	(xrf0) =	vadd.scan.msk.s32 $0xffff, v17;
	v17 =	vsel vm11, $0x1, v0  }
0x120: {  	vm13 =	veq.s32 v22, $0x3;
	(v2sf) =	vpush v18, $0xF;
	v18, _, _ =	vpop (xrf0);
	(xrf0) =	vadd.scan.msk.s32 $0xffff, v17;
	v17 =	vsel vm12, $0x1, v0  }
0x121: {  	vm14 =	veq.s32 v23, $0x3;
	(v2sf) =	vpush v18, $0xF;
	v18, _, _ =	vpop (xrf0);
	(xrf0) =	vadd.scan.msk.s32 $0xffff, v17;
	v17 =	vsel vm13, $0x1, v0  }
0x122: {  	(v2sf) =	vpush v18, $0xF;
	v18, _, _ =	vpop (xrf0);
	(xrf0) =	vadd.scan.msk.s32 $0xffff, v17;
	v17 =	vsel vm14, $0x1, v0  }
0x123: {  	vm15 =	veq.s32 v24, $0x3  }
0x124: {  	v19 =	vsel vm15, $0x1, v0;
	(v2sf) =	vpush v18, $0xF;
	v18, _, _ =	vpop (xrf0);
	(xrf0) =	vadd.scan.msk.s32 $0xffff, v17  }
0x125: {  	(v2sf) =	vpush v18, $0xF;
	v17, _, _ =	vpop (xrf0);
	(xrf0) =	vadd.scan.msk.s32 $0xffff, v19  }
0x126: {  	v18, _, _ =	vpop (xrf0);
	(v2sf) =	vpush v17, $0xF  }
0x127: {  	v17, _, _ =	vpop (xrf0);
	(v2sf) =	vpush v18, $0xF  }
0x128: {  	(v2sf) =	vpush v17, $0xF;
	v17, _, _ =	vpop (xrf0)  }
0x129: {  	(v2sf) =	vpush v17, $0xF;
	v17, _, _ =	vpop (xrf0)  }
0x12a: {  	(v2sf) =	vpush v17, $0xF;
	v17, _, _ =	vpop (xrf0)  }
0x12b: {  	(v2sf) =	vpush v17, $0xF;
	v17, _, _ =	vpop (xrf0)  }
0x12c: {  	(v2sf) =	vpush v17, $0xF  }
0x12d: {  	s16 =	spop (v2sf)  }
0x12e: {  	s13 =	rddreg [dreg:$0x1a];
	s17 =	spop (v2sf)  }
0x12f: {  	s25 =	rddreg [dreg:$0x1b];
	s24 =	spop (v2sf)  }
0x130: {  	s31 =	rddreg [dreg:$0x1f];
	p0 =	slt.s32 s13, s25;
	s10 =	spop (v2sf)  }
0x131: {  	s25 =	smov.u32 @p0 s13;
	s13 =	rddreg [dreg:$0x1c];
	s10 =	spop (v2sf)  }
0x132: {  	p0 =	slt.s32 s13, s31;
	s10 =	spop (v2sf)  }
0x133: {  	s31 =	smov.u32 @p0 s13;
	s10 =	spop (v2sf)  }
0x134: {  	p0 =	slt.s32 s25, s31;
	s10 =	spop (v2sf)  }
0x135: {  	s31 =	smov.u32 @p0 s25;
	s12 =	spop (v2sf)  }
0x136: {  	p0 =	slt.s32 s31, $0x10;
	s15 =	spop (v2sf)  }
.Ltmp3:
0x137: {  	s4 =	sadd.s32 s4, s11;
	s11 =	spop (v2sf);
	(pc) =	sbr.rel @p0 .LBB2_24-.Ltmp3, $4  }
0x138: {  	[tilespmem:s4+$0x1BB80] =	vst.msk vm3, v25;
	s16 =	sadd.s32 s9, s16;
	s9 =	spop (v2sf)  }
0x139: {  	[tilespmem:s16+$0x1BB80] =	vst.msk vm2, v25;
	s17 =	sadd.s32 s8, s17;
	s8 =	spop (v2sf)  }
0x13a: {  	[tilespmem:s17+$0x1BB80] =	vst.msk vm0, v25;
	s25 =	sadd.s32 s6, s24;
	s6 =	spop (v2sf)  }
0x13b: {  	s4 =	simm.s32 $0x0;
	s17 =	simm.s32 $0x0;
	[tilespmem:s25+$0x1BB80] =	vst.msk vm1, v25;
	s16 =	spop (v2sf)  }
0x13c: {  	s4 =	sadd.s32 s10, s12  }
0x13d: {  	s4 =	sadd.s32 s4, s15  }
.Ltmp4:
0x13e: {  	s4 =	sadd.s32 s4, s11;
	(pc) =	sbr.rel .LBB2_9-.Ltmp4, $4  }
0x13f: {  	s4 =	sadd.s32 s4, s9  }
0x140: {  	s4 =	sadd.s32 s4, s8  }
0x141: {  	s4 =	sadd.s32 s4, s6  }
0x142: {  	s25 =	sadd.s32 s4, s16  }
.LBB2_24:
0x143: {  	s8 =	sshllo.u32 s4, $0x2  }
0x144: {  	s6 =	sshll.u32 s4, $0x2;
	v6 =	vmov s8  }
0x145: {  	s11 =	simm.s32 $0x4000;
	v7 =	vld [tilespmem:s17+$0x0];
	v3 =	vmov s6  }
0x146: {  	s22 =	simm.s32 $0x2000;
	v61 =	vld [tilespmem:s11+$0x0];
	v3 =	vbroadcast v3, $0x0  }
0x147: {  	s24 =	simm.s32 $0x4010;
	v8 =	vld [tilespmem:s22+$0x0]  }
0x148: {  	v44 =	vld [tilespmem:s24+$0x0]  }
0x149: {  	s9 =	sor.u32 $0x1, s6;
	v20 =	vld.idx.msk [tilespmem:v6+s0+$0x0], $0xffff  }
0x14a: {  	s12 =	simm.s32 $0x8180;
	s6 =	sor.u32 $0x2, s6;
	v4 =	vmov s9;
	v26 =	vld.idx.msk [tilespmem:v6+s28+$0x0], $0xffff  }
0x14b: {  	v5 =	vmov s6;
	v4 =	vbroadcast v4, $0x0;
	v30 =	vld.idx.msk [tilespmem:v6+s12+$0x0], $0xffff  }
0x14c: {  	v5 =	vbroadcast v5, $0x0;
	v17 =	vld.idx.msk [tilespmem:v3+s0+$0x0], $0xffff  }
0x14d: {  	v21 =	vld.idx.msk [tilespmem:v3+s1+$0x0], $0xffff  }
0x14e: {  	v23 =	vld.idx.msk [tilespmem:v3+s28+$0x0], $0xffff  }
0x14f: {  	s10 =	simm.s32 $0x6000;
	v27 =	vld.idx.msk [tilespmem:v3+s12+$0x0], $0xffff  }
0x150: {  	v3 =	vld [tilespmem:s10+$0x0]  }
0x151: {  	v18 =	vld.idx.msk [tilespmem:v4+s0+$0x0], $0xffff  }
0x152: {  	v19 =	vld.idx.msk [tilespmem:v5+s0+$0x0], $0xffff  }
0x153: {  	v22 =	vld.idx.msk [tilespmem:v4+s1+$0x0], $0xffff  }
0x154: {  	v24 =	vld.idx.msk [tilespmem:v4+s28+$0x0], $0xffff  }
0x155: {  	v28 =	vld.idx.msk [tilespmem:v4+s12+$0x0], $0xffff  }
0x156: {  	v29 =	vld.idx.msk [tilespmem:v5+s12+$0x0], $0xffff  }
0x157: {  	v31 =	vor.u32 $0x7FFFE000, v1;
	v25 =	vld.idx.msk [tilespmem:v5+s28+$0x0], $0xffff  }
0x158: {  	v62 =	vor.u32 s17, v1;
	v9 =	vor.u32 s17, v31;
	v32 =	vld.idx.msk [tilespmem:v5+s1+$0x0], $0xffff;
	v4 =	vsub.s32 v61, v26  }
0x159: {  	v33 =	vld.idx.msk [tilespmem:v6+s1+$0x0], $0xffff;
	v4 =	vmul.u32 v4, v4;
	vm3 =	veq.s32 v3, v27;
	v40 =	vsub.s32 v61, v23  }
0x15a: {  	vm0 =	veq.s32 v3, v30;
	v11 =	vsub.s32 v7, v17;
	v12 =	vsub.s32 v8, v21  }
0x15b: {  	v47 =	vsub.s32 v44, v23;
	vm2 =	veq.s32 v3, v28;
	vm1 =	veq.s32 v3, v29  }
0x15c: {  	v3 =	vsub.s32 v61, v24;
	v10 =	vsub.s32 v61, v25;
	v13 =	vsub.s32 v7, v18  }
0x15d: {  	v34 =	vsub.s32 v8, v22;
	v36 =	vsub.s32 v7, v19;
	v37 =	vsub.s32 v8, v32  }
0x15e: {  	v6 =	vmul.u32 v40, v40;
	v7 =	vsub.s32 v7, v20;
	v8 =	vsub.s32 v8, v33  }
0x15f: {  	v11 =	vmul.u32 v11, v11;
	v12 =	vmul.u32 v12, v12;
	v13 =	vmul.u32 v13, v13  }
0x160: {  	v34 =	vmul.u32 v34, v34;
	v36 =	vmul.u32 v36, v36;
	v37 =	vmul.u32 v37, v37  }
0x161: {  	v7 =	vmul.u32 v7, v7;
	v8 =	vmul.u32 v8, v8;
	v11 =	vadd.s32 v11, v12  }
0x162: {  	v3 =	vmul.u32 v3, v3;
	v10 =	vmul.u32 v10, v10;
	v6 =	vadd.s32 v6, v11  }
0x163: {  	s25 =	simm.s32 $0x10;
	v41 =	vadd.s32 v13, v34;
	v12 =	vadd.s32 v36, v37;
	v7 =	vadd.s32 v7, v8  }
0x164: {  	v45 =	vld [tilespmem:s25+$0x0];
	v6 =	vshll.u32 v6, $0xD;
	v3 =	vadd.s32 v3, v41;
	v42 =	vadd.s32 v10, v12  }
0x165: {  	v4 =	vadd.s32 v4, v7;
	v6 =	vadd.s32 v62, v6;
	v3 =	vshll.u32 v3, $0xD  }
0x166: {  	v8 =	vshll.u32 v42, $0xD;
	v6 =	vsel vm3, v6, v9;
	v3 =	vadd.s32 v62, v3  }
0x167: {  	s23 =	simm.s32 $0x6010;
	v4 =	vshll.u32 v4, $0xD;
	v8 =	vadd.s32 v62, v8;
	(xrf1) =	vsort.ascd.msk.u32 $0xffff, v6, v6;
	v3 =	vsel vm2, v3, v9  }
0x168: {  	v35 =	vimm.s32 $0x7FFFFFFF;
	v43 =	vld [tilespmem:s23+$0x0];
	v4 =	vadd.s32 v62, v4;
	v8 =	vsel vm1, v8, v9;
	(xrf1) =	vsort.ascd.msk.u32 $0xffff, v3, v3  }
0x169: {  	v46 =	vmul.u32 $0xFFFFFFFF, v1;
	v50 =	vsub.s32 v45, v17;
	v4 =	vsel vm0, v4, v9;
	(xrf1) =	vsort.ascd.msk.u32 $0xffff, v8, v8  }
0x16a: {  	s31 =	simm.s32 $0x2010;
	v5 =	vor.u32 s25, v31;
	v48 =	vsub.s32 v44, v24;
	v49 =	vsub.s32 v44, v25;
	(xrf1) =	vsort.ascd.msk.u32 $0xffff, v4, v4  }
0x16b: {  	v40 =	vsub.s32 v45, v19;
	v34 =	vadd.s32 $0xF, v46;
	v13 =	vsub.s32 v45, v18;
	v12 =	vld [tilespmem:s31+$0x0]  }
0x16c: {  	v37 =	vmul.u32 v40, v40;
	v7 =	vsub.s32 v44, v26;
	v10 =	vmul.u32 v50, v50  }
0x16d: {  	v13 =	vmul.u32 v13, v13;
	v7 =	vmul.u32 v7, v7;
	vm3 =	veq.s32 v43, v27  }
0x16e: {  	vm2 =	veq.s32 v43, v28;
	vm1 =	veq.s32 v43, v29;
	vm0 =	veq.s32 v43, v30  }
0x16f: {  	v6 =	vsub.s32 v45, v20;
	v9 =	vmul.u32 v49, v49;
	v3 =	vor.u32 s25, v1  }
0x170: {  	v6 =	vmul.u32 v6, v6;
	v61 =	vsub.s32 v12, v21;
	v62 =	vsub.s32 v12, v22  }
0x171: {  	v38 =	vsub.s32 v12, v32;
	v12 =	vsub.s32 v12, v33;
	v11 =	vmul.u32 v61, v61  }
0x172: {  	v4 =	vmul.u32 v47, v47;
	v36 =	vmul.u32 v62, v62;
	v38 =	vmul.u32 v38, v38  }
0x173: {  	v8 =	vmul.u32 v48, v48;
	v41 =	vmul.u32 v12, v12;
	v10 =	vadd.s32 v10, v11  }
0x174: {  	v42 =	vadd.s32 v13, v36;
	v12 =	vadd.s32 v37, v38;
	v4 =	vadd.s32 v4, v10  }
0x175: {  	v6 =	vadd.s32 v6, v41;
	v8 =	vadd.s32 v8, v42;
	v4 =	vshll.u32 v4, $0xD;
	v13, _, _ =	vpop (xrf1)  }
0x176: {  	v9 =	vadd.s32 v9, v12;
	v4 =	vadd.s32 v3, v4;
	v43 =	vperm.xlane v13, v34;
	v44, _, _ =	vpop (xrf1)  }
0x177: {  	v6 =	vadd.s32 v7, v6;
	v4 =	vsel vm3, v4, v5;
	v45 =	vperm.xlane v44, v34;
	v46, _, _ =	vpop (xrf1)  }
0x178: {  	s11 =	simm.s32 $0x4020;
	(xrf1) =	vsort.ascd.msk.u32 $0xffff, v4, v4;
	vm3 =	vlt.s32 v35, v43;
	v47 =	vperm.xlane v46, v34;
	v48, _, _ =	vpop (xrf1)  }
0x179: {  	s13 =	simm.s32 $0x2020;
	v50 =	vld [tilespmem:s11+$0x0];
	v10 =	vsel vm3, v35, v43;
	vm3 =	vlt.s32 v35, v45;
	v11 =	vperm.xlane v48, v34  }
0x17a: {  	s10 =	simm.s32 $0x6020;
	v62 =	vld [tilespmem:s13+$0x0];
	v7 =	vsel vm3, v35, v45;
	vm3 =	vlt.s32 v35, v47;
	(xrf1) =	vsort.ascd.msk.u32 $0xffff, v10, v10  }
0x17b: {  	s12 =	simm.s32 $0x20;
	v49 =	vld [tilespmem:s10+$0x0];
	v8 =	vshll.u32 v8, $0xD;
	v4 =	vsel vm3, v35, v47;
	vm3 =	vlt.s32 v35, v11;
	(xrf1) =	vsort.ascd.msk.u32 $0xffff, v7, v7  }
0x17c: {  	v61 =	vld [tilespmem:s12+$0x0];
	v9 =	vshll.u32 v9, $0xD;
	v8 =	vadd.s32 v3, v8;
	v11 =	vsel vm3, v35, v11;
	(xrf1) =	vsort.ascd.msk.u32 $0xffff, v4, v4  }
0x17d: {  	v6 =	vshll.u32 v6, $0xD;
	v9 =	vadd.s32 v3, v9;
	v8 =	vsel vm2, v8, v5;
	(xrf1) =	vsort.ascd.msk.u32 $0xffff, v11, v11  }
0x17e: {  	v3 =	vadd.s32 v3, v6;
	v9 =	vsel vm1, v9, v5;
	(xrf1) =	vsort.ascd.msk.u32 $0xffff, v8, v8  }
0x17f: {  	v12 =	vsub.s32 v62, v22;
	v3 =	vsel vm0, v3, v5;
	(xrf1) =	vsort.ascd.msk.u32 $0xffff, v9, v9  }
0x180: {  	v36 =	vor.u32 s12, v1;
	vm2 =	veq.s32 v49, v28;
	vm1 =	veq.s32 v49, v29;
	(xrf1) =	vsort.ascd.msk.u32 $0xffff, v3, v3  }
0x181: {  	vm0 =	veq.s32 v49, v30;
	v13 =	vsub.s32 v61, v19;
	v46 =	vsub.s32 v50, v25  }
0x182: {  	v48 =	vsub.s32 v62, v21;
	v40 =	vmul.u32 v46, v46;
	v46 =	vmul.u32 v13, v13  }
0x183: {  	v45 =	vsub.s32 v50, v24;
	v7 =	vsub.s32 v50, v26;
	v47 =	vsub.s32 v61, v17  }
0x184: {  	v42 =	vmul.u32 v45, v45;
	v45 =	vmul.u32 v12, v12;
	v35 =	vor.u32 s12, v31  }
0x185: {  	vm3 =	veq.s32 v49, v27;
	v49 =	vsub.s32 v61, v18;
	v11 =	vsub.s32 v62, v33  }
0x186: {  	v3 =	vsub.s32 v50, v23;
	v50 =	vsub.s32 v62, v32;
	v62 =	vmul.u32 v48, v48  }
0x187: {  	v41, _, _ =	vpop (xrf1);
	v43 =	vmul.u32 v3, v3;
	v3 =	vsub.s32 v61, v20;
	v61 =	vmul.u32 v47, v47  }
0x188: {  	v37 =	vmul.u32 v7, v7;
	v44 =	vmul.u32 v49, v49;
	v48 =	vmul.u32 v50, v50;
	v38, _, _ =	vpop (xrf1)  }
0x189: {  	s14 =	simm.s32 $0x30;
	v49 =	vmul.u32 v11, v11;
	v47 =	vmul.u32 v3, v3;
	v50 =	vadd.s32 v61, v62;
	v39, _, _ =	vpop (xrf1)  }
.LBB2_25:
0x18a: {  	p0 =	sne.s32 s14, $0x1FF0;
	v3 =	vadd.s32 v43, v50;
	v4 =	vadd.s32 v44, v45;
	v5 =	vadd.s32 v46, v48;
	v6, _, _ =	vpop (xrf1)  }
0x18b: {  	v3 =	vshll.u32 v3, $0xD;
	v4 =	vadd.s32 v42, v4;
	v7 =	vadd.s32 v47, v49;
	v8, _, _ =	vpop (xrf1)  }
0x18c: {  	v9 =	vperm.xlane v41, v34;
	v5 =	vadd.s32 v40, v5;
	v3 =	vadd.s32 v36, v3;
	v10, _, _ =	vpop (xrf1)  }
0x18d: {  	v7 =	vadd.s32 v37, v7;
	v3 =	vsel vm3, v3, v35;
	v10 =	vperm.xlane v10, v34;
	v11, _, _ =	vpop (xrf1)  }
0x18e: {  	vm3 =	vlt.s32 v38, v9;
	(xrf1) =	vsort.ascd.msk.u32 $0xffff, v3, v3;
	v3 =	vperm.xlane v11, v34;
	v11, _, _ =	vpop (xrf1)  }
0x18f: {  	v9 =	vsel vm3, v38, v9;
	vm3 =	vlt.s32 v39, v10;
	v11 =	vperm.xlane v11, v34  }
0x190: {  	s10 =	sadd.s32 $0x10, s10;
	v10 =	vsel vm3, v39, v10;
	vm3 =	vlt.s32 v6, v3;
	(xrf1) =	vsort.ascd.msk.u32 $0xffff, v9, v9  }
0x191: {  	s11 =	sadd.s32 $0x10, s11;
	v4 =	vshll.u32 v4, $0xD;
	v9 =	vld [tilespmem:s10+$0x0];
	v3 =	vsel vm3, v6, v3;
	vm3 =	vlt.s32 v8, v11;
	(xrf1) =	vsort.ascd.msk.u32 $0xffff, v10, v10  }
0x192: {  	s12 =	sadd.s32 $0x10, s12;
	v5 =	vshll.u32 v5, $0xD;
	v4 =	vadd.s32 v36, v4;
	v6 =	vld [tilespmem:s11+$0x0];
	v8 =	vsel vm3, v8, v11;
	(xrf1) =	vsort.ascd.msk.u32 $0xffff, v3, v3  }
0x193: {  	s13 =	sadd.s32 $0x10, s13;
	v5 =	vadd.s32 v36, v5;
	v7 =	vshll.u32 v7, $0xD;
	v4 =	vsel vm2, v4, v35;
	v3 =	vld [tilespmem:s12+$0x0];
	(xrf1) =	vsort.ascd.msk.u32 $0xffff, v8, v8  }
0x194: {  	v5 =	vsel vm1, v5, v35;
	v7 =	vadd.s32 v36, v7;
	v8 =	vld [tilespmem:s13+$0x0];
	(xrf1) =	vsort.ascd.msk.u32 $0xffff, v4, v4  }
0x195: {  	v36 =	vor.u32 s14, v1;
	v4 =	vsel vm0, v7, v35;
	v35 =	vor.u32 s14, v31;
	(xrf1) =	vsort.ascd.msk.u32 $0xffff, v5, v5  }
0x196: {  	vm3 =	veq.s32 v9, v27;
	vm2 =	veq.s32 v9, v28;
	(xrf1) =	vsort.ascd.msk.u32 $0xffff, v4, v4  }
0x197: {  	vm1 =	veq.s32 v9, v29;
	vm0 =	veq.s32 v9, v30;
	v4 =	vsub.s32 v6, v23  }
0x198: {  	v5 =	vsub.s32 v6, v24;
	v7 =	vsub.s32 v6, v25;
	v6 =	vsub.s32 v6, v26  }
0x199: {  	v9 =	vsub.s32 v3, v17;
	v11 =	vsub.s32 v3, v18;
	v10 =	vsub.s32 v8, v21  }
0x19a: {  	v13 =	vsub.s32 v3, v19;
	v12 =	vsub.s32 v8, v22;
	v38 =	vsub.s32 v8, v32  }
.Ltmp5:
0x19b: {  	v43 =	vmul.u32 v4, v4;
	v3 =	vsub.s32 v3, v20;
	v4 =	vsub.s32 v8, v33;
	(pc) =	sbr.rel @p0 .LBB2_25-.Ltmp5, $4  }
0x19c: {  	v42 =	vmul.u32 v5, v5;
	v40 =	vmul.u32 v7, v7;
	v37 =	vmul.u32 v6, v6;
	v41, _, _ =	vpop (xrf1)  }
0x19d: {  	v5 =	vmul.u32 v9, v9;
	v44 =	vmul.u32 v11, v11;
	v6 =	vmul.u32 v10, v10  }
0x19e: {  	v46 =	vmul.u32 v13, v13;
	v45 =	vmul.u32 v12, v12;
	v48 =	vmul.u32 v38, v38;
	v38, _, _ =	vpop (xrf1)  }
0x19f: {  	s14 =	sadd.s32 $0x10, s14;
	v47 =	vmul.u32 v3, v3;
	v49 =	vmul.u32 v4, v4;
	v50 =	vadd.s32 v5, v6;
	v39, _, _ =	vpop (xrf1)  }
0x1a0: {  	v3 =	vadd.s32 v43, v50;
	v4 =	vadd.s32 v44, v45;
	v5 =	vadd.s32 v46, v48;
	v6, _, _ =	vpop (xrf1)  }
0x1a1: {  	v9 =	vperm.xlane v41, v34;
	v3 =	vshll.u32 v3, $0xD;
	v4 =	vadd.s32 v42, v4;
	v8, _, _ =	vpop (xrf1)  }
0x1a2: {  	v7 =	vadd.s32 v47, v49;
	v5 =	vadd.s32 v40, v5;
	v3 =	vadd.s32 v36, v3;
	v10, _, _ =	vpop (xrf1)  }
0x1a3: {  	v7 =	vadd.s32 v37, v7;
	v3 =	vsel vm3, v3, v35;
	v10 =	vperm.xlane v10, v34;
	v11, _, _ =	vpop (xrf1)  }
0x1a4: {  	vm8 =	vlt.s32 v38, v9;
	(xrf1) =	vsort.ascd.msk.u32 $0xffff, v3, v3;
	v3 =	vperm.xlane v11, v34;
	v37, _, _ =	vpop (xrf1)  }
0x1a5: {  	v9 =	vsel vm8, v38, v9;
	vm9 =	vlt.s32 v39, v10;
	v11 =	vperm.xlane v37, v34  }
0x1a6: {  	(xrf1) =	vsort.ascd.msk.u32 $0xffff, v9, v9;
	v10 =	vsel vm9, v39, v10;
	vm10 =	vlt.s32 v6, v3  }
0x1a7: {  	v4 =	vshll.u32 v4, $0xD;
	v3 =	vsel vm10, v6, v3;
	vm11 =	vlt.s32 v8, v11;
	(xrf1) =	vsort.ascd.msk.u32 $0xffff, v10, v10  }
0x1a8: {  	v5 =	vshll.u32 v5, $0xD;
	v4 =	vadd.s32 v36, v4;
	v40 =	vsel vm11, v8, v11;
	(xrf1) =	vsort.ascd.msk.u32 $0xffff, v3, v3  }
0x1a9: {  	v41 =	vadd.s32 v36, v5;
	v42 =	vshll.u32 v7, $0xD;
	v3 =	vsel vm2, v4, v35;
	(xrf1) =	vsort.ascd.msk.u32 $0xffff, v40, v40  }
0x1aa: {  	v5 =	vadd.s32 v36, v42;
	v4 =	vsel vm1, v41, v35;
	(xrf1) =	vsort.ascd.msk.u32 $0xffff, v3, v3  }
0x1ab: {  	v3 =	vsel vm0, v5, v35;
	(xrf1) =	vsort.ascd.msk.u32 $0xffff, v4, v4  }
0x1ac: {  	(xrf1) =	vsort.ascd.msk.u32 $0xffff, v3, v3;
	_ =	sdelay $0x6  }
0x1ad: {  	v3, _, _ =	vpop (xrf1)  }
0x1ae: {  	v43, _, _ =	vpop (xrf1)  }
0x1af: {  	v44, _, _ =	vpop (xrf1)  }
0x1b0: {  	v45, _, _ =	vpop (xrf1)  }
0x1b1: {  	v46, _, _ =	vpop (xrf1)  }
0x1b2: {  	v3 =	vperm.xlane v3, v34;
	v47, _, _ =	vpop (xrf1)  }
0x1b3: {  	v8 =	vperm.xlane v47, v34;
	v48, _, _ =	vpop (xrf1)  }
0x1b4: {  	vm12 =	vlt.s32 v43, v3;
	v9 =	vperm.xlane v48, v34;
	v49, _, _ =	vpop (xrf1)  }
0x1b5: {  	v3 =	vsel vm12, v43, v3;
	vm13 =	vlt.s32 v44, v8;
	v50 =	vperm.xlane v49, v34  }
0x1b6: {  	(xrf1) =	vsort.ascd.msk.u32 $0xffff, v3, v3;
	v5 =	vsel vm13, v44, v8;
	vm14 =	vlt.s32 v45, v9  }
0x1b7: {  	v3 =	vsel vm14, v45, v9;
	vm15 =	vlt.s32 v46, v50;
	(xrf1) =	vsort.ascd.msk.u32 $0xffff, v5, v5  }
0x1b8: {  	v4 =	vsel vm15, v46, v50;
	(xrf1) =	vsort.ascd.msk.u32 $0xffff, v3, v3  }
0x1b9: {  	(xrf1) =	vsort.ascd.msk.u32 $0xffff, v4, v4;
	_ =	sdelay $0x8  }
0x1ba: {  	s10 =	sshll.u32 s4, $0x6;
	s4 =	sadd.s32 $0x1, s4  }
0x1bb: {  	p0 =	sne.s32 s4, $0x20  }
.Ltmp6:
0x1bc: {  	s9 =	sshll.u32 s9, $0x4;
	s10 =	sand.u32 $0x3FFFFFC0, s10;
	v3, _, _ =	vpop (xrf1);
	(pc) =	sbr.rel @p0 .LBB2_24-.Ltmp6, $4  }
0x1bd: {  	s6 =	sshll.u32 s6, $0x4;
	s9 =	sand.u32 $0x3FFFFFF0, s9;
	[tilespmem:s10+$0x10200] =	vst v3;
	v61, _, _ =	vpop (xrf1)  }
0x1be: {  	s8 =	sshll.u32 s8, $0x4;
	s6 =	sand.u32 $0x3FFFFFF0, s6;
	v3, _, _ =	vpop (xrf1);
	[tilespmem:s9+$0x10200] =	vst v61  }
0x1bf: {  	s31 =	sand.u32 $0x3FFFFFF0, s8;
	v62, _, _ =	vpop (xrf1);
	[tilespmem:s6+$0x10200] =	vst v3  }
0x1c0: {  	[tilespmem:s31+$0x10200] =	vst v62  }
.LBB2_27:
0x1c1: {  	s4 =	simm.s32 $0x10200  }
0x1c2: {  	v3 =	vld [tilespmem:s4+$0x0];
	_ =	sdelay $0x2  }
0x1c3: {  	s22 =	simm.s32 $0x0  }
0x1c4: {  	v4 =	vmov s22  }
0x1c5: {  	v5 =	vperm.xlane v3, v0;
	_ =	sdelay $0x1  }
0x1c6: {  	s23 =	simm.s32 $0x10A00;
	v3 =	vand.u32 $0x1FFF, v3;
	vm0 =	vlt.s32 v5, $0x7FFFE000  }
0x1c7: {  	[tilespmem:s23+$0x0] =	vst v3;
	v18 =	vsel vm0, $0x3F800000, v2  }
0x1c8: {  	[tilespmem:v4+s5+$0x0] =	vst.idx.msk $0x1, v18  }
0x1c9: {  	v49 =	vld.idx.msk [tilespmem:v4+s0+$0x0], $0xffff  }
0x1ca: {  	v6 =	vld.idx.msk [tilespmem:v4+s1+$0x0], $0xffff  }
0x1cb: {  	v7 =	vld.idx.msk [tilespmem:v3+s29+$0x0], $0xffff  }
0x1cc: {  	s24 =	simm.s32 $0x8200;
	v8 =	vld.idx.msk [tilespmem:v3+s30+$0x0], $0xffff  }
0x1cd: {  	v19 =	vld [tilespmem:s24+$0x0]  }
0x1ce: {  	v4 =	vld.idx.msk [tilespmem:v4+s28+$0x0], $0xffff  }
0x1cf: {  	v3 =	vld.idx.msk [tilespmem:v3+s2+$0x0], $0xffff;
	_ =	sdelay $0x2  }
0x1d0: {  	v6 =	vsub.s32 v7, v6;
	v50 =	vperm.xlane v19, v60;
	v61 =	vperm.xlane v19, v0  }
0x1d1: {  	v4 =	vsub.s32 v8, v4;
	v62 =	vperm.xlane v19, v51;
	v9 =	vperm.xlane v19, v52  }
0x1d2: {  	v3 =	vsub.s32 v3, v49;
	v6 =	vcvt.s32.f32 v6;
	v4 =	vcvt.s32.f32 v4  }
0x1d3: {  	v20 =	vcvt.s32.f32 v3;
	v3 =	vperm.xlane v19, v63  }
0x1d4: {  	v10 =	vperm.xlane v19, v53;
	v7 =	vsub.f32 v50, v6;
	v5 =	vsub.f32 v61, v4  }
0x1d5: {  	v3 =	vsub.f32 v3, v20;
	v8 =	vsub.f32 v62, v4  }
0x1d6: {  	v9 =	vsub.f32 v9, v6;
	v10 =	vsub.f32 v10, v20;
	v11 =	vmul.f32 $5.000000000e-01, v7  }
0x1d7: {  	v12 =	vand.u32 $0x7FFFFFFF, v7;
	v13 =	vmul.f32 $5.000000000e-01, v5;
	v17 =	vand.u32 $0x7FFFFFFF, v5  }
0x1d8: {  	v32 =	vmul.f32 $5.000000000e-01, v3;
	v35 =	vmul.f32 $5.000000000e-01, v9;
	v37 =	vand.u32 $0x7FFFFFFF, v9  }
0x1d9: {  	v40 =	vmul.f32 $5.000000000e-01, v10;
	v42 =	vand.u32 $0x7FFFFFFF, v10;
	v21 =	vadd.f32 $-5.000000000e-01, v12  }
0x1da: {  	vm0 =	vlt.f32 v12, $1.000000000e+00;
	v12 =	vadd.f32 $-5.000000000e-01, v17;
	vm1 =	vlt.f32 v17, $1.000000000e+00  }
0x1db: {  	v17 =	vmul.f32 $5.000000000e-01, v8;
	v39 =	vadd.f32 $-5.000000000e-01, v37;
	v7 =	vmul.f32 v11, v7  }
0x1dc: {  	v5 =	vmul.f32 v13, v5;
	v13 =	vand.u32 $0x7FFFFFFF, v3;
	v3 =	vmul.f32 v32, v3  }
0x1dd: {  	v43 =	vadd.f32 $-5.000000000e-01, v42;
	v38 =	vmul.f32 v35, v9;
	v10 =	vmul.f32 v40, v10  }
0x1de: {  	v33 =	vadd.f32 $-5.000000000e-01, v13;
	v7 =	vsel vm0, v7, v21;
	v5 =	vadd.f32 $0.0e+00, v5  }
0x1df: {  	vm0 =	vlt.f32 v13, $1.000000000e+00;
	v13 =	vand.u32 $0x7FFFFFFF, v8;
	v8 =	vmul.f32 v17, v8  }
0x1e0: {  	s25 =	simm.s32 $0x10210;
	v34 =	vadd.f32 $-5.000000000e-01, v13;
	v5 =	vsel vm1, v5, v12;
	v12 =	vperm.xlane v19, v54  }
0x1e1: {  	v3 =	vsel vm0, v3, v33;
	vm0 =	vlt.f32 v13, $1.000000000e+00;
	v13 =	vld [tilespmem:s25+$0x0];
	v5 =	vadd.f32 v7, v5  }
0x1e2: {  	v36 =	vsel vm0, v8, v34;
	vm0 =	vlt.f32 v37, $1.000000000e+00;
	v41 =	vsub.f32 v12, v4  }
0x1e3: {  	s31 =	simm.s32 $0x1;
	v12 =	vperm.xlane v19, v55;
	v8 =	vsel vm0, v38, v39;
	vm0 =	vlt.f32 v42, $1.000000000e+00  }
0x1e4: {  	v42 =	vmov s31;
	v3 =	vadd.f32 v3, v5;
	v9 =	vsel vm0, v10, v43  }
0x1e5: {  	v44 =	vmul.f32 $5.000000000e-01, v41;
	v45 =	vsub.f32 v12, v6;
	v12 =	vperm.xlane v19, v56  }
0x1e6: {  	v46 =	vand.u32 $0x7FFFFFFF, v41;
	v17 =	vperm.xlane v13, v0;
	v3 =	vadd.f32 v36, v3  }
0x1e7: {  	v47 =	vadd.f32 $-5.000000000e-01, v46;
	vm0 =	vlt.f32 v46, $1.000000000e+00;
	v5 =	vmul.f32 v44, v41  }
0x1e8: {  	v48 =	vmul.f32 $5.000000000e-01, v45;
	v49 =	vsub.f32 v12, v20;
	v12 =	vperm.xlane v19, v57  }
0x1e9: {  	v50 =	vand.u32 $0x7FFFFFFF, v45;
	v44 =	vand.u32 $0x1FFF, v13;
	vm1 =	vlt.s32 v17, $0x7FFFE000  }
0x1ea: {  	v3 =	vadd.f32 v8, v3;
	v61 =	vadd.f32 $-5.000000000e-01, v50;
	v17 =	vsel vm1, $0x3F800000, v2  }
0x1eb: {  	v8 =	vmul.f32 v48, v45;
	v5 =	vsel vm0, v5, v47;
	v62 =	vmul.f32 $5.000000000e-01, v49  }
0x1ec: {  	v32 =	vsub.f32 v12, v4;
	v12 =	vperm.xlane v19, v58;
	vm0 =	vlt.f32 v50, $1.000000000e+00  }
0x1ed: {  	v33 =	vand.u32 $0x7FFFFFFF, v49;
	v45 =	vperm.xlane v19, v15;
	v48 =	vperm.xlane v19, v16  }
0x1ee: {  	v3 =	vadd.f32 v9, v3;
	v34 =	vadd.f32 $-5.000000000e-01, v33;
	v9 =	vmul.f32 v62, v49  }
0x1ef: {  	v8 =	vsel vm0, v8, v61;
	v35 =	vmul.f32 $5.000000000e-01, v32;
	v36 =	vsub.f32 v12, v6  }
0x1f0: {  	v12 =	vperm.xlane v19, v59;
	v37 =	vand.u32 $0x7FFFFFFF, v32;
	v6 =	vsub.f32 v45, v6  }
0x1f1: {  	s4 =	simm.s32 $0x10A10;
	vm0 =	vlt.f32 v33, $1.000000000e+00;
	v3 =	vadd.f32 v5, v3;
	v38 =	vadd.f32 $-5.000000000e-01, v37  }
0x1f2: {  	[tilespmem:s4+$0x0] =	vst v44;
	v5 =	vmul.f32 v35, v32;
	v9 =	vsel vm0, v9, v34;
	v39 =	vmul.f32 $5.000000000e-01, v36  }
0x1f3: {  	[tilespmem:v42+s5+$0x0] =	vst.idx.msk $0x1, v17;
	v40 =	vsub.f32 v12, v20;
	v12 =	vperm.xlane v19, v14;
	vm0 =	vlt.f32 v37, $1.000000000e+00  }
0x1f4: {  	v47 =	vld.idx.msk [tilespmem:v42+s0+$0x0], $0xffff;
	v41 =	vand.u32 $0x7FFFFFFF, v36;
	v50 =	vand.u32 $0x7FFFFFFF, v6;
	v3 =	vadd.f32 v8, v3  }
0x1f5: {  	v49 =	vld.idx.msk [tilespmem:v44+s2+$0x0], $0xffff;
	v43 =	vadd.f32 $-5.000000000e-01, v41;
	v8 =	vmul.f32 v39, v36;
	v5 =	vsel vm0, v5, v38  }
0x1f6: {  	v21 =	vmul.f32 $5.000000000e-01, v40;
	v4 =	vsub.f32 v12, v4;
	v12 =	vand.u32 $0x7FFFFFFF, v40  }
0x1f7: {  	vm0 =	vlt.f32 v41, $1.000000000e+00;
	v3 =	vadd.f32 v9, v3;
	v46 =	vadd.f32 $-5.000000000e-01, v12  }
0x1f8: {  	v8 =	vsel vm0, v8, v43;
	v9 =	vmul.f32 v21, v40;
	v13 =	vmul.f32 $5.000000000e-01, v4  }
0x1f9: {  	vm0 =	vlt.f32 v12, $1.000000000e+00;
	v19 =	vand.u32 $0x7FFFFFFF, v4;
	v21 =	vmul.f32 $5.000000000e-01, v6  }
0x1fa: {  	s6 =	simm.s32 $0x8280;
	v10 =	vsub.s32 v49, v47;
	v3 =	vadd.f32 v5, v3;
	v9 =	vsel vm0, v9, v46  }
0x1fb: {  	v4 =	vmul.f32 v13, v4;
	v13 =	vadd.f32 $-5.000000000e-01, v19;
	v6 =	vmul.f32 v21, v6;
	v21 =	vld [tilespmem:s6+$0x0]  }
0x1fc: {  	vm0 =	vlt.f32 v19, $1.000000000e+00;
	v3 =	vadd.f32 v8, v3;
	v8 =	vsub.f32 v48, v20  }
0x1fd: {  	v12 =	vld.idx.msk [tilespmem:v42+s1+$0x0], $0xffff;
	v22 =	vcvt.s32.f32 v10;
	v4 =	vsel vm0, v4, v13;
	v13 =	vadd.f32 $-5.000000000e-01, v50  }
0x1fe: {  	v20 =	vld.idx.msk [tilespmem:v44+s29+$0x0], $0xffff;
	vm0 =	vlt.f32 v50, $1.000000000e+00;
	v19 =	vmul.f32 $5.000000000e-01, v8;
	v61 =	vand.u32 $0x7FFFFFFF, v8  }
0x1ff: {  	v3 =	vadd.f32 v9, v3;
	v6 =	vsel vm0, v6, v13;
	v62 =	vadd.f32 $-5.000000000e-01, v61  }
0x200: {  	v11 =	vld.idx.msk [tilespmem:v42+s28+$0x0], $0xffff;
	vm0 =	vlt.f32 v61, $1.000000000e+00;
	v8 =	vmul.f32 v19, v8;
	v34 =	vperm.xlane v21, v0  }
0x201: {  	v5 =	vld.idx.msk [tilespmem:v44+s30+$0x0], $0xffff;
	v3 =	vadd.f32 v4, v3;
	v35 =	vperm.xlane v21, v60;
	v36 =	vperm.xlane v21, v51  }
0x202: {  	v19 =	vimm.f32 $0.0e+00;
	v37 =	vperm.xlane v21, v52;
	v38 =	vperm.xlane v21, v53  }
0x203: {  	v49 =	vperm.xlane v21, v54;
	v32 =	vsub.s32 v20, v12;
	v3 =	vadd.f32 v6, v3  }
0x204: {  	v33 =	vsel vm0, v8, v62;
	v23 =	vcvt.s32.f32 v32;
	v8 =	vsub.f32 v38, v22  }
0x205: {  	v31 =	vperm.xlane v21, v59;
	vm0 =	vmmov $0x3ff;
	v20 =	vadd.f32 v33, v3  }
0x206: {  	v3 =	vsub.s32 v5, v11;
	v5 =	vsub.f32 v35, v23;
	v33 =	vmul.f32 $5.000000000e-01, v8  }
0x207: {  	v7 =	vsub.f32 v37, v23;
	v24 =	vcvt.s32.f32 v3;
	v3 =	vperm.xlane v21, v63  }
0x208: {  	v35 =	vperm.xlane v21, v55;
	v39 =	vand.u32 $0x7FFFFFFF, v5;
	v40 =	vmul.f32 $5.000000000e-01, v5  }
0x209: {  	v48 =	vmul.f32 $5.000000000e-01, v7;
	v4 =	vsub.f32 v34, v24;
	v3 =	vsub.f32 v3, v22  }
0x20a: {  	v61 =	vand.u32 $0x7FFFFFFF, v7;
	v6 =	vsub.f32 v36, v24;
	v13 =	vadd.f32 $-5.000000000e-01, v39  }
0x20b: {  	vm2 =	vlt.f32 v39, $1.000000000e+00;
	v32 =	vadd.f32 $-5.000000000e-01, v61;
	v34 =	vsub.f32 v49, v24  }
0x20c: {  	v36 =	vand.u32 $0x7FFFFFFF, v8;
	v8 =	vmul.f32 v33, v8;
	v5 =	vmul.f32 v40, v5  }
0x20d: {  	v39 =	vsub.f32 v35, v23;
	v62 =	vmul.f32 v48, v7;
	v12 =	vmul.f32 $5.000000000e-01, v4  }
0x20e: {  	v37 =	vadd.f32 $-5.000000000e-01, v36;
	v40 =	vperm.xlane v21, v56;
	v41 =	vand.u32 $0x7FFFFFFF, v4  }
0x20f: {  	v42 =	vmul.f32 $5.000000000e-01, v3;
	v43 =	vand.u32 $0x7FFFFFFF, v3;
	v4 =	vmul.f32 v12, v4  }
0x210: {  	v45 =	vmul.f32 $5.000000000e-01, v6;
	v46 =	vand.u32 $0x7FFFFFFF, v6;
	v38 =	vmul.f32 $5.000000000e-01, v34  }
0x211: {  	v25 =	vadd.f32 $-5.000000000e-01, v41;
	vm1 =	vlt.f32 v41, $1.000000000e+00;
	v4 =	vadd.f32 $0.0e+00, v4  }
0x212: {  	v5 =	vsel vm2, v5, v13;
	v44 =	vadd.f32 $-5.000000000e-01, v43;
	vm2 =	vlt.f32 v43, $1.000000000e+00  }
0x213: {  	v47 =	vadd.f32 $-5.000000000e-01, v46;
	v3 =	vmul.f32 v42, v3;
	v4 =	vsel vm1, v4, v25  }
0x214: {  	v41 =	vand.u32 $0x7FFFFFFF, v34;
	v43 =	vmul.f32 $5.000000000e-01, v39;
	v4 =	vadd.f32 v5, v4  }
0x215: {  	v6 =	vmul.f32 v45, v6;
	v45 =	vperm.xlane v21, v57;
	v3 =	vsel vm2, v3, v44  }
0x216: {  	v42 =	vadd.f32 $-5.000000000e-01, v41;
	vm1 =	vlt.f32 v46, $1.000000000e+00;
	v3 =	vadd.f32 v3, v4  }
0x217: {  	v44 =	vsub.f32 v40, v22;
	v49 =	vsub.f32 v45, v24;
	v50 =	vsel vm1, v6, v47  }
0x218: {  	v46 =	vand.u32 $0x7FFFFFFF, v39;
	vm1 =	vlt.f32 v61, $1.000000000e+00;
	v3 =	vadd.f32 v50, v3  }
0x219: {  	v48 =	vmul.f32 $5.000000000e-01, v44;
	v47 =	vadd.f32 $-5.000000000e-01, v46;
	v6 =	vsel vm1, v62, v32  }
0x21a: {  	v61 =	vand.u32 $0x7FFFFFFF, v44;
	vm1 =	vlt.f32 v36, $1.000000000e+00;
	v3 =	vadd.f32 v6, v3  }
0x21b: {  	v27 =	vmul.f32 v48, v44;
	v4 =	vmul.f32 v38, v34;
	v7 =	vsel vm1, v8, v37  }
0x21c: {  	v30 =	vadd.f32 $-5.000000000e-01, v61;
	vm1 =	vlt.f32 v41, $1.000000000e+00;
	v3 =	vadd.f32 v7, v3  }
0x21d: {  	v4 =	vsel vm1, v4, v42;
	v50 =	vperm.xlane v21, v58;
	v6 =	vmul.f32 v43, v39  }
0x21e: {  	v62 =	vmul.f32 $5.000000000e-01, v49;
	vm1 =	vlt.f32 v46, $1.000000000e+00;
	v3 =	vadd.f32 v4, v3  }
0x21f: {  	s9 =	simm.s32 $0x10220;
	v32 =	vand.u32 $0x7FFFFFFF, v49;
	v26 =	vsub.f32 v50, v23;
	v6 =	vsel vm1, v6, v47  }
0x220: {  	s8 =	simm.s32 $0x2;
	s10 =	simm.s32 $0x3;
	v25 =	vld [tilespmem:s9+$0x0];
	v29 =	vmul.f32 v62, v49;
	vm1 =	vlt.f32 v61, $1.000000000e+00;
	v28 =	vadd.f32 v6, v3  }
.LBB2_28:
0x221: {  	p0 =	sne.s32 s10, $0x7F;
	v3 =	vsel vm1, v27, v30;
	v4 =	vadd.f32 $-5.000000000e-01, v32;
	v5 =	vmul.f32 $5.000000000e-01, v26  }
0x222: {  	v6 =	vsub.f32 v31, v22;
	v7 =	vperm.xlane v21, v14;
	v3 =	vadd.f32 v3, v28  }
0x223: {  	vm1 =	vlt.f32 v32, $1.000000000e+00;
	v8 =	vand.u32 $0x7FFFFFFF, v26;
	v5 =	vmul.f32 v5, v26  }
0x224: {  	v9 =	vmov s8;
	s8 =	smov.u32 s10;
	v10 =	vadd.f32 $-5.000000000e-01, v8;
	v4 =	vsel vm1, v29, v4  }
0x225: {  	v12 =	vmul.f32 $5.000000000e-01, v6;
	v7 =	vsub.f32 v7, v24;
	v11 =	vperm.xlane v25, v0  }
0x226: {  	vm1 =	vlt.f32 v8, $1.000000000e+00;
	v3 =	vadd.f32 v4, v3;
	v4 =	vperm.xlane v21, v15  }
0x227: {  	s4 =	sadd.s32 $0x10, s4;
	v8 =	vand.u32 $0x1FFF, v25;
	vm2 =	vlt.s32 v11, $0x7FFFE000;
	v11 =	vand.u32 $0x7FFFFFFF, v6  }
0x228: {  	v5 =	vsel vm1, v5, v10;
	v6 =	vmul.f32 v12, v6;
	[tilespmem:s4+$0x0] =	vst v8;
	v13 =	vsel vm2, $0x3F800000, v2  }
0x229: {  	v4 =	vsub.f32 v4, v23;
	v12 =	vmul.f32 $5.000000000e-01, v7;
	v10 =	vadd.f32 $-5.000000000e-01, v11;
	[tilespmem:v9+s5+$0x0] =	vst.idx.msk $0x1, v13  }
0x22a: {  	v3 =	vadd.f32 v5, v3;
	v5 =	vperm.xlane v21, v16;
	vm1 =	vlt.f32 v11, $1.000000000e+00;
	v23 =	vld.idx.msk [tilespmem:v9+s0+$0x0], $0xffff  }
0x22b: {  	v6 =	vsel vm1, v6, v10;
	v10 =	vand.u32 $0x7FFFFFFF, v7;
	v7 =	vmul.f32 v12, v7;
	v11 =	vld.idx.msk [tilespmem:v9+s1+$0x0], $0xffff  }
0x22c: {  	v24 =	vmul.f32 $5.000000000e-01, v4;
	v5 =	vsub.f32 v5, v22;
	v21 =	vadd.f32 $-5.000000000e-01, v10;
	v12 =	vld.idx.msk [tilespmem:v8+s2+$0x0], $0xffff  }
0x22d: {  	v3 =	vadd.f32 v6, v3;
	vm1 =	vlt.f32 v10, $1.000000000e+00;
	v6 =	vand.u32 $0x7FFFFFFF, v4;
	v22 =	vld.idx.msk [tilespmem:v8+s29+$0x0], $0xffff  }
0x22e: {  	v4 =	vmul.f32 v24, v4;
	v10 =	vadd.f32 $-5.000000000e-01, v6;
	v7 =	vsel vm1, v7, v21;
	v8 =	vld.idx.msk [tilespmem:v8+s30+$0x0], $0xffff  }
0x22f: {  	s6 =	sadd.s32 $0x80, s6;
	vm1 =	vlt.f32 v6, $1.000000000e+00;
	v6 =	vmul.f32 $5.000000000e-01, v5;
	v3 =	vadd.f32 v7, v3;
	v9 =	vld.idx.msk [tilespmem:v9+s28+$0x0], $0xffff  }
0x230: {  	v4 =	vsel vm1, v4, v10;
	v7 =	vand.u32 $0x7FFFFFFF, v5;
	v10 =	vmul.f32 v20, v18;
	v18 =	vmovc v17;
	v17 =	vmovc v13;
	v21 =	vld [tilespmem:s6+$0x0]  }
0x231: {  	v3 =	vadd.f32 v4, v3;
	v4 =	vmul.f32 v6, v5;
	v5 =	vadd.f32 $-5.000000000e-01, v7  }
0x232: {  	vm1 =	vlt.f32 v7, $1.000000000e+00;
	v7 =	vnsel vm0, $0x0, v10;
	v6 =	vsub.s32 v12, v23  }
0x233: {  	v10 =	vsub.s32 v22, v11;
	v22 =	vcvt.s32.f32 v6;
	v4 =	vsel vm1, v4, v5  }
0x234: {  	v19 =	vadd.f32 v7, v19;
	v23 =	vcvt.s32.f32 v10;
	v20 =	vadd.f32 v4, v3  }
0x235: {  	v3 =	vsub.s32 v8, v9;
	v4 =	vperm.xlane v21, v0;
	v5 =	vperm.xlane v21, v60  }
0x236: {  	v24 =	vcvt.s32.f32 v3;
	v3 =	vperm.xlane v21, v63  }
0x237: {  	v6 =	vperm.xlane v21, v51;
	v7 =	vperm.xlane v21, v52;
	v5 =	vsub.f32 v5, v23  }
0x238: {  	v8 =	vperm.xlane v21, v53;
	v4 =	vsub.f32 v4, v24;
	v3 =	vsub.f32 v3, v22  }
0x239: {  	v6 =	vsub.f32 v6, v24;
	v9 =	vand.u32 $0x7FFFFFFF, v5;
	v10 =	vmul.f32 $5.000000000e-01, v5  }
0x23a: {  	v11 =	vand.u32 $0x7FFFFFFF, v4;
	v12 =	vmul.f32 $5.000000000e-01, v4;
	v13 =	vadd.f32 $-5.000000000e-01, v9  }
0x23b: {  	v25 =	vadd.f32 $-5.000000000e-01, v11;
	v5 =	vmul.f32 v10, v5;
	v10 =	vmul.f32 $5.000000000e-01, v3  }
0x23c: {  	vm1 =	vlt.f32 v11, $1.000000000e+00;
	vm2 =	vlt.f32 v9, $1.000000000e+00;
	v4 =	vmul.f32 v12, v4  }
0x23d: {  	v9 =	vand.u32 $0x7FFFFFFF, v3;
	v5 =	vsel vm2, v5, v13;
	v3 =	vmul.f32 v10, v3  }
0x23e: {  	v11 =	vmul.f32 $5.000000000e-01, v6;
	v4 =	vadd.f32 $0.0e+00, v4;
	v10 =	vadd.f32 $-5.000000000e-01, v9  }
0x23f: {  	v7 =	vsub.f32 v7, v23;
	vm2 =	vlt.f32 v9, $1.000000000e+00;
	v9 =	vand.u32 $0x7FFFFFFF, v6  }
0x240: {  	v6 =	vmul.f32 v11, v6;
	v4 =	vsel vm1, v4, v25;
	v3 =	vsel vm2, v3, v10  }
0x241: {  	v10 =	vmul.f32 $5.000000000e-01, v7;
	v4 =	vadd.f32 v5, v4;
	v5 =	vadd.f32 $-5.000000000e-01, v9  }
0x242: {  	v8 =	vsub.f32 v8, v22;
	vm1 =	vlt.f32 v9, $1.000000000e+00;
	v9 =	vperm.xlane v21, v54  }
0x243: {  	v3 =	vadd.f32 v3, v4;
	v4 =	vsel vm1, v6, v5;
	v5 =	vand.u32 $0x7FFFFFFF, v7  }
0x244: {  	v6 =	vmul.f32 v10, v7;
	v10 =	vmul.f32 $5.000000000e-01, v8;
	v7 =	vadd.f32 $-5.000000000e-01, v5  }
0x245: {  	v3 =	vadd.f32 v4, v3;
	v4 =	vsub.f32 v9, v24;
	v9 =	vperm.xlane v21, v55  }
0x246: {  	vm1 =	vlt.f32 v5, $1.000000000e+00;
	v5 =	vand.u32 $0x7FFFFFFF, v8;
	v8 =	vmul.f32 v10, v8  }
0x247: {  	v6 =	vsel vm1, v6, v7;
	v7 =	vadd.f32 $-5.000000000e-01, v5;
	v10 =	vmul.f32 $5.000000000e-01, v4  }
0x248: {  	v3 =	vadd.f32 v6, v3;
	v6 =	vsub.f32 v9, v23;
	v9 =	vperm.xlane v21, v56  }
0x249: {  	vm1 =	vlt.f32 v5, $1.000000000e+00;
	v5 =	vand.u32 $0x7FFFFFFF, v4;
	v4 =	vmul.f32 v10, v4  }
0x24a: {  	v7 =	vsel vm1, v8, v7;
	v8 =	vadd.f32 $-5.000000000e-01, v5;
	v10 =	vmul.f32 $5.000000000e-01, v6  }
0x24b: {  	v3 =	vadd.f32 v7, v3;
	v7 =	vsub.f32 v9, v22;
	v9 =	vperm.xlane v21, v57  }
0x24c: {  	vm1 =	vlt.f32 v5, $1.000000000e+00;
	v5 =	vand.u32 $0x7FFFFFFF, v6;
	v6 =	vmul.f32 v10, v6  }
0x24d: {  	v4 =	vsel vm1, v4, v8;
	v8 =	vadd.f32 $-5.000000000e-01, v5;
	v10 =	vmul.f32 $5.000000000e-01, v7  }
.Ltmp7:
0x24e: {  	v3 =	vadd.f32 v4, v3;
	v4 =	vsub.f32 v9, v24;
	v9 =	vperm.xlane v21, v58;
	(pc) =	sbr.rel @p0 .LBB2_28-.Ltmp7, $4  }
0x24f: {  	vm1 =	vlt.f32 v5, $1.000000000e+00;
	v5 =	vand.u32 $0x7FFFFFFF, v7;
	v27 =	vmul.f32 v10, v7  }
0x250: {  	v30 =	vadd.f32 $-5.000000000e-01, v5;
	v6 =	vsel vm1, v6, v8;
	v7 =	vmul.f32 $5.000000000e-01, v4  }
0x251: {  	s9 =	sadd.s32 $0x10, s9;
	v31 =	vperm.xlane v21, v59;
	v28 =	vadd.f32 v6, v3;
	v26 =	vsub.f32 v9, v23  }
0x252: {  	s10 =	sadd.s32 $0x1, s10;
	vm1 =	vlt.f32 v5, $1.000000000e+00;
	v32 =	vand.u32 $0x7FFFFFFF, v4;
	v29 =	vmul.f32 v7, v4;
	v25 =	vld [tilespmem:s9+$0x0]  }
0x253: {  	v3 =	vsel vm1, v27, v30;
	v4 =	vadd.f32 $-5.000000000e-01, v32  }
0x254: {  	v5 =	vmul.f32 $5.000000000e-01, v26;
	v6 =	vsub.f32 v31, v22;
	v7 =	vmov s8  }
0x255: {  	v8 =	vperm.xlane v21, v14;
	vm1 =	vlt.f32 v32, $1.000000000e+00;
	v50 =	vperm.xlane v21, v15  }
0x256: {  	v10 =	vand.u32 $0x7FFFFFFF, v26;
	v30 =	vperm.xlane v21, v16;
	v39 =	vmul.f32 v20, v18  }
0x257: {  	v3 =	vadd.f32 v3, v28;
	v11 =	vadd.f32 $-5.000000000e-01, v10;
	v9 =	vperm.xlane v25, v0  }
0x258: {  	v5 =	vmul.f32 v5, v26;
	v4 =	vsel vm1, v29, v4;
	v49 =	vmul.f32 $5.000000000e-01, v6  }
0x259: {  	s4 =	sadd.s32 $0x10, s4;
	v8 =	vsub.f32 v8, v24;
	v12 =	vand.u32 $0x1FFF, v25;
	vm1 =	vlt.s32 v9, $0x7FFFE000  }
0x25a: {  	v61 =	vand.u32 $0x7FFFFFFF, v6;
	v3 =	vadd.f32 v4, v3;
	[tilespmem:s4+$0x0] =	vst v12;
	v24 =	vsel vm1, $0x3F800000, v2  }
0x25b: {  	v20 =	vnsel vm0, $0x0, v39;
	v28 =	vadd.f32 $-5.000000000e-01, v61;
	v4 =	vsub.f32 v50, v23;
	[tilespmem:v7+s5+$0x0] =	vst.idx.msk $0x1, v24  }
0x25c: {  	v6 =	vmul.f32 v49, v6;
	v13 =	vmul.f32 $5.000000000e-01, v8;
	v32 =	vand.u32 $0x7FFFFFFF, v8;
	v62 =	vld.idx.msk [tilespmem:v7+s0+$0x0], $0xffff  }
0x25d: {  	s22 =	sadd.s32 $0x80, s6;
	v33 =	vadd.f32 $-5.000000000e-01, v32;
	v34 =	vmul.f32 $5.000000000e-01, v4;
	vm1 =	vlt.f32 v10, $1.000000000e+00;
	v29 =	vld.idx.msk [tilespmem:v7+s1+$0x0], $0xffff  }
0x25e: {  	v35 =	vand.u32 $0x7FFFFFFF, v4;
	v8 =	vmul.f32 v13, v8;
	v5 =	vsel vm1, v5, v11;
	v21 =	vld [tilespmem:s22+$0x0]  }
0x25f: {  	v36 =	vadd.f32 $-5.000000000e-01, v35;
	vm1 =	vlt.f32 v61, $1.000000000e+00;
	v3 =	vadd.f32 v5, v3;
	v31 =	vld.idx.msk [tilespmem:v12+s2+$0x0], $0xffff  }
0x260: {  	v6 =	vsel vm1, v6, v28;
	v13 =	vld.idx.msk [tilespmem:v12+s29+$0x0], $0xffff;
	v5 =	vsub.f32 v30, v22;
	vm1 =	vlt.f32 v32, $1.000000000e+00  }
0x261: {  	v4 =	vmul.f32 v34, v4;
	v12 =	vld.idx.msk [tilespmem:v12+s30+$0x0], $0xffff;
	v8 =	vsel vm1, v8, v33;
	vm1 =	vlt.f32 v35, $1.000000000e+00  }
0x262: {  	v7 =	vld.idx.msk [tilespmem:v7+s28+$0x0], $0xffff;
	v3 =	vadd.f32 v6, v3;
	v37 =	vmul.f32 $5.000000000e-01, v5;
	v38 =	vand.u32 $0x7FFFFFFF, v5  }
0x263: {  	v4 =	vsel vm1, v4, v36;
	v40 =	vadd.f32 $-5.000000000e-01, v38;
	v43 =	vperm.xlane v21, v0  }
0x264: {  	v3 =	vadd.f32 v8, v3;
	v44 =	vperm.xlane v21, v60;
	v45 =	vperm.xlane v21, v63  }
0x265: {  	v41 =	vsub.s32 v31, v62;
	v46 =	vperm.xlane v21, v51;
	v47 =	vperm.xlane v21, v53  }
0x266: {  	v42 =	vsub.s32 v13, v29;
	v29 =	vperm.xlane v21, v54;
	v33 =	vperm.xlane v21, v55  }
0x267: {  	v7 =	vsub.s32 v12, v7;
	v26 =	vperm.xlane v21, v14;
	v6 =	vcvt.s32.f32 v42  }
0x268: {  	vm1 =	vlt.f32 v38, $1.000000000e+00;
	v7 =	vcvt.s32.f32 v7;
	v23 =	vcvt.s32.f32 v41  }
0x269: {  	v18 =	vadd.f32 v4, v3;
	v3 =	vmul.f32 v37, v5;
	v8 =	vsub.f32 v44, v6  }
0x26a: {  	v37 =	vperm.xlane v21, v56;
	v9 =	vsub.f32 v43, v7;
	v5 =	vsub.f32 v45, v23  }
0x26b: {  	v41 =	vperm.xlane v21, v57;
	v10 =	vsub.f32 v46, v7;
	v4 =	vsub.f32 v47, v23  }
0x26c: {  	v22 =	vsel vm1, v3, v40;
	v32 =	vsub.f32 v29, v7;
	v36 =	vsub.f32 v33, v6  }
0x26d: {  	s31 =	simm.s32 $0x0;
	v3 =	vperm.xlane v21, v52;
	v40 =	vsub.f32 v37, v23;
	v44 =	vsub.f32 v41, v7  }
0x26e: {  	v45 =	vperm.xlane v21, v58;
	v7 =	vsub.f32 v26, v7;
	v29 =	vmov s31  }
0x26f: {  	v48 =	vmul.f32 $5.000000000e-01, v8;
	v12 =	vmul.f32 $5.000000000e-01, v9;
	v13 =	vand.u32 $0x7FFFFFFF, v8  }
0x270: {  	v49 =	vand.u32 $0x7FFFFFFF, v9;
	v61 =	vand.u32 $0x7FFFFFFF, v5;
	v62 =	vmul.f32 $5.000000000e-01, v10  }
0x271: {  	v27 =	vand.u32 $0x7FFFFFFF, v10;
	v3 =	vsub.f32 v3, v6;
	v34 =	vand.u32 $0x7FFFFFFF, v4  }
0x272: {  	v38 =	vand.u32 $0x7FFFFFFF, v32;
	v42 =	vand.u32 $0x7FFFFFFF, v36;
	v46 =	vand.u32 $0x7FFFFFFF, v40  }
0x273: {  	v50 =	vadd.f32 $-5.000000000e-01, v13;
	vm0 =	vlt.f32 v13, $1.000000000e+00;
	v28 =	vadd.f32 $-5.000000000e-01, v27  }
0x274: {  	v13 =	vmul.f32 $5.000000000e-01, v5;
	v35 =	vadd.f32 $-5.000000000e-01, v34;
	v39 =	vadd.f32 $-5.000000000e-01, v38  }
0x275: {  	vm1 =	vlt.f32 v61, $1.000000000e+00;
	v43 =	vadd.f32 $-5.000000000e-01, v42;
	v47 =	vadd.f32 $-5.000000000e-01, v46  }
0x276: {  	v8 =	vmul.f32 v48, v8;
	v9 =	vmul.f32 v12, v9;
	v12 =	vadd.f32 $-5.000000000e-01, v49  }
0x277: {  	v10 =	vmul.f32 v62, v10;
	v30 =	vand.u32 $0x7FFFFFFF, v3;
	v48 =	vsub.f32 v45, v6  }
0x278: {  	v5 =	vmul.f32 v13, v5;
	v13 =	vadd.f32 $-5.000000000e-01, v61;
	v31 =	vadd.f32 $-5.000000000e-01, v30  }
0x279: {  	v8 =	vsel vm0, v8, v50;
	v9 =	vadd.f32 $0.0e+00, v9;
	vm0 =	vlt.f32 v49, $1.000000000e+00  }
0x27a: {  	v49 =	vperm.xlane v21, v59;
	v50 =	vand.u32 $0x7FFFFFFF, v44;
	v5 =	vsel vm1, v5, v13  }
0x27b: {  	v61 =	vadd.f32 $-5.000000000e-01, v50;
	v9 =	vsel vm0, v9, v12;
	v12 =	vmul.f32 $5.000000000e-01, v3  }
0x27c: {  	vm0 =	vlt.f32 v27, $1.000000000e+00;
	v62 =	vsub.f32 v49, v23;
	v8 =	vadd.f32 v8, v9  }
0x27d: {  	v27 =	vand.u32 $0x7FFFFFFF, v48;
	v3 =	vmul.f32 v12, v3;
	v12 =	vmul.f32 $5.000000000e-01, v4  }
0x27e: {  	v9 =	vsel vm0, v10, v28;
	vm0 =	vlt.f32 v30, $1.000000000e+00;
	v5 =	vadd.f32 v5, v8  }
0x27f: {  	v28 =	vadd.f32 $-5.000000000e-01, v27;
	v4 =	vmul.f32 v12, v4;
	v12 =	vmul.f32 $5.000000000e-01, v32  }
0x280: {  	v30 =	vor.u32 $0x1, v29;
	v3 =	vsel vm0, v3, v31;
	v5 =	vadd.f32 v9, v5  }
0x281: {  	s11 =	simm.s32 $0x2;
	vm0 =	vlt.f32 v34, $1.000000000e+00;
	v9 =	vmul.f32 v12, v32;
	v12 =	vmul.f32 $5.000000000e-01, v36  }
0x282: {  	_ =	swait.ge [sflag:s11], $0x4000;
	v31 =	vperm.xlane v21, v15;
	v34 =	vmul.f32 $5.000000000e-01, v7;
	v3 =	vadd.f32 v3, v5  }
0x283: {  	s23 =	simm.s32 $0x0;
	[sflag:s11] =	ssyncset.done $0x0;
	v4 =	vsel vm0, v4, v35;
	v5 =	vmul.f32 v12, v36;
	v12 =	vmul.f32 $5.000000000e-01, v40  }
0x284: {  	s25 =	simm.s32 $0x10A00;
	s24 =	rddreg [dreg:$0xd];
	[sflag:s11] =	ssyncadd.s32 $0xFFFFC000;
	vm0 =	vlt.f32 v38, $1.000000000e+00;
	v32 =	vand.u32 $0x7FFFFFFF, v62;
	v3 =	vadd.f32 v4, v3  }
0x285: {  	[tilespmem:s7], [sflag:$0x2] =	stream.linear.gather [hbm4b:s24+s23], $0x4000, $0x38;
	v9 =	vsel vm0, v9, v39;
	v4 =	vmul.f32 v12, v40;
	v12 =	vmul.f32 $5.000000000e-01, v44;
	[tilespmem:$0x1BC80] =	vst v63  }
0x286: {  	v13 =	vld [tilespmem:s25+$0x0];
	v6 =	vsub.f32 v31, v6;
	vm0 =	vlt.f32 v42, $1.000000000e+00;
	v3 =	vadd.f32 v9, v3  }
0x287: {  	v5 =	vsel vm0, v5, v43;
	v9 =	vmul.f32 v12, v44;
	v12 =	vmul.f32 $5.000000000e-01, v48  }
0x288: {  	v35 =	vperm.xlane v21, v16;
	vm0 =	vlt.f32 v46, $1.000000000e+00;
	v3 =	vadd.f32 v5, v3  }
0x289: {  	v4 =	vsel vm0, v4, v47;
	v5 =	vmul.f32 v12, v48;
	v12 =	vmul.f32 $5.000000000e-01, v62  }
0x28a: {  	v33 =	vadd.f32 $-5.000000000e-01, v32;
	vm0 =	vlt.f32 v50, $1.000000000e+00;
	v3 =	vadd.f32 v4, v3  }
0x28b: {  	v9 =	vsel vm0, v9, v61;
	v4 =	vmul.f32 v12, v62;
	v12 =	vadd.s32 $0x2000, v13  }
0x28c: {  	v36 =	vand.u32 $0x7FFFFFFF, v7;
	vm0 =	vlt.f32 v27, $1.000000000e+00;
	v3 =	vadd.f32 v9, v3  }
0x28d: {  	v11 =	vld.idx.msk [tilespmem:v29+s3+$0x0], $0xffff;
	v7 =	vmul.f32 v34, v7;
	v38 =	vmul.f32 $5.000000000e-01, v6;
	v5 =	vsel vm0, v5, v28  }
0x28e: {  	v8 =	vld.idx.msk [tilespmem:v30+s3+$0x0], $0xffff;
	v39 =	vand.u32 $0x7FFFFFFF, v6;
	vm0 =	vlt.f32 v32, $1.000000000e+00;
	v3 =	vadd.f32 v5, v3  }
0x28f: {  	v37 =	vadd.f32 $-5.000000000e-01, v36;
	v13 =	vld.idx.msk [tilespmem:v13+s26+$0x0], $0xffff;
	v4 =	vsel vm0, v4, v33;
	v5 =	vsub.f32 v35, v23  }
0x290: {  	v41 =	vadd.f32 $-5.000000000e-01, v39;
	vm0 =	vlt.f32 v36, $1.000000000e+00;
	v3 =	vadd.f32 v4, v3;
	v40 =	vld.idx.msk [tilespmem:v12+s26+$0x0], $0xffff  }
0x291: {  	v6 =	vmul.f32 v38, v6;
	v7 =	vsel vm0, v7, v37;
	v12 =	vmul.f32 $5.000000000e-01, v5  }
0x292: {  	vm0 =	vlt.f32 v39, $1.000000000e+00;
	v42 =	vand.u32 $0x7FFFFFFF, v5;
	v3 =	vadd.f32 v7, v3  }
0x293: {  	v6 =	vsel vm0, v6, v41;
	v43 =	vadd.f32 $-5.000000000e-01, v42;
	v5 =	vmul.f32 v12, v5  }
0x294: {  	v44 =	vadd.f32 v22, v18;
	vm0 =	vlt.f32 v42, $1.000000000e+00;
	v3 =	vadd.f32 v6, v3  }
0x295: {  	v45 =	vsub.f32 v11, v13;
	v4 =	vsel vm0, v5, v43;
	v46 =	vsub.f32 v8, v40  }
0x296: {  	v47 =	vadd.f32 v20, v19;
	v48 =	vmul.f32 v44, v17;
	v3 =	vadd.f32 v4, v3  }
0x297: {  	v49 =	vand.u32 $0x7FFFFFFF, v45;
	vm0 =	vmmov $0x3ff;
	v50 =	vand.u32 $0x7FFFFFFF, v46  }
0x298: {  	v61 =	vnsel vm0, $0x0, v48;
	v3 =	vmul.f32 v3, v24;
	v4 =	vadd.f32 v50, v49  }
0x299: {  	s4 =	simm.s32 $0x19200;
	vm0 =	vmmov $0x3ff;
	v62 =	vadd.f32 v61, v47  }
0x29a: {  	s6 =	simm.s32 $0x10A10;
	v3 =	vnsel vm0, $0x0, v3;
	[tilespmem:s4+$0x0] =	vst v4  }
0x29b: {  	s8 =	simm.s32 $0x1;
	s9 =	simm.s32 $0x2;
	v17 =	vadd.f32 v3, v62;
	v18 =	vld [tilespmem:s6+$0x0]  }
.LBB2_30:
0x29c: {  	p0 =	sne.s32 s9, $0x7F;
	s10 =	sshll.u32 s8, $0x7;
	s8 =	smov.u32 s9  }
0x29d: {  	v3 =	vmov s10  }
0x29e: {  	v4 =	vor.u32 $0x1, v3;
	_ =	sdelay $0x1  }
0x29f: {  	v5 =	vadd.s32 $0x2000, v18;
	_ =	sdelay $0x1  }
0x2a0: {  	v3 =	vld.idx.msk [tilespmem:v3+s3+$0x0], $0xffff  }
0x2a1: {  	v4 =	vld.idx.msk [tilespmem:v4+s3+$0x0], $0xffff  }
0x2a2: {  	v6 =	vld.idx.msk [tilespmem:v18+s26+$0x0], $0xffff  }
0x2a3: {  	v5 =	vld.idx.msk [tilespmem:v5+s26+$0x0], $0xffff;
	_ =	sdelay $0x5  }
0x2a4: {  	v3 =	vsub.f32 v3, v6;
	v4 =	vsub.f32 v4, v5;
	_ =	sdelay $0x1  }
.Ltmp8:
0x2a5: {  	v3 =	vand.u32 $0x7FFFFFFF, v3;
	v4 =	vand.u32 $0x7FFFFFFF, v4;
	(pc) =	sbr.rel @p0 .LBB2_30-.Ltmp8, $4  }
0x2a6: {  	v3 =	vadd.f32 v4, v3  }
0x2a7: {  	s4 =	sadd.s32 $0x10, s4  }
0x2a8: {  	s6 =	sadd.s32 $0x10, s6;
	[tilespmem:s4+$0x0] =	vst v3  }
0x2a9: {  	s9 =	sadd.s32 $0x1, s9;
	v18 =	vld [tilespmem:s6+$0x0]  }
0x2aa: {  	_ =	sdelay $0x2  }
0x2ab: {  	s6 =	sshll.u32 s8, $0x7  }
0x2ac: {  	v3 =	vmov s6  }
0x2ad: {  	v4 =	vor.u32 $0x1, v3  }
0x2ae: {  	v5 =	vadd.s32 $0x2000, v18;
	_ =	sdelay $0x1  }
0x2af: {  	v6 =	vld.idx.msk [tilespmem:v18+s26+$0x0], $0xffff  }
0x2b0: {  	v3 =	vld.idx.msk [tilespmem:v3+s3+$0x0], $0xffff  }
0x2b1: {  	v4 =	vld.idx.msk [tilespmem:v4+s3+$0x0], $0xffff  }
0x2b2: {  	v5 =	vld.idx.msk [tilespmem:v5+s26+$0x0], $0xffff;
	_ =	sdelay $0x4  }
0x2b3: {  	v3 =	vsub.f32 v3, v6;
	v4 =	vsub.f32 v4, v5;
	_ =	sdelay $0x1  }
0x2b4: {  	v3 =	vand.u32 $0x7FFFFFFF, v3;
	v4 =	vand.u32 $0x7FFFFFFF, v4  }
0x2b5: {  	v3 =	vadd.f32 v4, v3  }
0x2b6: {  	s4 =	sadd.s32 $0x10, s4  }
0x2b7: {  	[tilespmem:s4+$0x0] =	vst v3  }
0x2b8: {  	_ =	swait.ge [sflag:s11], $0x4000  }
0x2b9: {  	s23 =	simm.s32 $0x0;
	[sflag:s11] =	ssyncset.done $0x0  }
0x2ba: {  	s25 =	simm.s32 $0x10A00;
	s24 =	rddreg [dreg:$0xe];
	[sflag:s11] =	ssyncadd.s32 $0xFFFFC000  }
0x2bb: {  	[tilespmem:s26], [sflag:$0x2] =	stream.linear.gather [hbm4b:s24+s23], $0x4000, $0x38;
	[tilespmem:$0x1BC80] =	vst v63  }
0x2bc: {  	s31 =	simm.s32 $0x0;
	v3 =	vld [tilespmem:s25+$0x0]  }
0x2bd: {  	v50 =	vmov s31  }
0x2be: {  	v61 =	vor.u32 $0x2, v50;
	_ =	sdelay $0x1  }
0x2bf: {  	v4 =	vor.u32 $0x3, v50  }
0x2c0: {  	v62 =	vadd.s32 $0x2000, v3;
	_ =	sdelay $0x1  }
0x2c1: {  	v5 =	vld.idx.msk [tilespmem:v61+s3+$0x0], $0xffff  }
0x2c2: {  	v3 =	vld.idx.msk [tilespmem:v3+s7+$0x0], $0xffff  }
0x2c3: {  	v4 =	vld.idx.msk [tilespmem:v4+s3+$0x0], $0xffff  }
0x2c4: {  	s4 =	simm.s32 $0x19200;
	v6 =	vld.idx.msk [tilespmem:v62+s7+$0x0], $0xffff  }
0x2c5: {  	v7 =	vld [tilespmem:s4+$0x0];
	_ =	sdelay $0x1  }
0x2c6: {  	v3 =	vsub.f32 v5, v3;
	_ =	sdelay $0x1  }
0x2c7: {  	v3 =	vand.u32 $0x7FFFFFFF, v3;
	v4 =	vsub.f32 v4, v6  }
0x2c8: {  	v3 =	vadd.f32 v3, v7  }
0x2c9: {  	v4 =	vand.u32 $0x7FFFFFFF, v4  }
0x2ca: {  	v3 =	vadd.f32 v4, v3;
	_ =	sdelay $0x1  }
0x2cb: {  	s6 =	simm.s32 $0x10A10;
	[tilespmem:s4+$0x0] =	vst v3  }
0x2cc: {  	s9 =	simm.s32 $0x80;
	s8 =	simm.s32 $0x2;
	v18 =	vld [tilespmem:s6+$0x0]  }
.LBB2_32:
0x2cd: {  	p0 =	sne.s32 s8, $0x7F;
	v3 =	vmov s9  }
0x2ce: {  	v4 =	vor.u32 $0x2, v3;
	_ =	sdelay $0x1  }
0x2cf: {  	v3 =	vor.u32 $0x3, v3  }
0x2d0: {  	v5 =	vadd.s32 $0x2000, v18;
	_ =	sdelay $0x1  }
0x2d1: {  	v4 =	vld.idx.msk [tilespmem:v4+s3+$0x0], $0xffff  }
0x2d2: {  	v6 =	vld.idx.msk [tilespmem:v18+s7+$0x0], $0xffff  }
0x2d3: {  	v3 =	vld.idx.msk [tilespmem:v3+s3+$0x0], $0xffff  }
0x2d4: {  	v5 =	vld.idx.msk [tilespmem:v5+s7+$0x0], $0xffff  }
0x2d5: {  	s4 =	sadd.s32 $0x10, s4  }
0x2d6: {  	v7 =	vld [tilespmem:s4+$0x0];
	_ =	sdelay $0x1  }
0x2d7: {  	v4 =	vsub.f32 v4, v6;
	_ =	sdelay $0x1  }
0x2d8: {  	v4 =	vand.u32 $0x7FFFFFFF, v4;
	v3 =	vsub.f32 v3, v5  }
0x2d9: {  	v4 =	vadd.f32 v4, v7  }
.Ltmp9:
0x2da: {  	v3 =	vand.u32 $0x7FFFFFFF, v3;
	(pc) =	sbr.rel @p0 .LBB2_32-.Ltmp9, $3  }
0x2db: {  	v3 =	vadd.f32 v3, v4;
	_ =	sdelay $0x1  }
0x2dc: {  	s6 =	sadd.s32 $0x10, s6;
	[tilespmem:s4+$0x0] =	vst v3  }
0x2dd: {  	s9 =	sshll.u32 s8, $0x7;
	s8 =	sadd.s32 $0x1, s8;
	v18 =	vld [tilespmem:s6+$0x0]  }
0x2de: {  	_ =	sdelay $0x2  }
0x2df: {  	v3 =	vmov s9  }
0x2e0: {  	v4 =	vor.u32 $0x2, v3  }
0x2e1: {  	v3 =	vor.u32 $0x3, v3  }
0x2e2: {  	v5 =	vadd.s32 $0x2000, v18;
	_ =	sdelay $0x1  }
0x2e3: {  	v6 =	vld.idx.msk [tilespmem:v18+s7+$0x0], $0xffff  }
0x2e4: {  	v4 =	vld.idx.msk [tilespmem:v4+s3+$0x0], $0xffff  }
0x2e5: {  	v3 =	vld.idx.msk [tilespmem:v3+s3+$0x0], $0xffff  }
0x2e6: {  	s4 =	sadd.s32 $0x10, s4;
	v5 =	vld.idx.msk [tilespmem:v5+s7+$0x0], $0xffff  }
0x2e7: {  	v7 =	vld [tilespmem:s4+$0x0];
	_ =	sdelay $0x1  }
0x2e8: {  	v4 =	vsub.f32 v4, v6;
	_ =	sdelay $0x1  }
0x2e9: {  	v4 =	vand.u32 $0x7FFFFFFF, v4;
	v3 =	vsub.f32 v3, v5  }
0x2ea: {  	v4 =	vadd.f32 v4, v7  }
0x2eb: {  	v3 =	vand.u32 $0x7FFFFFFF, v3  }
0x2ec: {  	v3 =	vadd.f32 v3, v4;
	_ =	sdelay $0x1  }
0x2ed: {  	[tilespmem:s4+$0x0] =	vst v3  }
0x2ee: {  	_ =	swait.ge [sflag:s11], $0x4000  }
0x2ef: {  	s24 =	simm.s32 $0x0;
	[sflag:s11] =	ssyncset.done $0x0  }
0x2f0: {  	s25 =	simm.s32 $0x10A00;
	s6 =	rddreg [dreg:$0xf];
	[sflag:s11] =	ssyncadd.s32 $0xFFFFC000  }
0x2f1: {  	[tilespmem:s7], [sflag:$0x2] =	stream.linear.gather [hbm4b:s6+s24], $0x4000, $0x38;
	[tilespmem:$0x1BC80] =	vst v63  }
0x2f2: {  	s31 =	simm.s32 $0x0;
	v3 =	vld [tilespmem:s25+$0x0]  }
0x2f3: {  	v49 =	vmov s31  }
0x2f4: {  	v50 =	vor.u32 $0x4, v49;
	_ =	sdelay $0x1  }
0x2f5: {  	v4 =	vor.u32 $0x5, v49  }
0x2f6: {  	v61 =	vadd.s32 $0x2000, v3;
	_ =	sdelay $0x1  }
0x2f7: {  	v5 =	vld.idx.msk [tilespmem:v50+s3+$0x0], $0xffff  }
0x2f8: {  	v3 =	vld.idx.msk [tilespmem:v3+s26+$0x0], $0xffff  }
0x2f9: {  	v4 =	vld.idx.msk [tilespmem:v4+s3+$0x0], $0xffff  }
0x2fa: {  	s4 =	simm.s32 $0x19200;
	v6 =	vld.idx.msk [tilespmem:v61+s26+$0x0], $0xffff  }
0x2fb: {  	v62 =	vld [tilespmem:s4+$0x0];
	_ =	sdelay $0x1  }
0x2fc: {  	v3 =	vsub.f32 v5, v3;
	_ =	sdelay $0x1  }
0x2fd: {  	v3 =	vand.u32 $0x7FFFFFFF, v3;
	v4 =	vsub.f32 v4, v6  }
0x2fe: {  	v3 =	vadd.f32 v3, v62  }
0x2ff: {  	v4 =	vand.u32 $0x7FFFFFFF, v4  }
0x300: {  	v3 =	vadd.f32 v4, v3;
	_ =	sdelay $0x1  }
0x301: {  	s6 =	simm.s32 $0x10A10;
	[tilespmem:s4+$0x0] =	vst v3  }
0x302: {  	s9 =	simm.s32 $0x80;
	s8 =	simm.s32 $0x2;
	v18 =	vld [tilespmem:s6+$0x0]  }
.LBB2_34:
0x303: {  	p0 =	sne.s32 s8, $0x7F;
	v3 =	vmov s9  }
0x304: {  	v4 =	vor.u32 $0x4, v3;
	_ =	sdelay $0x1  }
0x305: {  	v3 =	vor.u32 $0x5, v3  }
0x306: {  	v5 =	vadd.s32 $0x2000, v18;
	_ =	sdelay $0x1  }
0x307: {  	v4 =	vld.idx.msk [tilespmem:v4+s3+$0x0], $0xffff  }
0x308: {  	v6 =	vld.idx.msk [tilespmem:v18+s26+$0x0], $0xffff  }
0x309: {  	v3 =	vld.idx.msk [tilespmem:v3+s3+$0x0], $0xffff  }
0x30a: {  	v5 =	vld.idx.msk [tilespmem:v5+s26+$0x0], $0xffff  }
0x30b: {  	s4 =	sadd.s32 $0x10, s4  }
0x30c: {  	v7 =	vld [tilespmem:s4+$0x0];
	_ =	sdelay $0x1  }
0x30d: {  	v4 =	vsub.f32 v4, v6;
	_ =	sdelay $0x1  }
0x30e: {  	v4 =	vand.u32 $0x7FFFFFFF, v4;
	v3 =	vsub.f32 v3, v5  }
0x30f: {  	v4 =	vadd.f32 v4, v7  }
.Ltmp10:
0x310: {  	v3 =	vand.u32 $0x7FFFFFFF, v3;
	(pc) =	sbr.rel @p0 .LBB2_34-.Ltmp10, $3  }
0x311: {  	v3 =	vadd.f32 v3, v4;
	_ =	sdelay $0x1  }
0x312: {  	s6 =	sadd.s32 $0x10, s6;
	[tilespmem:s4+$0x0] =	vst v3  }
0x313: {  	s9 =	sshll.u32 s8, $0x7;
	s8 =	sadd.s32 $0x1, s8;
	v18 =	vld [tilespmem:s6+$0x0]  }
0x314: {  	_ =	sdelay $0x2  }
0x315: {  	v3 =	vmov s9  }
0x316: {  	v4 =	vor.u32 $0x4, v3  }
0x317: {  	v3 =	vor.u32 $0x5, v3  }
0x318: {  	v5 =	vadd.s32 $0x2000, v18;
	_ =	sdelay $0x1  }
0x319: {  	v6 =	vld.idx.msk [tilespmem:v18+s26+$0x0], $0xffff  }
0x31a: {  	v4 =	vld.idx.msk [tilespmem:v4+s3+$0x0], $0xffff  }
0x31b: {  	v3 =	vld.idx.msk [tilespmem:v3+s3+$0x0], $0xffff  }
0x31c: {  	s4 =	sadd.s32 $0x10, s4;
	v5 =	vld.idx.msk [tilespmem:v5+s26+$0x0], $0xffff  }
0x31d: {  	v7 =	vld [tilespmem:s4+$0x0];
	_ =	sdelay $0x1  }
0x31e: {  	v4 =	vsub.f32 v4, v6;
	_ =	sdelay $0x1  }
0x31f: {  	v4 =	vand.u32 $0x7FFFFFFF, v4;
	v3 =	vsub.f32 v3, v5  }
0x320: {  	v4 =	vadd.f32 v4, v7  }
0x321: {  	v3 =	vand.u32 $0x7FFFFFFF, v3  }
0x322: {  	v3 =	vadd.f32 v3, v4;
	_ =	sdelay $0x1  }
0x323: {  	[tilespmem:s4+$0x0] =	vst v3  }
0x324: {  	_ =	swait.ge [sflag:s11], $0x4000  }
0x325: {  	s24 =	simm.s32 $0x0;
	[sflag:s11] =	ssyncset.done $0x0  }
0x326: {  	s25 =	simm.s32 $0x10A00;
	s6 =	rddreg [dreg:$0x10];
	[sflag:s11] =	ssyncadd.s32 $0xFFFFC000  }
0x327: {  	[tilespmem:s26], [sflag:$0x2] =	stream.linear.gather [hbm4b:s6+s24], $0x4000, $0x38;
	[tilespmem:$0x1BC80] =	vst v63  }
0x328: {  	s31 =	simm.s32 $0x0;
	v3 =	vld [tilespmem:s25+$0x0]  }
0x329: {  	v49 =	vmov s31  }
0x32a: {  	v50 =	vor.u32 $0x6, v49;
	_ =	sdelay $0x1  }
0x32b: {  	v4 =	vor.u32 $0x7, v49  }
0x32c: {  	v61 =	vadd.s32 $0x2000, v3;
	_ =	sdelay $0x1  }
0x32d: {  	v5 =	vld.idx.msk [tilespmem:v50+s3+$0x0], $0xffff  }
0x32e: {  	v3 =	vld.idx.msk [tilespmem:v3+s7+$0x0], $0xffff  }
0x32f: {  	v4 =	vld.idx.msk [tilespmem:v4+s3+$0x0], $0xffff  }
0x330: {  	s4 =	simm.s32 $0x19200;
	v6 =	vld.idx.msk [tilespmem:v61+s7+$0x0], $0xffff  }
0x331: {  	v62 =	vld [tilespmem:s4+$0x0];
	_ =	sdelay $0x1  }
0x332: {  	v3 =	vsub.f32 v5, v3;
	_ =	sdelay $0x1  }
0x333: {  	v3 =	vand.u32 $0x7FFFFFFF, v3;
	v4 =	vsub.f32 v4, v6  }
0x334: {  	v3 =	vadd.f32 v3, v62  }
0x335: {  	v4 =	vand.u32 $0x7FFFFFFF, v4  }
0x336: {  	v3 =	vadd.f32 v4, v3;
	_ =	sdelay $0x1  }
0x337: {  	s6 =	simm.s32 $0x10A10;
	[tilespmem:s4+$0x0] =	vst v3  }
0x338: {  	s9 =	simm.s32 $0x80;
	s8 =	simm.s32 $0x2;
	v18 =	vld [tilespmem:s6+$0x0]  }
.LBB2_36:
0x339: {  	p0 =	sne.s32 s8, $0x7F;
	v3 =	vmov s9  }
0x33a: {  	v4 =	vor.u32 $0x6, v3;
	_ =	sdelay $0x1  }
0x33b: {  	v3 =	vor.u32 $0x7, v3  }
0x33c: {  	v5 =	vadd.s32 $0x2000, v18;
	_ =	sdelay $0x1  }
0x33d: {  	v4 =	vld.idx.msk [tilespmem:v4+s3+$0x0], $0xffff  }
0x33e: {  	v6 =	vld.idx.msk [tilespmem:v18+s7+$0x0], $0xffff  }
0x33f: {  	v3 =	vld.idx.msk [tilespmem:v3+s3+$0x0], $0xffff  }
0x340: {  	v5 =	vld.idx.msk [tilespmem:v5+s7+$0x0], $0xffff  }
0x341: {  	s4 =	sadd.s32 $0x10, s4  }
0x342: {  	v7 =	vld [tilespmem:s4+$0x0];
	_ =	sdelay $0x1  }
0x343: {  	v4 =	vsub.f32 v4, v6;
	_ =	sdelay $0x1  }
0x344: {  	v4 =	vand.u32 $0x7FFFFFFF, v4;
	v3 =	vsub.f32 v3, v5  }
0x345: {  	v4 =	vadd.f32 v4, v7  }
.Ltmp11:
0x346: {  	v3 =	vand.u32 $0x7FFFFFFF, v3;
	(pc) =	sbr.rel @p0 .LBB2_36-.Ltmp11, $3  }
0x347: {  	v3 =	vadd.f32 v3, v4;
	_ =	sdelay $0x1  }
0x348: {  	s6 =	sadd.s32 $0x10, s6;
	[tilespmem:s4+$0x0] =	vst v3  }
0x349: {  	s9 =	sshll.u32 s8, $0x7;
	s8 =	sadd.s32 $0x1, s8;
	v18 =	vld [tilespmem:s6+$0x0]  }
0x34a: {  	_ =	sdelay $0x2  }
0x34b: {  	v3 =	vmov s9  }
0x34c: {  	v4 =	vor.u32 $0x6, v3  }
0x34d: {  	v3 =	vor.u32 $0x7, v3  }
0x34e: {  	v5 =	vadd.s32 $0x2000, v18;
	_ =	sdelay $0x1  }
0x34f: {  	v6 =	vld.idx.msk [tilespmem:v18+s7+$0x0], $0xffff  }
0x350: {  	v4 =	vld.idx.msk [tilespmem:v4+s3+$0x0], $0xffff  }
0x351: {  	v3 =	vld.idx.msk [tilespmem:v3+s3+$0x0], $0xffff  }
0x352: {  	s4 =	sadd.s32 $0x10, s4;
	v5 =	vld.idx.msk [tilespmem:v5+s7+$0x0], $0xffff  }
0x353: {  	v7 =	vld [tilespmem:s4+$0x0];
	_ =	sdelay $0x1  }
0x354: {  	v4 =	vsub.f32 v4, v6;
	_ =	sdelay $0x1  }
0x355: {  	v4 =	vand.u32 $0x7FFFFFFF, v4;
	v3 =	vsub.f32 v3, v5  }
0x356: {  	v4 =	vadd.f32 v4, v7  }
0x357: {  	v3 =	vand.u32 $0x7FFFFFFF, v3  }
0x358: {  	v3 =	vadd.f32 v3, v4;
	_ =	sdelay $0x1  }
0x359: {  	[tilespmem:s4+$0x0] =	vst v3  }
0x35a: {  	_ =	swait.ge [sflag:s11], $0x4000  }
0x35b: {  	s24 =	simm.s32 $0x0;
	[sflag:s11] =	ssyncset.done $0x0  }
0x35c: {  	s25 =	simm.s32 $0x10A00;
	s6 =	rddreg [dreg:$0x11];
	[sflag:s11] =	ssyncadd.s32 $0xFFFFC000  }
0x35d: {  	[tilespmem:s7], [sflag:$0x2] =	stream.linear.gather [hbm4b:s6+s24], $0x4000, $0x38;
	[tilespmem:$0x1BC80] =	vst v63  }
0x35e: {  	s31 =	simm.s32 $0x0;
	v3 =	vld [tilespmem:s25+$0x0]  }
0x35f: {  	v49 =	vmov s31  }
0x360: {  	v50 =	vor.u32 $0x8, v49;
	_ =	sdelay $0x1  }
0x361: {  	v4 =	vor.u32 $0x9, v49  }
0x362: {  	v61 =	vadd.s32 $0x2000, v3;
	_ =	sdelay $0x1  }
0x363: {  	v5 =	vld.idx.msk [tilespmem:v50+s3+$0x0], $0xffff  }
0x364: {  	v3 =	vld.idx.msk [tilespmem:v3+s26+$0x0], $0xffff  }
0x365: {  	v4 =	vld.idx.msk [tilespmem:v4+s3+$0x0], $0xffff  }
0x366: {  	s4 =	simm.s32 $0x19200;
	v6 =	vld.idx.msk [tilespmem:v61+s26+$0x0], $0xffff  }
0x367: {  	v62 =	vld [tilespmem:s4+$0x0];
	_ =	sdelay $0x1  }
0x368: {  	v3 =	vsub.f32 v5, v3;
	_ =	sdelay $0x1  }
0x369: {  	v3 =	vand.u32 $0x7FFFFFFF, v3;
	v4 =	vsub.f32 v4, v6  }
0x36a: {  	v3 =	vadd.f32 v3, v62  }
0x36b: {  	v4 =	vand.u32 $0x7FFFFFFF, v4  }
0x36c: {  	v3 =	vadd.f32 v4, v3;
	_ =	sdelay $0x1  }
0x36d: {  	s6 =	simm.s32 $0x10A10;
	[tilespmem:s4+$0x0] =	vst v3  }
0x36e: {  	s9 =	simm.s32 $0x80;
	s8 =	simm.s32 $0x2;
	v18 =	vld [tilespmem:s6+$0x0]  }
.LBB2_38:
0x36f: {  	p0 =	sne.s32 s8, $0x7F;
	v3 =	vmov s9  }
0x370: {  	v4 =	vor.u32 $0x8, v3;
	_ =	sdelay $0x1  }
0x371: {  	v3 =	vor.u32 $0x9, v3  }
0x372: {  	v5 =	vadd.s32 $0x2000, v18;
	_ =	sdelay $0x1  }
0x373: {  	v4 =	vld.idx.msk [tilespmem:v4+s3+$0x0], $0xffff  }
0x374: {  	v6 =	vld.idx.msk [tilespmem:v18+s26+$0x0], $0xffff  }
0x375: {  	v3 =	vld.idx.msk [tilespmem:v3+s3+$0x0], $0xffff  }
0x376: {  	v5 =	vld.idx.msk [tilespmem:v5+s26+$0x0], $0xffff  }
0x377: {  	s4 =	sadd.s32 $0x10, s4  }
0x378: {  	v7 =	vld [tilespmem:s4+$0x0];
	_ =	sdelay $0x1  }
0x379: {  	v4 =	vsub.f32 v4, v6;
	_ =	sdelay $0x1  }
0x37a: {  	v4 =	vand.u32 $0x7FFFFFFF, v4;
	v3 =	vsub.f32 v3, v5  }
0x37b: {  	v4 =	vadd.f32 v4, v7  }
.Ltmp12:
0x37c: {  	v3 =	vand.u32 $0x7FFFFFFF, v3;
	(pc) =	sbr.rel @p0 .LBB2_38-.Ltmp12, $3  }
0x37d: {  	v3 =	vadd.f32 v3, v4;
	_ =	sdelay $0x1  }
0x37e: {  	s6 =	sadd.s32 $0x10, s6;
	[tilespmem:s4+$0x0] =	vst v3  }
0x37f: {  	s9 =	sshll.u32 s8, $0x7;
	s8 =	sadd.s32 $0x1, s8;
	v18 =	vld [tilespmem:s6+$0x0]  }
0x380: {  	_ =	sdelay $0x2  }
0x381: {  	v3 =	vmov s9  }
0x382: {  	v4 =	vor.u32 $0x8, v3  }
0x383: {  	v3 =	vor.u32 $0x9, v3  }
0x384: {  	v5 =	vadd.s32 $0x2000, v18;
	_ =	sdelay $0x1  }
0x385: {  	v6 =	vld.idx.msk [tilespmem:v18+s26+$0x0], $0xffff  }
0x386: {  	v4 =	vld.idx.msk [tilespmem:v4+s3+$0x0], $0xffff  }
0x387: {  	v3 =	vld.idx.msk [tilespmem:v3+s3+$0x0], $0xffff  }
0x388: {  	s4 =	sadd.s32 $0x10, s4;
	v5 =	vld.idx.msk [tilespmem:v5+s26+$0x0], $0xffff  }
0x389: {  	v7 =	vld [tilespmem:s4+$0x0];
	_ =	sdelay $0x1  }
0x38a: {  	v4 =	vsub.f32 v4, v6;
	_ =	sdelay $0x1  }
0x38b: {  	v4 =	vand.u32 $0x7FFFFFFF, v4;
	v3 =	vsub.f32 v3, v5  }
0x38c: {  	v4 =	vadd.f32 v4, v7  }
0x38d: {  	v3 =	vand.u32 $0x7FFFFFFF, v3  }
0x38e: {  	v3 =	vadd.f32 v3, v4;
	_ =	sdelay $0x1  }
0x38f: {  	[tilespmem:s4+$0x0] =	vst v3  }
0x390: {  	_ =	swait.ge [sflag:s11], $0x4000  }
0x391: {  	s24 =	simm.s32 $0x0;
	[sflag:s11] =	ssyncset.done $0x0  }
0x392: {  	s25 =	simm.s32 $0x10A00;
	s6 =	rddreg [dreg:$0x12];
	[sflag:s11] =	ssyncadd.s32 $0xFFFFC000  }
0x393: {  	[tilespmem:s26], [sflag:$0x2] =	stream.linear.gather [hbm4b:s6+s24], $0x4000, $0x38;
	[tilespmem:$0x1BC80] =	vst v63  }
0x394: {  	s31 =	simm.s32 $0x0;
	v3 =	vld [tilespmem:s25+$0x0]  }
0x395: {  	v49 =	vmov s31  }
0x396: {  	v50 =	vor.u32 $0xA, v49;
	_ =	sdelay $0x1  }
0x397: {  	v4 =	vor.u32 $0xB, v49  }
0x398: {  	v61 =	vadd.s32 $0x2000, v3;
	_ =	sdelay $0x1  }
0x399: {  	v5 =	vld.idx.msk [tilespmem:v50+s3+$0x0], $0xffff  }
0x39a: {  	v3 =	vld.idx.msk [tilespmem:v3+s7+$0x0], $0xffff  }
0x39b: {  	v4 =	vld.idx.msk [tilespmem:v4+s3+$0x0], $0xffff  }
0x39c: {  	s4 =	simm.s32 $0x19200;
	v6 =	vld.idx.msk [tilespmem:v61+s7+$0x0], $0xffff  }
0x39d: {  	v62 =	vld [tilespmem:s4+$0x0];
	_ =	sdelay $0x1  }
0x39e: {  	v3 =	vsub.f32 v5, v3;
	_ =	sdelay $0x1  }
0x39f: {  	v3 =	vand.u32 $0x7FFFFFFF, v3;
	v4 =	vsub.f32 v4, v6  }
0x3a0: {  	v3 =	vadd.f32 v3, v62  }
0x3a1: {  	v4 =	vand.u32 $0x7FFFFFFF, v4  }
0x3a2: {  	v3 =	vadd.f32 v4, v3;
	_ =	sdelay $0x1  }
0x3a3: {  	s6 =	simm.s32 $0x10A10;
	[tilespmem:s4+$0x0] =	vst v3  }
0x3a4: {  	s9 =	simm.s32 $0x80;
	s8 =	simm.s32 $0x2;
	v18 =	vld [tilespmem:s6+$0x0]  }
.LBB2_40:
0x3a5: {  	p0 =	sne.s32 s8, $0x7F;
	v3 =	vmov s9  }
0x3a6: {  	v4 =	vor.u32 $0xA, v3;
	_ =	sdelay $0x1  }
0x3a7: {  	v3 =	vor.u32 $0xB, v3  }
0x3a8: {  	v5 =	vadd.s32 $0x2000, v18;
	_ =	sdelay $0x1  }
0x3a9: {  	v4 =	vld.idx.msk [tilespmem:v4+s3+$0x0], $0xffff  }
0x3aa: {  	v6 =	vld.idx.msk [tilespmem:v18+s7+$0x0], $0xffff  }
0x3ab: {  	v3 =	vld.idx.msk [tilespmem:v3+s3+$0x0], $0xffff  }
0x3ac: {  	v5 =	vld.idx.msk [tilespmem:v5+s7+$0x0], $0xffff  }
0x3ad: {  	s4 =	sadd.s32 $0x10, s4  }
0x3ae: {  	v7 =	vld [tilespmem:s4+$0x0];
	_ =	sdelay $0x1  }
0x3af: {  	v4 =	vsub.f32 v4, v6;
	_ =	sdelay $0x1  }
0x3b0: {  	v4 =	vand.u32 $0x7FFFFFFF, v4;
	v3 =	vsub.f32 v3, v5  }
0x3b1: {  	v4 =	vadd.f32 v4, v7  }
.Ltmp13:
0x3b2: {  	v3 =	vand.u32 $0x7FFFFFFF, v3;
	(pc) =	sbr.rel @p0 .LBB2_40-.Ltmp13, $3  }
0x3b3: {  	v3 =	vadd.f32 v3, v4;
	_ =	sdelay $0x1  }
0x3b4: {  	s6 =	sadd.s32 $0x10, s6;
	[tilespmem:s4+$0x0] =	vst v3  }
0x3b5: {  	s9 =	sshll.u32 s8, $0x7;
	s8 =	sadd.s32 $0x1, s8;
	v18 =	vld [tilespmem:s6+$0x0]  }
0x3b6: {  	_ =	sdelay $0x2  }
0x3b7: {  	v3 =	vmov s9  }
0x3b8: {  	v4 =	vor.u32 $0xA, v3  }
0x3b9: {  	v3 =	vor.u32 $0xB, v3  }
0x3ba: {  	v5 =	vadd.s32 $0x2000, v18;
	_ =	sdelay $0x1  }
0x3bb: {  	v6 =	vld.idx.msk [tilespmem:v18+s7+$0x0], $0xffff  }
0x3bc: {  	v4 =	vld.idx.msk [tilespmem:v4+s3+$0x0], $0xffff  }
0x3bd: {  	v3 =	vld.idx.msk [tilespmem:v3+s3+$0x0], $0xffff  }
0x3be: {  	s4 =	sadd.s32 $0x10, s4;
	v5 =	vld.idx.msk [tilespmem:v5+s7+$0x0], $0xffff  }
0x3bf: {  	v7 =	vld [tilespmem:s4+$0x0];
	_ =	sdelay $0x1  }
0x3c0: {  	v4 =	vsub.f32 v4, v6;
	_ =	sdelay $0x1  }
0x3c1: {  	v4 =	vand.u32 $0x7FFFFFFF, v4;
	v3 =	vsub.f32 v3, v5  }
0x3c2: {  	v4 =	vadd.f32 v4, v7  }
0x3c3: {  	v3 =	vand.u32 $0x7FFFFFFF, v3  }
0x3c4: {  	v3 =	vadd.f32 v3, v4;
	_ =	sdelay $0x1  }
0x3c5: {  	[tilespmem:s4+$0x0] =	vst v3  }
0x3c6: {  	_ =	swait.ge [sflag:s11], $0x4000  }
0x3c7: {  	s24 =	simm.s32 $0x0;
	[sflag:s11] =	ssyncset.done $0x0  }
0x3c8: {  	s25 =	simm.s32 $0x10A00;
	s6 =	rddreg [dreg:$0x13];
	[sflag:s11] =	ssyncadd.s32 $0xFFFFC000  }
0x3c9: {  	[tilespmem:s7], [sflag:$0x2] =	stream.linear.gather [hbm4b:s6+s24], $0x4000, $0x38;
	[tilespmem:$0x1BC80] =	vst v63  }
0x3ca: {  	s31 =	simm.s32 $0x0;
	v3 =	vld [tilespmem:s25+$0x0]  }
0x3cb: {  	v49 =	vmov s31  }
0x3cc: {  	v50 =	vor.u32 $0xC, v49;
	_ =	sdelay $0x1  }
0x3cd: {  	v4 =	vor.u32 $0xD, v49  }
0x3ce: {  	v61 =	vadd.s32 $0x2000, v3;
	_ =	sdelay $0x1  }
0x3cf: {  	v5 =	vld.idx.msk [tilespmem:v50+s3+$0x0], $0xffff  }
0x3d0: {  	v3 =	vld.idx.msk [tilespmem:v3+s26+$0x0], $0xffff  }
0x3d1: {  	v4 =	vld.idx.msk [tilespmem:v4+s3+$0x0], $0xffff  }
0x3d2: {  	s4 =	simm.s32 $0x19200;
	v6 =	vld.idx.msk [tilespmem:v61+s26+$0x0], $0xffff  }
0x3d3: {  	v62 =	vld [tilespmem:s4+$0x0];
	_ =	sdelay $0x1  }
0x3d4: {  	v3 =	vsub.f32 v5, v3;
	_ =	sdelay $0x1  }
0x3d5: {  	v3 =	vand.u32 $0x7FFFFFFF, v3;
	v4 =	vsub.f32 v4, v6  }
0x3d6: {  	v3 =	vadd.f32 v3, v62  }
0x3d7: {  	v4 =	vand.u32 $0x7FFFFFFF, v4  }
0x3d8: {  	v3 =	vadd.f32 v4, v3;
	_ =	sdelay $0x1  }
0x3d9: {  	s6 =	simm.s32 $0x10A10;
	[tilespmem:s4+$0x0] =	vst v3  }
0x3da: {  	s9 =	simm.s32 $0x80;
	s8 =	simm.s32 $0x2;
	v18 =	vld [tilespmem:s6+$0x0]  }
.LBB2_42:
0x3db: {  	p0 =	sne.s32 s8, $0x7F;
	v3 =	vmov s9  }
0x3dc: {  	v4 =	vor.u32 $0xC, v3;
	_ =	sdelay $0x1  }
0x3dd: {  	v3 =	vor.u32 $0xD, v3  }
0x3de: {  	v5 =	vadd.s32 $0x2000, v18;
	_ =	sdelay $0x1  }
0x3df: {  	v4 =	vld.idx.msk [tilespmem:v4+s3+$0x0], $0xffff  }
0x3e0: {  	v6 =	vld.idx.msk [tilespmem:v18+s26+$0x0], $0xffff  }
0x3e1: {  	v3 =	vld.idx.msk [tilespmem:v3+s3+$0x0], $0xffff  }
0x3e2: {  	v5 =	vld.idx.msk [tilespmem:v5+s26+$0x0], $0xffff  }
0x3e3: {  	s4 =	sadd.s32 $0x10, s4  }
0x3e4: {  	v7 =	vld [tilespmem:s4+$0x0];
	_ =	sdelay $0x1  }
0x3e5: {  	v4 =	vsub.f32 v4, v6;
	_ =	sdelay $0x1  }
0x3e6: {  	v4 =	vand.u32 $0x7FFFFFFF, v4;
	v3 =	vsub.f32 v3, v5  }
0x3e7: {  	v4 =	vadd.f32 v4, v7  }
.Ltmp14:
0x3e8: {  	v3 =	vand.u32 $0x7FFFFFFF, v3;
	(pc) =	sbr.rel @p0 .LBB2_42-.Ltmp14, $3  }
0x3e9: {  	v3 =	vadd.f32 v3, v4;
	_ =	sdelay $0x1  }
0x3ea: {  	s6 =	sadd.s32 $0x10, s6;
	[tilespmem:s4+$0x0] =	vst v3  }
0x3eb: {  	s9 =	sshll.u32 s8, $0x7;
	s8 =	sadd.s32 $0x1, s8;
	v18 =	vld [tilespmem:s6+$0x0]  }
0x3ec: {  	_ =	sdelay $0x2  }
0x3ed: {  	v3 =	vmov s9  }
0x3ee: {  	v4 =	vor.u32 $0xC, v3  }
0x3ef: {  	v3 =	vor.u32 $0xD, v3  }
0x3f0: {  	v5 =	vadd.s32 $0x2000, v18;
	_ =	sdelay $0x1  }
0x3f1: {  	v6 =	vld.idx.msk [tilespmem:v18+s26+$0x0], $0xffff  }
0x3f2: {  	v4 =	vld.idx.msk [tilespmem:v4+s3+$0x0], $0xffff  }
0x3f3: {  	v3 =	vld.idx.msk [tilespmem:v3+s3+$0x0], $0xffff  }
0x3f4: {  	s4 =	sadd.s32 $0x10, s4;
	v5 =	vld.idx.msk [tilespmem:v5+s26+$0x0], $0xffff  }
0x3f5: {  	v7 =	vld [tilespmem:s4+$0x0];
	_ =	sdelay $0x1  }
0x3f6: {  	v4 =	vsub.f32 v4, v6;
	_ =	sdelay $0x1  }
0x3f7: {  	v4 =	vand.u32 $0x7FFFFFFF, v4;
	v3 =	vsub.f32 v3, v5  }
0x3f8: {  	v4 =	vadd.f32 v4, v7  }
0x3f9: {  	v3 =	vand.u32 $0x7FFFFFFF, v3  }
0x3fa: {  	v3 =	vadd.f32 v3, v4;
	_ =	sdelay $0x1  }
0x3fb: {  	[tilespmem:s4+$0x0] =	vst v3  }
0x3fc: {  	_ =	swait.ge [sflag:s11], $0x4000  }
0x3fd: {  	s24 =	simm.s32 $0x0;
	[sflag:s11] =	ssyncset.done $0x0  }
0x3fe: {  	s25 =	simm.s32 $0x10A00;
	s6 =	rddreg [dreg:$0x14];
	[sflag:s11] =	ssyncadd.s32 $0xFFFFC000  }
0x3ff: {  	[tilespmem:s26], [sflag:$0x2] =	stream.linear.gather [hbm4b:s6+s24], $0x4000, $0x38;
	[tilespmem:$0x1BC80] =	vst v63  }
0x400: {  	s31 =	simm.s32 $0x0;
	v3 =	vld [tilespmem:s25+$0x0]  }
0x401: {  	v49 =	vmov s31  }
0x402: {  	v50 =	vor.u32 $0xE, v49;
	_ =	sdelay $0x1  }
0x403: {  	v4 =	vor.u32 $0xF, v49  }
0x404: {  	v61 =	vadd.s32 $0x2000, v3;
	_ =	sdelay $0x1  }
0x405: {  	v5 =	vld.idx.msk [tilespmem:v50+s3+$0x0], $0xffff  }
0x406: {  	v3 =	vld.idx.msk [tilespmem:v3+s7+$0x0], $0xffff  }
0x407: {  	v4 =	vld.idx.msk [tilespmem:v4+s3+$0x0], $0xffff  }
0x408: {  	s4 =	simm.s32 $0x19200;
	v6 =	vld.idx.msk [tilespmem:v61+s7+$0x0], $0xffff  }
0x409: {  	v62 =	vld [tilespmem:s4+$0x0];
	_ =	sdelay $0x1  }
0x40a: {  	v3 =	vsub.f32 v5, v3;
	_ =	sdelay $0x1  }
0x40b: {  	v3 =	vand.u32 $0x7FFFFFFF, v3;
	v4 =	vsub.f32 v4, v6  }
0x40c: {  	v3 =	vadd.f32 v3, v62  }
0x40d: {  	v4 =	vand.u32 $0x7FFFFFFF, v4  }
0x40e: {  	v3 =	vadd.f32 v4, v3;
	_ =	sdelay $0x1  }
0x40f: {  	s6 =	simm.s32 $0x10A10;
	[tilespmem:s4+$0x0] =	vst v3  }
0x410: {  	s9 =	simm.s32 $0x80;
	s8 =	simm.s32 $0x2;
	v18 =	vld [tilespmem:s6+$0x0]  }
.LBB2_44:
0x411: {  	p0 =	sne.s32 s8, $0x7F;
	v3 =	vmov s9  }
0x412: {  	v4 =	vor.u32 $0xE, v3;
	_ =	sdelay $0x1  }
0x413: {  	v3 =	vor.u32 $0xF, v3  }
0x414: {  	v5 =	vadd.s32 $0x2000, v18;
	_ =	sdelay $0x1  }
0x415: {  	v4 =	vld.idx.msk [tilespmem:v4+s3+$0x0], $0xffff  }
0x416: {  	v6 =	vld.idx.msk [tilespmem:v18+s7+$0x0], $0xffff  }
0x417: {  	v3 =	vld.idx.msk [tilespmem:v3+s3+$0x0], $0xffff  }
0x418: {  	v5 =	vld.idx.msk [tilespmem:v5+s7+$0x0], $0xffff  }
0x419: {  	s4 =	sadd.s32 $0x10, s4  }
0x41a: {  	v7 =	vld [tilespmem:s4+$0x0];
	_ =	sdelay $0x1  }
0x41b: {  	v4 =	vsub.f32 v4, v6;
	_ =	sdelay $0x1  }
0x41c: {  	v4 =	vand.u32 $0x7FFFFFFF, v4;
	v3 =	vsub.f32 v3, v5  }
0x41d: {  	v4 =	vadd.f32 v4, v7  }
.Ltmp15:
0x41e: {  	v3 =	vand.u32 $0x7FFFFFFF, v3;
	(pc) =	sbr.rel @p0 .LBB2_44-.Ltmp15, $3  }
0x41f: {  	v3 =	vadd.f32 v3, v4;
	_ =	sdelay $0x1  }
0x420: {  	s6 =	sadd.s32 $0x10, s6;
	[tilespmem:s4+$0x0] =	vst v3  }
0x421: {  	s9 =	sshll.u32 s8, $0x7;
	s8 =	sadd.s32 $0x1, s8;
	v18 =	vld [tilespmem:s6+$0x0]  }
0x422: {  	_ =	sdelay $0x2  }
0x423: {  	v3 =	vmov s9  }
0x424: {  	v4 =	vor.u32 $0xE, v3  }
0x425: {  	v3 =	vor.u32 $0xF, v3  }
0x426: {  	v5 =	vadd.s32 $0x2000, v18;
	_ =	sdelay $0x1  }
0x427: {  	v6 =	vld.idx.msk [tilespmem:v18+s7+$0x0], $0xffff  }
0x428: {  	v4 =	vld.idx.msk [tilespmem:v4+s3+$0x0], $0xffff  }
0x429: {  	v3 =	vld.idx.msk [tilespmem:v3+s3+$0x0], $0xffff  }
0x42a: {  	s4 =	sadd.s32 $0x10, s4;
	v5 =	vld.idx.msk [tilespmem:v5+s7+$0x0], $0xffff  }
0x42b: {  	v7 =	vld [tilespmem:s4+$0x0];
	_ =	sdelay $0x1  }
0x42c: {  	v4 =	vsub.f32 v4, v6;
	_ =	sdelay $0x1  }
0x42d: {  	v4 =	vand.u32 $0x7FFFFFFF, v4;
	v3 =	vsub.f32 v3, v5  }
0x42e: {  	v4 =	vadd.f32 v4, v7  }
0x42f: {  	v3 =	vand.u32 $0x7FFFFFFF, v3  }
0x430: {  	v3 =	vadd.f32 v3, v4;
	_ =	sdelay $0x1  }
0x431: {  	[tilespmem:s4+$0x0] =	vst v3  }
0x432: {  	_ =	swait.ge [sflag:s11], $0x4000  }
0x433: {  	s24 =	simm.s32 $0x0;
	[sflag:s11] =	ssyncset.done $0x0  }
0x434: {  	s25 =	simm.s32 $0x10A00;
	s6 =	rddreg [dreg:$0x15];
	[sflag:s11] =	ssyncadd.s32 $0xFFFFC000  }
0x435: {  	[tilespmem:s7], [sflag:$0x2] =	stream.linear.gather [hbm4b:s6+s24], $0x4000, $0x38;
	[tilespmem:$0x1BC80] =	vst v63  }
0x436: {  	s31 =	simm.s32 $0x0;
	v3 =	vld [tilespmem:s25+$0x0]  }
0x437: {  	v49 =	vmov s31  }
0x438: {  	v50 =	vor.u32 $0x10, v49;
	_ =	sdelay $0x1  }
0x439: {  	v4 =	vor.u32 $0x11, v49  }
0x43a: {  	v61 =	vadd.s32 $0x2000, v3;
	_ =	sdelay $0x1  }
0x43b: {  	v5 =	vld.idx.msk [tilespmem:v50+s3+$0x0], $0xffff  }
0x43c: {  	v3 =	vld.idx.msk [tilespmem:v3+s26+$0x0], $0xffff  }
0x43d: {  	v4 =	vld.idx.msk [tilespmem:v4+s3+$0x0], $0xffff  }
0x43e: {  	s4 =	simm.s32 $0x19200;
	v6 =	vld.idx.msk [tilespmem:v61+s26+$0x0], $0xffff  }
0x43f: {  	v62 =	vld [tilespmem:s4+$0x0];
	_ =	sdelay $0x1  }
0x440: {  	v3 =	vsub.f32 v5, v3;
	_ =	sdelay $0x1  }
0x441: {  	v3 =	vand.u32 $0x7FFFFFFF, v3;
	v4 =	vsub.f32 v4, v6  }
0x442: {  	v3 =	vadd.f32 v3, v62  }
0x443: {  	v4 =	vand.u32 $0x7FFFFFFF, v4  }
0x444: {  	v3 =	vadd.f32 v4, v3;
	_ =	sdelay $0x1  }
0x445: {  	s6 =	simm.s32 $0x10A10;
	[tilespmem:s4+$0x0] =	vst v3  }
0x446: {  	s9 =	simm.s32 $0x80;
	s8 =	simm.s32 $0x2;
	v18 =	vld [tilespmem:s6+$0x0]  }
.LBB2_46:
0x447: {  	p0 =	sne.s32 s8, $0x7F;
	v3 =	vmov s9  }
0x448: {  	v4 =	vor.u32 $0x10, v3;
	_ =	sdelay $0x1  }
0x449: {  	v3 =	vor.u32 $0x11, v3  }
0x44a: {  	v5 =	vadd.s32 $0x2000, v18;
	_ =	sdelay $0x1  }
0x44b: {  	v4 =	vld.idx.msk [tilespmem:v4+s3+$0x0], $0xffff  }
0x44c: {  	v6 =	vld.idx.msk [tilespmem:v18+s26+$0x0], $0xffff  }
0x44d: {  	v3 =	vld.idx.msk [tilespmem:v3+s3+$0x0], $0xffff  }
0x44e: {  	v5 =	vld.idx.msk [tilespmem:v5+s26+$0x0], $0xffff  }
0x44f: {  	s4 =	sadd.s32 $0x10, s4  }
0x450: {  	v7 =	vld [tilespmem:s4+$0x0];
	_ =	sdelay $0x1  }
0x451: {  	v4 =	vsub.f32 v4, v6;
	_ =	sdelay $0x1  }
0x452: {  	v4 =	vand.u32 $0x7FFFFFFF, v4;
	v3 =	vsub.f32 v3, v5  }
0x453: {  	v4 =	vadd.f32 v4, v7  }
.Ltmp16:
0x454: {  	v3 =	vand.u32 $0x7FFFFFFF, v3;
	(pc) =	sbr.rel @p0 .LBB2_46-.Ltmp16, $3  }
0x455: {  	v3 =	vadd.f32 v3, v4;
	_ =	sdelay $0x1  }
0x456: {  	s6 =	sadd.s32 $0x10, s6;
	[tilespmem:s4+$0x0] =	vst v3  }
0x457: {  	s9 =	sshll.u32 s8, $0x7;
	s8 =	sadd.s32 $0x1, s8;
	v18 =	vld [tilespmem:s6+$0x0]  }
0x458: {  	_ =	sdelay $0x2  }
0x459: {  	v3 =	vmov s9  }
0x45a: {  	v4 =	vor.u32 $0x10, v3  }
0x45b: {  	v3 =	vor.u32 $0x11, v3  }
0x45c: {  	v5 =	vadd.s32 $0x2000, v18;
	_ =	sdelay $0x1  }
0x45d: {  	v6 =	vld.idx.msk [tilespmem:v18+s26+$0x0], $0xffff  }
0x45e: {  	v4 =	vld.idx.msk [tilespmem:v4+s3+$0x0], $0xffff  }
0x45f: {  	v3 =	vld.idx.msk [tilespmem:v3+s3+$0x0], $0xffff  }
0x460: {  	s4 =	sadd.s32 $0x10, s4;
	v5 =	vld.idx.msk [tilespmem:v5+s26+$0x0], $0xffff  }
0x461: {  	v7 =	vld [tilespmem:s4+$0x0];
	_ =	sdelay $0x1  }
0x462: {  	v4 =	vsub.f32 v4, v6;
	_ =	sdelay $0x1  }
0x463: {  	v4 =	vand.u32 $0x7FFFFFFF, v4;
	v3 =	vsub.f32 v3, v5  }
0x464: {  	v4 =	vadd.f32 v4, v7  }
0x465: {  	v3 =	vand.u32 $0x7FFFFFFF, v3  }
0x466: {  	v3 =	vadd.f32 v3, v4;
	_ =	sdelay $0x1  }
0x467: {  	[tilespmem:s4+$0x0] =	vst v3  }
0x468: {  	_ =	swait.ge [sflag:s11], $0x4000  }
0x469: {  	[sflag:s11] =	ssyncset.done $0x0  }
0x46a: {  	s23 =	simm.s32 $0x10A00;
	s24 =	simm.s32 $0x0;
	[sflag:s11] =	ssyncadd.s32 $0xFFFFC000  }
0x46b: {  	v49 =	vmov s24;
	v3 =	vld [tilespmem:s23+$0x0]  }
0x46c: {  	v50 =	vor.u32 $0x12, v49  }
0x46d: {  	v4 =	vor.u32 $0x13, v49;
	_ =	sdelay $0x1  }
0x46e: {  	s25 =	simm.s32 $0x10A10  }
0x46f: {  	v62 =	vld [tilespmem:s25+$0x0];
	v61 =	vadd.s32 $0x2000, v3  }
0x470: {  	v5 =	vld.idx.msk [tilespmem:v50+s3+$0x0], $0xffff  }
0x471: {  	s31 =	simm.s32 $0x80;
	v4 =	vld.idx.msk [tilespmem:v4+s3+$0x0], $0xffff  }
0x472: {  	s6 =	simm.s32 $0x19200;
	v8 =	vmov s31;
	v3 =	vld.idx.msk [tilespmem:v3+s7+$0x0], $0xffff  }
0x473: {  	v9 =	vor.u32 $0x12, v8;
	v20 =	vld [tilespmem:s6+$0x0]  }
0x474: {  	s4 =	simm.s32 $0x10200;
	v6 =	vld.idx.msk [tilespmem:v61+s7+$0x0], $0xffff  }
0x475: {  	v24 =	vor.u32 $0x13, v8;
	v21 =	vld [tilespmem:s4+$0x0]  }
0x476: {  	s8 =	simm.s32 $0x10A20;
	v25 =	vadd.s32 $0x2000, v62  }
0x477: {  	v23 =	vld [tilespmem:s8+$0x0];
	v3 =	vsub.f32 v5, v3  }
0x478: {  	v19 =	vld.idx.msk [tilespmem:v9+s3+$0x0], $0xffff  }
0x479: {  	s10 =	simm.s32 $0x100;
	s9 =	simm.s32 $0x3;
	v18 =	vimm.f32 $0.0e+00;
	v22 =	vld.idx.msk [tilespmem:v62+s7+$0x0], $0xffff;
	v27 =	vand.u32 $0x7FFFFFFF, v3;
	v26 =	vsub.f32 v4, v6  }
.LBB2_48:
0x47a: {  	p0 =	sne.s32 s9, $0x7F;
	v3 =	vmov s10;
	v4 =	vld.idx.msk [tilespmem:v24+s3+$0x0], $0xffff;
	v5 =	vadd.f32 v27, v20;
	v10 =	vperm.xlane v21, v0  }
0x47b: {  	s6 =	sadd.s32 $0x10, s6;
	v7 =	vor.u32 $0x12, v3;
	v8 =	vld.idx.msk [tilespmem:v25+s7+$0x0], $0xffff;
	v9 =	vand.u32 $0x7FFFFFFF, v26  }
0x47c: {  	s4 =	sadd.s32 $0x10, s4;
	v20 =	vld [tilespmem:s6+$0x0];
	v5 =	vadd.f32 v9, v5;
	vm1 =	vlt.s32 v10, $0x7FFFE000;
	v6 =	vmov v23  }
.Ltmp17:
0x47d: {  	v24 =	vor.u32 $0x13, v3;
	v21 =	vld [tilespmem:s4+$0x0];
	v3 =	vsel vm1, $0x3F800000, v2;
	(pc) =	sbr.rel @p0 .LBB2_48-.Ltmp17, $4  }
0x47e: {  	s8 =	sadd.s32 $0x10, s8;
	v25 =	vadd.s32 $0x2000, v6;
	v3 =	vmul.f32 v3, v5  }
0x47f: {  	v5 =	vsub.f32 v19, v22;
	v23 =	vld [tilespmem:s8+$0x0]  }
0x480: {  	v19 =	vld.idx.msk [tilespmem:v7+s3+$0x0], $0xffff;
	v3 =	vnsel vm0, $0x0, v3  }
0x481: {  	s10 =	sshll.u32 s9, $0x7;
	s9 =	sadd.s32 $0x1, s9;
	v27 =	vand.u32 $0x7FFFFFFF, v5;
	v26 =	vsub.f32 v4, v8;
	v22 =	vld.idx.msk [tilespmem:v6+s7+$0x0], $0xffff;
	v18 =	vadd.f32 v3, v18  }
0x482: {  	_ =	sdelay $0x3  }
0x483: {  	v3 =	vmov s10;
	v5 =	vld.idx.msk [tilespmem:v24+s3+$0x0], $0xffff  }
0x484: {  	v6 =	vld.idx.msk [tilespmem:v25+s7+$0x0], $0xffff;
	s6 =	sadd.s32 $0x10, s6;
	v4 =	vor.u32 $0x12, v3  }
0x485: {  	s4 =	sadd.s32 $0x10, s4;
	v3 =	vor.u32 $0x13, v3;
	v7 =	vld [tilespmem:s6+$0x0]  }
0x486: {  	v11 =	vadd.f32 v27, v20;
	v9 =	vld [tilespmem:s4+$0x0];
	v8 =	vadd.s32 $0x2000, v23  }
0x487: {  	v13 =	vand.u32 $0x7FFFFFFF, v26;
	s4 =	sadd.s32 $0x10, s4;
	v10 =	vld.idx.msk [tilespmem:v23+s7+$0x0], $0xffff  }
0x488: {  	v11 =	vadd.f32 v13, v11;
	v13 =	vld [tilespmem:s4+$0x0]  }
0x489: {  	v4 =	vld.idx.msk [tilespmem:v4+s3+$0x0], $0xffff  }
0x48a: {  	v12 =	vperm.xlane v21, v0;
	v3 =	vld.idx.msk [tilespmem:v3+s3+$0x0], $0xffff  }
0x48b: {  	s6 =	sadd.s32 $0x10, s6;
	v8 =	vld.idx.msk [tilespmem:v8+s7+$0x0], $0xffff  }
0x48c: {  	v47 =	vld [tilespmem:s6+$0x0];
	vm1 =	vlt.s32 v12, $0x7FFFE000;
	v19 =	vsub.f32 v19, v22  }
0x48d: {  	v12 =	vsel vm1, $0x3F800000, v2;
	v5 =	vsub.f32 v5, v6  }
0x48e: {  	v49 =	vmul.f32 v12, v11;
	v48 =	vand.u32 $0x7FFFFFFF, v19;
	v4 =	vsub.f32 v4, v10  }
0x48f: {  	v9 =	vperm.xlane v9, v0;
	v6 =	vadd.f32 v48, v7;
	v5 =	vand.u32 $0x7FFFFFFF, v5  }
0x490: {  	v50 =	vperm.xlane v13, v0;
	v3 =	vsub.f32 v3, v8;
	v4 =	vand.u32 $0x7FFFFFFF, v4  }
0x491: {  	vm14 =	vlt.s32 v9, $0x7FFFE000;
	v5 =	vadd.f32 v5, v6;
	v4 =	vadd.f32 v4, v47  }
0x492: {  	v7 =	vnsel vm0, $0x0, v49;
	v61 =	vsel vm14, $0x3F800000, v2;
	v3 =	vand.u32 $0x7FFFFFFF, v3  }
0x493: {  	vm15 =	vlt.s32 v50, $0x7FFFE000;
	v5 =	vmul.f32 v61, v5;
	v3 =	vadd.f32 v3, v4  }
0x494: {  	v62 =	vadd.f32 v7, v18;
	v6 =	vsel vm15, $0x3F800000, v2  }
0x495: {  	v5 =	vnsel vm0, $0x0, v5;
	v3 =	vmul.f32 v6, v3  }
0x496: {  	v4 =	vadd.f32 v5, v62  }
0x497: {  	v3 =	vnsel vm0, $0x0, v3  }
0x498: {  	v3 =	vadd.f32 v3, v4  }
0x499: {  	[tilespmem:$0x19A80] =	vst v17  }
0x49a: {  	s22 =	rddreg [dreg:$0x16];
	s23 =	simm.s32 $0x19A80;
	s24 =	simm.s32 $0x3;
	[tilespmem:$0x19A90] =	vst v3  }
0x49b: {  	[hbm4b:s22+s2] =	stream.linear.scatter [tilespmem:s23], [sflag:$0x3], $0x20, $0x38;
	[tilespmem:$0x1BC80] =	vst v63  }
0x49c: {  	_ =	swait.ge [sflag:s24], $0x20  }
0x49d: {  	[sflag:s24] =	ssyncset.done $0x0  }
0x49e: {  	s25 =	rddreg [dreg:$0x17];
	[sflag:s24] =	ssyncadd.s32 $0xFFFFFFE0  }
0x49f: {  	[hbm4b:s25+s2] =	stream.linear.scatter [tilespmem:s5], [sflag:$0x3], $0x80, $0x38;
	[tilespmem:$0x1BC80] =	vst v63  }
0x4a0: {  	_ =	swait.ge [sflag:s24], $0x80  }
0x4a1: {  	s8 =	rddreg [dreg:$0x19]  }
0x4a2: {  	s31 =	rddreg [dreg:$0x18];
	s8 =	sadd.s32 $0x1, s8  }
0x4a3: {  	p0 =	sne.s32 s8, s31  }
.Ltmp18:
0x4a4: {  	_ = 	snop;
	(pc) =	sbr.rel @p0 .LBB2_1-.Ltmp18, $4  }
.Ltmp19:
0x4a5: {  	_ = 	snop;
	(pc) =	sbr.rel @!p0 .LBB2_50-.Ltmp19, $4  }
0x4a6: {  	_ = 	snop  }
0x4a7: {  	[sflag:s24] =	ssyncset.done $0x0  }
0x4a8: {  	[sflag:s24] =	ssyncadd.s32 $0xFFFFFF80  }
0x4a9: {  	_ = 	snop  }
.LBB2_23:
0x4aa: {  	s17 =	sadd.s32 $0x1, s17  }
0x4ab: {  	p0 =	seq.s32 s17, $0x4  }
.Ltmp20:
0x4ac: {  	_ = 	snop;
	(pc) =	sbr.rel @p0 .LBB2_27-.Ltmp20, $1  }
0x4ad: {  	_ =	sdelay $0x3  }
.LBB2_9:
0x4ae: {  	p2 =	seq.s32 s17, $0x2;
	s24 =	smov.u32 s25  }
0x4af: {  	p1 =	seq.s32 s17, $0x1;
	s24 =	smov.u32 @p2 s20  }
0x4b0: {  	p0 =	seq.s32 s17, $0x0;
	s24 =	smov.u32 @p1 s19  }
0x4b1: {  	s24 =	smov.u32 @p0 s18  }
0x4b2: {  	s4 =	sadd.s32 $0x3, s24  }
0x4b3: {  	s6 =	sand.u32 $0x3, s4  }
0x4b4: {  	s31 =	sshra.s32 s4, $0x1F;
	p4 =	slt.s32 s4, $0x1;
	p3 =	sne.s32 s6, $0x0  }
0x4b5: {  	s6 =	sshrl.u32 s31, $0x1E;
	p3 =	por !p4, !p3  }
0x4b6: {  	s4 =	sadd.s32 s6, s4;
	s6 =	simm.s32 $0x1;
	p3 =	por !p3, !p3  }
0x4b7: {  	s4 =	sshra.s32 s4, $0x2;
	s6 =	simm.s32 @!p3 $0x0  }
0x4b8: {  	s8 =	ssub.s32 s4, s6  }
0x4b9: {  	p3 =	slt.s32 s8, $0x1  }
.Ltmp21:
0x4ba: {  	_ = 	snop;
	(pc) =	sbr.rel @p3 .LBB2_23-.Ltmp21, $1  }
0x4bb: {  	_ =	sdelay $0x3  }
0x4bc: {  	s4 =	rddreg [dreg:$0x1f]  }
0x4bd: {  	s6 =	rddreg [dreg:$0x1c]  }
0x4be: {  	s4 =	smov.u32 @p2 s6;
	s6 =	rddreg [dreg:$0x1b]  }
0x4bf: {  	s4 =	smov.u32 @p1 s6;
	s6 =	rddreg [dreg:$0x1a]  }
0x4c0: {  	s4 =	smov.u32 @p0 s6  }
0x4c1: {  	s6 =	sadd.s32 $0xF, s4  }
0x4c2: {  	s9 =	sand.u32 $0xF, s6  }
0x4c3: {  	p3 =	slt.s32 s6, $0x1;
	s13 =	sshra.s32 s6, $0x1F;
	p4 =	sne.s32 s9, $0x0  }
0x4c4: {  	s10 =	smov.u32 s23;
	s9 =	sshrl.u32 s13, $0x1C;
	p3 =	por !p3, !p4  }
0x4c5: {  	s6 =	sadd.s32 s9, s6;
	s9 =	simm.s32 $0x1;
	p3 =	por !p3, !p3  }
0x4c6: {  	s10 =	smov.u32 @p2 s22;
	s6 =	sshra.s32 s6, $0x4;
	s9 =	simm.s32 @!p3 $0x0  }
0x4c7: {  	s10 =	smov.u32 @p1 s21;
	s13 =	rddreg [dreg:$0x1d];
	s6 =	ssub.s32 s6, s9  }
0x4c8: {  	s10 =	simm.s32 @p0 $0x0;
	s9 =	rddreg [dreg:$0x1e];
	s11 =	sadd.s32 $0x1, s6  }
0x4c9: {  	s9 =	smov.u32 @p2 s14;
	p4 =	slt.s32 s6, $0x0;
	s12 =	sand.u32 $0x1, s11  }
0x4ca: {  	s9 =	smov.u32 @p1 s13;
	s15 =	sshrl.u32 s11, $0x1F;
	p5 =	seq.s32 s12, $0x1  }
.Ltmp22:
0x4cb: {  	s9 =	simm.s32 @p0 $0x0;
	p6 =	por !p4, !p5;
	(pc) =	sbr.rel .LBB2_11-.Ltmp22, $4  }
0x4cc: {  	s6 =	sadd.s32 s15, s11;
	s11 =	simm.s32 $0x1;
	p0 =	por !p6, !p6  }
0x4cd: {  	s6 =	sshra.s32 s6, $0x1;
	s16 =	sshll.u32 s9, $0x2;
	s11 =	simm.s32 @!p0 $0x0  }
0x4ce: {  	s10 =	sadd.s32 $0x1BB80, s10;
	s31 =	sshra.s32 s16, $0x2;
	s9 =	ssub.s32 s6, s11  }
0x4cf: {  	v17 =	vmov s4;
	v18 =	vmov s10;
	s4 =	sadd.s32 $0x19B10, s31;
	s6 =	simm.s32 $0x0;
	p0 =	slt.s32 s9, $0x1  }
.LBB2_12:
0x4d0: {  	v26 =	vimm.s32 $0x7FFFFFFF;
	v24 =	vimm.s32 $0x7FFFFFFF;
	v25 =	vimm.s32 $0x7FFFFFFF  }
.LBB2_22:
0x4d1: {  	p4 =	sge.s32 s31, s24  }
0x4d2: {  	p2 =	sge.s32 s15, s24;
	v3 =	vor.u32 @!p4 $0x80000000, v22  }
0x4d3: {  	p1 =	sge.s32 s16, s24;
	(xrf0) =	vmax.scan.msk.u32 @!p4 $0xffff, v3;
	v3 =	vor.u32 @!p2 $0x80000000, v21  }
0x4d4: {  	s10 =	sor.u32 $0x3, s31;
	(xrf0) =	vmax.scan.msk.u32 @!p2 $0xffff, v3;
	v3 =	vor.u32 @!p1 $0x80000000, v20  }
0x4d5: {  	p3 =	sge.s32 s10, s24;
	(xrf0) =	vmax.scan.msk.u32 @!p1 $0xffff, v3  }
0x4d6: {  	v3 =	vor.u32 @!p3 $0x80000000, v19;
	_ =	sdelay $0x2  }
0x4d7: {  	(xrf0) =	vmax.scan.msk.u32 @!p3 $0xffff, v3;
	v3, _, _ =	vpop @!p4 (xrf0)  }
0x4d8: {  	v4, _, _ =	vpop @!p2 (xrf0);
	(v2sf) =	vpush @!p4 v3, $0xF  }
0x4d9: {  	v3, _, _ =	vpop @!p1 (xrf0);
	(v2sf) =	vpush @!p2 v4, $0xF  }
0x4da: {  	(v2sf) =	vpush @!p1 v3, $0xF;
	_ =	sdelay $0x3  }
0x4db: {  	v3, _, _ =	vpop @!p3 (xrf0)  }
0x4dc: {  	(v2sf) =	vpush @!p3 v3, $0xF;
	_ =	sdelay $0x7  }
0x4dd: {  	s10 =	spop @!p4 (v2sf)  }
0x4de: {  	s11 =	spop @!p2 (v2sf);
	s10 =	sshll.u32 @!p4 s10, $0x6  }
0x4df: {  	s12 =	spop @!p1 (v2sf);
	s10 =	sshra.s32 @!p4 s10, $0x2;
	s11 =	sshll.u32 @!p2 s11, $0x6  }
0x4e0: {  	[tilespmem:s10+$0x10200] =	vst @!p4 v23;
	s10 =	sshra.s32 @!p2 s11, $0x2;
	s11 =	sshll.u32 @!p1 s12, $0x6  }
0x4e1: {  	s6 =	sadd.s32 $0x1, s6;
	[tilespmem:s10+$0x10200] =	vst @!p2 v26;
	s10 =	sshra.s32 @!p1 s11, $0x2  }
0x4e2: {  	[tilespmem:s10+$0x10200] =	vst @!p1 v24;
	p1 =	sne.s32 s6, s8  }
.Ltmp23:
0x4e3: {  	_ = 	snop;
	(pc) =	sbr.rel @!p1 .LBB2_23-.Ltmp23, $4  }
0x4e4: {  	s12 =	spop @!p3 (v2sf)  }
0x4e5: {  	s11 =	sshll.u32 @!p3 s12, $0x6  }
0x4e6: {  	s10 =	sshra.s32 @!p3 s11, $0x2  }
0x4e7: {  	[tilespmem:s10+$0x10200] =	vst @!p3 v25  }
.LBB2_11:
0x4e8: {  	_ = 	snop  }
0x4e9: {  	s10 =	sshll.u32 s6, $0x4  }
0x4ea: {  	s10 =	sshra.s32 s10, $0x2  }
0x4eb: {  	s10 =	sand.u32 $0xFFFFFFF0, s10  }
0x4ec: {  	v19 =	vld.idx.msk [tilespmem:v18+s10+$0x0 ss:$0x1], $0xffff;
	_ =	sdelay $0x1  }
0x4ed: {  	s31 =	sshll.u32 s6, $0x2  }
0x4ee: {  	s13 =	sshllo.u32 s6, $0x2;
	s15 =	sor.u32 $0x1, s31  }
.Ltmp24:
0x4ef: {  	v20 =	vmov s31;
	s16 =	sor.u32 $0x2, s31;
	v23 =	vmov s13;
	v21 =	vmov s15;
	(pc) =	sbr.rel @p0 .LBB2_12-.Ltmp24, $4  }
0x4f0: {  	v22 =	vmov s16;
	v20 =	vperm.xlane v19, v20;
	v21 =	vperm.xlane v19, v21  }
0x4f1: {  	v24 =	vperm.xlane v19, v22;
	v19 =	vperm.xlane v19, v23  }
0x4f2: {  	v23 =	vimm.s32 $0x7FFFFFFF;
	v22 =	vand.u32 $0x7F, v20  }
0x4f3: {  	v21 =	vand.u32 $0x7F, v21;
	v20 =	vand.u32 $0x7F, v24;
	v19 =	vand.u32 $0x7F, v19  }
0x4f4: {  	_ =	sdelay $0x1  }
0x4f5: {  	v24 =	vld [tilespmem:s4+$0xFFFFFFF0]  }
0x4f6: {  	v25 =	vld [tilespmem:s4+$0x0]  }
0x4f7: {  	v28 =	vld.idx.msk [tilespmem:v19+s0+$0x0], $0xffff  }
0x4f8: {  	v29 =	vld.idx.msk [tilespmem:v22+s1+$0x0], $0xffff  }
0x4f9: {  	v30 =	vld.idx.msk [tilespmem:v20+s1+$0x0], $0xffff  }
0x4fa: {  	v31 =	vld.idx.msk [tilespmem:v22+s28+$0x0], $0xffff;
	v38 =	vand.u32 $0x1FFF, v24  }
0x4fb: {  	v32 =	vld.idx.msk [tilespmem:v21+s28+$0x0], $0xffff;
	v27 =	vand.u32 $0x1FFF, v25  }
0x4fc: {  	v33 =	vld.idx.msk [tilespmem:v20+s28+$0x0], $0xffff  }
0x4fd: {  	v34 =	vld.idx.msk [tilespmem:v19+s28+$0x0], $0xffff  }
0x4fe: {  	v24 =	vld.idx.msk [tilespmem:v21+s1+$0x0], $0xffff  }
0x4ff: {  	v26 =	vld.idx.msk [tilespmem:v38+s30+$0x0], $0xffff  }
0x500: {  	v37 =	vld.idx.msk [tilespmem:v27+s30+$0x0], $0xffff  }
0x501: {  	v39 =	vld.idx.msk [tilespmem:v38+s29+$0x0], $0xffff  }
0x502: {  	s10 =	simm.s32 $0x10;
	s11 =	simm.s32 $0x0;
	v25 =	vld.idx.msk [tilespmem:v19+s1+$0x0], $0xffff  }
0x503: {  	v40 =	vor.u32 s11, v1;
	v43 =	vor.u32 s10, v1;
	v44 =	vld.idx.msk [tilespmem:v38+s2+$0x0], $0xffff  }
0x504: {  	vm1 =	vlt.s32 v40, v17;
	vm0 =	vlt.s32 v43, v17;
	v35 =	vsub.s32 v26, v32  }
0x505: {  	v45 =	vsub.s32 v26, v33;
	v42 =	vsub.s32 v37, v33;
	v47 =	vsub.s32 v37, v34  }
0x506: {  	v41 =	vld.idx.msk [tilespmem:v27+s2+$0x0], $0xffff;
	v36 =	vsub.s32 v26, v31;
	v46 =	vsub.s32 v39, v30;
	v49 =	vsub.s32 v26, v34  }
0x507: {  	v40 =	vld.idx.msk [tilespmem:v27+s29+$0x0], $0xffff;
	v50 =	vsub.s32 v39, v29;
	v51 =	vsub.s32 v39, v24;
	v39 =	vsub.s32 v39, v25  }
0x508: {  	v26 =	vld.idx.msk [tilespmem:v21+s0+$0x0], $0xffff;
	v4 =	vsub.s32 v44, v28;
	v7 =	vsub.s32 v37, v32;
	v37 =	vsub.s32 v37, v31  }
0x509: {  	v48 =	vmul.u32 v35, v35;
	v35 =	vld.idx.msk [tilespmem:v20+s0+$0x0], $0xffff;
	v52 =	vmul.u32 v36, v36;
	v50 =	vmul.u32 v50, v50  }
0x50a: {  	v36 =	vld.idx.msk [tilespmem:v22+s0+$0x0], $0xffff;
	v53 =	vmul.u32 v46, v46;
	v54 =	vmul.u32 v39, v39;
	v6 =	vmul.u32 v4, v4  }
0x50b: {  	v51 =	vmul.u32 v51, v51;
	v55 =	vmul.u32 v49, v49;
	v46 =	vsub.s32 v41, v28  }
0x50c: {  	v39 =	vmul.u32 v47, v47;
	v42 =	vmul.u32 v42, v42;
	v58 =	vadd.s32 v6, v54  }
0x50d: {  	v45 =	vmul.u32 v45, v45;
	v49 =	vsub.s32 v40, v30;
	v62 =	vadd.s32 v55, v58  }
0x50e: {  	v56 =	vsub.s32 v44, v26;
	v62 =	vshll.u32 v62, $0xD;
	v5 =	vsub.s32 v44, v35  }
0x50f: {  	v57 =	vsub.s32 v44, v36;
	v44 =	vmul.u32 v7, v7;
	v9 =	vmul.u32 v56, v56  }
0x510: {  	p3 =	sne.s32 s9, $0x1;
	v10 =	vsub.s32 v41, v36;
	v47 =	vmul.u32 v5, v5;
	v11 =	vmul.u32 v57, v57  }
.Ltmp25:
0x511: {  	v8 =	vsub.s32 v41, v35;
	v57 =	vsub.s32 v40, v29;
	v54 =	vmul.u32 v10, v10;
	(pc) =	sbr.rel @!p3 .LBB2_14-.Ltmp25, $4  }
0x512: {  	v51 =	vadd.s32 v9, v51;
	v47 =	vadd.s32 v47, v53;
	v50 =	vadd.s32 v11, v50  }
0x513: {  	v59 =	vadd.s32 v48, v51;
	v47 =	vadd.s32 v45, v47;
	v61 =	vadd.s32 v52, v50  }
0x514: {  	s12 =	simm.s32 $0x30;
	p1 =	por $0x0, $0x0;
	v51 =	vmul.u32 v37, v37;
	v47 =	vshll.u32 v47, $0xD;
	v37 =	vshll.u32 v61, $0xD  }
0x515: {  	p2 =	por $0x0, $0x0;
	s10 =	sadd.s32 $0xFFFFFFFF, s9;
	s11 =	sadd.s32 $0x20, s4;
	v45 =	vmul.u32 v8, v8;
	v58 =	vor.u32 v38, v47;
	v61 =	vor.u32 v38, v37  }
0x516: {  	v37 =	vld [tilespmem:s11+$0xFFFFFFF0]  }
0x517: {  	v43 =	vld [tilespmem:s11+$0x0];
	v47 =	vor.u32 v38, v62;
	v48 =	vmul.u32 v57, v57  }
0x518: {  	v46 =	vmul.u32 v46, v46;
	v52 =	vshll.u32 v59, $0xD;
	v53 =	vsub.s32 v40, v24  }
0x519: {  	v41 =	vsub.s32 v41, v26;
	v57 =	vnsel vm1, $0x7FFFFFFF, v61;
	v59 =	vsub.s32 v40, v25  }
0x51a: {  	s13 =	simm.s32 $0x20;
	v61 =	vnsel vm1, $0x7FFFFFFF, v58;
	v62 =	vmul.u32 v49, v49;
	v56 =	vor.u32 s12, v1  }
0x51b: {  	v4 =	vmul.u32 $0xFFFFFFFF, v1;
	v50 =	vor.u32 s13, v1;
	v60 =	vand.u32 $0x1FFF, v37  }
0x51c: {  	v47 =	vnsel vm1, $0x7FFFFFFF, v47;
	v53 =	vmul.u32 v53, v53;
	v55 =	vand.u32 $0x1FFF, v43  }
0x51d: {  	v41 =	vmul.u32 v41, v41;
	v40 =	vmul.u32 v59, v59;
	v5 =	vor.u32 v38, v52  }
0x51e: {  	v48 =	vadd.s32 v54, v48;
	(xrf1) =	vsort.ascd.msk.u32 $0xffff, v47, v47;
	v6 =	vadd.s32 v45, v62;
	v38 =	vnsel vm1, $0x7FFFFFFF, v5  }
0x51f: {  	vm1 =	vlt.s32 v50, v17;
	v41 =	vadd.s32 v41, v53;
	v40 =	vadd.s32 v46, v40  }
0x520: {  	v41 =	vadd.s32 v44, v41;
	v39 =	vadd.s32 v39, v40;
	v40 =	vadd.s32 v42, v6;
	v7 =	vld.idx.msk [tilespmem:v60+s30+$0x0], $0xffff  }
0x521: {  	(xrf1) =	vsort.ascd.msk.u32 $0xffff, v57, v57;
	v37 =	vadd.s32 v51, v48;
	v39 =	vshll.u32 v39, $0xD;
	v41 =	vshll.u32 v41, $0xD;
	v51 =	vld.idx.msk [tilespmem:v55+s30+$0x0], $0xffff  }
0x522: {  	(xrf1) =	vsort.ascd.msk.u32 $0xffff, v61, v61;
	v40 =	vshll.u32 v40, $0xD;
	v63 =	vshll.u32 v37, $0xD;
	v37 =	vadd.s32 $0xF, v4;
	v42 =	vld.idx.msk [tilespmem:v60+s29+$0x0], $0xffff  }
0x523: {  	v39 =	vor.u32 v27, v39;
	v41 =	vor.u32 v27, v41;
	v8 =	vor.u32 v27, v63;
	v49 =	vld.idx.msk [tilespmem:v60+s2+$0x0], $0xffff  }
0x524: {  	v47 =	vnsel vm0, $0x7FFFFFFF, v39;
	v48 =	vnsel vm0, $0x7FFFFFFF, v41;
	v27 =	vor.u32 v27, v40;
	v41 =	vld.idx.msk [tilespmem:v55+s2+$0x0], $0xffff  }
0x525: {  	(xrf1) =	vsort.ascd.msk.u32 $0xffff, v38, v38;
	v61 =	vnsel vm0, $0x7FFFFFFF, v8;
	v53 =	vnsel vm0, $0x7FFFFFFF, v27;
	vm0 =	vlt.s32 v56, v17  }
0x526: {  	v9 =	vsub.s32 v7, v32;
	v44 =	vsub.s32 v7, v33;
	v10 =	vsub.s32 v51, v33  }
0x527: {  	v11 =	vsub.s32 v51, v34;
	v4 =	vsub.s32 v7, v31;
	v5 =	vsub.s32 v42, v30  }
0x528: {  	v6 =	vsub.s32 v42, v29;
	v45 =	vsub.s32 v7, v34;
	v7 =	vsub.s32 v42, v24  }
0x529: {  	v42 =	vsub.s32 v42, v25;
	v46 =	vsub.s32 v41, v28;
	v8 =	vsub.s32 v49, v28  }
0x52a: {  	v58 =	vmul.u32 v9, v9;
	v62 =	vmul.u32 v4, v4;
	v63 =	vmul.u32 v6, v6  }
0x52b: {  	v40 =	vld.idx.msk [tilespmem:v55+s29+$0x0], $0xffff;
	v54 =	vmul.u32 v5, v5;
	v38 =	vmul.u32 v7, v7;
	v57 =	vmul.u32 v42, v42  }
0x52c: {  	v3 =	vmul.u32 v45, v45;
	v39 =	vmul.u32 v11, v11;
	v9 =	vsub.s32 v49, v35  }
0x52d: {  	v42 =	vmul.u32 v10, v10;
	v4 =	vmul.u32 v44, v44;
	v45 =	vmul.u32 v8, v8  }
0x52e: {  	v11 =	vsub.s32 v49, v26;
	v8 =	vsub.s32 v51, v32;
	v27 =	vmul.u32 v9, v9  }
0x52f: {  	v43, _, _ =	vpop (xrf1);
	v49 =	vsub.s32 v49, v36;
	v44 =	vmul.u32 v8, v8;
	v9 =	vsub.s32 v41, v35  }
0x530: {  	v50, _, _ =	vpop (xrf1);
	v6 =	vmul.u32 v49, v49;
	v49 =	vsub.s32 v40, v30;
	v27 =	vadd.s32 v27, v54  }
0x531: {  	v10, _, _ =	vpop (xrf1);
	v5 =	vadd.s32 v45, v57;
	v4 =	vadd.s32 v4, v27;
	v27 =	vmul.u32 v11, v11  }
0x532: {  	p3 =	sne.s32 s10, $0x1;
	v45 =	vmul.u32 v9, v9;
	v57 =	vsub.s32 v40, v29;
	v52 =	vperm.xlane v10, v37  }
.Ltmp26:
0x533: {  	v10 =	vsub.s32 v41, v36;
	v6 =	vadd.s32 v6, v63;
	v27 =	vadd.s32 v27, v38;
	(pc) =	sbr.rel @!p3 .LBB2_16-.Ltmp26, $4  }
0x534: {  	v3 =	vadd.s32 v3, v5;
	v54 =	vmul.u32 v10, v10;
	v11 =	vsub.s32 v51, v31  }
0x535: {  	v6 =	vadd.s32 v62, v6;
	v62 =	vshll.u32 v3, $0xD;
	v4 =	vshll.u32 v4, $0xD  }
0x536: {  	s10 =	sadd.s32 $0xFFFFFFFF, s10;
	(xrf1) =	vsort.ascd.msk.u32 $0xffff, v61, v61;
	v51 =	vmul.u32 v11, v11;
	v38 =	vshll.u32 v6, $0xD;
	v59 =	vadd.s32 v58, v27;
	v27, _, _ =	vpop (xrf1)  }
0x537: {  	s11 =	sadd.s32 $0x20, s11;
	s12 =	simm.s32 $0x50;
	p1 =	por $0x1, $0x1;
	v58 =	vor.u32 v60, v4;
	v61 =	vor.u32 v60, v38;
	v56 =	vperm.xlane v27, v37  }
0x538: {  	v4 =	vmul.u32 v57, v57;
	v5 =	vor.u32 v60, v62;
	v6 =	vmul.u32 v46, v46  }
0x539: {  	v3 =	vld [tilespmem:s11+$0xFFFFFFF0];
	v38 =	vsub.s32 v40, v24;
	v8 =	vshll.u32 v59, $0xD;
	v57 =	vsub.s32 v41, v26  }
0x53a: {  	v27 =	vld [tilespmem:s11+$0x0];
	vm2 =	vlt.s32 v23, v52;
	v62 =	vnsel vm1, $0x7FFFFFFF, v61;
	v63 =	vperm.xlane v50, v37  }
0x53b: {  	s13 =	simm.s32 $0x40;
	(xrf1) =	vsort.ascd.msk.u32 $0xffff, v47, v47;
	v10 =	vnsel vm1, $0x7FFFFFFF, v58;
	v49 =	vmul.u32 v49, v49;
	v11 =	vsub.s32 v40, v25  }
0x53c: {  	v46 =	vor.u32 s13, v1;
	v5 =	vnsel vm1, $0x7FFFFFFF, v5;
	v59 =	vmul.u32 v38, v38  }
0x53d: {  	v52 =	vsel vm2, v23, v52;
	v40 =	vmul.u32 v11, v11;
	v4 =	vadd.s32 v54, v4  }
0x53e: {  	(xrf1) =	vsort.ascd.msk.u32 $0xffff, v5, v5;
	v5 =	vmul.u32 v57, v57;
	v45 =	vadd.s32 v45, v49;
	v38 =	vand.u32 $0x1FFF, v3  }
0x53f: {  	v54 =	vor.u32 v60, v8;
	(xrf1) =	vsort.ascd.msk.u32 $0xffff, v53, v53;
	v42 =	vadd.s32 v42, v45;
	v27 =	vand.u32 $0x1FFF, v27  }
0x540: {  	v6 =	vadd.s32 v6, v40;
	v60 =	vnsel vm1, $0x7FFFFFFF, v54;
	vm1 =	vlt.s32 v23, v63;
	(xrf1) =	vsort.ascd.msk.u32 $0xffff, v48, v48  }
0x541: {  	v5 =	vadd.s32 v5, v59;
	v6 =	vadd.s32 v39, v6;
	v3 =	vadd.s32 v51, v4  }
0x542: {  	v42 =	vshll.u32 v42, $0xD;
	(xrf1) =	vsort.ascd.msk.u32 $0xffff, v52, v52;
	v5 =	vadd.s32 v44, v5;
	v44 =	vperm.xlane v43, v37  }
0x543: {  	v6 =	vshll.u32 v6, $0xD;
	v4 =	vsel vm1, v23, v63;
	vm1 =	vlt.s32 v23, v56;
	v48 =	vld.idx.msk [tilespmem:v38+s30+$0x0], $0xffff  }
0x544: {  	v3 =	vshll.u32 v3, $0xD;
	(xrf1) =	vsort.ascd.msk.u32 $0xffff, v62, v62;
	v5 =	vshll.u32 v5, $0xD;
	v6 =	vor.u32 v55, v6;
	v59 =	vld.idx.msk [tilespmem:v27+s30+$0x0], $0xffff  }
0x545: {  	v61 =	vsel vm1, v23, v56;
	v3 =	vor.u32 v55, v3;
	v5 =	vor.u32 v55, v5  }
0x546: {  	vm1 =	vlt.s32 v23, v44;
	v55 =	vor.u32 v55, v42;
	v39 =	vld.idx.msk [tilespmem:v38+s29+$0x0], $0xffff;
	v9, _, _ =	vpop (xrf1);
	(xrf1) =	vsort.ascd.msk.u32 $0xffff, v10, v10  }
0x547: {  	v44 =	vsel vm1, v23, v44;
	vm1 =	vlt.s32 v46, v17;
	v41 =	vld.idx.msk [tilespmem:v27+s2+$0x0], $0xffff;
	(xrf1) =	vsort.ascd.msk.u32 $0xffff, v60, v60  }
0x548: {  	v53 =	vld.idx.msk [tilespmem:v38+s2+$0x0], $0xffff;
	v51 =	vperm.xlane v9, v37;
	(xrf1) =	vsort.ascd.msk.u32 $0xffff, v4, v4;
	v62 =	vsub.s32 v48, v32  }
0x549: {  	v47 =	vnsel vm0, $0x7FFFFFFF, v6;
	v63, _, _ =	vpop (xrf1);
	v45 =	vsub.s32 v48, v33;
	(xrf1) =	vsort.ascd.msk.u32 $0xffff, v61, v61;
	v40 =	vsub.s32 v59, v33  }
0x54a: {  	v49 =	vsub.s32 v59, v34;
	v6 =	vperm.xlane v63, v37;
	v9 =	vsub.s32 v48, v31  }
0x54b: {  	v11 =	vsub.s32 v39, v30;
	v48 =	vsub.s32 v48, v34;
	v7 =	vsub.s32 v39, v29  }
0x54c: {  	v8 =	vsub.s32 v39, v24;
	v39 =	vsub.s32 v39, v25;
	v46 =	vsub.s32 v41, v28  }
0x54d: {  	v63 =	vsub.s32 v53, v28;
	v43, _, _ =	vpop (xrf1);
	v4 =	vmul.u32 v62, v62;
	v60 =	vmul.u32 v9, v9  }
0x54e: {  	v56 =	vmul.u32 v7, v7;
	v54 =	vmul.u32 v8, v8;
	v10, _, _ =	vpop (xrf1);
	(xrf1) =	vsort.ascd.msk.u32 $0xffff, v44, v44  }
0x54f: {  	v57 =	vmul.u32 v39, v39;
	v62 =	vmul.u32 v48, v48;
	v52 =	vperm.xlane v10, v37;
	v9, _, _ =	vpop (xrf1)  }
0x550: {  	v39 =	vmul.u32 v49, v49;
	v42 =	vmul.u32 v40, v40;
	v45 =	vmul.u32 v45, v45;
	v10, _, _ =	vpop (xrf1)  }
0x551: {  	v40 =	vld.idx.msk [tilespmem:v27+s29+$0x0], $0xffff;
	v63 =	vmul.u32 v63, v63;
	v7 =	vsub.s32 v53, v26;
	vm2 =	vlt.s32 v10, v52  }
0x552: {  	v44 =	vmul.u32 v11, v11;
	v11 =	vsub.s32 v53, v35;
	v52 =	vsel vm2, v10, v52  }
0x553: {  	v3 =	vnsel vm0, $0x7FFFFFFF, v3;
	v7 =	vmul.u32 v7, v7;
	v49 =	vmul.u32 v11, v11;
	v50, _, _ =	vpop (xrf1);
	(xrf1) =	vsort.ascd.msk.u32 $0xffff, v52, v52  }
0x554: {  	v48 =	vnsel vm0, $0x7FFFFFFF, v5;
	v63 =	vadd.s32 v63, v57;
	v57 =	vsub.s32 v41, v35  }
0x555: {  	v61 =	vperm.xlane v9, v37;
	v7 =	vadd.s32 v7, v54;
	v49 =	vadd.s32 v49, v44  }
0x556: {  	v11 =	vadd.s32 v45, v49;
	v45 =	vmul.u32 v57, v57;
	v57 =	vsub.s32 v40, v29;
	v5, _, _ =	vpop (xrf1)  }
0x557: {  	v58 =	vor.u32 s12, v1;
	v49 =	vsub.s32 v40, v30;
	(xrf1) =	vsort.ascd.msk.u32 $0xffff, v3, v3;
	v3 =	vsub.s32 v41, v36;
	v8, _, _ =	vpop (xrf1)  }
0x558: {  	v52 =	vperm.xlane v5, v37;
	v5 =	vsub.s32 v53, v36;
	v53 =	vsub.s32 v59, v32;
	v9, _, _ =	vpop (xrf1)  }
0x559: {  	v54 =	vmul.u32 v3, v3;
	v44 =	vmul.u32 v53, v53;
	v53 =	vnsel vm0, $0x7FFFFFFF, v55;
	v10, _, _ =	vpop (xrf1)  }
0x55a: {  	v5 =	vmul.u32 v5, v5;
	vm2 =	vlt.s32 v9, v51;
	vm0 =	vlt.s32 v10, v61  }
0x55b: {  	p3 =	sne.s32 s10, $0x1;
	v3 =	vsel vm2, v9, v51;
	v51 =	vsub.s32 v59, v31;
	v59 =	vadd.s32 v4, v7  }
.Ltmp27:
0x55c: {  	v56 =	vadd.s32 v5, v56;
	v10 =	vsel vm0, v10, v61;
	v55, _, _ =	vpop (xrf1);
	v51 =	vmul.u32 v51, v51;
	(pc) =	sbr.rel @!p3 .LBB2_18-.Ltmp27, $4  }
0x55d: {  	vm0 =	vlt.s32 v58, v17;
	v4 =	vadd.s32 v60, v56;
	vm2 =	vlt.s32 v55, v6  }
0x55e: {  	v61 =	vshll.u32 v11, $0xD;
	(xrf1) =	vsort.ascd.msk.u32 $0xffff, v3, v3;
	v3 =	vadd.s32 v62, v63;
	v6 =	vsel vm2, v55, v6  }
0x55f: {  	s10 =	sadd.s32 $0xFFFFFFFF, s10;
	v56 =	vperm.xlane v8, v37;
	v4 =	vshll.u32 v4, $0xD;
	v58 =	vor.u32 v38, v61;
	(xrf1) =	vsort.ascd.msk.u32 $0xffff, v6, v6  }
0x560: {  	s12 =	sadd.s32 $0x20, s11;
	s11 =	simm.s32 $0x70;
	p2 =	por $0x1, $0x1;
	v62 =	vshll.u32 v3, $0xD;
	v61 =	vor.u32 v38, v4;
	v55 =	vmovc v37;
	(xrf1) =	vsort.ascd.msk.u32 $0xffff, v10, v10  }
.LBB2_19:
0x561: {  	s13 =	sadd.s32 $0xFFFFFFF0, s11;
	v3 =	vld [tilespmem:s12+$0xFFFFFFF0];
	p3 =	sne.s32 s10, $0x1;
	s10 =	sadd.s32 $0xFFFFFFFF, s10;
	v4 =	vor.u32 v38, v62;
	v5 =	vmul.u32 v57, v57;
	v6 =	vmul.u32 v46, v46;
	v7, _, _ =	vpop (xrf1)  }
0x562: {  	v10 =	vshll.u32 v59, $0xD;
	v8 =	vor.u32 s13, v1;
	v9 =	vld [tilespmem:s12+$0x0];
	v4 =	vnsel vm1, $0x7FFFFFFF, v4;
	(xrf1) =	vsort.ascd.msk.u32 $0xffff, v47, v47  }
0x563: {  	v11 =	vsub.s32 v40, v24;
	v5 =	vadd.s32 v54, v5;
	(xrf1) =	vsort.ascd.msk.u32 $0xffff, v4, v4  }
0x564: {  	v11 =	vmul.u32 v11, v11;
	vm2 =	vlt.s32 v7, v52;
	v4 =	vsub.s32 v41, v26  }
0x565: {  	v41 =	vnsel vm1, $0x7FFFFFFF, v61;
	v7 =	vsel vm2, v7, v52;
	v4 =	vmul.u32 v4, v4;
	(xrf1) =	vsort.ascd.msk.u32 $0xffff, v53, v53  }
0x566: {  	v46 =	vperm.xlane v50, v55;
	v5 =	vadd.s32 v51, v5;
	v3 =	vand.u32 $0x1FFF, v3;
	v47, _, _ =	vpop (xrf1);
	(xrf1) =	vsort.ascd.msk.u32 $0xffff, v48, v48  }
0x567: {  	v48 =	vnsel vm1, $0x7FFFFFFF, v58;
	v4 =	vadd.s32 v4, v11;
	v9 =	vand.u32 $0x1FFF, v9;
	(xrf1) =	vsort.ascd.msk.u32 $0xffff, v7, v7  }
0x568: {  	v5 =	vshll.u32 v5, $0xD;
	v7 =	vmul.u32 v49, v49;
	v51 =	vperm.xlane v47, v55;
	(xrf1) =	vsort.ascd.msk.u32 $0xffff, v41, v41  }
0x569: {  	v58 =	vor.u32 s11, v1;
	v11 =	vsub.s32 v40, v25;
	(xrf1) =	vsort.ascd.msk.u32 $0xffff, v48, v48  }
0x56a: {  	v10 =	vor.u32 v38, v10;
	v11 =	vmul.u32 v11, v11;
	v38 =	vmovc v3;
	v7 =	vadd.s32 v45, v7  }
0x56b: {  	v4 =	vadd.s32 v44, v4;
	v7 =	vadd.s32 v42, v7;
	v45 =	vld.idx.msk [tilespmem:v3+s30+$0x0], $0xffff  }
0x56c: {  	v10 =	vnsel vm1, $0x7FFFFFFF, v10;
	v6 =	vadd.s32 v6, v11;
	v11 =	vperm.xlane v43, v55;
	v59 =	vld.idx.msk [tilespmem:v9+s30+$0x0], $0xffff;
	v41, _, _ =	vpop (xrf1)  }
0x56d: {  	v5 =	vor.u32 v27, v5;
	v6 =	vadd.s32 v39, v6;
	v40 =	vld.idx.msk [tilespmem:v9+s29+$0x0], $0xffff;
	vm1 =	vlt.s32 v41, v46;
	v39, _, _ =	vpop (xrf1)  }
0x56e: {  	v5 =	vnsel vm0, $0x7FFFFFFF, v5;
	v6 =	vshll.u32 v6, $0xD;
	v3 =	vld.idx.msk [tilespmem:v3+s29+$0x0], $0xffff;
	(xrf1) =	vsort.ascd.msk.u32 $0xffff, v10, v10;
	v12 =	vsel vm1, v41, v46;
	v41, _, _ =	vpop (xrf1)  }
0x56f: {  	v4 =	vshll.u32 v4, $0xD;
	v6 =	vor.u32 v27, v6;
	v44 =	vld.idx.msk [tilespmem:v38+s2+$0x0], $0xffff;
	vm1 =	vlt.s32 v41, v56  }
0x570: {  	v4 =	vor.u32 v27, v4;
	v47 =	vnsel vm0, $0x7FFFFFFF, v6;
	v6 =	vsel vm1, v41, v56;
	(xrf1) =	vsort.ascd.msk.u32 $0xffff, v12, v12;
	v10, _, _ =	vpop (xrf1)  }
0x571: {  	v48 =	vnsel vm0, $0x7FFFFFFF, v4;
	v12 =	vsub.s32 v45, v32;
	v49 =	vsub.s32 v45, v33;
	v43, _, _ =	vpop (xrf1);
	(xrf1) =	vsort.ascd.msk.u32 $0xffff, v6, v6  }
0x572: {  	v4 =	vsub.s32 v59, v33;
	v6 =	vsub.s32 v59, v34;
	v10 =	vperm.xlane v10, v55;
	v41 =	vld.idx.msk [tilespmem:v9+s2+$0x0], $0xffff  }
0x573: {  	v46 =	vsub.s32 v45, v31;
	vm1 =	vlt.s32 v39, v11;
	v56 =	vmul.u32 v12, v12;
	v42, _, _ =	vpop (xrf1)  }
0x574: {  	v45 =	vsub.s32 v45, v34;
	v52 =	vsub.s32 v3, v30;
	v53 =	vperm.xlane v42, v55;
	v42, _, _ =	vpop (xrf1)  }
0x575: {  	v60 =	vmul.u32 v46, v46;
	v11 =	vsel vm1, v39, v11;
	v12 =	vsub.s32 v3, v29;
	v54, _, _ =	vpop (xrf1)  }
0x576: {  	v7 =	vshll.u32 v7, $0xD;
	v39 =	vsub.s32 v3, v24;
	v61 =	vmul.u32 v12, v12;
	v50, _, _ =	vpop (xrf1);
	(xrf1) =	vsort.ascd.msk.u32 $0xffff, v11, v11  }
0x577: {  	v3 =	vsub.s32 v3, v25;
	v62 =	vperm.xlane v42, v55;
	v11 =	vmul.u32 v52, v52;
	v52, _, _ =	vpop (xrf1)  }
0x578: {  	v7 =	vor.u32 v27, v7;
	v27 =	vmovc v9;
	v63 =	vmul.u32 v39, v39;
	v3 =	vmul.u32 v3, v3  }
0x579: {  	vm1 =	vlt.s32 v8, v17;
	v8 =	vmul.u32 v45, v45;
	v55 =	vmovc v37;
	v46 =	vsub.s32 v41, v28  }
0x57a: {  	v9 =	vsub.s32 v44, v28;
	v39 =	vmul.u32 v6, v6;
	vm2 =	vlt.s32 v54, v53  }
0x57b: {  	v6 =	vsub.s32 v44, v35;
	v42 =	vmul.u32 v4, v4;
	v4 =	vsel vm2, v54, v53  }
0x57c: {  	v45 =	vmul.u32 v49, v49;
	v9 =	vmul.u32 v9, v9;
	v53 =	vnsel vm0, $0x7FFFFFFF, v7;
	v7, _, _ =	vpop (xrf1);
	(xrf1) =	vsort.ascd.msk.u32 $0xffff, v4, v4  }
0x57d: {  	v6 =	vmul.u32 v6, v6;
	v52 =	vperm.xlane v52, v55;
	v4 =	vsub.s32 v44, v26  }
0x57e: {  	v12 =	vsub.s32 v44, v36;
	v3 =	vadd.s32 v9, v3;
	v9 =	vsub.s32 v59, v32;
	v13, _, _ =	vpop (xrf1)  }
0x57f: {  	v6 =	vadd.s32 v6, v11;
	v44 =	vmul.u32 v9, v9;
	v9 =	vsub.s32 v41, v35;
	v11, _, _ =	vpop (xrf1)  }
0x580: {  	v6 =	vadd.s32 v45, v6;
	v45 =	vmul.u32 v9, v9;
	vm0 =	vlt.s32 v11, v62  }
0x581: {  	v6 =	vshll.u32 v6, $0xD;
	v4 =	vmul.u32 v4, v4;
	vm2 =	vlt.s32 v13, v51;
	(xrf1) =	vsort.ascd.msk.u32 $0xffff, v5, v5  }
0x582: {  	v57 =	vsub.s32 v40, v29;
	v49 =	vsub.s32 v40, v30;
	v5 =	vsub.s32 v41, v36  }
0x583: {  	v4 =	vadd.s32 v4, v63;
	v54 =	vmul.u32 v5, v5;
	v5 =	vsel vm2, v13, v51  }
0x584: {  	v9 =	vmul.u32 v12, v12;
	v12 =	vsub.s32 v59, v31;
	v11 =	vsel vm0, v11, v62;
	v13, _, _ =	vpop (xrf1)  }
.Ltmp28:
0x585: {  	v59 =	vadd.s32 v56, v4;
	v51 =	vmul.u32 v12, v12;
	vm2 =	vlt.s32 v13, v10;
	(pc) =	sbr.rel @p3 .LBB2_19-.Ltmp28, $4  }
0x586: {  	v4 =	vadd.s32 v9, v61;
	vm0 =	vlt.s32 v58, v17;
	v9 =	vsel vm2, v13, v10  }
0x587: {  	v3 =	vadd.s32 v8, v3;
	v4 =	vadd.s32 v60, v4;
	(xrf1) =	vsort.ascd.msk.u32 $0xffff, v5, v5  }
0x588: {  	v58 =	vor.u32 v38, v6;
	v62 =	vshll.u32 v3, $0xD;
	v4 =	vshll.u32 v4, $0xD;
	(xrf1) =	vsort.ascd.msk.u32 $0xffff, v9, v9  }
0x589: {  	s12 =	sadd.s32 $0x20, s12;
	s11 =	sadd.s32 $0x20, s11;
	v56 =	vperm.xlane v7, v55;
	v61 =	vor.u32 v38, v4;
	(xrf1) =	vsort.ascd.msk.u32 $0xffff, v11, v11  }
0x58a: {  	v37 =	vmov v55;
	v60 =	vimm.s32 $0x1;
	v63 =	vimm.s32 $0x2  }
.LBB2_21:
0x58b: {  	_ =	sdelay $0x2  }
0x58c: {  	v3 =	vor.u32 v38, v62  }
0x58d: {  	v4, _, _ =	vpop @p2 (xrf1);
	(xrf1) =	vsort.ascd.msk.u32 @p1 $0xffff, v47, v47;
	v3 =	vnsel vm1, $0x7FFFFFFF, v3  }
0x58e: {  	(xrf1) =	vsort.ascd.msk.u32 $0xffff, v3, v3;
	v3 =	vpsel p2, v4, v23  }
0x58f: {  	vm2 =	vlt.s32 @p1 v3, v52  }
0x590: {  	v3 =	vsel @p1 vm2, v3, v52  }
0x591: {  	v6 =	vnsel vm1, $0x7FFFFFFF, v61;
	(xrf1) =	vsort.ascd.msk.u32 @p1 $0xffff, v53, v53  }
0x592: {  	v4, _, _ =	vpop @p1 (xrf1);
	(xrf1) =	vsort.ascd.msk.u32 @p1 $0xffff, v48, v48  }
0x593: {  	v5 =	vshll.u32 v59, $0xD;
	(xrf1) =	vsort.ascd.msk.u32 @p1 $0xffff, v3, v3;
	v3, _, _ =	vpop @p2 (xrf1)  }
0x594: {  	v7 =	vperm.xlane @p1 v50, v37;
	v8 =	vnsel vm1, $0x7FFFFFFF, v58;
	v5 =	vor.u32 v38, v5;
	(xrf1) =	vsort.ascd.msk.u32 $0xffff, v6, v6;
	v6, _, _ =	vpop @p2 (xrf1)  }
0x595: {  	v5 =	vnsel vm1, $0x7FFFFFFF, v5;
	(xrf1) =	vsort.ascd.msk.u32 $0xffff, v8, v8;
	v8 =	vperm.xlane @p1 v43, v37;
	v3 =	vpsel p2, v3, v23;
	v9, _, _ =	vpop @p2 (xrf1)  }
0x596: {  	vm1 =	vlt.s32 @p1 v3, v7;
	(xrf1) =	vsort.ascd.msk.u32 $0xffff, v5, v5;
	v5 =	vpsel p2, v9, v23  }
0x597: {  	v6 =	vpsel p2, v6, v23;
	v3 =	vsel @p1 vm1, v3, v7;
	vm1 =	vlt.s32 @p1 v5, v56  }
0x598: {  	(xrf1) =	vsort.ascd.msk.u32 @p1 $0xffff, v3, v3;
	v5 =	vsel @p1 vm1, v5, v56;
	vm1 =	vlt.s32 @p1 v6, v8  }
0x599: {  	(xrf1) =	vsort.ascd.msk.u32 @p1 $0xffff, v5, v5;
	v3 =	vsel @p1 vm1, v6, v8  }
0x59a: {  	(xrf1) =	vsort.ascd.msk.u32 @p1 $0xffff, v3, v3;
	_ =	sdelay $0x3  }
0x59b: {  	v3, _, _ =	vpop @p1 (xrf1)  }
0x59c: {  	v35, _, _ =	vpop (xrf1)  }
0x59d: {  	v6, _, _ =	vpop @p1 (xrf1)  }
0x59e: {  	v7, _, _ =	vpop @p1 (xrf1)  }
0x59f: {  	v36 =	vmul.u32 v57, v57;
	v6 =	vperm.xlane @p1 v6, v37;
	v9, _, _ =	vpop @p1 (xrf1)  }
0x5a0: {  	v10, _, _ =	vpop (xrf1)  }
0x5a1: {  	v8 =	vadd.s32 v54, v36;
	vm1 =	vlt.s32 @p1 v9, v6;
	v11, _, _ =	vpop (xrf1)  }
0x5a2: {  	v8 =	vadd.s32 v51, v8;
	v6 =	vsel @p1 vm1, v9, v6;
	v12, _, _ =	vpop (xrf1)  }
0x5a3: {  	v4 =	vperm.xlane @p1 v4, v37;
	v8 =	vshll.u32 v8, $0xD;
	v13, _, _ =	vpop @p1 (xrf1)  }
0x5a4: {  	v8 =	vor.u32 v27, v8;
	v3 =	vperm.xlane @p1 v3, v37;
	v9, _, _ =	vpop @p1 (xrf1)  }
0x5a5: {  	v8 =	vnsel vm0, $0x7FFFFFFF, v8;
	v7 =	vperm.xlane @p1 v7, v37;
	(xrf1) =	vsort.ascd.msk.u32 @p1 $0xffff, v6, v6;
	vm1 =	vlt.s32 @p1 v13, v4;
	v6, _, _ =	vpop @p1 (xrf1)  }
0x5a6: {  	(xrf1) =	vsort.ascd.msk.u32 $0xffff, v8, v8;
	v4 =	vsel @p1 vm1, v13, v4;
	vm1 =	vlt.s32 @p1 v6, v3  }
0x5a7: {  	vm2 =	vlt.s32 @p1 v9, v7;
	(xrf1) =	vsort.ascd.msk.u32 @p1 $0xffff, v4, v4;
	v3 =	vsel @p1 vm1, v6, v3  }
0x5a8: {  	v4 =	vsel @p1 vm2, v9, v7;
	(xrf1) =	vsort.ascd.msk.u32 @p1 $0xffff, v3, v3  }
0x5a9: {  	(xrf1) =	vsort.ascd.msk.u32 @p1 $0xffff, v4, v4;
	_ =	sdelay $0x1  }
0x5aa: {  	v38 =	vsub.s32 v41, v26;
	v41 =	vsub.s32 v40, v25;
	v43 =	vmul.u32 v49, v49  }
0x5ab: {  	v37 =	vsub.s32 v40, v24;
	v7 =	vmul.u32 v41, v41;
	v3 =	vmul.u32 v46, v46  }
0x5ac: {  	v6 =	vmul.u32 v38, v38;
	v46 =	vmul.u32 $0xFFFFFFFF, v1;
	v4 =	vmul.u32 v37, v37  }
0x5ad: {  	v47 =	vadd.s32 v45, v43;
	v3 =	vadd.s32 v3, v7  }
0x5ae: {  	v48 =	vadd.s32 $0xF, v46;
	v4 =	vadd.s32 v6, v4;
	v6 =	vadd.s32 v42, v47  }
0x5af: {  	v3 =	vadd.s32 v39, v3;
	v4 =	vadd.s32 v44, v4;
	v6 =	vshll.u32 v6, $0xD  }
0x5b0: {  	v3 =	vshll.u32 v3, $0xD;
	v4 =	vshll.u32 v4, $0xD;
	v6 =	vor.u32 v27, v6  }
0x5b1: {  	v3 =	vor.u32 v27, v3;
	v4 =	vor.u32 v27, v4;
	v6 =	vnsel vm0, $0x7FFFFFFF, v6  }
0x5b2: {  	v49 =	vperm.xlane v11, v48;
	v3 =	vnsel vm0, $0x7FFFFFFF, v3;
	v9, _, _ =	vpop @p1 (xrf1);
	v4 =	vnsel vm0, $0x7FFFFFFF, v4  }
0x5b3: {  	(xrf1) =	vsort.ascd.msk.u32 $0xffff, v3, v3;
	v3 =	vpsel p1, v9, v23;
	v50, _, _ =	vpop (xrf1)  }
0x5b4: {  	vm8 =	vlt.s32 v3, v49;
	(xrf1) =	vsort.ascd.msk.u32 $0xffff, v6, v6;
	v6, _, _ =	vpop @p1 (xrf1)  }
0x5b5: {  	v51 =	vperm.xlane v10, v48;
	v3 =	vsel vm8, v3, v49;
	(xrf1) =	vsort.ascd.msk.u32 $0xffff, v4, v4;
	v4, _, _ =	vpop @p1 (xrf1)  }
0x5b6: {  	v52 =	vperm.xlane v12, v48;
	(xrf1) =	vsort.ascd.msk.u32 $0xffff, v3, v3;
	v3 =	vpsel p1, v6, v23;
	v6, _, _ =	vpop @p1 (xrf1)  }
0x5b7: {  	v5 =	vperm.xlane v35, v48;
	vm9 =	vlt.s32 v3, v51;
	v6 =	vpsel p1, v6, v23  }
0x5b8: {  	v4 =	vpsel p1, v4, v23;
	v3 =	vsel vm9, v3, v51;
	vm10 =	vlt.s32 v6, v52  }
0x5b9: {  	vm11 =	vlt.s32 v4, v5;
	(xrf1) =	vsort.ascd.msk.u32 $0xffff, v3, v3;
	v6 =	vsel vm10, v6, v52  }
0x5ba: {  	v3 =	vsel vm11, v4, v5;
	(xrf1) =	vsort.ascd.msk.u32 $0xffff, v6, v6  }
0x5bb: {  	(xrf1) =	vsort.ascd.msk.u32 $0xffff, v3, v3;
	_ =	sdelay $0x7  }
0x5bc: {  	v3, _, _ =	vpop (xrf1)  }
0x5bd: {  	v53, _, _ =	vpop (xrf1)  }
0x5be: {  	v54, _, _ =	vpop (xrf1)  }
0x5bf: {  	v4 =	vperm.xlane v53, v48;
	v55, _, _ =	vpop (xrf1)  }
0x5c0: {  	v56 =	vperm.xlane v50, v48;
	v57, _, _ =	vpop (xrf1)  }
0x5c1: {  	v3 =	vperm.xlane v3, v48;
	vm12 =	vlt.s32 v55, v4;
	v58, _, _ =	vpop (xrf1)  }
0x5c2: {  	v5 =	vperm.xlane v54, v48;
	v4 =	vsel vm12, v55, v4;
	vm13 =	vlt.s32 v57, v56;
	v59, _, _ =	vpop (xrf1)  }
0x5c3: {  	(xrf1) =	vsort.ascd.msk.u32 $0xffff, v4, v4;
	v61 =	vsel vm13, v57, v56;
	vm14 =	vlt.s32 v59, v3  }
0x5c4: {  	vm15 =	vlt.s32 v58, v5;
	(xrf1) =	vsort.ascd.msk.u32 $0xffff, v61, v61;
	v3 =	vsel vm14, v59, v3  }
0x5c5: {  	v62 =	vsel vm15, v58, v5;
	(xrf1) =	vsort.ascd.msk.u32 $0xffff, v3, v3  }
0x5c6: {  	(xrf1) =	vsort.ascd.msk.u32 $0xffff, v62, v62;
	_ =	sdelay $0x9  }
.Ltmp29:
0x5c7: {  	_ = 	snop;
	(pc) =	sbr.rel .LBB2_22-.Ltmp29, $4  }
0x5c8: {  	v24, _, _ =	vpop (xrf1)  }
0x5c9: {  	v51 =	vimm.s32 $0x3;
	v52 =	vimm.s32 $0x4;
	v53 =	vimm.s32 $0x5;
	v23, _, _ =	vpop (xrf1)  }
0x5ca: {  	v54 =	vimm.s32 $0x6;
	v55 =	vimm.s32 $0x7;
	v56 =	vimm.s32 $0x8;
	v25, _, _ =	vpop (xrf1)  }
0x5cb: {  	v57 =	vimm.s32 $0x9;
	v58 =	vimm.s32 $0xA;
	v59 =	vimm.s32 $0xB;
	v26, _, _ =	vpop (xrf1)  }
.LBB2_14:
.Ltmp30:
0x5cc: {  	(pc) =	sbr.rel .LBB2_21-.Ltmp30, $2  }
0x5cd: {  	_ =	sdelay $0x2  }
0x5ce: {  	_ = 	snop  }
.LBB2_16:
.Ltmp31:
0x5cf: {  	(pc) =	sbr.rel .LBB2_21-.Ltmp31, $2  }
0x5d0: {  	_ =	sdelay $0x2  }
0x5d1: {  	v38 =	vmovc v60;
	v27 =	vmov v55;
	v60 =	vimm.s32 $0x1;
	v63 =	vimm.s32 $0x2  }
.LBB2_18:
.Ltmp32:
0x5d2: {  	(pc) =	sbr.rel .LBB2_21-.Ltmp32, $2  }
0x5d3: {  	_ =	sdelay $0x2  }
0x5d4: {  	v60 =	vimm.s32 $0x1;
	v63 =	vimm.s32 $0x2  }
.LBB2_50:
0x5d5: {  	_ =	sfence.sel $0x180000  }
0x5d6: {  	[bflag:$0x0] =	sbarrier.arrive $0xFFFF  }
0x5d7: {  	_ =	strace $0x90000047  }
0x5d8: {  	s0 =	stileid.u32;
	[bflag:$0x2] =	sbarrier.arrive $0xFFFF  }
0x5d9: {  	p0 =	sne.s32 s0, $0x0;
	s0 =	rddreg [dreg:$0x1]  }
0x5da: {  	s0 =	sadd.s32 @!p0 $0x100000, s0  }
0x5db: {  	[sflag:s0] =	ssyncadd.tile.s32 @!p0 $0x1;
	_ =	shalt  }
.Lfunc_end2:
_tile_overlayer_lowered:
.L_overlay_start_2:
0x5dc: {  	(tag) =	ssettag $0x2  }
0x5dd: {  	s0 =	rddreg [dreg:$0x0];
	s2 =	stileid.u32  }
0x5de: {  	s1 =	rddreg [dreg:$0x1];
	p0 =	sne.s32 s2, $0x0  }
0x5df: {  	s3 =	rddreg [dreg:$0x2];
	[bflag:$0x3] =	sbarrier.arrive $0xFFFF;
	s2 =	simm.s32 @!p0 $0x1C03  }
0x5e0: {  	[timem:s3], [sflag:s2] =	dma.local @!p0 [hbm:s0], s1  }
0x5e1: {  	s0 =	simm.s32 @!p0 $0x3  }
0x5e2: {  	_ =	swait.ge @!p0 [sflag:s0], s1  }
0x5e3: {  	s1 =	ssub.s32 @!p0 $0x0, s1;
	[sflag:s0] =	ssyncset.done @!p0 $0x0  }
0x5e4: {  	[sflag:s0] =	ssyncadd.s32 @!p0 s1  }
0x5e5: {  	[bflag:$0x3] =	sbarrier.arrive $0xFFFF  }
0x5e6: {  	_ =	shalt  }

</sc_bundles>
